<compile_context>
chip_gen: v7x
topology: tpu7x:2x2x1
jax: 0.10.2.dev20260603
libtpu: 0.0.44.dev20260713+nightly
codegen_flags: <defaults>
</compile_context>

<pallas_src>
import functools

import jax
import jax.numpy as jnp
from jax import lax
from jax.experimental import pallas as pl
from jax.experimental.pallas import tpu as pltpu
from jax.experimental.pallas import tpu_sc as plsc

N0, N1 = 25000, 25000
E0, E1 = 400000, 400000
D_FEAT, D_EDGE, HID, OUT, N_LAYERS = 128, 16, 64, 32, 2
NEG = 0.2
EPS = 1e-05


def _lrelu(x):
    return jnp.where(x >= 0, x, NEG * x)



def _node_body(xf_ref, w1_ref, b1_ref, w2_ref, b2_ref, wc_ref, bc_ref,
               si_ref, sj_ref, mn_ref):
    h1 = jnp.maximum(
        jnp.dot(xf_ref[...], w1_ref[...], preferred_element_type=jnp.float32)
        + b1_ref[...], 0.0)
    xv = jnp.dot(h1, w2_ref[...], preferred_element_type=jnp.float32) + b2_ref[...]
    o = jnp.dot(xv, wc_ref[...], preferred_element_type=jnp.float32) + bc_ref[...]
    si_ref[...] = o[:, 0:1]
    sj_ref[...] = o[:, 1:2]
    mn_ref[...] = jnp.concatenate(
        [o[:, 2:], jnp.zeros((o.shape[0], HID), jnp.float32)], axis=1)


def _node_pre(xf, w1, b1, w2, b2, wc, bc, blk=1000):
    n = xf.shape[0]
    return pl.pallas_call(
        _node_body,
        grid=(n // blk,),
        in_specs=[
            pl.BlockSpec((blk, D_FEAT), lambda i: (i, 0)),
            pl.BlockSpec((D_FEAT, HID), lambda i: (0, 0)),
            pl.BlockSpec((1, HID), lambda i: (0, 0)),
            pl.BlockSpec((HID, HID), lambda i: (0, 0)),
            pl.BlockSpec((1, HID), lambda i: (0, 0)),
            pl.BlockSpec((HID, HID + 2), lambda i: (0, 0)),
            pl.BlockSpec((1, HID + 2), lambda i: (0, 0)),
        ],
        out_specs=[
            pl.BlockSpec((blk, 1), lambda i: (i, 0)),
            pl.BlockSpec((blk, 1), lambda i: (i, 0)),
            pl.BlockSpec((blk, 2 * HID), lambda i: (i, 0)),
        ],
        out_shape=[
            jax.ShapeDtypeStruct((n, 1), jnp.float32),
            jax.ShapeDtypeStruct((n, 1), jnp.float32),
            jax.ShapeDtypeStruct((n, 2 * HID), jnp.float32),
        ],
    )(xf, w1, b1.reshape(1, -1), w2, b2.reshape(1, -1), wc, bc.reshape(1, -1))



def _proj_body(x_ref, wc_ref, bc_ref, si_ref, sj_ref, mn_ref):
    o = jnp.dot(x_ref[...], wc_ref[0], preferred_element_type=jnp.float32) + bc_ref[0]
    si_ref[...] = o[:, 0:1]
    sj_ref[...] = o[:, 1:2]
    mn_ref[...] = jnp.concatenate(
        [o[:, 2:], jnp.zeros((o.shape[0], HID), jnp.float32)], axis=1)


def _node_proj(x, wc2, bc2, blk=1000):
    n = x.shape[0]
    nb = n // blk
    half = nb // 2
    return pl.pallas_call(
        _proj_body,
        grid=(nb,),
        in_specs=[
            pl.BlockSpec((blk, HID), lambda i: (i, 0)),
            pl.BlockSpec((1, HID, HID + 2), lambda i: (i // half, 0, 0)),
            pl.BlockSpec((1, 1, HID + 2), lambda i: (i // half, 0, 0)),
        ],
        out_specs=[
            pl.BlockSpec((blk, 1), lambda i: (i, 0)),
            pl.BlockSpec((blk, 1), lambda i: (i, 0)),
            pl.BlockSpec((blk, 2 * HID), lambda i: (i, 0)),
        ],
        out_shape=[
            jax.ShapeDtypeStruct((n, 1), jnp.float32),
            jax.ShapeDtypeStruct((n, 1), jnp.float32),
            jax.ShapeDtypeStruct((n, 2 * HID), jnp.float32),
        ],
    )(x, wc2, bc2)



def _edge_body(at_ref, w1_ref, b1_ref, w2_ref, b2_ref,
               g0_ref, q0_ref, c0_ref, g1_ref, q1_ref, c1_ref,
               ea0_ref, ep0_ref, ea1_ref, ep1_ref):
    h1 = jnp.maximum(
        jnp.dot(at_ref[...], w1_ref[0], preferred_element_type=jnp.float32)
        + b1_ref[0], 0.0)
    ea = jnp.dot(h1, w2_ref[0], preferred_element_type=jnp.float32) + b2_ref[0]
    for g_ref, q_ref, c_ref, a_ref, p_ref in (
            (g0_ref, q0_ref, c0_ref, ea0_ref, ep0_ref),
            (g1_ref, q1_ref, c1_ref, ea1_ref, ep1_ref)):
        eah = _lrelu(jnp.dot(ea, g_ref[...], preferred_element_type=jnp.float32))
        o = jnp.dot(eah, q_ref[...], preferred_element_type=jnp.float32) + c_ref[0]
        a_ref[...] = o[:, 0:1]
        p_ref[...] = o[:, 1:]


def _edge_pre(attr2, w1s, b1s, w2s, b2s, g0, q0, c0s, g1, q1, c1s, blk=4096):
    n = attr2.shape[0]
    nb = n // blk
    half = nb // 2
    wset = lambda shape: pl.BlockSpec((1,) + shape, lambda i: (i // half,) + tuple(0 for _ in shape))
    wfull = lambda shape: pl.BlockSpec(shape, lambda i: tuple(0 for _ in shape))
    return pl.pallas_call(
        _edge_body,
        grid=(nb,),
        in_specs=[
            pl.BlockSpec((blk, D_EDGE), lambda i: (i, 0)),
            wset((D_EDGE, HID)), wset((1, HID)),
            wset((HID, HID)), wset((1, HID)),
            wfull((HID, HID)), wfull((HID, HID + 1)), wset((1, HID + 1)),
            wfull((HID, HID)), wfull((HID, HID + 1)), wset((1, HID + 1)),
        ],
        out_specs=[
            pl.BlockSpec((blk, 1), lambda i: (i, 0)),
            pl.BlockSpec((blk, HID), lambda i: (i, 0)),
            pl.BlockSpec((blk, 1), lambda i: (i, 0)),
            pl.BlockSpec((blk, HID), lambda i: (i, 0)),
        ],
        out_shape=[
            jax.ShapeDtypeStruct((n, 1), jnp.float32),
            jax.ShapeDtypeStruct((n, HID), jnp.float32),
            jax.ShapeDtypeStruct((n, 1), jnp.float32),
            jax.ShapeDtypeStruct((n, HID), jnp.float32),
        ],
    )(attr2, w1s, b1s.reshape(2, 1, HID), w2s, b2s.reshape(2, 1, HID),
      g0, q0, c0s.reshape(2, 1, HID + 1), g1, q1, c1s.reshape(2, 1, HID + 1))



def _stats_body(x_ref, o_ref):
    i = pl.program_id(0)

    @pl.when(i == 0)
    def _():
        o_ref[...] = jnp.zeros_like(o_ref)

    xb = x_ref[...]
    o_ref[0:1, :] += jnp.sum(xb, axis=0, keepdims=True)
    o_ref[1:2, :] += jnp.sum(xb * xb, axis=0, keepdims=True)


def _bn_stats(x, blk=2000):
    n = x.shape[0]
    return pl.pallas_call(
        _stats_body,
        grid=(n // blk,),
        in_specs=[pl.BlockSpec((blk, HID), lambda i: (i, 0))],
        out_specs=pl.BlockSpec((2, HID), lambda i: (0, 0)),
        out_shape=jax.ShapeDtypeStruct((2, HID), jnp.float32),
    )(x)


def _stats4_body(x_ref, o_ref):
    i = pl.program_id(0)

    @pl.when(i == 0)
    def _():
        o_ref[0:2, :] = jnp.zeros((2, HID), jnp.float32)
        o_ref[2:3, :] = jnp.full((1, HID), -jnp.inf, jnp.float32)
        o_ref[3:4, :] = jnp.full((1, HID), jnp.inf, jnp.float32)

    xb = x_ref[...]
    o_ref[0:1, :] += jnp.sum(xb, axis=0, keepdims=True)
    o_ref[1:2, :] += jnp.sum(xb * xb, axis=0, keepdims=True)
    o_ref[2:3, :] = jnp.maximum(o_ref[2:3, :], jnp.max(xb, axis=0, keepdims=True))
    o_ref[3:4, :] = jnp.minimum(o_ref[3:4, :], jnp.min(xb, axis=0, keepdims=True))


def _bn_stats4(x, blk=2000):
    n = x.shape[0]
    return pl.pallas_call(
        _stats4_body,
        grid=(n // blk,),
        in_specs=[pl.BlockSpec((blk, HID), lambda i: (i, 0))],
        out_specs=pl.BlockSpec((4, HID), lambda i: (0, 0)),
        out_shape=jax.ShapeDtypeStruct((4, HID), jnp.float32),
    )(x)



EPAD = 409600
ROWS = 3200
TPR = 200
NPAD = 25088
STRIPE = 1568
DUMP = 25080
P1R = 25
XROWS = 12544
XR2 = 1568
DUMPL = 1600


def _sc_body(si_h, sj_h, dst_h, src_h, eatt_h, eap_h, mn_h, b_h,
             xout_h, ex_h,
             si_v, sj_v, exch, d1lin, s1lin, e1lin, d2d, sg2d, anhi,
             rows_v, eap_v, msg_v, z_v, b_v, sem,
             x_sh, den_sh):
    c = lax.axis_index("c")
    t = lax.axis_index("s")
    zv16 = jnp.zeros((16,), jnp.float32)

    def zrows(r, carry):
        for k in range(8):
            msg_v[r, pl.ds(16 * k, 16)] = zv16
        return carry

    lax.fori_loop(0, 128, zrows, 0)

    def zbuf(i, carry):
        z_v[pl.ds(i * 16, 16)] = zv16
        return carry

    lax.fori_loop(0, 32, zbuf, 0)

    def dz(j, carry):
        @pl.when(t == j % 16)
        def _():
            pltpu.sync_copy(z_v, den_sh.at[pl.ds(j * 512, 512)])
        return carry

    lax.fori_loop(0, 49, dz, 0)

    def ldsij(q, carry):
        pltpu.sync_copy(si_h.at[pl.ds(c * NPAD + q * 3136, 3136)],
                        si_v.at[pl.ds(q * 3136, 3136)])
        pltpu.sync_copy(sj_h.at[pl.ds(c * NPAD + q * 3136, 3136)],
                        sj_v.at[pl.ds(q * 3136, 3136)])
        return carry

    lax.fori_loop(0, 8, ldsij, 0)
    pltpu.sync_copy(b_h.at[pl.ds(c * 16, 16)], b_v)
    plsc.subcore_barrier()

    bvec = b_v[...]
    ebase0 = c * EPAD + t * (TPR * 128)
    CH = P1R * 128
    NCH = TPR // P1R

    def p1_chunk(k, kcarry):
        ebase = ebase0 + k * CH
        pltpu.sync_copy(dst_h.at[pl.ds(ebase, CH)], d1lin)
        pltpu.sync_copy(src_h.at[pl.ds(ebase, CH)], s1lin)
        pltpu.sync_copy(eatt_h.at[pl.ds(ebase, CH)], e1lin)

        def p1g(g, carry):
            vd = d1lin[pl.ds(g * 16, 16)]
            vs = s1lin[pl.ds(g * 16, 16)]
            ve = e1lin[pl.ds(g * 16, 16)]
            al = plsc.load_gather(si_v, [vd]) + plsc.load_gather(sj_v, [vs]) + ve
            al = jnp.where(al >= 0, al, NEG * al)
            exch[pl.ds(g * 16, 16)] = jnp.exp(al - bvec)
            d2d[g // 8, pl.ds((g % 8) * 16, 16)] = vd
            return carry

        lax.fori_loop(0, CH // 16, p1g, 0)
        pltpu.sync_copy(exch, ex_h.at[pl.ds(ebase, CH)])

        def p1s(j, carry):
            pltpu.sync_copy(exch.at[pl.ds(j * 128, 128)],
                            den_sh.at[d2d.at[j]], add=True)
            return carry

        lax.fori_loop(0, P1R, p1s, 0)
        return kcarry

    lax.fori_loop(0, NCH, p1_chunk, 0)
    plsc.subcore_barrier()

    def ldden(q, carry):
        pltpu.sync_copy(den_sh.at[pl.ds(q * 3136, 3136)],
                        sj_v.at[pl.ds(q * 3136, 3136)])
        return carry

    lax.fori_loop(0, 8, ldden, 0)

    def p2_round(rnd, rcarry):
        rbase = rnd * XR2

        def zr(r, carry):
            for q in range(8):
                msg_v[r, pl.ds(16 * q, 16)] = zv16
            return carry

        lax.fori_loop(0, 128, zr, 0)
        def xz(j, carry):
            @pl.when(t == j % 16)
            def _():
                pltpu.sync_copy(msg_v, x_sh.at[pl.ds(j * 128, 128)])
            return carry

        lax.fori_loop(0, 13, xz, 0)
        plsc.subcore_barrier()

        def p2_chunk(k, kcarry):
            ebase = ebase0 + k * CH
            pltpu.sync_copy(dst_h.at[pl.ds(ebase, CH)], d1lin)
            pltpu.sync_copy(src_h.at[pl.ds(ebase, CH)], s1lin)
            pltpu.sync_copy(ex_h.at[pl.ds(ebase, CH)], exch)

            def p2g(g, carry):
                vd = d1lin[pl.ds(g * 16, 16)]
                local = (vd >> 1) - rbase
                inr = (local >= 0) & (local < XR2)
                d2d[g // 8, pl.ds((g % 8) * 16, 16)] = jnp.where(
                    inr, local, DUMPL)
                sg2d[g // 8, pl.ds((g % 8) * 16, 16)] = (
                    s1lin[pl.ds(g * 16, 16)] + c * 25000)
                den = plsc.load_gather(sj_v, [vd])
                an = exch[pl.ds(g * 16, 16)] / (den + 1e-16)
                par = (vd & 1).astype(jnp.float32)
                e1lin[pl.ds(g * 16, 16)] = an * (1.0 - par)
                anhi[pl.ds(g * 16, 16)] = an * par
                return carry

            lax.fori_loop(0, CH // 16, p2g, 0)
            eapbase = c * (EPAD * HID) + (t * (TPR * 128) + k * CH) * HID

            def row_body(j, carry):
                cp = pltpu.async_copy(
                    eap_h.at[pl.ds(eapbase + j * (128 * HID), 128 * HID)],
                    eap_v, sem)
                pltpu.sync_copy(mn_h.at[sg2d.at[j]], rows_v)
                cp.wait()

                def sc_e(e, carry2):
                    eg = jnp.full((16,), j * 128 + e, jnp.int32)
                    slo = plsc.load_gather(e1lin, [eg])
                    shi = plsc.load_gather(anhi, [eg])
                    for f in range(4):
                        m = (rows_v[e, pl.ds(f * 16, 16)]
                             + eap_v[pl.ds(e * HID + f * 16, 16)])
                        msg_v[e, pl.ds(f * 16, 16)] = m * slo
                        msg_v[e, pl.ds(HID + f * 16, 16)] = m * shi
                    return carry2

                lax.fori_loop(0, 128, sc_e, 0)
                pltpu.sync_copy(msg_v, x_sh.at[d2d.at[j]], add=True)
                return carry

            lax.fori_loop(0, P1R, row_body, 0)
            return kcarry

        lax.fori_loop(0, NCH, p2_chunk, 0)
        plsc.subcore_barrier()

        for cc in range(2):
            @pl.when(c == cc)
            def _():
                def wo(j, carry):
                    @pl.when(t == j % 16)
                    def _():
                        pltpu.sync_copy(
                            x_sh.at[pl.ds(j * 128, 128)],
                            xout_h.at[cc, pl.ds(rbase + j * 128, 128)])
                    return carry

                lax.fori_loop(0, 12, wo, 0)

                @pl.when(t == 8)
                def _():
                    pltpu.sync_copy(
                        x_sh.at[pl.ds(1536, 32)],
                        xout_h.at[cc, pl.ds(rbase + 1536, 32)])
        plsc.subcore_barrier()
        return rcarry

    lax.fori_loop(0, 8, p2_round, 0)


def _make_sc_call():
    mesh = plsc.VectorSubcoreMesh(core_axis_name="c", subcore_axis_name="s")
    f32, i32 = jnp.float32, jnp.int32
    return pl.kernel(
        _sc_body,
        out_type=[jax.ShapeDtypeStruct((2, XROWS, 128), f32),
                  jax.ShapeDtypeStruct((2 * EPAD,), f32)],
        mesh=mesh,
        compiler_params=pltpu.CompilerParams(needs_layout_passes=False),
        scratch_types=[
            pltpu.VMEM((NPAD,), f32),
            pltpu.VMEM((NPAD,), f32),
            pltpu.VMEM((P1R * 128,), f32),
            pltpu.VMEM((P1R * 128,), i32),
            pltpu.VMEM((P1R * 128,), i32),
            pltpu.VMEM((P1R * 128,), f32),
            pltpu.VMEM((P1R, 128), i32),
            pltpu.VMEM((P1R, 128), i32),
            pltpu.VMEM((P1R * 128,), f32),
            pltpu.VMEM((128, 2 * HID), f32),
            pltpu.VMEM((128 * HID,), f32),
            pltpu.VMEM((128, 128), f32),
            pltpu.VMEM((512,), f32),
            pltpu.VMEM((16,), f32),
            pltpu.SemaphoreType.DMA,
            pltpu.VMEM_SHARED((1664, 128), f32),
            pltpu.VMEM_SHARED((NPAD,), f32),
        ],
    )



def kernel(x_n0, x_n1, edge_index_e0, edge_index_e1, edge_attr_e0, edge_attr_e1, params):
    p = params

    wc = []
    cte = []
    for l in range(N_LAYERS):
        q = 'c%d_' % l
        aW = p[q + 'att_W']
        lW = p[q + 'lin_W']
        P = jnp.concatenate([aW[:HID], aW[HID:2 * HID], lW[:HID]], axis=1)
        wcl = jnp.einsum('thk,ko->tho', p[q + 'hl_W'], P)
        bcl = p[q + 'hl_b'] @ P
        wc.append((wcl, bcl))
        cte.append(_lrelu(p[q + 'ete']) @ aW[2 * HID:3 * HID])

    si0_a, sj0_a, mn0_a = _node_pre(
        x_n0, p['node_n0_W1'], p['node_n0_b1'], p['node_n0_W2'], p['node_n0_b2'],
        wc[0][0][0], wc[0][1][0])
    si0_b, sj0_b, mn0_b = _node_pre(
        x_n1, p['node_n1_W1'], p['node_n1_b1'], p['node_n1_W2'], p['node_n1_b2'],
        wc[0][0][1], wc[0][1][1])
    si = jnp.concatenate([si0_a[:, 0], si0_b[:, 0]])
    sj = jnp.concatenate([sj0_a[:, 0], sj0_b[:, 0]])
    mnode = jnp.concatenate([mn0_a, mn0_b], axis=0)

    attr2 = jnp.zeros((2 * EPAD, D_EDGE), jnp.float32)
    attr2 = attr2.at[:E0].set(edge_attr_e0).at[EPAD:EPAD + E1].set(edge_attr_e1)
    Q0 = jnp.concatenate([p['c0_att_W'][3 * HID:], p['c0_lin_W'][HID:]], axis=1)
    Q1 = jnp.concatenate([p['c1_att_W'][3 * HID:], p['c1_lin_W'][HID:]], axis=1)
    z64 = jnp.zeros((1, HID), jnp.float32)
    c0s = jnp.concatenate([cte[0].reshape(2, 1), jnp.tile(z64, (2, 1))], axis=1)
    c1s = jnp.concatenate([cte[1].reshape(2, 1), jnp.tile(z64, (2, 1))], axis=1)
    stk = lambda nm: jnp.stack([p['edge_e0_' + nm], p['edge_e1_' + nm]])
    ea_l0, ep_l0, ea_l1, ep_l1 = _edge_pre(
        attr2, stk('W1'), stk('b1'), stk('W2'), stk('b2'),
        p['c0_eae_W'], Q0, c0s, p['c1_eae_W'], Q1, c1s)
    eattm = (ea_l0.reshape(-1), ea_l1.reshape(-1))
    eapm = (ep_l0.reshape(-1), ep_l1.reshape(-1))

    dstm = jnp.full((2, EPAD), DUMP, jnp.int32)
    dstm = dstm.at[0, :E0].set(edge_index_e0[1]).at[1, :E1].set(edge_index_e1[1])
    dstm = dstm.reshape(-1)
    srcm = jnp.zeros((2, EPAD), jnp.int32)
    srcm = srcm.at[0, :E0].set(edge_index_e0[0]).at[1, :E1].set(edge_index_e1[0])
    srcm = srcm.reshape(-1)

    sc_call = _make_sc_call()

    x = None
    for l in range(N_LAYERS):
        if l > 0:
            st = _bn_stats(x)
            mu = st[0] / (N0 + N1)
            var = st[1] / (N0 + N1) - mu * mu
            g = p['c%d_bn_g' % (l - 1)]
            b = p['c%d_bn_b' % (l - 1)]
            a = g / jnp.sqrt(var + EPS)
            wcl, bcl = wc[l]
            wc_eff = wcl * a[None, :, None]
            bc_eff = bcl + jnp.einsum('h,tho->to', b - mu * a, wcl)
            si1, sj1, mn1 = _node_proj(x, wc_eff, bc_eff.reshape(2, 1, HID + 2))
            si, sj, mnode = si1[:, 0], sj1[:, 0], mn1
        si_s = jnp.zeros((2 * NPAD,), jnp.float32)
        si_s = si_s.at[:N0].set(si[N0:]).at[NPAD:NPAD + N0].set(si[:N0])
        sj_s = jnp.zeros((2 * NPAD,), jnp.float32)
        sj_s = sj_s.at[:N0].set(sj[:N0]).at[NPAD:NPAD + N0].set(sj[N0:])
        bmax = jax.nn.relu(
            jnp.stack([jnp.max(si[N0:]), jnp.max(si[:N0])])
            + jnp.stack([jnp.max(sj[:N0]), jnp.max(sj[N0:])])
            + jnp.max(eattm[l].reshape(2, EPAD), axis=1))
        bmat = jnp.broadcast_to(bmax[:, None], (2, 16)).reshape(-1)
        xout, _ = sc_call(si_s, sj_s, dstm, srcm, eattm[l], eapm[l], mnode, bmat)
        xu = xout.reshape(2, 2 * XROWS, HID)
        x = jnp.concatenate([xu[1, :N0], xu[0, :N0]], axis=0)

    st = _bn_stats4(x)
    mu = st[0] / (N0 + N1)
    var = st[1] / (N0 + N1) - mu * mu
    g = p['c%d_bn_g' % (N_LAYERS - 1)]
    b = p['c%d_bn_b' % (N_LAYERS - 1)]
    a = g / jnp.sqrt(var + EPS)
    emb = jnp.where(a > 0, a * st[2], a * st[3]) + (b - mu * a)
    emb = emb.reshape(1, HID)
    h = jnp.maximum(emb @ p['out_W1'] + p['out_b1'], 0.0)
    return h @ p['out_W2'] + p['out_b2']

# --- scband reference (transcript-rebuilt; emitter-appended) ---
"""Pipeline reference for scband-heat-36747740184624 (READ-ONLY COPY).

The authoritative reference and input builder live on the scoring server;
editing this copy changes nothing except your own understanding.
"""

import jax, jax.numpy as jnp
import numpy as np

N0, N1 = 25000, 25000
E0, E1 = 400000, 400000
D_FEAT, D_EDGE, HID, OUT, N_LAYERS = 128, 16, 64, 32, 2
NEG = 0.2
EPS = 1e-05

def _lin(key, fi, fo):
    return jax.random.normal(key, (fi, fo), dtype=jnp.float32) / np.sqrt(fi)

def _lrelu(x):
    return jnp.where(x >= 0, x, NEG * x)

def _mlp2(x, W1, b1, W2, b2):
    return jax.nn.relu(x @ W1 + b1) @ W2 + b2

def setup_inputs():
    ks = list(jax.random.split(jax.random.key(0), 64))
    nk = ks.pop
    x_n0 = jax.random.normal(nk(), (N0, D_FEAT), dtype=jnp.float32)
    x_n1 = jax.random.normal(nk(), (N1, D_FEAT), dtype=jnp.float32)
    edge_index_e0 = jnp.stack([jax.random.randint(nk(), (E0,), 0, N0), jax.random.randint(nk(), (E0,), 0, N1)])
    edge_index_e1 = jnp.stack([jax.random.randint(nk(), (E1,), 0, N1), jax.random.randint(nk(), (E1,), 0, N0)])
    edge_attr_e0 = jax.random.normal(nk(), (E0, D_EDGE), dtype=jnp.float32)
    edge_attr_e1 = jax.random.normal(nk(), (E1, D_EDGE), dtype=jnp.float32)
    params = {}
    for t in ['n0', 'n1']:
        params['node_' + t + '_W1'] = _lin(nk(), D_FEAT, HID)
        params['node_' + t + '_b1'] = jnp.zeros((HID,), jnp.float32)
        params['node_' + t + '_W2'] = _lin(nk(), HID, HID)
        params['node_' + t + '_b2'] = jnp.zeros((HID,), jnp.float32)
    for t in ['e0', 'e1']:
        params['edge_' + t + '_W1'] = _lin(nk(), D_EDGE, HID)
        params['edge_' + t + '_b1'] = jnp.zeros((HID,), jnp.float32)
        params['edge_' + t + '_W2'] = _lin(nk(), HID, HID)
        params['edge_' + t + '_b2'] = jnp.zeros((HID,), jnp.float32)
    for l in range(N_LAYERS):
        q = 'c' + str(l) + '_'
        params[q + 'hl_W'] = jnp.stack([_lin(nk(), HID, HID), _lin(nk(), HID, HID)])
        params[q + 'hl_b'] = jnp.zeros((2, HID), jnp.float32)
        params[q + 'ete'] = jax.random.normal(nk(), (2, HID), dtype=jnp.float32)
        params[q + 'eae_W'] = _lin(nk(), HID, HID)
        params[q + 'att_W'] = _lin(nk(), 4 * HID, 1)
        params[q + 'lin_W'] = _lin(nk(), 2 * HID, HID)
        params[q + 'bn_g'] = jnp.ones((HID,), jnp.float32)
        params[q + 'bn_b'] = jnp.zeros((HID,), jnp.float32)
    params['out_W1'] = _lin(nk(), HID, HID)
    params['out_b1'] = jnp.zeros((HID,), jnp.float32)
    params['out_W2'] = _lin(nk(), HID, OUT)
    params['out_b2'] = jnp.zeros((OUT,), jnp.float32)
    return {'x_n0': x_n0, 'x_n1': x_n1, 'edge_index_e0': edge_index_e0, 'edge_index_e1': edge_index_e1, 'edge_attr_e0': edge_attr_e0, 'edge_attr_e1': edge_attr_e1, 'params': params}

def _forward(x_n0, x_n1, edge_attr_e0, edge_attr_e1, params, edge_index_e0, edge_index_e1):
    p = params
    x0 = _mlp2(x_n0, p['node_n0_W1'], p['node_n0_b1'], p['node_n0_W2'], p['node_n0_b2'])
    x1 = _mlp2(x_n1, p['node_n1_W1'], p['node_n1_b1'], p['node_n1_W2'], p['node_n1_b2'])
    ea0 = _mlp2(edge_attr_e0, p['edge_e0_W1'], p['edge_e0_b1'], p['edge_e0_W2'], p['edge_e0_b2'])
    ea1 = _mlp2(edge_attr_e1, p['edge_e1_W1'], p['edge_e1_b1'], p['edge_e1_W2'], p['edge_e1_b2'])
    x = jnp.concatenate([x0, x1], axis=0)
    N = N0 + N1
    node_type = jnp.concatenate([jnp.zeros((N0,), jnp.int32), jnp.ones((N1,), jnp.int32)])
    src = jnp.concatenate([edge_index_e0[0], edge_index_e1[0] + N0])
    dst = jnp.concatenate([edge_index_e0[1] + N0, edge_index_e1[1]])
    edge_type = jnp.concatenate([jnp.zeros((E0,), jnp.int32), jnp.ones((E1,), jnp.int32)])
    edge_attr = jnp.concatenate([ea0, ea1], axis=0)
    for l in range(N_LAYERS):
        q = 'c' + str(l) + '_'
        hlW = p[q + 'hl_W']
        hlb = p[q + 'hl_b']
        xh = jnp.where((node_type == 0)[:, None], x @ hlW[0] + hlb[0], x @ hlW[1] + hlb[1])
        ete = _lrelu(p[q + 'ete'][edge_type])
        ea = _lrelu(edge_attr @ p[q + 'eae_W'])
        x_i = xh[dst]
        x_j = xh[src]
        aW = p[q + 'att_W']
        alpha = _lrelu(x_i @ aW[:HID] + x_j @ aW[HID:2 * HID] + ete @ aW[2 * HID:3 * HID] + ea @ aW[3 * HID:])
        amax = jax.lax.stop_gradient(jax.ops.segment_max(alpha, dst, num_segments=N))
        amax = jnp.where(jnp.isfinite(amax), amax, 0.0)
        ex = jnp.exp(alpha - amax[dst])
        den = jax.ops.segment_sum(ex, dst, num_segments=N)
        an = ex / (den[dst] + 1e-16)
        lW = p[q + 'lin_W']
        msg = (x_j @ lW[:HID] + ea @ lW[HID:]) * an
        x = jax.ops.segment_sum(msg, dst, num_segments=N)
        mu = jnp.mean(x, axis=0)
        var = jnp.mean((x - mu) ** 2, axis=0)
        x = (x - mu) / jnp.sqrt(var + EPS) * p[q + 'bn_g'] + p[q + 'bn_b']
    emb = jnp.max(x, axis=0, keepdims=True)
    return _mlp2(emb, p['out_W1'], p['out_b1'], p['out_W2'], p['out_b2'])

def reference(x_n0, x_n1, edge_index_e0, edge_index_e1, edge_attr_e0, edge_attr_e1, params):
    return _forward(x_n0, x_n1, edge_attr_e0, edge_attr_e1, params, edge_index_e0, edge_index_e1)

if __name__ == "__main__":
    import jax
    _d = setup_inputs()
    print(jax.jit(kernel)(*tuple(_d.values())))

</pallas_src>

<mosaic_0001>
#map = affine_map<(d0, d1) -> (0)>
#map1 = affine_map<(d0, d1) -> (0, 0)>
#map2 = affine_map<(d0, d1) -> (0, 0, 0)>
module attributes {stable_mosaic.version = 14 : i64} {
  func.func @_sc_body(%arg0: i32, %arg1: i32, %arg2: memref<50176xf32, #tpu.memory_space<hbm>>, %arg3: memref<50176xf32, #tpu.memory_space<hbm>>, %arg4: memref<819200xi32, #tpu.memory_space<hbm>>, %arg5: memref<819200xi32, #tpu.memory_space<hbm>>, %arg6: memref<819200xf32, #tpu.memory_space<hbm>>, %arg7: memref<52428800xf32, #tpu.memory_space<hbm>>, %arg8: memref<50000x128xf32, #tpu.memory_space<hbm>>, %arg9: memref<32xf32, #tpu.memory_space<hbm>>, %arg10: memref<2x12544x128xf32, #tpu.memory_space<hbm>>, %arg11: memref<819200xf32, #tpu.memory_space<hbm>>, %arg12: memref<25088xf32, #tpu.memory_space<vmem>>, %arg13: memref<25088xf32, #tpu.memory_space<vmem>>, %arg14: memref<3200xf32, #tpu.memory_space<vmem>>, %arg15: memref<3200xi32, #tpu.memory_space<vmem>>, %arg16: memref<3200xi32, #tpu.memory_space<vmem>>, %arg17: memref<3200xf32, #tpu.memory_space<vmem>>, %arg18: memref<25x128xi32, #tpu.memory_space<vmem>>, %arg19: memref<25x128xi32, #tpu.memory_space<vmem>>, %arg20: memref<3200xf32, #tpu.memory_space<vmem>>, %arg21: memref<128x128xf32, #tpu.memory_space<vmem>>, %arg22: memref<8192xf32, #tpu.memory_space<vmem>>, %arg23: memref<128x128xf32, #tpu.memory_space<vmem>>, %arg24: memref<512xf32, #tpu.memory_space<vmem>>, %arg25: memref<16xf32, #tpu.memory_space<vmem>>, %arg26: memref<!tpu.dma_semaphore, #tpu.memory_space<semaphore_mem>>, %arg27: memref<1664x128xf32, #tpu.memory_space<vmem_shared>>, %arg28: memref<25088xf32, #tpu.memory_space<vmem_shared>>) attributes {dimension_semantics = [#tpu.dimension_semantics<core_parallel>, #tpu.dimension_semantics<subcore_parallel>], iteration_bounds = array<i64: 2, 16>, scalar_prefetch = 0 : i64, scratch_operands = 17 : i64, tpu.core_type = #tpu.core_type<sc_vector_subcore>, window_params = [{transform_indices = #map}, {transform_indices = #map}, {transform_indices = #map}, {transform_indices = #map}, {transform_indices = #map}, {transform_indices = #map}, {transform_indices = #map1}, {transform_indices = #map}, {transform_indices = #map2}, {transform_indices = #map}]} {
    %broadcast_in_dim3A = arith.constant 0.000000e+00 : f32
    %broadcast_in_dim3A_0 = vector.broadcast %broadcast_in_dim3A : f32 to vector<16xf32>
    %scan3A = arith.constant 0 : i32
    %scan3A_1 = arith.constant 0 : i32
    %scan3A_2 = arith.constant 128 : i32
    %scan3A_3 = arith.addi %scan3A_1, %scan3A_2 : i32
    %scan3A_4 = arith.constant 1 : i32
    scf.for %scan3A_49 = %scan3A_1 to %scan3A_3 step %scan3A_4  : i32 {
      %swap3A = arith.index_cast %scan3A_49 : i32 to index
      %swap3A_50 = arith.constant 0 : index
      %swap3A_51 = tpu.vector_load %arg23[%swap3A, %swap3A_50] {strides = array<i32>} : memref<128x128xf32, #tpu.memory_space<vmem>>, vector<16xf32>,
      tpu.vector_store %arg23[%swap3A, %swap3A_50], %broadcast_in_dim3A_0 {strides = array<i32>} : memref<128x128xf32, #tpu.memory_space<vmem>>, vector<16xf32>,
      %swap3A_52 = arith.index_cast %scan3A_49 : i32 to index
      %swap3A_53 = arith.constant 16 : index
      %swap3A_54 = tpu.vector_load %arg23[%swap3A_52, %swap3A_53] {strides = array<i32>} : memref<128x128xf32, #tpu.memory_space<vmem>>, vector<16xf32>,
      tpu.vector_store %arg23[%swap3A_52, %swap3A_53], %broadcast_in_dim3A_0 {strides = array<i32>} : memref<128x128xf32, #tpu.memory_space<vmem>>, vector<16xf32>,
      %swap3A_55 = arith.index_cast %scan3A_49 : i32 to index
      %swap3A_56 = arith.constant 32 : index
      %swap3A_57 = tpu.vector_load %arg23[%swap3A_55, %swap3A_56] {strides = array<i32>} : memref<128x128xf32, #tpu.memory_space<vmem>>, vector<16xf32>,
      tpu.vector_store %arg23[%swap3A_55, %swap3A_56], %broadcast_in_dim3A_0 {strides = array<i32>} : memref<128x128xf32, #tpu.memory_space<vmem>>, vector<16xf32>,
      %swap3A_58 = arith.index_cast %scan3A_49 : i32 to index
      %swap3A_59 = arith.constant 48 : index
      %swap3A_60 = tpu.vector_load %arg23[%swap3A_58, %swap3A_59] {strides = array<i32>} : memref<128x128xf32, #tpu.memory_space<vmem>>, vector<16xf32>,
      tpu.vector_store %arg23[%swap3A_58, %swap3A_59], %broadcast_in_dim3A_0 {strides = array<i32>} : memref<128x128xf32, #tpu.memory_space<vmem>>, vector<16xf32>,
      %swap3A_61 = arith.index_cast %scan3A_49 : i32 to index
      %swap3A_62 = arith.constant 64 : index
      %swap3A_63 = tpu.vector_load %arg23[%swap3A_61, %swap3A_62] {strides = array<i32>} : memref<128x128xf32, #tpu.memory_space<vmem>>, vector<16xf32>,
      tpu.vector_store %arg23[%swap3A_61, %swap3A_62], %broadcast_in_dim3A_0 {strides = array<i32>} : memref<128x128xf32, #tpu.memory_space<vmem>>, vector<16xf32>,
      %swap3A_64 = arith.index_cast %scan3A_49 : i32 to index
      %swap3A_65 = arith.constant 80 : index
      %swap3A_66 = tpu.vector_load %arg23[%swap3A_64, %swap3A_65] {strides = array<i32>} : memref<128x128xf32, #tpu.memory_space<vmem>>, vector<16xf32>,
      tpu.vector_store %arg23[%swap3A_64, %swap3A_65], %broadcast_in_dim3A_0 {strides = array<i32>} : memref<128x128xf32, #tpu.memory_space<vmem>>, vector<16xf32>,
      %swap3A_67 = arith.index_cast %scan3A_49 : i32 to index
      %swap3A_68 = arith.constant 96 : index
      %swap3A_69 = tpu.vector_load %arg23[%swap3A_67, %swap3A_68] {strides = array<i32>} : memref<128x128xf32, #tpu.memory_space<vmem>>, vector<16xf32>,
      tpu.vector_store %arg23[%swap3A_67, %swap3A_68], %broadcast_in_dim3A_0 {strides = array<i32>} : memref<128x128xf32, #tpu.memory_space<vmem>>, vector<16xf32>,
      %swap3A_70 = arith.index_cast %scan3A_49 : i32 to index
      %swap3A_71 = arith.constant 112 : index
      %swap3A_72 = tpu.vector_load %arg23[%swap3A_70, %swap3A_71] {strides = array<i32>} : memref<128x128xf32, #tpu.memory_space<vmem>>, vector<16xf32>,
      tpu.vector_store %arg23[%swap3A_70, %swap3A_71], %broadcast_in_dim3A_0 {strides = array<i32>} : memref<128x128xf32, #tpu.memory_space<vmem>>, vector<16xf32>,
    }
    %scan3A_5 = arith.constant 128 : i32
    %scan3A_6 = arith.constant 0 : i32
    %scan3A_7 = arith.constant 0 : i32
    %scan3A_8 = arith.constant 32 : i32
    %scan3A_9 = arith.addi %scan3A_7, %scan3A_8 : i32
    %scan3A_10 = arith.constant 1 : i32
    scf.for %scan3A_49 = %scan3A_7 to %scan3A_9 step %scan3A_10  : i32 {
      %mul3A_50 = arith.constant 16 : i32
      %mul3A_51 = arith.muli %scan3A_49, %mul3A_50 : i32
      %swap3A = arith.index_cast %mul3A_51 : i32 to index
      %swap3A_52 = tpu.vector_load %arg24[%swap3A] {strides = array<i32>} : memref<512xf32, #tpu.memory_space<vmem>>, vector<16xf32>,
      tpu.vector_store %arg24[%swap3A], %broadcast_in_dim3A_0 {strides = array<i32>} : memref<512xf32, #tpu.memory_space<vmem>>, vector<16xf32>,
    }
    %scan3A_11 = arith.constant 32 : i32
    %scan3A_12 = arith.constant 0 : i32
    %scan3A_13 = arith.constant 0 : i32
    %scan3A_14 = arith.constant 49 : i32
    %scan3A_15 = arith.addi %scan3A_13, %scan3A_14 : i32
    %scan3A_16 = arith.constant 1 : i32
    scf.for %scan3A_49 = %scan3A_13 to %scan3A_15 step %scan3A_16  : i32 {
      %jit3A = arith.constant 16 : i32
      %eq3A = arith.constant 0 : i32
      %eq3A_50 = arith.cmpi eq, %jit3A, %eq3A : i32
      %jit3A_51 = arith.constant 1 : i32
      %select_n3A = arith.select %eq3A_50, %jit3A_51, %jit3A : i32
      %rem3A = arith.remsi %scan3A_49, %select_n3A : i32
      %ne3A = arith.constant 0 : i32
      %ne3A_52 = arith.cmpi ne, %rem3A, %ne3A : i32
      %lt3A = arith.constant 0 : i32
      %lt3A_53 = arith.cmpi slt, %rem3A, %lt3A : i32
      %lt3A_54 = arith.constant 0 : i32
      %lt3A_55 = arith.cmpi slt, %select_n3A, %lt3A_54 : i32
      %ne3A_56 = arith.xori %lt3A_53, %lt3A_55 : i1
      %and3A = arith.andi %ne3A_56, %ne3A_52 : i1
      %add3A_57 = arith.addi %rem3A, %select_n3A : i32
      %select_n3A_58 = arith.select %and3A, %add3A_57, %rem3A : i32
      %eq3A_59 = arith.cmpi eq, %arg1, %select_n3A_58 : i32
      %convert_element_type3A = arith.extui %eq3A_59 : i1 to i32
      %cond3A = arith.constant 0 : i32
      %cond3A_60 = arith.cmpi ne, %convert_element_type3A, %cond3A : i32
      scf.if %cond3A_60 {
        %mul3A_61 = arith.constant 512 : i32
        %mul3A_62 = arith.muli %scan3A_49, %mul3A_61 : i32
        "tpu.region"() ({
          %run_scoped3A = tpu.sem_alloc : memref<!tpu.dma_semaphore, #tpu.memory_space<semaphore_mem>>
          %dma_start3A = tpu.memref_slice %arg28[%mul3A_62] : memref<25088xf32, #tpu.memory_space<vmem_shared>> -> memref<512xf32, #tpu.memory_space<vmem_shared>>
          %dma_start3A_63 = tpu.memref_slice %arg28[%mul3A_62] : memref<25088xf32, #tpu.memory_space<vmem_shared>> -> memref<512xf32, #tpu.memory_space<vmem_shared>>
          tpu.enqueue_dma source(%arg24 : memref<512xf32, #tpu.memory_space<vmem>>) target(%dma_start3A_63 : memref<512xf32, #tpu.memory_space<vmem_shared>>) target_semaphore(%run_scoped3A : memref<!tpu.dma_semaphore, #tpu.memory_space<semaphore_mem>>)
          %dma_wait3A = tpu.memref_slice %arg28[%mul3A_62] : memref<25088xf32, #tpu.memory_space<vmem_shared>> -> memref<512xf32, #tpu.memory_space<vmem_shared>>
          %dma_wait3A_64 = tpu.memref_slice %arg28[%mul3A_62] : memref<25088xf32, #tpu.memory_space<vmem_shared>> -> memref<512xf32, #tpu.memory_space<vmem_shared>>
          tpu.wait_dma2 semaphore(%run_scoped3A : memref<!tpu.dma_semaphore, #tpu.memory_space<semaphore_mem>>) src(%arg24 : memref<512xf32, #tpu.memory_space<vmem>>) dst(%dma_wait3A_64 : memref<512xf32, #tpu.memory_space<vmem_shared>>)
          tpu.yield
        }) : () -> ()
      } else {
      }
    }
    %scan3A_17 = arith.constant 49 : i32
    %scan3A_18 = arith.constant 0 : i32
    %scan3A_19 = arith.constant 0 : i32
    %scan3A_20 = arith.constant 8 : i32
    %scan3A_21 = arith.addi %scan3A_19, %scan3A_20 : i32
    %scan3A_22 = arith.constant 1 : i32
    scf.for %scan3A_49 = %scan3A_19 to %scan3A_21 step %scan3A_22  : i32 {
      %mul3A_50 = arith.constant 25088 : i32
      %mul3A_51 = arith.muli %arg0, %mul3A_50 : i32
      %mul3A_52 = arith.constant 3136 : i32
      %mul3A_53 = arith.muli %scan3A_49, %mul3A_52 : i32
      %add3A_54 = arith.addi %mul3A_51, %mul3A_53 : i32
      %mul3A_55 = arith.constant 3136 : i32
      %mul3A_56 = arith.muli %scan3A_49, %mul3A_55 : i32
      "tpu.region"() ({
        %run_scoped3A = tpu.sem_alloc : memref<!tpu.dma_semaphore, #tpu.memory_space<semaphore_mem>>
        %dma_start3A = tpu.memref_slice %arg12[%mul3A_56] : memref<25088xf32, #tpu.memory_space<vmem>> -> memref<3136xf32, #tpu.memory_space<vmem>>
        %dma_start3A_64 = tpu.memref_slice %arg2[%add3A_54] : memref<50176xf32, #tpu.memory_space<hbm>> -> memref<3136xf32, #tpu.memory_space<hbm>>
        %dma_start3A_65 = tpu.memref_slice %arg12[%mul3A_56] : memref<25088xf32, #tpu.memory_space<vmem>> -> memref<3136xf32, #tpu.memory_space<vmem>>
        %dma_start3A_66 = tpu.memref_slice %arg2[%add3A_54] : memref<50176xf32, #tpu.memory_space<hbm>> -> memref<3136xf32, #tpu.memory_space<hbm>>
        tpu.enqueue_dma source(%dma_start3A_66 : memref<3136xf32, #tpu.memory_space<hbm>>) target(%dma_start3A_65 : memref<3136xf32, #tpu.memory_space<vmem>>) target_semaphore(%run_scoped3A : memref<!tpu.dma_semaphore, #tpu.memory_space<semaphore_mem>>)
        %dma_wait3A = tpu.memref_slice %arg12[%mul3A_56] : memref<25088xf32, #tpu.memory_space<vmem>> -> memref<3136xf32, #tpu.memory_space<vmem>>
        %dma_wait3A_67 = tpu.memref_slice %arg2[%add3A_54] : memref<50176xf32, #tpu.memory_space<hbm>> -> memref<3136xf32, #tpu.memory_space<hbm>>
        %dma_wait3A_68 = tpu.memref_slice %arg12[%mul3A_56] : memref<25088xf32, #tpu.memory_space<vmem>> -> memref<3136xf32, #tpu.memory_space<vmem>>
        %dma_wait3A_69 = tpu.memref_slice %arg2[%add3A_54] : memref<50176xf32, #tpu.memory_space<hbm>> -> memref<3136xf32, #tpu.memory_space<hbm>>
        tpu.wait_dma2 semaphore(%run_scoped3A : memref<!tpu.dma_semaphore, #tpu.memory_space<semaphore_mem>>) src(%dma_wait3A_69 : memref<3136xf32, #tpu.memory_space<hbm>>) dst(%dma_wait3A_68 : memref<3136xf32, #tpu.memory_space<vmem>>)
        tpu.yield
      }) : () -> ()
      %mul3A_57 = arith.constant 25088 : i32
      %mul3A_58 = arith.muli %arg0, %mul3A_57 : i32
      %mul3A_59 = arith.constant 3136 : i32
      %mul3A_60 = arith.muli %scan3A_49, %mul3A_59 : i32
      %add3A_61 = arith.addi %mul3A_58, %mul3A_60 : i32
      %mul3A_62 = arith.constant 3136 : i32
      %mul3A_63 = arith.muli %scan3A_49, %mul3A_62 : i32
      "tpu.region"() ({
        %run_scoped3A = tpu.sem_alloc : memref<!tpu.dma_semaphore, #tpu.memory_space<semaphore_mem>>
        %dma_start3A = tpu.memref_slice %arg13[%mul3A_63] : memref<25088xf32, #tpu.memory_space<vmem>> -> memref<3136xf32, #tpu.memory_space<vmem>>
        %dma_start3A_64 = tpu.memref_slice %arg3[%add3A_61] : memref<50176xf32, #tpu.memory_space<hbm>> -> memref<3136xf32, #tpu.memory_space<hbm>>
        %dma_start3A_65 = tpu.memref_slice %arg13[%mul3A_63] : memref<25088xf32, #tpu.memory_space<vmem>> -> memref<3136xf32, #tpu.memory_space<vmem>>
        %dma_start3A_66 = tpu.memref_slice %arg3[%add3A_61] : memref<50176xf32, #tpu.memory_space<hbm>> -> memref<3136xf32, #tpu.memory_space<hbm>>
        tpu.enqueue_dma source(%dma_start3A_66 : memref<3136xf32, #tpu.memory_space<hbm>>) target(%dma_start3A_65 : memref<3136xf32, #tpu.memory_space<vmem>>) target_semaphore(%run_scoped3A : memref<!tpu.dma_semaphore, #tpu.memory_space<semaphore_mem>>)
        %dma_wait3A = tpu.memref_slice %arg13[%mul3A_63] : memref<25088xf32, #tpu.memory_space<vmem>> -> memref<3136xf32, #tpu.memory_space<vmem>>
        %dma_wait3A_67 = tpu.memref_slice %arg3[%add3A_61] : memref<50176xf32, #tpu.memory_space<hbm>> -> memref<3136xf32, #tpu.memory_space<hbm>>
        %dma_wait3A_68 = tpu.memref_slice %arg13[%mul3A_63] : memref<25088xf32, #tpu.memory_space<vmem>> -> memref<3136xf32, #tpu.memory_space<vmem>>
        %dma_wait3A_69 = tpu.memref_slice %arg3[%add3A_61] : memref<50176xf32, #tpu.memory_space<hbm>> -> memref<3136xf32, #tpu.memory_space<hbm>>
        tpu.wait_dma2 semaphore(%run_scoped3A : memref<!tpu.dma_semaphore, #tpu.memory_space<semaphore_mem>>) src(%dma_wait3A_69 : memref<3136xf32, #tpu.memory_space<hbm>>) dst(%dma_wait3A_68 : memref<3136xf32, #tpu.memory_space<vmem>>)
        tpu.yield
      }) : () -> ()
    }
    %scan3A_23 = arith.constant 8 : i32
    %mul3A = arith.constant 16 : i32
    %mul3A_24 = arith.muli %arg0, %mul3A : i32
    "tpu.region"() ({
      %run_scoped3A = tpu.sem_alloc : memref<!tpu.dma_semaphore, #tpu.memory_space<semaphore_mem>>
      %dma_start3A = tpu.memref_slice %arg9[%mul3A_24] : memref<32xf32, #tpu.memory_space<hbm>> -> memref<16xf32, #tpu.memory_space<hbm>>
      %dma_start3A_49 = tpu.memref_slice %arg9[%mul3A_24] : memref<32xf32, #tpu.memory_space<hbm>> -> memref<16xf32, #tpu.memory_space<hbm>>
      tpu.enqueue_dma source(%dma_start3A_49 : memref<16xf32, #tpu.memory_space<hbm>>) target(%arg25 : memref<16xf32, #tpu.memory_space<vmem>>) target_semaphore(%run_scoped3A : memref<!tpu.dma_semaphore, #tpu.memory_space<semaphore_mem>>)
      %dma_wait3A = tpu.memref_slice %arg9[%mul3A_24] : memref<32xf32, #tpu.memory_space<hbm>> -> memref<16xf32, #tpu.memory_space<hbm>>
      %dma_wait3A_50 = tpu.memref_slice %arg9[%mul3A_24] : memref<32xf32, #tpu.memory_space<hbm>> -> memref<16xf32, #tpu.memory_space<hbm>>
      tpu.wait_dma2 semaphore(%run_scoped3A : memref<!tpu.dma_semaphore, #tpu.memory_space<semaphore_mem>>) src(%dma_wait3A_50 : memref<16xf32, #tpu.memory_space<hbm>>) dst(%arg25 : memref<16xf32, #tpu.memory_space<vmem>>)
      tpu.yield
    }) : () -> ()
    %barrier3A = arith.constant 0 : index
    tpu.barrier barrier_id(%barrier3A)
    %get3A = arith.constant 0 : index
    %get3A_25 = tpu.vector_load %arg25[%get3A] {strides = array<i32>} : memref<16xf32, #tpu.memory_space<vmem>>, vector<16xf32>,
    %mul3A_26 = arith.constant 409600 : i32
    %mul3A_27 = arith.muli %arg0, %mul3A_26 : i32
    %mul3A_28 = arith.constant 25600 : i32
    %mul3A_29 = arith.muli %arg1, %mul3A_28 : i32
    %add3A = arith.addi %mul3A_27, %mul3A_29 : i32
    %scan3A_30 = arith.constant 0 : i32
    %scan3A_31 = arith.constant 0 : i32
    %scan3A_32 = arith.constant 8 : i32
    %scan3A_33 = arith.addi %scan3A_31, %scan3A_32 : i32
    %scan3A_34 = arith.constant 1 : i32
    scf.for %scan3A_49 = %scan3A_31 to %scan3A_33 step %scan3A_34  : i32 {
      %mul3A_50 = arith.constant 3200 : i32
      %mul3A_51 = arith.muli %scan3A_49, %mul3A_50 : i32
      %add3A_52 = arith.addi %add3A, %mul3A_51 : i32
      "tpu.region"() ({
        %run_scoped3A = tpu.sem_alloc : memref<!tpu.dma_semaphore, #tpu.memory_space<semaphore_mem>>
        %dma_start3A = tpu.memref_slice %arg4[%add3A_52] : memref<819200xi32, #tpu.memory_space<hbm>> -> memref<3200xi32, #tpu.memory_space<hbm>>
        %dma_start3A_65 = tpu.memref_slice %arg4[%add3A_52] : memref<819200xi32, #tpu.memory_space<hbm>> -> memref<3200xi32, #tpu.memory_space<hbm>>
        tpu.enqueue_dma source(%dma_start3A_65 : memref<3200xi32, #tpu.memory_space<hbm>>) target(%arg15 : memref<3200xi32, #tpu.memory_space<vmem>>) target_semaphore(%run_scoped3A : memref<!tpu.dma_semaphore, #tpu.memory_space<semaphore_mem>>)
        %dma_wait3A = tpu.memref_slice %arg4[%add3A_52] : memref<819200xi32, #tpu.memory_space<hbm>> -> memref<3200xi32, #tpu.memory_space<hbm>>
        %dma_wait3A_66 = tpu.memref_slice %arg4[%add3A_52] : memref<819200xi32, #tpu.memory_space<hbm>> -> memref<3200xi32, #tpu.memory_space<hbm>>
        tpu.wait_dma2 semaphore(%run_scoped3A : memref<!tpu.dma_semaphore, #tpu.memory_space<semaphore_mem>>) src(%dma_wait3A_66 : memref<3200xi32, #tpu.memory_space<hbm>>) dst(%arg15 : memref<3200xi32, #tpu.memory_space<vmem>>)
        tpu.yield
      }) : () -> ()
      "tpu.region"() ({
        %run_scoped3A = tpu.sem_alloc : memref<!tpu.dma_semaphore, #tpu.memory_space<semaphore_mem>>
        %dma_start3A = tpu.memref_slice %arg5[%add3A_52] : memref<819200xi32, #tpu.memory_space<hbm>> -> memref<3200xi32, #tpu.memory_space<hbm>>
        %dma_start3A_65 = tpu.memref_slice %arg5[%add3A_52] : memref<819200xi32, #tpu.memory_space<hbm>> -> memref<3200xi32, #tpu.memory_space<hbm>>
        tpu.enqueue_dma source(%dma_start3A_65 : memref<3200xi32, #tpu.memory_space<hbm>>) target(%arg16 : memref<3200xi32, #tpu.memory_space<vmem>>) target_semaphore(%run_scoped3A : memref<!tpu.dma_semaphore, #tpu.memory_space<semaphore_mem>>)
        %dma_wait3A = tpu.memref_slice %arg5[%add3A_52] : memref<819200xi32, #tpu.memory_space<hbm>> -> memref<3200xi32, #tpu.memory_space<hbm>>
        %dma_wait3A_66 = tpu.memref_slice %arg5[%add3A_52] : memref<819200xi32, #tpu.memory_space<hbm>> -> memref<3200xi32, #tpu.memory_space<hbm>>
        tpu.wait_dma2 semaphore(%run_scoped3A : memref<!tpu.dma_semaphore, #tpu.memory_space<semaphore_mem>>) src(%dma_wait3A_66 : memref<3200xi32, #tpu.memory_space<hbm>>) dst(%arg16 : memref<3200xi32, #tpu.memory_space<vmem>>)
        tpu.yield
      }) : () -> ()
      "tpu.region"() ({
        %run_scoped3A = tpu.sem_alloc : memref<!tpu.dma_semaphore, #tpu.memory_space<semaphore_mem>>
        %dma_start3A = tpu.memref_slice %arg6[%add3A_52] : memref<819200xf32, #tpu.memory_space<hbm>> -> memref<3200xf32, #tpu.memory_space<hbm>>
        %dma_start3A_65 = tpu.memref_slice %arg6[%add3A_52] : memref<819200xf32, #tpu.memory_space<hbm>> -> memref<3200xf32, #tpu.memory_space<hbm>>
        tpu.enqueue_dma source(%dma_start3A_65 : memref<3200xf32, #tpu.memory_space<hbm>>) target(%arg17 : memref<3200xf32, #tpu.memory_space<vmem>>) target_semaphore(%run_scoped3A : memref<!tpu.dma_semaphore, #tpu.memory_space<semaphore_mem>>)
        %dma_wait3A = tpu.memref_slice %arg6[%add3A_52] : memref<819200xf32, #tpu.memory_space<hbm>> -> memref<3200xf32, #tpu.memory_space<hbm>>
        %dma_wait3A_66 = tpu.memref_slice %arg6[%add3A_52] : memref<819200xf32, #tpu.memory_space<hbm>> -> memref<3200xf32, #tpu.memory_space<hbm>>
        tpu.wait_dma2 semaphore(%run_scoped3A : memref<!tpu.dma_semaphore, #tpu.memory_space<semaphore_mem>>) src(%dma_wait3A_66 : memref<3200xf32, #tpu.memory_space<hbm>>) dst(%arg17 : memref<3200xf32, #tpu.memory_space<vmem>>)
        tpu.yield
      }) : () -> ()
      %scan3A_53 = arith.constant 0 : i32
      %scan3A_54 = arith.constant 0 : i32
      %scan3A_55 = arith.constant 200 : i32
      %scan3A_56 = arith.addi %scan3A_54, %scan3A_55 : i32
      %scan3A_57 = arith.constant 1 : i32
      scf.for %scan3A_65 = %scan3A_54 to %scan3A_56 step %scan3A_57  : i32 {
        %mul3A_66 = arith.constant 16 : i32
        %mul3A_67 = arith.muli %scan3A_65, %mul3A_66 : i32
        %get3A_68 = arith.index_cast %mul3A_67 : i32 to index
        %get3A_69 = tpu.vector_load %arg15[%get3A_68] {strides = array<i32>} : memref<3200xi32, #tpu.memory_space<vmem>>, vector<16xi32>,
        %mul3A_70 = arith.constant 16 : i32
        %mul3A_71 = arith.muli %scan3A_65, %mul3A_70 : i32
        %get3A_72 = arith.index_cast %mul3A_71 : i32 to index
        %get3A_73 = tpu.vector_load %arg16[%get3A_72] {strides = array<i32>} : memref<3200xi32, #tpu.memory_space<vmem>>, vector<16xi32>,
        %mul3A_74 = arith.constant 16 : i32
        %mul3A_75 = arith.muli %scan3A_65, %mul3A_74 : i32
        %get3A_76 = arith.index_cast %mul3A_75 : i32 to index
        %get3A_77 = tpu.vector_load %arg17[%get3A_76] {strides = array<i32>} : memref<3200xf32, #tpu.memory_space<vmem>>, vector<16xf32>,
        %gather3A = tpu.vector_load_idx %arg12[%get3A_69] : memref<25088xf32, #tpu.memory_space<vmem>>[vector<16xi32>], vector<16xf32>,
        %gather3A_78 = tpu.vector_load_idx %arg13[%get3A_73] : memref<25088xf32, #tpu.memory_space<vmem>>[vector<16xi32>], vector<16xf32>,
        %add3A_79 = arith.addf %gather3A, %gather3A_78 : vector<16xf32>
        %add3A_80 = arith.addf %add3A_79, %get3A_77 : vector<16xf32>
        %ge3A = arith.constant 0.000000e+00 : f32
        %ge3A_81 = vector.broadcast %ge3A : f32 to vector<16xf32>
        %ge3A_82 = arith.cmpf oge, %add3A_80, %ge3A_81 : vector<16xf32>
        %mul3A_83 = arith.constant 2.000000e-01 : f32
        %mul3A_84 = vector.broadcast %mul3A_83 : f32 to vector<16xf32>
        %mul3A_85 = arith.mulf %mul3A_84, %add3A_80 : vector<16xf32>
        %select_n3A = arith.select %ge3A_82, %add3A_80, %mul3A_85 : vector<16xi1>, vector<16xf32>
        %sub3A = arith.subf %select_n3A, %get3A_25 : vector<16xf32>
        %exp3A = math.exp %sub3A : vector<16xf32>
        %mul3A_86 = arith.constant 16 : i32
        %mul3A_87 = arith.muli %scan3A_65, %mul3A_86 : i32
        %swap3A = arith.index_cast %mul3A_87 : i32 to index
        %swap3A_88 = tpu.vector_load %arg14[%swap3A] {strides = array<i32>} : memref<3200xf32, #tpu.memory_space<vmem>>, vector<16xf32>,
        tpu.vector_store %arg14[%swap3A], %exp3A {strides = array<i32>} : memref<3200xf32, #tpu.memory_space<vmem>>, vector<16xf32>,
        %jit3A = arith.constant 8 : i32
        %div3A = arith.divsi %scan3A_65, %jit3A : i32
        %sign3A = arith.constant 0 : i32
        %sign3A_89 = arith.cmpi sgt, %scan3A_65, %sign3A : i32
        %sign3A_90 = arith.extui %sign3A_89 : i1 to i32
        %sign3A_91 = arith.constant 0 : i32
        %sign3A_92 = arith.cmpi slt, %scan3A_65, %sign3A_91 : i32
        %sign3A_93 = arith.extui %sign3A_92 : i1 to i32
        %sign3A_94 = arith.subi %sign3A_90, %sign3A_93 : i32
        %sign3A_95 = arith.constant 0 : i32
        %sign3A_96 = arith.cmpi sgt, %jit3A, %sign3A_95 : i32
        %sign3A_97 = arith.extui %sign3A_96 : i1 to i32
        %sign3A_98 = arith.constant 0 : i32
        %sign3A_99 = arith.cmpi slt, %jit3A, %sign3A_98 : i32
        %sign3A_100 = arith.extui %sign3A_99 : i1 to i32
        %sign3A_101 = arith.subi %sign3A_97, %sign3A_100 : i32
        %ne3A = arith.cmpi ne, %sign3A_94, %sign3A_101 : i32
        %rem3A = arith.remsi %scan3A_65, %jit3A : i32
        %ne3A_102 = arith.constant 0 : i32
        %ne3A_103 = arith.cmpi ne, %rem3A, %ne3A_102 : i32
        %and3A = arith.andi %ne3A, %ne3A_103 : i1
        %sub3A_104 = arith.constant 1 : i32
        %sub3A_105 = arith.subi %div3A, %sub3A_104 : i32
        %select_n3A_106 = arith.select %and3A, %sub3A_105, %div3A : i32
        %jit3A_107 = arith.constant 8 : i32
        %eq3A = arith.constant 0 : i32
        %eq3A_108 = arith.cmpi eq, %jit3A_107, %eq3A : i32
        %jit3A_109 = arith.constant 1 : i32
        %select_n3A_110 = arith.select %eq3A_108, %jit3A_109, %jit3A_107 : i32
        %rem3A_111 = arith.remsi %scan3A_65, %select_n3A_110 : i32
        %ne3A_112 = arith.constant 0 : i32
        %ne3A_113 = arith.cmpi ne, %rem3A_111, %ne3A_112 : i32
        %lt3A = arith.constant 0 : i32
        %lt3A_114 = arith.cmpi slt, %rem3A_111, %lt3A : i32
        %lt3A_115 = arith.constant 0 : i32
        %lt3A_116 = arith.cmpi slt, %select_n3A_110, %lt3A_115 : i32
        %ne3A_117 = arith.xori %lt3A_114, %lt3A_116 : i1
        %and3A_118 = arith.andi %ne3A_117, %ne3A_113 : i1
        %add3A_119 = arith.addi %rem3A_111, %select_n3A_110 : i32
        %select_n3A_120 = arith.select %and3A_118, %add3A_119, %rem3A_111 : i32
        %mul3A_121 = arith.constant 16 : i32
        %mul3A_122 = arith.muli %select_n3A_120, %mul3A_121 : i32
        %swap3A_123 = arith.index_cast %select_n3A_106 : i32 to index
        %swap3A_124 = arith.index_cast %mul3A_122 : i32 to index
        %swap3A_125 = tpu.vector_load %arg18[%swap3A_123, %swap3A_124] {strides = array<i32>} : memref<25x128xi32, #tpu.memory_space<vmem>>, vector<16xi32>,
        tpu.vector_store %arg18[%swap3A_123, %swap3A_124], %get3A_69 {strides = array<i32>} : memref<25x128xi32, #tpu.memory_space<vmem>>, vector<16xi32>,
      }
      %scan3A_58 = arith.constant 200 : i32
      "tpu.region"() ({
        %run_scoped3A = tpu.sem_alloc : memref<!tpu.dma_semaphore, #tpu.memory_space<semaphore_mem>>
        %dma_start3A = tpu.memref_slice %arg11[%add3A_52] : memref<819200xf32, #tpu.memory_space<hbm>> -> memref<3200xf32, #tpu.memory_space<hbm>>
        %dma_start3A_65 = tpu.memref_slice %arg11[%add3A_52] : memref<819200xf32, #tpu.memory_space<hbm>> -> memref<3200xf32, #tpu.memory_space<hbm>>
        tpu.enqueue_dma source(%arg14 : memref<3200xf32, #tpu.memory_space<vmem>>) target(%dma_start3A_65 : memref<3200xf32, #tpu.memory_space<hbm>>) target_semaphore(%run_scoped3A : memref<!tpu.dma_semaphore, #tpu.memory_space<semaphore_mem>>)
        %dma_wait3A = tpu.memref_slice %arg11[%add3A_52] : memref<819200xf32, #tpu.memory_space<hbm>> -> memref<3200xf32, #tpu.memory_space<hbm>>
        %dma_wait3A_66 = tpu.memref_slice %arg11[%add3A_52] : memref<819200xf32, #tpu.memory_space<hbm>> -> memref<3200xf32, #tpu.memory_space<hbm>>
        tpu.wait_dma2 semaphore(%run_scoped3A : memref<!tpu.dma_semaphore, #tpu.memory_space<semaphore_mem>>) src(%arg14 : memref<3200xf32, #tpu.memory_space<vmem>>) dst(%dma_wait3A_66 : memref<3200xf32, #tpu.memory_space<hbm>>)
        tpu.yield
      }) : () -> ()
      %scan3A_59 = arith.constant 0 : i32
      %scan3A_60 = arith.constant 0 : i32
      %scan3A_61 = arith.constant 25 : i32
      %scan3A_62 = arith.addi %scan3A_60, %scan3A_61 : i32
      %scan3A_63 = arith.constant 1 : i32
      scf.for %scan3A_65 = %scan3A_60 to %scan3A_62 step %scan3A_63  : i32 {
        %mul3A_66 = arith.constant 128 : i32
        %mul3A_67 = arith.muli %scan3A_65, %mul3A_66 : i32
        "tpu.region"() ({
          %run_scoped3A = tpu.sem_alloc : memref<!tpu.dma_semaphore, #tpu.memory_space<semaphore_mem>>
          %dma_start3A = tpu.memref_slice %arg14[%mul3A_67] : memref<3200xf32, #tpu.memory_space<vmem>> -> memref<128xf32, #tpu.memory_space<vmem>>
          %dma_start3A_68 = arith.constant 0 : i32
          %dma_start3A_69 = tpu.memref_slice %arg18[%scan3A_65, %dma_start3A_68] : memref<25x128xi32, #tpu.memory_space<vmem>> -> memref<1x128xi32, #tpu.memory_space<vmem>>
          %dma_start3A_70 = tpu.memref_squeeze %dma_start3A_69 : memref<1x128xi32, #tpu.memory_space<vmem>> -> memref<128xi32, #tpu.memory_space<vmem>>
          %dma_start3A_71 = arith.constant 0 : i32
          %dma_start3A_72 = tpu.memref_slice %arg28[%dma_start3A_71] : memref<25088xf32, #tpu.memory_space<vmem_shared>> -> memref<25088xf32, #tpu.memory_space<vmem_shared>>
          tpu.enqueue_indirect_dma source(%dma_start3A : memref<128xf32, #tpu.memory_space<vmem>>) target(%dma_start3A_72 : memref<25088xf32, #tpu.memory_space<vmem_shared>>) offsets(%dma_start3A_70 : memref<128xi32, #tpu.memory_space<vmem>>) semaphore(%run_scoped3A : memref<!tpu.dma_semaphore, #tpu.memory_space<semaphore_mem>>) {add = true}
          %dma_wait3A = tpu.memref_slice %arg14[%mul3A_67] : memref<3200xf32, #tpu.memory_space<vmem>> -> memref<128xf32, #tpu.memory_space<vmem>>
          %dma_wait3A_73 = arith.constant 0 : i32
          %dma_wait3A_74 = tpu.memref_slice %arg18[%scan3A_65, %dma_wait3A_73] : memref<25x128xi32, #tpu.memory_space<vmem>> -> memref<1x128xi32, #tpu.memory_space<vmem>>
          %dma_wait3A_75 = tpu.memref_squeeze %dma_wait3A_74 : memref<1x128xi32, #tpu.memory_space<vmem>> -> memref<128xi32, #tpu.memory_space<vmem>>
          %dma_wait3A_76 = arith.constant 0 : i32
          %dma_wait3A_77 = tpu.memref_slice %arg28[%dma_wait3A_76] : memref<25088xf32, #tpu.memory_space<vmem_shared>> -> memref<25088xf32, #tpu.memory_space<vmem_shared>>
          tpu.wait_indirect_dma semaphore(%run_scoped3A : memref<!tpu.dma_semaphore, #tpu.memory_space<semaphore_mem>>) src(%dma_wait3A : memref<128xf32, #tpu.memory_space<vmem>>) dst(%dma_wait3A_77 : memref<25088xf32, #tpu.memory_space<vmem_shared>>)
          tpu.yield
        }) : () -> ()
      }
      %scan3A_64 = arith.constant 25 : i32
    }
    %scan3A_35 = arith.constant 8 : i32
    %barrier3A_36 = arith.constant 0 : index
    tpu.barrier barrier_id(%barrier3A_36)
    %scan3A_37 = arith.constant 0 : i32
    %scan3A_38 = arith.constant 0 : i32
    %scan3A_39 = arith.constant 8 : i32
    %scan3A_40 = arith.addi %scan3A_38, %scan3A_39 : i32
    %scan3A_41 = arith.constant 1 : i32
    scf.for %scan3A_49 = %scan3A_38 to %scan3A_40 step %scan3A_41  : i32 {
      %mul3A_50 = arith.constant 3136 : i32
      %mul3A_51 = arith.muli %scan3A_49, %mul3A_50 : i32
      %mul3A_52 = arith.constant 3136 : i32
      %mul3A_53 = arith.muli %scan3A_49, %mul3A_52 : i32
      "tpu.region"() ({
        %run_scoped3A = tpu.sem_alloc : memref<!tpu.dma_semaphore, #tpu.memory_space<semaphore_mem>>
        %dma_start3A = tpu.memref_slice %arg13[%mul3A_53] : memref<25088xf32, #tpu.memory_space<vmem>> -> memref<3136xf32, #tpu.memory_space<vmem>>
        %dma_start3A_54 = tpu.memref_slice %arg28[%mul3A_51] : memref<25088xf32, #tpu.memory_space<vmem_shared>> -> memref<3136xf32, #tpu.memory_space<vmem_shared>>
        %dma_start3A_55 = tpu.memref_slice %arg13[%mul3A_53] : memref<25088xf32, #tpu.memory_space<vmem>> -> memref<3136xf32, #tpu.memory_space<vmem>>
        %dma_start3A_56 = tpu.memref_slice %arg28[%mul3A_51] : memref<25088xf32, #tpu.memory_space<vmem_shared>> -> memref<3136xf32, #tpu.memory_space<vmem_shared>>
        tpu.enqueue_dma source(%dma_start3A_56 : memref<3136xf32, #tpu.memory_space<vmem_shared>>) target(%dma_start3A_55 : memref<3136xf32, #tpu.memory_space<vmem>>) target_semaphore(%run_scoped3A : memref<!tpu.dma_semaphore, #tpu.memory_space<semaphore_mem>>)
        %dma_wait3A = tpu.memref_slice %arg13[%mul3A_53] : memref<25088xf32, #tpu.memory_space<vmem>> -> memref<3136xf32, #tpu.memory_space<vmem>>
        %dma_wait3A_57 = tpu.memref_slice %arg28[%mul3A_51] : memref<25088xf32, #tpu.memory_space<vmem_shared>> -> memref<3136xf32, #tpu.memory_space<vmem_shared>>
        %dma_wait3A_58 = tpu.memref_slice %arg13[%mul3A_53] : memref<25088xf32, #tpu.memory_space<vmem>> -> memref<3136xf32, #tpu.memory_space<vmem>>
        %dma_wait3A_59 = tpu.memref_slice %arg28[%mul3A_51] : memref<25088xf32, #tpu.memory_space<vmem_shared>> -> memref<3136xf32, #tpu.memory_space<vmem_shared>>
        tpu.wait_dma2 semaphore(%run_scoped3A : memref<!tpu.dma_semaphore, #tpu.memory_space<semaphore_mem>>) src(%dma_wait3A_59 : memref<3136xf32, #tpu.memory_space<vmem_shared>>) dst(%dma_wait3A_58 : memref<3136xf32, #tpu.memory_space<vmem>>)
        tpu.yield
      }) : () -> ()
    }
    %scan3A_42 = arith.constant 8 : i32
    %scan3A_43 = arith.constant 0 : i32
    %scan3A_44 = arith.constant 0 : i32
    %scan3A_45 = arith.constant 8 : i32
    %scan3A_46 = arith.addi %scan3A_44, %scan3A_45 : i32
    %scan3A_47 = arith.constant 1 : i32
    scf.for %scan3A_49 = %scan3A_44 to %scan3A_46 step %scan3A_47  : i32 {
      %mul3A_50 = arith.constant 1568 : i32
      %mul3A_51 = arith.muli %scan3A_49, %mul3A_50 : i32
      %scan3A_52 = arith.constant 0 : i32
      %scan3A_53 = arith.constant 0 : i32
      %scan3A_54 = arith.constant 128 : i32
      %scan3A_55 = arith.addi %scan3A_53, %scan3A_54 : i32
      %scan3A_56 = arith.constant 1 : i32
      scf.for %scan3A_80 = %scan3A_53 to %scan3A_55 step %scan3A_56  : i32 {
        %swap3A = arith.index_cast %scan3A_80 : i32 to index
        %swap3A_81 = arith.constant 0 : index
        %swap3A_82 = tpu.vector_load %arg23[%swap3A, %swap3A_81] {strides = array<i32>} : memref<128x128xf32, #tpu.memory_space<vmem>>, vector<16xf32>,
        tpu.vector_store %arg23[%swap3A, %swap3A_81], %broadcast_in_dim3A_0 {strides = array<i32>} : memref<128x128xf32, #tpu.memory_space<vmem>>, vector<16xf32>,
        %swap3A_83 = arith.index_cast %scan3A_80 : i32 to index
        %swap3A_84 = arith.constant 16 : index
        %swap3A_85 = tpu.vector_load %arg23[%swap3A_83, %swap3A_84] {strides = array<i32>} : memref<128x128xf32, #tpu.memory_space<vmem>>, vector<16xf32>,
        tpu.vector_store %arg23[%swap3A_83, %swap3A_84], %broadcast_in_dim3A_0 {strides = array<i32>} : memref<128x128xf32, #tpu.memory_space<vmem>>, vector<16xf32>,
        %swap3A_86 = arith.index_cast %scan3A_80 : i32 to index
        %swap3A_87 = arith.constant 32 : index
        %swap3A_88 = tpu.vector_load %arg23[%swap3A_86, %swap3A_87] {strides = array<i32>} : memref<128x128xf32, #tpu.memory_space<vmem>>, vector<16xf32>,
        tpu.vector_store %arg23[%swap3A_86, %swap3A_87], %broadcast_in_dim3A_0 {strides = array<i32>} : memref<128x128xf32, #tpu.memory_space<vmem>>, vector<16xf32>,
        %swap3A_89 = arith.index_cast %scan3A_80 : i32 to index
        %swap3A_90 = arith.constant 48 : index
        %swap3A_91 = tpu.vector_load %arg23[%swap3A_89, %swap3A_90] {strides = array<i32>} : memref<128x128xf32, #tpu.memory_space<vmem>>, vector<16xf32>,
        tpu.vector_store %arg23[%swap3A_89, %swap3A_90], %broadcast_in_dim3A_0 {strides = array<i32>} : memref<128x128xf32, #tpu.memory_space<vmem>>, vector<16xf32>,
        %swap3A_92 = arith.index_cast %scan3A_80 : i32 to index
        %swap3A_93 = arith.constant 64 : index
        %swap3A_94 = tpu.vector_load %arg23[%swap3A_92, %swap3A_93] {strides = array<i32>} : memref<128x128xf32, #tpu.memory_space<vmem>>, vector<16xf32>,
        tpu.vector_store %arg23[%swap3A_92, %swap3A_93], %broadcast_in_dim3A_0 {strides = array<i32>} : memref<128x128xf32, #tpu.memory_space<vmem>>, vector<16xf32>,
        %swap3A_95 = arith.index_cast %scan3A_80 : i32 to index
        %swap3A_96 = arith.constant 80 : index
        %swap3A_97 = tpu.vector_load %arg23[%swap3A_95, %swap3A_96] {strides = array<i32>} : memref<128x128xf32, #tpu.memory_space<vmem>>, vector<16xf32>,
        tpu.vector_store %arg23[%swap3A_95, %swap3A_96], %broadcast_in_dim3A_0 {strides = array<i32>} : memref<128x128xf32, #tpu.memory_space<vmem>>, vector<16xf32>,
        %swap3A_98 = arith.index_cast %scan3A_80 : i32 to index
        %swap3A_99 = arith.constant 96 : index
        %swap3A_100 = tpu.vector_load %arg23[%swap3A_98, %swap3A_99] {strides = array<i32>} : memref<128x128xf32, #tpu.memory_space<vmem>>, vector<16xf32>,
        tpu.vector_store %arg23[%swap3A_98, %swap3A_99], %broadcast_in_dim3A_0 {strides = array<i32>} : memref<128x128xf32, #tpu.memory_space<vmem>>, vector<16xf32>,
        %swap3A_101 = arith.index_cast %scan3A_80 : i32 to index
        %swap3A_102 = arith.constant 112 : index
        %swap3A_103 = tpu.vector_load %arg23[%swap3A_101, %swap3A_102] {strides = array<i32>} : memref<128x128xf32, #tpu.memory_space<vmem>>, vector<16xf32>,
        tpu.vector_store %arg23[%swap3A_101, %swap3A_102], %broadcast_in_dim3A_0 {strides = array<i32>} : memref<128x128xf32, #tpu.memory_space<vmem>>, vector<16xf32>,
      }
      %scan3A_57 = arith.constant 128 : i32
      %scan3A_58 = arith.constant 0 : i32
      %scan3A_59 = arith.constant 0 : i32
      %scan3A_60 = arith.constant 13 : i32
      %scan3A_61 = arith.addi %scan3A_59, %scan3A_60 : i32
      %scan3A_62 = arith.constant 1 : i32
      scf.for %scan3A_80 = %scan3A_59 to %scan3A_61 step %scan3A_62  : i32 {
        %jit3A = arith.constant 16 : i32
        %eq3A_81 = arith.constant 0 : i32
        %eq3A_82 = arith.cmpi eq, %jit3A, %eq3A_81 : i32
        %jit3A_83 = arith.constant 1 : i32
        %select_n3A = arith.select %eq3A_82, %jit3A_83, %jit3A : i32
        %rem3A = arith.remsi %scan3A_80, %select_n3A : i32
        %ne3A = arith.constant 0 : i32
        %ne3A_84 = arith.cmpi ne, %rem3A, %ne3A : i32
        %lt3A = arith.constant 0 : i32
        %lt3A_85 = arith.cmpi slt, %rem3A, %lt3A : i32
        %lt3A_86 = arith.constant 0 : i32
        %lt3A_87 = arith.cmpi slt, %select_n3A, %lt3A_86 : i32
        %ne3A_88 = arith.xori %lt3A_85, %lt3A_87 : i1
        %and3A = arith.andi %ne3A_88, %ne3A_84 : i1
        %add3A_89 = arith.addi %rem3A, %select_n3A : i32
        %select_n3A_90 = arith.select %and3A, %add3A_89, %rem3A : i32
        %eq3A_91 = arith.cmpi eq, %arg1, %select_n3A_90 : i32
        %convert_element_type3A_92 = arith.extui %eq3A_91 : i1 to i32
        %cond3A_93 = arith.constant 0 : i32
        %cond3A_94 = arith.cmpi ne, %convert_element_type3A_92, %cond3A_93 : i32
        scf.if %cond3A_94 {
          %mul3A_95 = arith.constant 128 : i32
          %mul3A_96 = arith.muli %scan3A_80, %mul3A_95 : i32
          "tpu.region"() ({
            %run_scoped3A = tpu.sem_alloc : memref<!tpu.dma_semaphore, #tpu.memory_space<semaphore_mem>>
            %dma_start3A = arith.constant 0 : i32
            %dma_start3A_97 = tpu.memref_slice %arg27[%mul3A_96, %dma_start3A] : memref<1664x128xf32, #tpu.memory_space<vmem_shared>> -> memref<128x128xf32, #tpu.memory_space<vmem_shared>>
            %dma_start3A_98 = arith.constant 0 : i32
            %dma_start3A_99 = tpu.memref_slice %arg27[%mul3A_96, %dma_start3A_98] : memref<1664x128xf32, #tpu.memory_space<vmem_shared>> -> memref<128x128xf32, #tpu.memory_space<vmem_shared>>
            tpu.enqueue_dma source(%arg23 : memref<128x128xf32, #tpu.memory_space<vmem>>) target(%dma_start3A_99 : memref<128x128xf32, #tpu.memory_space<vmem_shared>>) target_semaphore(%run_scoped3A : memref<!tpu.dma_semaphore, #tpu.memory_space<semaphore_mem>>)
            %dma_wait3A = arith.constant 0 : i32
            %dma_wait3A_100 = tpu.memref_slice %arg27[%mul3A_96, %dma_wait3A] : memref<1664x128xf32, #tpu.memory_space<vmem_shared>> -> memref<128x128xf32, #tpu.memory_space<vmem_shared>>
            %dma_wait3A_101 = arith.constant 0 : i32
            %dma_wait3A_102 = tpu.memref_slice %arg27[%mul3A_96, %dma_wait3A_101] : memref<1664x128xf32, #tpu.memory_space<vmem_shared>> -> memref<128x128xf32, #tpu.memory_space<vmem_shared>>
            tpu.wait_dma2 semaphore(%run_scoped3A : memref<!tpu.dma_semaphore, #tpu.memory_space<semaphore_mem>>) src(%arg23 : memref<128x128xf32, #tpu.memory_space<vmem>>) dst(%dma_wait3A_102 : memref<128x128xf32, #tpu.memory_space<vmem_shared>>)
            tpu.yield
          }) : () -> ()
        } else {
        }
      }
      %scan3A_63 = arith.constant 13 : i32
      %barrier3A_64 = arith.constant 0 : index
      tpu.barrier barrier_id(%barrier3A_64)
      %scan3A_65 = arith.constant 0 : i32
      %scan3A_66 = arith.constant 0 : i32
      %scan3A_67 = arith.constant 8 : i32
      %scan3A_68 = arith.addi %scan3A_66, %scan3A_67 : i32
      %scan3A_69 = arith.constant 1 : i32
      scf.for %scan3A_80 = %scan3A_66 to %scan3A_68 step %scan3A_69  : i32 {
        %mul3A_81 = arith.constant 3200 : i32
        %mul3A_82 = arith.muli %scan3A_80, %mul3A_81 : i32
        %add3A_83 = arith.addi %add3A, %mul3A_82 : i32
        "tpu.region"() ({
          %run_scoped3A = tpu.sem_alloc : memref<!tpu.dma_semaphore, #tpu.memory_space<semaphore_mem>>
          %dma_start3A = tpu.memref_slice %arg4[%add3A_83] : memref<819200xi32, #tpu.memory_space<hbm>> -> memref<3200xi32, #tpu.memory_space<hbm>>
          %dma_start3A_106 = tpu.memref_slice %arg4[%add3A_83] : memref<819200xi32, #tpu.memory_space<hbm>> -> memref<3200xi32, #tpu.memory_space<hbm>>
          tpu.enqueue_dma source(%dma_start3A_106 : memref<3200xi32, #tpu.memory_space<hbm>>) target(%arg15 : memref<3200xi32, #tpu.memory_space<vmem>>) target_semaphore(%run_scoped3A : memref<!tpu.dma_semaphore, #tpu.memory_space<semaphore_mem>>)
          %dma_wait3A = tpu.memref_slice %arg4[%add3A_83] : memref<819200xi32, #tpu.memory_space<hbm>> -> memref<3200xi32, #tpu.memory_space<hbm>>
          %dma_wait3A_107 = tpu.memref_slice %arg4[%add3A_83] : memref<819200xi32, #tpu.memory_space<hbm>> -> memref<3200xi32, #tpu.memory_space<hbm>>
          tpu.wait_dma2 semaphore(%run_scoped3A : memref<!tpu.dma_semaphore, #tpu.memory_space<semaphore_mem>>) src(%dma_wait3A_107 : memref<3200xi32, #tpu.memory_space<hbm>>) dst(%arg15 : memref<3200xi32, #tpu.memory_space<vmem>>)
          tpu.yield
        }) : () -> ()
        "tpu.region"() ({
          %run_scoped3A = tpu.sem_alloc : memref<!tpu.dma_semaphore, #tpu.memory_space<semaphore_mem>>
          %dma_start3A = tpu.memref_slice %arg5[%add3A_83] : memref<819200xi32, #tpu.memory_space<hbm>> -> memref<3200xi32, #tpu.memory_space<hbm>>
          %dma_start3A_106 = tpu.memref_slice %arg5[%add3A_83] : memref<819200xi32, #tpu.memory_space<hbm>> -> memref<3200xi32, #tpu.memory_space<hbm>>
          tpu.enqueue_dma source(%dma_start3A_106 : memref<3200xi32, #tpu.memory_space<hbm>>) target(%arg16 : memref<3200xi32, #tpu.memory_space<vmem>>) target_semaphore(%run_scoped3A : memref<!tpu.dma_semaphore, #tpu.memory_space<semaphore_mem>>)
          %dma_wait3A = tpu.memref_slice %arg5[%add3A_83] : memref<819200xi32, #tpu.memory_space<hbm>> -> memref<3200xi32, #tpu.memory_space<hbm>>
          %dma_wait3A_107 = tpu.memref_slice %arg5[%add3A_83] : memref<819200xi32, #tpu.memory_space<hbm>> -> memref<3200xi32, #tpu.memory_space<hbm>>
          tpu.wait_dma2 semaphore(%run_scoped3A : memref<!tpu.dma_semaphore, #tpu.memory_space<semaphore_mem>>) src(%dma_wait3A_107 : memref<3200xi32, #tpu.memory_space<hbm>>) dst(%arg16 : memref<3200xi32, #tpu.memory_space<vmem>>)
          tpu.yield
        }) : () -> ()
        "tpu.region"() ({
          %run_scoped3A = tpu.sem_alloc : memref<!tpu.dma_semaphore, #tpu.memory_space<semaphore_mem>>
          %dma_start3A = tpu.memref_slice %arg11[%add3A_83] : memref<819200xf32, #tpu.memory_space<hbm>> -> memref<3200xf32, #tpu.memory_space<hbm>>
          %dma_start3A_106 = tpu.memref_slice %arg11[%add3A_83] : memref<819200xf32, #tpu.memory_space<hbm>> -> memref<3200xf32, #tpu.memory_space<hbm>>
          tpu.enqueue_dma source(%dma_start3A_106 : memref<3200xf32, #tpu.memory_space<hbm>>) target(%arg14 : memref<3200xf32, #tpu.memory_space<vmem>>) target_semaphore(%run_scoped3A : memref<!tpu.dma_semaphore, #tpu.memory_space<semaphore_mem>>)
          %dma_wait3A = tpu.memref_slice %arg11[%add3A_83] : memref<819200xf32, #tpu.memory_space<hbm>> -> memref<3200xf32, #tpu.memory_space<hbm>>
          %dma_wait3A_107 = tpu.memref_slice %arg11[%add3A_83] : memref<819200xf32, #tpu.memory_space<hbm>> -> memref<3200xf32, #tpu.memory_space<hbm>>
          tpu.wait_dma2 semaphore(%run_scoped3A : memref<!tpu.dma_semaphore, #tpu.memory_space<semaphore_mem>>) src(%dma_wait3A_107 : memref<3200xf32, #tpu.memory_space<hbm>>) dst(%arg14 : memref<3200xf32, #tpu.memory_space<vmem>>)
          tpu.yield
        }) : () -> ()
        %scan3A_84 = arith.constant 0 : i32
        %scan3A_85 = arith.constant 0 : i32
        %scan3A_86 = arith.constant 200 : i32
        %scan3A_87 = arith.addi %scan3A_85, %scan3A_86 : i32
        %scan3A_88 = arith.constant 1 : i32
        scf.for %scan3A_106 = %scan3A_85 to %scan3A_87 step %scan3A_88  : i32 {
          %mul3A_107 = arith.constant 16 : i32
          %mul3A_108 = arith.muli %scan3A_106, %mul3A_107 : i32
          %get3A_109 = arith.index_cast %mul3A_108 : i32 to index
          %get3A_110 = tpu.vector_load %arg15[%get3A_109] {strides = array<i32>} : memref<3200xi32, #tpu.memory_space<vmem>>, vector<16xi32>,
          %shift_right_arithmetic3A = arith.constant 1 : i32
          %shift_right_arithmetic3A_111 = vector.broadcast %shift_right_arithmetic3A : i32 to vector<16xi32>
          %shift_right_arithmetic3A_112 = arith.shrsi %get3A_110, %shift_right_arithmetic3A_111 : vector<16xi32>
          %sub3A = vector.broadcast %mul3A_51 : i32 to vector<16xi32>
          %sub3A_113 = arith.subi %shift_right_arithmetic3A_112, %sub3A : vector<16xi32>
          %ge3A = arith.constant 0 : i32
          %ge3A_114 = vector.broadcast %ge3A : i32 to vector<16xi32>
          %ge3A_115 = arith.cmpi sge, %sub3A_113, %ge3A_114 : vector<16xi32>
          %lt3A = arith.constant 1568 : i32
          %lt3A_116 = vector.broadcast %lt3A : i32 to vector<16xi32>
          %lt3A_117 = arith.cmpi slt, %sub3A_113, %lt3A_116 : vector<16xi32>
          %and3A = arith.andi %ge3A_115, %lt3A_117 : vector<16xi1>
          %jit3A = arith.constant 1600 : i32
          %broadcast_in_dim3A_118 = vector.broadcast %jit3A : i32 to vector<16xi32>
          %select_n3A = arith.select %and3A, %sub3A_113, %broadcast_in_dim3A_118 : vector<16xi1>, vector<16xi32>
          %jit3A_119 = arith.constant 8 : i32
          %div3A = arith.divsi %scan3A_106, %jit3A_119 : i32
          %sign3A = arith.constant 0 : i32
          %sign3A_120 = arith.cmpi sgt, %scan3A_106, %sign3A : i32
          %sign3A_121 = arith.extui %sign3A_120 : i1 to i32
          %sign3A_122 = arith.constant 0 : i32
          %sign3A_123 = arith.cmpi slt, %scan3A_106, %sign3A_122 : i32
          %sign3A_124 = arith.extui %sign3A_123 : i1 to i32
          %sign3A_125 = arith.subi %sign3A_121, %sign3A_124 : i32
          %sign3A_126 = arith.constant 0 : i32
          %sign3A_127 = arith.cmpi sgt, %jit3A_119, %sign3A_126 : i32
          %sign3A_128 = arith.extui %sign3A_127 : i1 to i32
          %sign3A_129 = arith.constant 0 : i32
          %sign3A_130 = arith.cmpi slt, %jit3A_119, %sign3A_129 : i32
          %sign3A_131 = arith.extui %sign3A_130 : i1 to i32
          %sign3A_132 = arith.subi %sign3A_128, %sign3A_131 : i32
          %ne3A = arith.cmpi ne, %sign3A_125, %sign3A_132 : i32
          %rem3A = arith.remsi %scan3A_106, %jit3A_119 : i32
          %ne3A_133 = arith.constant 0 : i32
          %ne3A_134 = arith.cmpi ne, %rem3A, %ne3A_133 : i32
          %and3A_135 = arith.andi %ne3A, %ne3A_134 : i1
          %sub3A_136 = arith.constant 1 : i32
          %sub3A_137 = arith.subi %div3A, %sub3A_136 : i32
          %select_n3A_138 = arith.select %and3A_135, %sub3A_137, %div3A : i32
          %jit3A_139 = arith.constant 8 : i32
          %eq3A_140 = arith.constant 0 : i32
          %eq3A_141 = arith.cmpi eq, %jit3A_139, %eq3A_140 : i32
          %jit3A_142 = arith.constant 1 : i32
          %select_n3A_143 = arith.select %eq3A_141, %jit3A_142, %jit3A_139 : i32
          %rem3A_144 = arith.remsi %scan3A_106, %select_n3A_143 : i32
          %ne3A_145 = arith.constant 0 : i32
          %ne3A_146 = arith.cmpi ne, %rem3A_144, %ne3A_145 : i32
          %lt3A_147 = arith.constant 0 : i32
          %lt3A_148 = arith.cmpi slt, %rem3A_144, %lt3A_147 : i32
          %lt3A_149 = arith.constant 0 : i32
          %lt3A_150 = arith.cmpi slt, %select_n3A_143, %lt3A_149 : i32
          %ne3A_151 = arith.xori %lt3A_148, %lt3A_150 : i1
          %and3A_152 = arith.andi %ne3A_151, %ne3A_146 : i1
          %add3A_153 = arith.addi %rem3A_144, %select_n3A_143 : i32
          %select_n3A_154 = arith.select %and3A_152, %add3A_153, %rem3A_144 : i32
          %mul3A_155 = arith.constant 16 : i32
          %mul3A_156 = arith.muli %select_n3A_154, %mul3A_155 : i32
          %swap3A = arith.index_cast %select_n3A_138 : i32 to index
          %swap3A_157 = arith.index_cast %mul3A_156 : i32 to index
          %swap3A_158 = tpu.vector_load %arg18[%swap3A, %swap3A_157] {strides = array<i32>} : memref<25x128xi32, #tpu.memory_space<vmem>>, vector<16xi32>,
          tpu.vector_store %arg18[%swap3A, %swap3A_157], %select_n3A {strides = array<i32>} : memref<25x128xi32, #tpu.memory_space<vmem>>, vector<16xi32>,
          %mul3A_159 = arith.constant 16 : i32
          %mul3A_160 = arith.muli %scan3A_106, %mul3A_159 : i32
          %get3A_161 = arith.index_cast %mul3A_160 : i32 to index
          %get3A_162 = tpu.vector_load %arg16[%get3A_161] {strides = array<i32>} : memref<3200xi32, #tpu.memory_space<vmem>>, vector<16xi32>,
          %mul3A_163 = arith.constant 25000 : i32
          %mul3A_164 = arith.muli %arg0, %mul3A_163 : i32
          %add3A_165 = vector.broadcast %mul3A_164 : i32 to vector<16xi32>
          %add3A_166 = arith.addi %get3A_162, %add3A_165 : vector<16xi32>
          %jit3A_167 = arith.constant 8 : i32
          %div3A_168 = arith.divsi %scan3A_106, %jit3A_167 : i32
          %sign3A_169 = arith.constant 0 : i32
          %sign3A_170 = arith.cmpi sgt, %scan3A_106, %sign3A_169 : i32
          %sign3A_171 = arith.extui %sign3A_170 : i1 to i32
          %sign3A_172 = arith.constant 0 : i32
          %sign3A_173 = arith.cmpi slt, %scan3A_106, %sign3A_172 : i32
          %sign3A_174 = arith.extui %sign3A_173 : i1 to i32
          %sign3A_175 = arith.subi %sign3A_171, %sign3A_174 : i32
          %sign3A_176 = arith.constant 0 : i32
          %sign3A_177 = arith.cmpi sgt, %jit3A_167, %sign3A_176 : i32
          %sign3A_178 = arith.extui %sign3A_177 : i1 to i32
          %sign3A_179 = arith.constant 0 : i32
          %sign3A_180 = arith.cmpi slt, %jit3A_167, %sign3A_179 : i32
          %sign3A_181 = arith.extui %sign3A_180 : i1 to i32
          %sign3A_182 = arith.subi %sign3A_178, %sign3A_181 : i32
          %ne3A_183 = arith.cmpi ne, %sign3A_175, %sign3A_182 : i32
          %rem3A_184 = arith.remsi %scan3A_106, %jit3A_167 : i32
          %ne3A_185 = arith.constant 0 : i32
          %ne3A_186 = arith.cmpi ne, %rem3A_184, %ne3A_185 : i32
          %and3A_187 = arith.andi %ne3A_183, %ne3A_186 : i1
          %sub3A_188 = arith.constant 1 : i32
          %sub3A_189 = arith.subi %div3A_168, %sub3A_188 : i32
          %select_n3A_190 = arith.select %and3A_187, %sub3A_189, %div3A_168 : i32
          %jit3A_191 = arith.constant 8 : i32
          %eq3A_192 = arith.constant 0 : i32
          %eq3A_193 = arith.cmpi eq, %jit3A_191, %eq3A_192 : i32
          %jit3A_194 = arith.constant 1 : i32
          %select_n3A_195 = arith.select %eq3A_193, %jit3A_194, %jit3A_191 : i32
          %rem3A_196 = arith.remsi %scan3A_106, %select_n3A_195 : i32
          %ne3A_197 = arith.constant 0 : i32
          %ne3A_198 = arith.cmpi ne, %rem3A_196, %ne3A_197 : i32
          %lt3A_199 = arith.constant 0 : i32
          %lt3A_200 = arith.cmpi slt, %rem3A_196, %lt3A_199 : i32
          %lt3A_201 = arith.constant 0 : i32
          %lt3A_202 = arith.cmpi slt, %select_n3A_195, %lt3A_201 : i32
          %ne3A_203 = arith.xori %lt3A_200, %lt3A_202 : i1
          %and3A_204 = arith.andi %ne3A_203, %ne3A_198 : i1
          %add3A_205 = arith.addi %rem3A_196, %select_n3A_195 : i32
          %select_n3A_206 = arith.select %and3A_204, %add3A_205, %rem3A_196 : i32
          %mul3A_207 = arith.constant 16 : i32
          %mul3A_208 = arith.muli %select_n3A_206, %mul3A_207 : i32
          %swap3A_209 = arith.index_cast %select_n3A_190 : i32 to index
          %swap3A_210 = arith.index_cast %mul3A_208 : i32 to index
          %swap3A_211 = tpu.vector_load %arg19[%swap3A_209, %swap3A_210] {strides = array<i32>} : memref<25x128xi32, #tpu.memory_space<vmem>>, vector<16xi32>,
          tpu.vector_store %arg19[%swap3A_209, %swap3A_210], %add3A_166 {strides = array<i32>} : memref<25x128xi32, #tpu.memory_space<vmem>>, vector<16xi32>,
          %gather3A = tpu.vector_load_idx %arg13[%get3A_110] : memref<25088xf32, #tpu.memory_space<vmem>>[vector<16xi32>], vector<16xf32>,
          %mul3A_212 = arith.constant 16 : i32
          %mul3A_213 = arith.muli %scan3A_106, %mul3A_212 : i32
          %get3A_214 = arith.index_cast %mul3A_213 : i32 to index
          %get3A_215 = tpu.vector_load %arg14[%get3A_214] {strides = array<i32>} : memref<3200xf32, #tpu.memory_space<vmem>>, vector<16xf32>,
          %add3A_216 = arith.constant 1.000000e-16 : f32
          %add3A_217 = vector.broadcast %add3A_216 : f32 to vector<16xf32>
          %add3A_218 = arith.addf %gather3A, %add3A_217 : vector<16xf32>
          %div3A_219 = arith.divf %get3A_215, %add3A_218 : vector<16xf32>
          %and3A_220 = arith.constant 1 : i32
          %and3A_221 = vector.broadcast %and3A_220 : i32 to vector<16xi32>
          %and3A_222 = arith.andi %get3A_110, %and3A_221 : vector<16xi32>
          %convert_element_type3A_223 = arith.sitofp %and3A_222 : vector<16xi32> to vector<16xf32>
          %sub3A_224 = arith.constant 1.000000e+00 : f32
          %sub3A_225 = vector.broadcast %sub3A_224 : f32 to vector<16xf32>
          %sub3A_226 = arith.subf %sub3A_225, %convert_element_type3A_223 : vector<16xf32>
          %mul3A_227 = arith.mulf %div3A_219, %sub3A_226 : vector<16xf32>
          %mul3A_228 = arith.constant 16 : i32
          %mul3A_229 = arith.muli %scan3A_106, %mul3A_228 : i32
          %swap3A_230 = arith.index_cast %mul3A_229 : i32 to index
          %swap3A_231 = tpu.vector_load %arg17[%swap3A_230] {strides = array<i32>} : memref<3200xf32, #tpu.memory_space<vmem>>, vector<16xf32>,
          tpu.vector_store %arg17[%swap3A_230], %mul3A_227 {strides = array<i32>} : memref<3200xf32, #tpu.memory_space<vmem>>, vector<16xf32>,
          %mul3A_232 = arith.mulf %div3A_219, %convert_element_type3A_223 : vector<16xf32>
          %mul3A_233 = arith.constant 16 : i32
          %mul3A_234 = arith.muli %scan3A_106, %mul3A_233 : i32
          %swap3A_235 = arith.index_cast %mul3A_234 : i32 to index
          %swap3A_236 = tpu.vector_load %arg20[%swap3A_235] {strides = array<i32>} : memref<3200xf32, #tpu.memory_space<vmem>>, vector<16xf32>,
          tpu.vector_store %arg20[%swap3A_235], %mul3A_232 {strides = array<i32>} : memref<3200xf32, #tpu.memory_space<vmem>>, vector<16xf32>,
        }
        %scan3A_89 = arith.constant 200 : i32
        %mul3A_90 = arith.constant 26214400 : i32
        %mul3A_91 = arith.muli %arg0, %mul3A_90 : i32
        %mul3A_92 = arith.constant 25600 : i32
        %mul3A_93 = arith.muli %arg1, %mul3A_92 : i32
        %mul3A_94 = arith.constant 3200 : i32
        %mul3A_95 = arith.muli %scan3A_80, %mul3A_94 : i32
        %add3A_96 = arith.addi %mul3A_93, %mul3A_95 : i32
        %mul3A_97 = arith.constant 64 : i32
        %mul3A_98 = arith.muli %add3A_96, %mul3A_97 : i32
        %add3A_99 = arith.addi %mul3A_91, %mul3A_98 : i32
        %scan3A_100 = arith.constant 0 : i32
        %scan3A_101 = arith.constant 0 : i32
        %scan3A_102 = arith.constant 25 : i32
        %scan3A_103 = arith.addi %scan3A_101, %scan3A_102 : i32
        %scan3A_104 = arith.constant 1 : i32
        scf.for %scan3A_106 = %scan3A_101 to %scan3A_103 step %scan3A_104  : i32 {
          %mul3A_107 = arith.constant 8192 : i32
          %mul3A_108 = arith.muli %scan3A_106, %mul3A_107 : i32
          %add3A_109 = arith.addi %add3A_99, %mul3A_108 : i32
          %dma_start3A = tpu.memref_slice %arg7[%add3A_109] : memref<52428800xf32, #tpu.memory_space<hbm>> -> memref<8192xf32, #tpu.memory_space<hbm>>
          %dma_start3A_110 = tpu.memref_slice %arg7[%add3A_109] : memref<52428800xf32, #tpu.memory_space<hbm>> -> memref<8192xf32, #tpu.memory_space<hbm>>
          tpu.enqueue_dma source(%dma_start3A_110 : memref<8192xf32, #tpu.memory_space<hbm>>) target(%arg22 : memref<8192xf32, #tpu.memory_space<vmem>>) target_semaphore(%arg26 : memref<!tpu.dma_semaphore, #tpu.memory_space<semaphore_mem>>)
          "tpu.region"() ({
            %run_scoped3A = tpu.sem_alloc : memref<!tpu.dma_semaphore, #tpu.memory_space<semaphore_mem>>
            %dma_start3A_118 = arith.constant 0 : i32
            %dma_start3A_119 = tpu.memref_slice %arg19[%scan3A_106, %dma_start3A_118] : memref<25x128xi32, #tpu.memory_space<vmem>> -> memref<1x128xi32, #tpu.memory_space<vmem>>
            %dma_start3A_120 = tpu.memref_squeeze %dma_start3A_119 : memref<1x128xi32, #tpu.memory_space<vmem>> -> memref<128xi32, #tpu.memory_space<vmem>>
            %dma_start3A_121 = arith.constant 0 : i32
            %dma_start3A_122 = arith.constant 0 : i32
            %dma_start3A_123 = tpu.memref_slice %arg8[%dma_start3A_121, %dma_start3A_122] : memref<50000x128xf32, #tpu.memory_space<hbm>> -> memref<50000x128xf32, #tpu.memory_space<hbm>>
            tpu.enqueue_indirect_dma source(%dma_start3A_123 : memref<50000x128xf32, #tpu.memory_space<hbm>>) target(%arg21 : memref<128x128xf32, #tpu.memory_space<vmem>>) offsets(%dma_start3A_120 : memref<128xi32, #tpu.memory_space<vmem>>) semaphore(%run_scoped3A : memref<!tpu.dma_semaphore, #tpu.memory_space<semaphore_mem>>)
            %dma_wait3A_124 = arith.constant 0 : i32
            %dma_wait3A_125 = tpu.memref_slice %arg19[%scan3A_106, %dma_wait3A_124] : memref<25x128xi32, #tpu.memory_space<vmem>> -> memref<1x128xi32, #tpu.memory_space<vmem>>
            %dma_wait3A_126 = tpu.memref_squeeze %dma_wait3A_125 : memref<1x128xi32, #tpu.memory_space<vmem>> -> memref<128xi32, #tpu.memory_space<vmem>>
            %dma_wait3A_127 = arith.constant 0 : i32
            %dma_wait3A_128 = arith.constant 0 : i32
            %dma_wait3A_129 = tpu.memref_slice %arg8[%dma_wait3A_127, %dma_wait3A_128] : memref<50000x128xf32, #tpu.memory_space<hbm>> -> memref<50000x128xf32, #tpu.memory_space<hbm>>
            tpu.wait_indirect_dma semaphore(%run_scoped3A : memref<!tpu.dma_semaphore, #tpu.memory_space<semaphore_mem>>) src(%dma_wait3A_129 : memref<50000x128xf32, #tpu.memory_space<hbm>>) dst(%arg21 : memref<128x128xf32, #tpu.memory_space<vmem>>)
            tpu.yield
          }) : () -> ()
          %dma_wait3A = tpu.memref_slice %arg7[%add3A_109] : memref<52428800xf32, #tpu.memory_space<hbm>> -> memref<8192xf32, #tpu.memory_space<hbm>>
          %dma_wait3A_111 = tpu.memref_slice %arg7[%add3A_109] : memref<52428800xf32, #tpu.memory_space<hbm>> -> memref<8192xf32, #tpu.memory_space<hbm>>
          tpu.wait_dma2 semaphore(%arg26 : memref<!tpu.dma_semaphore, #tpu.memory_space<semaphore_mem>>) src(%dma_wait3A_111 : memref<8192xf32, #tpu.memory_space<hbm>>) dst(%arg22 : memref<8192xf32, #tpu.memory_space<vmem>>)
          %scan3A_112 = arith.constant 0 : i32
          %scan3A_113 = arith.constant 0 : i32
          %scan3A_114 = arith.constant 128 : i32
          %scan3A_115 = arith.addi %scan3A_113, %scan3A_114 : i32
          %scan3A_116 = arith.constant 1 : i32
          scf.for %scan3A_118 = %scan3A_113 to %scan3A_115 step %scan3A_116  : i32 {
            %mul3A_119 = arith.constant 128 : i32
            %mul3A_120 = arith.muli %scan3A_106, %mul3A_119 : i32
            %add3A_121 = arith.addi %mul3A_120, %scan3A_118 : i32
            %broadcast_in_dim3A_122 = vector.broadcast %add3A_121 : i32 to vector<16xi32>
            %gather3A = tpu.vector_load_idx %arg17[%broadcast_in_dim3A_122] : memref<3200xf32, #tpu.memory_space<vmem>>[vector<16xi32>], vector<16xf32>,
            %gather3A_123 = tpu.vector_load_idx %arg20[%broadcast_in_dim3A_122] : memref<3200xf32, #tpu.memory_space<vmem>>[vector<16xi32>], vector<16xf32>,
            %get3A_124 = arith.index_cast %scan3A_118 : i32 to index
            %get3A_125 = arith.constant 0 : index
            %get3A_126 = tpu.vector_load %arg21[%get3A_124, %get3A_125] {strides = array<i32>} : memref<128x128xf32, #tpu.memory_space<vmem>>, vector<16xf32>,
            %mul3A_127 = arith.constant 64 : i32
            %mul3A_128 = arith.muli %scan3A_118, %mul3A_127 : i32
            %add3A_129 = arith.constant 0 : i32
            %add3A_130 = arith.addi %mul3A_128, %add3A_129 : i32
            %get3A_131 = arith.index_cast %add3A_130 : i32 to index
            %get3A_132 = tpu.vector_load %arg22[%get3A_131] {strides = array<i32>} : memref<8192xf32, #tpu.memory_space<vmem>>, vector<16xf32>,
            %add3A_133 = arith.addf %get3A_126, %get3A_132 : vector<16xf32>
            %mul3A_134 = arith.mulf %add3A_133, %gather3A : vector<16xf32>
            %swap3A = arith.index_cast %scan3A_118 : i32 to index
            %swap3A_135 = arith.constant 0 : index
            %swap3A_136 = tpu.vector_load %arg23[%swap3A, %swap3A_135] {strides = array<i32>} : memref<128x128xf32, #tpu.memory_space<vmem>>, vector<16xf32>,
            tpu.vector_store %arg23[%swap3A, %swap3A_135], %mul3A_134 {strides = array<i32>} : memref<128x128xf32, #tpu.memory_space<vmem>>, vector<16xf32>,
            %mul3A_137 = arith.mulf %add3A_133, %gather3A_123 : vector<16xf32>
            %swap3A_138 = arith.index_cast %scan3A_118 : i32 to index
            %swap3A_139 = arith.constant 64 : index
            %swap3A_140 = tpu.vector_load %arg23[%swap3A_138, %swap3A_139] {strides = array<i32>} : memref<128x128xf32, #tpu.memory_space<vmem>>, vector<16xf32>,
            tpu.vector_store %arg23[%swap3A_138, %swap3A_139], %mul3A_137 {strides = array<i32>} : memref<128x128xf32, #tpu.memory_space<vmem>>, vector<16xf32>,
            %get3A_141 = arith.index_cast %scan3A_118 : i32 to index
            %get3A_142 = arith.constant 16 : index
            %get3A_143 = tpu.vector_load %arg21[%get3A_141, %get3A_142] {strides = array<i32>} : memref<128x128xf32, #tpu.memory_space<vmem>>, vector<16xf32>,
            %mul3A_144 = arith.constant 64 : i32
            %mul3A_145 = arith.muli %scan3A_118, %mul3A_144 : i32
            %add3A_146 = arith.constant 16 : i32
            %add3A_147 = arith.addi %mul3A_145, %add3A_146 : i32
            %get3A_148 = arith.index_cast %add3A_147 : i32 to index
            %get3A_149 = tpu.vector_load %arg22[%get3A_148] {strides = array<i32>} : memref<8192xf32, #tpu.memory_space<vmem>>, vector<16xf32>,
            %add3A_150 = arith.addf %get3A_143, %get3A_149 : vector<16xf32>
            %mul3A_151 = arith.mulf %add3A_150, %gather3A : vector<16xf32>
            %swap3A_152 = arith.index_cast %scan3A_118 : i32 to index
            %swap3A_153 = arith.constant 16 : index
            %swap3A_154 = tpu.vector_load %arg23[%swap3A_152, %swap3A_153] {strides = array<i32>} : memref<128x128xf32, #tpu.memory_space<vmem>>, vector<16xf32>,
            tpu.vector_store %arg23[%swap3A_152, %swap3A_153], %mul3A_151 {strides = array<i32>} : memref<128x128xf32, #tpu.memory_space<vmem>>, vector<16xf32>,
            %mul3A_155 = arith.mulf %add3A_150, %gather3A_123 : vector<16xf32>
            %swap3A_156 = arith.index_cast %scan3A_118 : i32 to index
            %swap3A_157 = arith.constant 80 : index
            %swap3A_158 = tpu.vector_load %arg23[%swap3A_156, %swap3A_157] {strides = array<i32>} : memref<128x128xf32, #tpu.memory_space<vmem>>, vector<16xf32>,
            tpu.vector_store %arg23[%swap3A_156, %swap3A_157], %mul3A_155 {strides = array<i32>} : memref<128x128xf32, #tpu.memory_space<vmem>>, vector<16xf32>,
            %get3A_159 = arith.index_cast %scan3A_118 : i32 to index
            %get3A_160 = arith.constant 32 : index
            %get3A_161 = tpu.vector_load %arg21[%get3A_159, %get3A_160] {strides = array<i32>} : memref<128x128xf32, #tpu.memory_space<vmem>>, vector<16xf32>,
            %mul3A_162 = arith.constant 64 : i32
            %mul3A_163 = arith.muli %scan3A_118, %mul3A_162 : i32
            %add3A_164 = arith.constant 32 : i32
            %add3A_165 = arith.addi %mul3A_163, %add3A_164 : i32
            %get3A_166 = arith.index_cast %add3A_165 : i32 to index
            %get3A_167 = tpu.vector_load %arg22[%get3A_166] {strides = array<i32>} : memref<8192xf32, #tpu.memory_space<vmem>>, vector<16xf32>,
            %add3A_168 = arith.addf %get3A_161, %get3A_167 : vector<16xf32>
            %mul3A_169 = arith.mulf %add3A_168, %gather3A : vector<16xf32>
            %swap3A_170 = arith.index_cast %scan3A_118 : i32 to index
            %swap3A_171 = arith.constant 32 : index
            %swap3A_172 = tpu.vector_load %arg23[%swap3A_170, %swap3A_171] {strides = array<i32>} : memref<128x128xf32, #tpu.memory_space<vmem>>, vector<16xf32>,
            tpu.vector_store %arg23[%swap3A_170, %swap3A_171], %mul3A_169 {strides = array<i32>} : memref<128x128xf32, #tpu.memory_space<vmem>>, vector<16xf32>,
            %mul3A_173 = arith.mulf %add3A_168, %gather3A_123 : vector<16xf32>
            %swap3A_174 = arith.index_cast %scan3A_118 : i32 to index
            %swap3A_175 = arith.constant 96 : index
            %swap3A_176 = tpu.vector_load %arg23[%swap3A_174, %swap3A_175] {strides = array<i32>} : memref<128x128xf32, #tpu.memory_space<vmem>>, vector<16xf32>,
            tpu.vector_store %arg23[%swap3A_174, %swap3A_175], %mul3A_173 {strides = array<i32>} : memref<128x128xf32, #tpu.memory_space<vmem>>, vector<16xf32>,
            %get3A_177 = arith.index_cast %scan3A_118 : i32 to index
            %get3A_178 = arith.constant 48 : index
            %get3A_179 = tpu.vector_load %arg21[%get3A_177, %get3A_178] {strides = array<i32>} : memref<128x128xf32, #tpu.memory_space<vmem>>, vector<16xf32>,
            %mul3A_180 = arith.constant 64 : i32
            %mul3A_181 = arith.muli %scan3A_118, %mul3A_180 : i32
            %add3A_182 = arith.constant 48 : i32
            %add3A_183 = arith.addi %mul3A_181, %add3A_182 : i32
            %get3A_184 = arith.index_cast %add3A_183 : i32 to index
            %get3A_185 = tpu.vector_load %arg22[%get3A_184] {strides = array<i32>} : memref<8192xf32, #tpu.memory_space<vmem>>, vector<16xf32>,
            %add3A_186 = arith.addf %get3A_179, %get3A_185 : vector<16xf32>
            %mul3A_187 = arith.mulf %add3A_186, %gather3A : vector<16xf32>
            %swap3A_188 = arith.index_cast %scan3A_118 : i32 to index
            %swap3A_189 = arith.constant 48 : index
            %swap3A_190 = tpu.vector_load %arg23[%swap3A_188, %swap3A_189] {strides = array<i32>} : memref<128x128xf32, #tpu.memory_space<vmem>>, vector<16xf32>,
            tpu.vector_store %arg23[%swap3A_188, %swap3A_189], %mul3A_187 {strides = array<i32>} : memref<128x128xf32, #tpu.memory_space<vmem>>, vector<16xf32>,
            %mul3A_191 = arith.mulf %add3A_186, %gather3A_123 : vector<16xf32>
            %swap3A_192 = arith.index_cast %scan3A_118 : i32 to index
            %swap3A_193 = arith.constant 112 : index
            %swap3A_194 = tpu.vector_load %arg23[%swap3A_192, %swap3A_193] {strides = array<i32>} : memref<128x128xf32, #tpu.memory_space<vmem>>, vector<16xf32>,
            tpu.vector_store %arg23[%swap3A_192, %swap3A_193], %mul3A_191 {strides = array<i32>} : memref<128x128xf32, #tpu.memory_space<vmem>>, vector<16xf32>,
          }
          %scan3A_117 = arith.constant 128 : i32
          "tpu.region"() ({
            %run_scoped3A = tpu.sem_alloc : memref<!tpu.dma_semaphore, #tpu.memory_space<semaphore_mem>>
            %dma_start3A_118 = arith.constant 0 : i32
            %dma_start3A_119 = tpu.memref_slice %arg18[%scan3A_106, %dma_start3A_118] : memref<25x128xi32, #tpu.memory_space<vmem>> -> memref<1x128xi32, #tpu.memory_space<vmem>>
            %dma_start3A_120 = tpu.memref_squeeze %dma_start3A_119 : memref<1x128xi32, #tpu.memory_space<vmem>> -> memref<128xi32, #tpu.memory_space<vmem>>
            %dma_start3A_121 = arith.constant 0 : i32
            %dma_start3A_122 = arith.constant 0 : i32
            %dma_start3A_123 = tpu.memref_slice %arg27[%dma_start3A_121, %dma_start3A_122] : memref<1664x128xf32, #tpu.memory_space<vmem_shared>> -> memref<1664x128xf32, #tpu.memory_space<vmem_shared>>
            tpu.enqueue_indirect_dma source(%arg23 : memref<128x128xf32, #tpu.memory_space<vmem>>) target(%dma_start3A_123 : memref<1664x128xf32, #tpu.memory_space<vmem_shared>>) offsets(%dma_start3A_120 : memref<128xi32, #tpu.memory_space<vmem>>) semaphore(%run_scoped3A : memref<!tpu.dma_semaphore, #tpu.memory_space<semaphore_mem>>) {add = true}
            %dma_wait3A_124 = arith.constant 0 : i32
            %dma_wait3A_125 = tpu.memref_slice %arg18[%scan3A_106, %dma_wait3A_124] : memref<25x128xi32, #tpu.memory_space<vmem>> -> memref<1x128xi32, #tpu.memory_space<vmem>>
            %dma_wait3A_126 = tpu.memref_squeeze %dma_wait3A_125 : memref<1x128xi32, #tpu.memory_space<vmem>> -> memref<128xi32, #tpu.memory_space<vmem>>
            %dma_wait3A_127 = arith.constant 0 : i32
            %dma_wait3A_128 = arith.constant 0 : i32
            %dma_wait3A_129 = tpu.memref_slice %arg27[%dma_wait3A_127, %dma_wait3A_128] : memref<1664x128xf32, #tpu.memory_space<vmem_shared>> -> memref<1664x128xf32, #tpu.memory_space<vmem_shared>>
            tpu.wait_indirect_dma semaphore(%run_scoped3A : memref<!tpu.dma_semaphore, #tpu.memory_space<semaphore_mem>>) src(%arg23 : memref<128x128xf32, #tpu.memory_space<vmem>>) dst(%dma_wait3A_129 : memref<1664x128xf32, #tpu.memory_space<vmem_shared>>)
            tpu.yield
          }) : () -> ()
        }
        %scan3A_105 = arith.constant 25 : i32
      }
      %scan3A_70 = arith.constant 8 : i32
      %barrier3A_71 = arith.constant 0 : index
      tpu.barrier barrier_id(%barrier3A_71)
      %eq3A = arith.constant 0 : i32
      %eq3A_72 = arith.cmpi eq, %arg0, %eq3A : i32
      %convert_element_type3A = arith.extui %eq3A_72 : i1 to i32
      %cond3A = arith.constant 0 : i32
      %cond3A_73 = arith.cmpi ne, %convert_element_type3A, %cond3A : i32
      scf.if %cond3A_73 {
        %scan3A_80 = arith.constant 0 : i32
        %scan3A_81 = arith.constant 0 : i32
        %scan3A_82 = arith.constant 12 : i32
        %scan3A_83 = arith.addi %scan3A_81, %scan3A_82 : i32
        %scan3A_84 = arith.constant 1 : i32
        scf.for %scan3A_91 = %scan3A_81 to %scan3A_83 step %scan3A_84  : i32 {
          %jit3A = arith.constant 16 : i32
          %eq3A_92 = arith.constant 0 : i32
          %eq3A_93 = arith.cmpi eq, %jit3A, %eq3A_92 : i32
          %jit3A_94 = arith.constant 1 : i32
          %select_n3A = arith.select %eq3A_93, %jit3A_94, %jit3A : i32
          %rem3A = arith.remsi %scan3A_91, %select_n3A : i32
          %ne3A = arith.constant 0 : i32
          %ne3A_95 = arith.cmpi ne, %rem3A, %ne3A : i32
          %lt3A = arith.constant 0 : i32
          %lt3A_96 = arith.cmpi slt, %rem3A, %lt3A : i32
          %lt3A_97 = arith.constant 0 : i32
          %lt3A_98 = arith.cmpi slt, %select_n3A, %lt3A_97 : i32
          %ne3A_99 = arith.xori %lt3A_96, %lt3A_98 : i1
          %and3A = arith.andi %ne3A_99, %ne3A_95 : i1
          %add3A_100 = arith.addi %rem3A, %select_n3A : i32
          %select_n3A_101 = arith.select %and3A, %add3A_100, %rem3A : i32
          %eq3A_102 = arith.cmpi eq, %arg1, %select_n3A_101 : i32
          %convert_element_type3A_103 = arith.extui %eq3A_102 : i1 to i32
          %cond3A_104 = arith.constant 0 : i32
          %cond3A_105 = arith.cmpi ne, %convert_element_type3A_103, %cond3A_104 : i32
          scf.if %cond3A_105 {
            %mul3A_106 = arith.constant 128 : i32
            %mul3A_107 = arith.muli %scan3A_91, %mul3A_106 : i32
            %mul3A_108 = arith.constant 128 : i32
            %mul3A_109 = arith.muli %scan3A_91, %mul3A_108 : i32
            %add3A_110 = arith.addi %mul3A_51, %mul3A_109 : i32
            %run_scoped3A = arith.constant 0 : i32
            "tpu.region"() ({
              %run_scoped3A_111 = tpu.sem_alloc : memref<!tpu.dma_semaphore, #tpu.memory_space<semaphore_mem>>
              %dma_start3A = arith.constant 0 : i32
              %dma_start3A_112 = tpu.memref_slice %arg10[%run_scoped3A, %add3A_110, %dma_start3A] : memref<2x12544x128xf32, #tpu.memory_space<hbm>> -> memref<1x128x128xf32, #tpu.memory_space<hbm>>
              %dma_start3A_113 = tpu.memref_squeeze %dma_start3A_112 : memref<1x128x128xf32, #tpu.memory_space<hbm>> -> memref<128x128xf32, #tpu.memory_space<hbm>>
              %dma_start3A_114 = arith.constant 0 : i32
              %dma_start3A_115 = tpu.memref_slice %arg27[%mul3A_107, %dma_start3A_114] : memref<1664x128xf32, #tpu.memory_space<vmem_shared>> -> memref<128x128xf32, #tpu.memory_space<vmem_shared>>
              tpu.enqueue_dma source(%dma_start3A_115 : memref<128x128xf32, #tpu.memory_space<vmem_shared>>) target(%dma_start3A_113 : memref<128x128xf32, #tpu.memory_space<hbm>>) target_semaphore(%run_scoped3A_111 : memref<!tpu.dma_semaphore, #tpu.memory_space<semaphore_mem>>)
              %dma_wait3A = arith.constant 0 : i32
              %dma_wait3A_116 = tpu.memref_slice %arg10[%run_scoped3A, %add3A_110, %dma_wait3A] : memref<2x12544x128xf32, #tpu.memory_space<hbm>> -> memref<1x128x128xf32, #tpu.memory_space<hbm>>
              %dma_wait3A_117 = tpu.memref_squeeze %dma_wait3A_116 : memref<1x128x128xf32, #tpu.memory_space<hbm>> -> memref<128x128xf32, #tpu.memory_space<hbm>>
              %dma_wait3A_118 = arith.constant 0 : i32
              %dma_wait3A_119 = tpu.memref_slice %arg27[%mul3A_107, %dma_wait3A_118] : memref<1664x128xf32, #tpu.memory_space<vmem_shared>> -> memref<128x128xf32, #tpu.memory_space<vmem_shared>>
              tpu.wait_dma2 semaphore(%run_scoped3A_111 : memref<!tpu.dma_semaphore, #tpu.memory_space<semaphore_mem>>) src(%dma_wait3A_119 : memref<128x128xf32, #tpu.memory_space<vmem_shared>>) dst(%dma_wait3A_117 : memref<128x128xf32, #tpu.memory_space<hbm>>)
              tpu.yield
            }) : () -> ()
          } else {
          }
        }
        %scan3A_85 = arith.constant 12 : i32
        %eq3A_86 = arith.constant 8 : i32
        %eq3A_87 = arith.cmpi eq, %arg1, %eq3A_86 : i32
        %convert_element_type3A_88 = arith.extui %eq3A_87 : i1 to i32
        %cond3A_89 = arith.constant 0 : i32
        %cond3A_90 = arith.cmpi ne, %convert_element_type3A_88, %cond3A_89 : i32
        scf.if %cond3A_90 {
          %add3A_91 = arith.constant 1536 : i32
          %add3A_92 = arith.addi %mul3A_51, %add3A_91 : i32
          %run_scoped3A = arith.constant 0 : i32
          "tpu.region"() ({
            %run_scoped3A_93 = tpu.sem_alloc : memref<!tpu.dma_semaphore, #tpu.memory_space<semaphore_mem>>
            %dma_start3A = arith.constant 0 : i32
            %dma_start3A_94 = tpu.memref_slice %arg10[%run_scoped3A, %add3A_92, %dma_start3A] : memref<2x12544x128xf32, #tpu.memory_space<hbm>> -> memref<1x32x128xf32, #tpu.memory_space<hbm>>
            %dma_start3A_95 = tpu.memref_squeeze %dma_start3A_94 : memref<1x32x128xf32, #tpu.memory_space<hbm>> -> memref<32x128xf32, #tpu.memory_space<hbm>>
            %dma_start3A_96 = arith.constant 1536 : i32
            %dma_start3A_97 = arith.constant 0 : i32
            %dma_start3A_98 = tpu.memref_slice %arg27[%dma_start3A_96, %dma_start3A_97] : memref<1664x128xf32, #tpu.memory_space<vmem_shared>> -> memref<32x128xf32, #tpu.memory_space<vmem_shared>>
            tpu.enqueue_dma source(%dma_start3A_98 : memref<32x128xf32, #tpu.memory_space<vmem_shared>>) target(%dma_start3A_95 : memref<32x128xf32, #tpu.memory_space<hbm>>) target_semaphore(%run_scoped3A_93 : memref<!tpu.dma_semaphore, #tpu.memory_space<semaphore_mem>>)
            %dma_wait3A = arith.constant 0 : i32
            %dma_wait3A_99 = tpu.memref_slice %arg10[%run_scoped3A, %add3A_92, %dma_wait3A] : memref<2x12544x128xf32, #tpu.memory_space<hbm>> -> memref<1x32x128xf32, #tpu.memory_space<hbm>>
            %dma_wait3A_100 = tpu.memref_squeeze %dma_wait3A_99 : memref<1x32x128xf32, #tpu.memory_space<hbm>> -> memref<32x128xf32, #tpu.memory_space<hbm>>
            %dma_wait3A_101 = arith.constant 1536 : i32
            %dma_wait3A_102 = arith.constant 0 : i32
            %dma_wait3A_103 = tpu.memref_slice %arg27[%dma_wait3A_101, %dma_wait3A_102] : memref<1664x128xf32, #tpu.memory_space<vmem_shared>> -> memref<32x128xf32, #tpu.memory_space<vmem_shared>>
            tpu.wait_dma2 semaphore(%run_scoped3A_93 : memref<!tpu.dma_semaphore, #tpu.memory_space<semaphore_mem>>) src(%dma_wait3A_103 : memref<32x128xf32, #tpu.memory_space<vmem_shared>>) dst(%dma_wait3A_100 : memref<32x128xf32, #tpu.memory_space<hbm>>)
            tpu.yield
          }) : () -> ()
        } else {
        }
      } else {
      }
      %eq3A_74 = arith.constant 1 : i32
      %eq3A_75 = arith.cmpi eq, %arg0, %eq3A_74 : i32
      %convert_element_type3A_76 = arith.extui %eq3A_75 : i1 to i32
      %cond3A_77 = arith.constant 0 : i32
      %cond3A_78 = arith.cmpi ne, %convert_element_type3A_76, %cond3A_77 : i32
      scf.if %cond3A_78 {
        %scan3A_80 = arith.constant 0 : i32
        %scan3A_81 = arith.constant 0 : i32
        %scan3A_82 = arith.constant 12 : i32
        %scan3A_83 = arith.addi %scan3A_81, %scan3A_82 : i32
        %scan3A_84 = arith.constant 1 : i32
        scf.for %scan3A_91 = %scan3A_81 to %scan3A_83 step %scan3A_84  : i32 {
          %jit3A = arith.constant 16 : i32
          %eq3A_92 = arith.constant 0 : i32
          %eq3A_93 = arith.cmpi eq, %jit3A, %eq3A_92 : i32
          %jit3A_94 = arith.constant 1 : i32
          %select_n3A = arith.select %eq3A_93, %jit3A_94, %jit3A : i32
          %rem3A = arith.remsi %scan3A_91, %select_n3A : i32
          %ne3A = arith.constant 0 : i32
          %ne3A_95 = arith.cmpi ne, %rem3A, %ne3A : i32
          %lt3A = arith.constant 0 : i32
          %lt3A_96 = arith.cmpi slt, %rem3A, %lt3A : i32
          %lt3A_97 = arith.constant 0 : i32
          %lt3A_98 = arith.cmpi slt, %select_n3A, %lt3A_97 : i32
          %ne3A_99 = arith.xori %lt3A_96, %lt3A_98 : i1
          %and3A = arith.andi %ne3A_99, %ne3A_95 : i1
          %add3A_100 = arith.addi %rem3A, %select_n3A : i32
          %select_n3A_101 = arith.select %and3A, %add3A_100, %rem3A : i32
          %eq3A_102 = arith.cmpi eq, %arg1, %select_n3A_101 : i32
          %convert_element_type3A_103 = arith.extui %eq3A_102 : i1 to i32
          %cond3A_104 = arith.constant 0 : i32
          %cond3A_105 = arith.cmpi ne, %convert_element_type3A_103, %cond3A_104 : i32
          scf.if %cond3A_105 {
            %mul3A_106 = arith.constant 128 : i32
            %mul3A_107 = arith.muli %scan3A_91, %mul3A_106 : i32
            %mul3A_108 = arith.constant 128 : i32
            %mul3A_109 = arith.muli %scan3A_91, %mul3A_108 : i32
            %add3A_110 = arith.addi %mul3A_51, %mul3A_109 : i32
            %run_scoped3A = arith.constant 1 : i32
            "tpu.region"() ({
              %run_scoped3A_111 = tpu.sem_alloc : memref<!tpu.dma_semaphore, #tpu.memory_space<semaphore_mem>>
              %dma_start3A = arith.constant 0 : i32
              %dma_start3A_112 = tpu.memref_slice %arg10[%run_scoped3A, %add3A_110, %dma_start3A] : memref<2x12544x128xf32, #tpu.memory_space<hbm>> -> memref<1x128x128xf32, #tpu.memory_space<hbm>>
              %dma_start3A_113 = tpu.memref_squeeze %dma_start3A_112 : memref<1x128x128xf32, #tpu.memory_space<hbm>> -> memref<128x128xf32, #tpu.memory_space<hbm>>
              %dma_start3A_114 = arith.constant 0 : i32
              %dma_start3A_115 = tpu.memref_slice %arg27[%mul3A_107, %dma_start3A_114] : memref<1664x128xf32, #tpu.memory_space<vmem_shared>> -> memref<128x128xf32, #tpu.memory_space<vmem_shared>>
              tpu.enqueue_dma source(%dma_start3A_115 : memref<128x128xf32, #tpu.memory_space<vmem_shared>>) target(%dma_start3A_113 : memref<128x128xf32, #tpu.memory_space<hbm>>) target_semaphore(%run_scoped3A_111 : memref<!tpu.dma_semaphore, #tpu.memory_space<semaphore_mem>>)
              %dma_wait3A = arith.constant 0 : i32
              %dma_wait3A_116 = tpu.memref_slice %arg10[%run_scoped3A, %add3A_110, %dma_wait3A] : memref<2x12544x128xf32, #tpu.memory_space<hbm>> -> memref<1x128x128xf32, #tpu.memory_space<hbm>>
              %dma_wait3A_117 = tpu.memref_squeeze %dma_wait3A_116 : memref<1x128x128xf32, #tpu.memory_space<hbm>> -> memref<128x128xf32, #tpu.memory_space<hbm>>
              %dma_wait3A_118 = arith.constant 0 : i32
              %dma_wait3A_119 = tpu.memref_slice %arg27[%mul3A_107, %dma_wait3A_118] : memref<1664x128xf32, #tpu.memory_space<vmem_shared>> -> memref<128x128xf32, #tpu.memory_space<vmem_shared>>
              tpu.wait_dma2 semaphore(%run_scoped3A_111 : memref<!tpu.dma_semaphore, #tpu.memory_space<semaphore_mem>>) src(%dma_wait3A_119 : memref<128x128xf32, #tpu.memory_space<vmem_shared>>) dst(%dma_wait3A_117 : memref<128x128xf32, #tpu.memory_space<hbm>>)
              tpu.yield
            }) : () -> ()
          } else {
          }
        }
        %scan3A_85 = arith.constant 12 : i32
        %eq3A_86 = arith.constant 8 : i32
        %eq3A_87 = arith.cmpi eq, %arg1, %eq3A_86 : i32
        %convert_element_type3A_88 = arith.extui %eq3A_87 : i1 to i32
        %cond3A_89 = arith.constant 0 : i32
        %cond3A_90 = arith.cmpi ne, %convert_element_type3A_88, %cond3A_89 : i32
        scf.if %cond3A_90 {
          %add3A_91 = arith.constant 1536 : i32
          %add3A_92 = arith.addi %mul3A_51, %add3A_91 : i32
          %run_scoped3A = arith.constant 1 : i32
          "tpu.region"() ({
            %run_scoped3A_93 = tpu.sem_alloc : memref<!tpu.dma_semaphore, #tpu.memory_space<semaphore_mem>>
            %dma_start3A = arith.constant 0 : i32
            %dma_start3A_94 = tpu.memref_slice %arg10[%run_scoped3A, %add3A_92, %dma_start3A] : memref<2x12544x128xf32, #tpu.memory_space<hbm>> -> memref<1x32x128xf32, #tpu.memory_space<hbm>>
            %dma_start3A_95 = tpu.memref_squeeze %dma_start3A_94 : memref<1x32x128xf32, #tpu.memory_space<hbm>> -> memref<32x128xf32, #tpu.memory_space<hbm>>
            %dma_start3A_96 = arith.constant 1536 : i32
            %dma_start3A_97 = arith.constant 0 : i32
            %dma_start3A_98 = tpu.memref_slice %arg27[%dma_start3A_96, %dma_start3A_97] : memref<1664x128xf32, #tpu.memory_space<vmem_shared>> -> memref<32x128xf32, #tpu.memory_space<vmem_shared>>
            tpu.enqueue_dma source(%dma_start3A_98 : memref<32x128xf32, #tpu.memory_space<vmem_shared>>) target(%dma_start3A_95 : memref<32x128xf32, #tpu.memory_space<hbm>>) target_semaphore(%run_scoped3A_93 : memref<!tpu.dma_semaphore, #tpu.memory_space<semaphore_mem>>)
            %dma_wait3A = arith.constant 0 : i32
            %dma_wait3A_99 = tpu.memref_slice %arg10[%run_scoped3A, %add3A_92, %dma_wait3A] : memref<2x12544x128xf32, #tpu.memory_space<hbm>> -> memref<1x32x128xf32, #tpu.memory_space<hbm>>
            %dma_wait3A_100 = tpu.memref_squeeze %dma_wait3A_99 : memref<1x32x128xf32, #tpu.memory_space<hbm>> -> memref<32x128xf32, #tpu.memory_space<hbm>>
            %dma_wait3A_101 = arith.constant 1536 : i32
            %dma_wait3A_102 = arith.constant 0 : i32
            %dma_wait3A_103 = tpu.memref_slice %arg27[%dma_wait3A_101, %dma_wait3A_102] : memref<1664x128xf32, #tpu.memory_space<vmem_shared>> -> memref<32x128xf32, #tpu.memory_space<vmem_shared>>
            tpu.wait_dma2 semaphore(%run_scoped3A_93 : memref<!tpu.dma_semaphore, #tpu.memory_space<semaphore_mem>>) src(%dma_wait3A_103 : memref<32x128xf32, #tpu.memory_space<vmem_shared>>) dst(%dma_wait3A_100 : memref<32x128xf32, #tpu.memory_space<hbm>>)
            tpu.yield
          }) : () -> ()
        } else {
        }
      } else {
      }
      %barrier3A_79 = arith.constant 0 : index
      tpu.barrier barrier_id(%barrier3A_79)
    }
    %scan3A_48 = arith.constant 8 : i32
    return
  }
}

#map = affine_map<(d0, d1) -> (0)>
#map1 = affine_map<(d0, d1) -> (0, 0)>
#map2 = affine_map<(d0, d1) -> (0, 0, 0)>
module attributes {stable_mosaic.version = 14 : i64} {
  func.func @_sc_body(%arg0: i32, %arg1: i32, %arg2: memref<50176xf32, #tpu.memory_space<hbm>>, %arg3: memref<50176xf32, #tpu.memory_space<hbm>>, %arg4: memref<819200xi32, #tpu.memory_space<hbm>>, %arg5: memref<819200xi32, #tpu.memory_space<hbm>>, %arg6: memref<819200xf32, #tpu.memory_space<hbm>>, %arg7: memref<52428800xf32, #tpu.memory_space<hbm>>, %arg8: memref<50000x128xf32, #tpu.memory_space<hbm>>, %arg9: memref<32xf32, #tpu.memory_space<hbm>>, %arg10: memref<2x12544x128xf32, #tpu.memory_space<hbm>>, %arg11: memref<819200xf32, #tpu.memory_space<hbm>>, %arg12: memref<25088xf32, #tpu.memory_space<vmem>>, %arg13: memref<25088xf32, #tpu.memory_space<vmem>>, %arg14: memref<3200xf32, #tpu.memory_space<vmem>>, %arg15: memref<3200xi32, #tpu.memory_space<vmem>>, %arg16: memref<3200xi32, #tpu.memory_space<vmem>>, %arg17: memref<3200xf32, #tpu.memory_space<vmem>>, %arg18: memref<25x128xi32, #tpu.memory_space<vmem>>, %arg19: memref<25x128xi32, #tpu.memory_space<vmem>>, %arg20: memref<3200xf32, #tpu.memory_space<vmem>>, %arg21: memref<128x128xf32, #tpu.memory_space<vmem>>, %arg22: memref<8192xf32, #tpu.memory_space<vmem>>, %arg23: memref<128x128xf32, #tpu.memory_space<vmem>>, %arg24: memref<512xf32, #tpu.memory_space<vmem>>, %arg25: memref<16xf32, #tpu.memory_space<vmem>>, %arg26: memref<!tpu.dma_semaphore, #tpu.memory_space<semaphore_mem>>, %arg27: memref<1664x128xf32, #tpu.memory_space<vmem_shared>>, %arg28: memref<25088xf32, #tpu.memory_space<vmem_shared>>) attributes {dimension_semantics = [#tpu.dimension_semantics<core_parallel>, #tpu.dimension_semantics<subcore_parallel>], iteration_bounds = array<i64: 2, 16>, scalar_prefetch = 0 : i64, scratch_operands = 17 : i64, tpu.core_type = #tpu.core_type<sc_vector_subcore>, window_params = [{transform_indices = #map}, {transform_indices = #map}, {transform_indices = #map}, {transform_indices = #map}, {transform_indices = #map}, {transform_indices = #map}, {transform_indices = #map1}, {transform_indices = #map}, {transform_indices = #map2}, {transform_indices = #map}]} {
    %broadcast_in_dim3A = arith.constant 0.000000e+00 : f32
    %broadcast_in_dim3A_0 = vector.broadcast %broadcast_in_dim3A : f32 to vector<16xf32>
    %scan3A = arith.constant 0 : i32
    %scan3A_1 = arith.constant 0 : i32
    %scan3A_2 = arith.constant 128 : i32
    %scan3A_3 = arith.addi %scan3A_1, %scan3A_2 : i32
    %scan3A_4 = arith.constant 1 : i32
    scf.for %scan3A_49 = %scan3A_1 to %scan3A_3 step %scan3A_4  : i32 {
      %swap3A = arith.index_cast %scan3A_49 : i32 to index
      %swap3A_50 = arith.constant 0 : index
      %swap3A_51 = tpu.vector_load %arg23[%swap3A, %swap3A_50] {strides = array<i32>} : memref<128x128xf32, #tpu.memory_space<vmem>>, vector<16xf32>,
      tpu.vector_store %arg23[%swap3A, %swap3A_50], %broadcast_in_dim3A_0 {strides = array<i32>} : memref<128x128xf32, #tpu.memory_space<vmem>>, vector<16xf32>,
      %swap3A_52 = arith.index_cast %scan3A_49 : i32 to index
      %swap3A_53 = arith.constant 16 : index
      %swap3A_54 = tpu.vector_load %arg23[%swap3A_52, %swap3A_53] {strides = array<i32>} : memref<128x128xf32, #tpu.memory_space<vmem>>, vector<16xf32>,
      tpu.vector_store %arg23[%swap3A_52, %swap3A_53], %broadcast_in_dim3A_0 {strides = array<i32>} : memref<128x128xf32, #tpu.memory_space<vmem>>, vector<16xf32>,
      %swap3A_55 = arith.index_cast %scan3A_49 : i32 to index
      %swap3A_56 = arith.constant 32 : index
      %swap3A_57 = tpu.vector_load %arg23[%swap3A_55, %swap3A_56] {strides = array<i32>} : memref<128x128xf32, #tpu.memory_space<vmem>>, vector<16xf32>,
      tpu.vector_store %arg23[%swap3A_55, %swap3A_56], %broadcast_in_dim3A_0 {strides = array<i32>} : memref<128x128xf32, #tpu.memory_space<vmem>>, vector<16xf32>,
      %swap3A_58 = arith.index_cast %scan3A_49 : i32 to index
      %swap3A_59 = arith.constant 48 : index
      %swap3A_60 = tpu.vector_load %arg23[%swap3A_58, %swap3A_59] {strides = array<i32>} : memref<128x128xf32, #tpu.memory_space<vmem>>, vector<16xf32>,
      tpu.vector_store %arg23[%swap3A_58, %swap3A_59], %broadcast_in_dim3A_0 {strides = array<i32>} : memref<128x128xf32, #tpu.memory_space<vmem>>, vector<16xf32>,
      %swap3A_61 = arith.index_cast %scan3A_49 : i32 to index
      %swap3A_62 = arith.constant 64 : index
      %swap3A_63 = tpu.vector_load %arg23[%swap3A_61, %swap3A_62] {strides = array<i32>} : memref<128x128xf32, #tpu.memory_space<vmem>>, vector<16xf32>,
      tpu.vector_store %arg23[%swap3A_61, %swap3A_62], %broadcast_in_dim3A_0 {strides = array<i32>} : memref<128x128xf32, #tpu.memory_space<vmem>>, vector<16xf32>,
      %swap3A_64 = arith.index_cast %scan3A_49 : i32 to index
      %swap3A_65 = arith.constant 80 : index
      %swap3A_66 = tpu.vector_load %arg23[%swap3A_64, %swap3A_65] {strides = array<i32>} : memref<128x128xf32, #tpu.memory_space<vmem>>, vector<16xf32>,
      tpu.vector_store %arg23[%swap3A_64, %swap3A_65], %broadcast_in_dim3A_0 {strides = array<i32>} : memref<128x128xf32, #tpu.memory_space<vmem>>, vector<16xf32>,
      %swap3A_67 = arith.index_cast %scan3A_49 : i32 to index
      %swap3A_68 = arith.constant 96 : index
      %swap3A_69 = tpu.vector_load %arg23[%swap3A_67, %swap3A_68] {strides = array<i32>} : memref<128x128xf32, #tpu.memory_space<vmem>>, vector<16xf32>,
      tpu.vector_store %arg23[%swap3A_67, %swap3A_68], %broadcast_in_dim3A_0 {strides = array<i32>} : memref<128x128xf32, #tpu.memory_space<vmem>>, vector<16xf32>,
      %swap3A_70 = arith.index_cast %scan3A_49 : i32 to index
      %swap3A_71 = arith.constant 112 : index
      %swap3A_72 = tpu.vector_load %arg23[%swap3A_70, %swap3A_71] {strides = array<i32>} : memref<128x128xf32, #tpu.memory_space<vmem>>, vector<16xf32>,
      tpu.vector_store %arg23[%swap3A_70, %swap3A_71], %broadcast_in_dim3A_0 {strides = array<i32>} : memref<128x128xf32, #tpu.memory_space<vmem>>, vector<16xf32>,
    }
    %scan3A_5 = arith.constant 128 : i32
    %scan3A_6 = arith.constant 0 : i32
    %scan3A_7 = arith.constant 0 : i32
    %scan3A_8 = arith.constant 32 : i32
    %scan3A_9 = arith.addi %scan3A_7, %scan3A_8 : i32
    %scan3A_10 = arith.constant 1 : i32
    scf.for %scan3A_49 = %scan3A_7 to %scan3A_9 step %scan3A_10  : i32 {
      %mul3A_50 = arith.constant 16 : i32
      %mul3A_51 = arith.muli %scan3A_49, %mul3A_50 : i32
      %swap3A = arith.index_cast %mul3A_51 : i32 to index
      %swap3A_52 = tpu.vector_load %arg24[%swap3A] {strides = array<i32>} : memref<512xf32, #tpu.memory_space<vmem>>, vector<16xf32>,
      tpu.vector_store %arg24[%swap3A], %broadcast_in_dim3A_0 {strides = array<i32>} : memref<512xf32, #tpu.memory_space<vmem>>, vector<16xf32>,
    }
    %scan3A_11 = arith.constant 32 : i32
    %scan3A_12 = arith.constant 0 : i32
    %scan3A_13 = arith.constant 0 : i32
    %scan3A_14 = arith.constant 49 : i32
    %scan3A_15 = arith.addi %scan3A_13, %scan3A_14 : i32
    %scan3A_16 = arith.constant 1 : i32
    scf.for %scan3A_49 = %scan3A_13 to %scan3A_15 step %scan3A_16  : i32 {
      %jit3A = arith.constant 16 : i32
      %eq3A = arith.constant 0 : i32
      %eq3A_50 = arith.cmpi eq, %jit3A, %eq3A : i32
      %jit3A_51 = arith.constant 1 : i32
      %select_n3A = arith.select %eq3A_50, %jit3A_51, %jit3A : i32
      %rem3A = arith.remsi %scan3A_49, %select_n3A : i32
      %ne3A = arith.constant 0 : i32
      %ne3A_52 = arith.cmpi ne, %rem3A, %ne3A : i32
      %lt3A = arith.constant 0 : i32
      %lt3A_53 = arith.cmpi slt, %rem3A, %lt3A : i32
      %lt3A_54 = arith.constant 0 : i32
      %lt3A_55 = arith.cmpi slt, %select_n3A, %lt3A_54 : i32
      %ne3A_56 = arith.xori %lt3A_53, %lt3A_55 : i1
      %and3A = arith.andi %ne3A_56, %ne3A_52 : i1
      %add3A_57 = arith.addi %rem3A, %select_n3A : i32
      %select_n3A_58 = arith.select %and3A, %add3A_57, %rem3A : i32
      %eq3A_59 = arith.cmpi eq, %arg1, %select_n3A_58 : i32
      %convert_element_type3A = arith.extui %eq3A_59 : i1 to i32
      %cond3A = arith.constant 0 : i32
      %cond3A_60 = arith.cmpi ne, %convert_element_type3A, %cond3A : i32
      scf.if %cond3A_60 {
        %mul3A_61 = arith.constant 512 : i32
        %mul3A_62 = arith.muli %scan3A_49, %mul3A_61 : i32
        "tpu.region"() ({
          %run_scoped3A = tpu.sem_alloc : memref<!tpu.dma_semaphore, #tpu.memory_space<semaphore_mem>>
          %dma_start3A = tpu.memref_slice %arg28[%mul3A_62] : memref<25088xf32, #tpu.memory_space<vmem_shared>> -> memref<512xf32, #tpu.memory_space<vmem_shared>>
          %dma_start3A_63 = tpu.memref_slice %arg28[%mul3A_62] : memref<25088xf32, #tpu.memory_space<vmem_shared>> -> memref<512xf32, #tpu.memory_space<vmem_shared>>
          tpu.enqueue_dma source(%arg24 : memref<512xf32, #tpu.memory_space<vmem>>) target(%dma_start3A_63 : memref<512xf32, #tpu.memory_space<vmem_shared>>) target_semaphore(%run_scoped3A : memref<!tpu.dma_semaphore, #tpu.memory_space<semaphore_mem>>)
          %dma_wait3A = tpu.memref_slice %arg28[%mul3A_62] : memref<25088xf32, #tpu.memory_space<vmem_shared>> -> memref<512xf32, #tpu.memory_space<vmem_shared>>
          %dma_wait3A_64 = tpu.memref_slice %arg28[%mul3A_62] : memref<25088xf32, #tpu.memory_space<vmem_shared>> -> memref<512xf32, #tpu.memory_space<vmem_shared>>
          tpu.wait_dma2 semaphore(%run_scoped3A : memref<!tpu.dma_semaphore, #tpu.memory_space<semaphore_mem>>) src(%arg24 : memref<512xf32, #tpu.memory_space<vmem>>) dst(%dma_wait3A_64 : memref<512xf32, #tpu.memory_space<vmem_shared>>)
          tpu.yield
        }) : () -> ()
      } else {
      }
    }
    %scan3A_17 = arith.constant 49 : i32
    %scan3A_18 = arith.constant 0 : i32
    %scan3A_19 = arith.constant 0 : i32
    %scan3A_20 = arith.constant 8 : i32
    %scan3A_21 = arith.addi %scan3A_19, %scan3A_20 : i32
    %scan3A_22 = arith.constant 1 : i32
    scf.for %scan3A_49 = %scan3A_19 to %scan3A_21 step %scan3A_22  : i32 {
      %mul3A_50 = arith.constant 25088 : i32
      %mul3A_51 = arith.muli %arg0, %mul3A_50 : i32
      %mul3A_52 = arith.constant 3136 : i32
      %mul3A_53 = arith.muli %scan3A_49, %mul3A_52 : i32
      %add3A_54 = arith.addi %mul3A_51, %mul3A_53 : i32
      %mul3A_55 = arith.constant 3136 : i32
      %mul3A_56 = arith.muli %scan3A_49, %mul3A_55 : i32
      "tpu.region"() ({
        %run_scoped3A = tpu.sem_alloc : memref<!tpu.dma_semaphore, #tpu.memory_space<semaphore_mem>>
        %dma_start3A = tpu.memref_slice %arg12[%mul3A_56] : memref<25088xf32, #tpu.memory_space<vmem>> -> memref<3136xf32, #tpu.memory_space<vmem>>
        %dma_start3A_64 = tpu.memref_slice %arg2[%add3A_54] : memref<50176xf32, #tpu.memory_space<hbm>> -> memref<3136xf32, #tpu.memory_space<hbm>>
        %dma_start3A_65 = tpu.memref_slice %arg12[%mul3A_56] : memref<25088xf32, #tpu.memory_space<vmem>> -> memref<3136xf32, #tpu.memory_space<vmem>>
        %dma_start3A_66 = tpu.memref_slice %arg2[%add3A_54] : memref<50176xf32, #tpu.memory_space<hbm>> -> memref<3136xf32, #tpu.memory_space<hbm>>
        tpu.enqueue_dma source(%dma_start3A_66 : memref<3136xf32, #tpu.memory_space<hbm>>) target(%dma_start3A_65 : memref<3136xf32, #tpu.memory_space<vmem>>) target_semaphore(%run_scoped3A : memref<!tpu.dma_semaphore, #tpu.memory_space<semaphore_mem>>)
        %dma_wait3A = tpu.memref_slice %arg12[%mul3A_56] : memref<25088xf32, #tpu.memory_space<vmem>> -> memref<3136xf32, #tpu.memory_space<vmem>>
        %dma_wait3A_67 = tpu.memref_slice %arg2[%add3A_54] : memref<50176xf32, #tpu.memory_space<hbm>> -> memref<3136xf32, #tpu.memory_space<hbm>>
        %dma_wait3A_68 = tpu.memref_slice %arg12[%mul3A_56] : memref<25088xf32, #tpu.memory_space<vmem>> -> memref<3136xf32, #tpu.memory_space<vmem>>
        %dma_wait3A_69 = tpu.memref_slice %arg2[%add3A_54] : memref<50176xf32, #tpu.memory_space<hbm>> -> memref<3136xf32, #tpu.memory_space<hbm>>
        tpu.wait_dma2 semaphore(%run_scoped3A : memref<!tpu.dma_semaphore, #tpu.memory_space<semaphore_mem>>) src(%dma_wait3A_69 : memref<3136xf32, #tpu.memory_space<hbm>>) dst(%dma_wait3A_68 : memref<3136xf32, #tpu.memory_space<vmem>>)
        tpu.yield
      }) : () -> ()
      %mul3A_57 = arith.constant 25088 : i32
      %mul3A_58 = arith.muli %arg0, %mul3A_57 : i32
      %mul3A_59 = arith.constant 3136 : i32
      %mul3A_60 = arith.muli %scan3A_49, %mul3A_59 : i32
      %add3A_61 = arith.addi %mul3A_58, %mul3A_60 : i32
      %mul3A_62 = arith.constant 3136 : i32
      %mul3A_63 = arith.muli %scan3A_49, %mul3A_62 : i32
      "tpu.region"() ({
        %run_scoped3A = tpu.sem_alloc : memref<!tpu.dma_semaphore, #tpu.memory_space<semaphore_mem>>
        %dma_start3A = tpu.memref_slice %arg13[%mul3A_63] : memref<25088xf32, #tpu.memory_space<vmem>> -> memref<3136xf32, #tpu.memory_space<vmem>>
        %dma_start3A_64 = tpu.memref_slice %arg3[%add3A_61] : memref<50176xf32, #tpu.memory_space<hbm>> -> memref<3136xf32, #tpu.memory_space<hbm>>
        %dma_start3A_65 = tpu.memref_slice %arg13[%mul3A_63] : memref<25088xf32, #tpu.memory_space<vmem>> -> memref<3136xf32, #tpu.memory_space<vmem>>
        %dma_start3A_66 = tpu.memref_slice %arg3[%add3A_61] : memref<50176xf32, #tpu.memory_space<hbm>> -> memref<3136xf32, #tpu.memory_space<hbm>>
        tpu.enqueue_dma source(%dma_start3A_66 : memref<3136xf32, #tpu.memory_space<hbm>>) target(%dma_start3A_65 : memref<3136xf32, #tpu.memory_space<vmem>>) target_semaphore(%run_scoped3A : memref<!tpu.dma_semaphore, #tpu.memory_space<semaphore_mem>>)
        %dma_wait3A = tpu.memref_slice %arg13[%mul3A_63] : memref<25088xf32, #tpu.memory_space<vmem>> -> memref<3136xf32, #tpu.memory_space<vmem>>
        %dma_wait3A_67 = tpu.memref_slice %arg3[%add3A_61] : memref<50176xf32, #tpu.memory_space<hbm>> -> memref<3136xf32, #tpu.memory_space<hbm>>
        %dma_wait3A_68 = tpu.memref_slice %arg13[%mul3A_63] : memref<25088xf32, #tpu.memory_space<vmem>> -> memref<3136xf32, #tpu.memory_space<vmem>>
        %dma_wait3A_69 = tpu.memref_slice %arg3[%add3A_61] : memref<50176xf32, #tpu.memory_space<hbm>> -> memref<3136xf32, #tpu.memory_space<hbm>>
        tpu.wait_dma2 semaphore(%run_scoped3A : memref<!tpu.dma_semaphore, #tpu.memory_space<semaphore_mem>>) src(%dma_wait3A_69 : memref<3136xf32, #tpu.memory_space<hbm>>) dst(%dma_wait3A_68 : memref<3136xf32, #tpu.memory_space<vmem>>)
        tpu.yield
      }) : () -> ()
    }
    %scan3A_23 = arith.constant 8 : i32
    %mul3A = arith.constant 16 : i32
    %mul3A_24 = arith.muli %arg0, %mul3A : i32
    "tpu.region"() ({
      %run_scoped3A = tpu.sem_alloc : memref<!tpu.dma_semaphore, #tpu.memory_space<semaphore_mem>>
      %dma_start3A = tpu.memref_slice %arg9[%mul3A_24] : memref<32xf32, #tpu.memory_space<hbm>> -> memref<16xf32, #tpu.memory_space<hbm>>
      %dma_start3A_49 = tpu.memref_slice %arg9[%mul3A_24] : memref<32xf32, #tpu.memory_space<hbm>> -> memref<16xf32, #tpu.memory_space<hbm>>
      tpu.enqueue_dma source(%dma_start3A_49 : memref<16xf32, #tpu.memory_space<hbm>>) target(%arg25 : memref<16xf32, #tpu.memory_space<vmem>>) target_semaphore(%run_scoped3A : memref<!tpu.dma_semaphore, #tpu.memory_space<semaphore_mem>>)
      %dma_wait3A = tpu.memref_slice %arg9[%mul3A_24] : memref<32xf32, #tpu.memory_space<hbm>> -> memref<16xf32, #tpu.memory_space<hbm>>
      %dma_wait3A_50 = tpu.memref_slice %arg9[%mul3A_24] : memref<32xf32, #tpu.memory_space<hbm>> -> memref<16xf32, #tpu.memory_space<hbm>>
      tpu.wait_dma2 semaphore(%run_scoped3A : memref<!tpu.dma_semaphore, #tpu.memory_space<semaphore_mem>>) src(%dma_wait3A_50 : memref<16xf32, #tpu.memory_space<hbm>>) dst(%arg25 : memref<16xf32, #tpu.memory_space<vmem>>)
      tpu.yield
    }) : () -> ()
    %barrier3A = arith.constant 0 : index
    tpu.barrier barrier_id(%barrier3A)
    %get3A = arith.constant 0 : index
    %get3A_25 = tpu.vector_load %arg25[%get3A] {strides = array<i32>} : memref<16xf32, #tpu.memory_space<vmem>>, vector<16xf32>,
    %mul3A_26 = arith.constant 409600 : i32
    %mul3A_27 = arith.muli %arg0, %mul3A_26 : i32
    %mul3A_28 = arith.constant 25600 : i32
    %mul3A_29 = arith.muli %arg1, %mul3A_28 : i32
    %add3A = arith.addi %mul3A_27, %mul3A_29 : i32
    %scan3A_30 = arith.constant 0 : i32
    %scan3A_31 = arith.constant 0 : i32
    %scan3A_32 = arith.constant 8 : i32
    %scan3A_33 = arith.addi %scan3A_31, %scan3A_32 : i32
    %scan3A_34 = arith.constant 1 : i32
    scf.for %scan3A_49 = %scan3A_31 to %scan3A_33 step %scan3A_34  : i32 {
      %mul3A_50 = arith.constant 3200 : i32
      %mul3A_51 = arith.muli %scan3A_49, %mul3A_50 : i32
      %add3A_52 = arith.addi %add3A, %mul3A_51 : i32
      "tpu.region"() ({
        %run_scoped3A = tpu.sem_alloc : memref<!tpu.dma_semaphore, #tpu.memory_space<semaphore_mem>>
        %dma_start3A = tpu.memref_slice %arg4[%add3A_52] : memref<819200xi32, #tpu.memory_space<hbm>> -> memref<3200xi32, #tpu.memory_space<hbm>>
        %dma_start3A_65 = tpu.memref_slice %arg4[%add3A_52] : memref<819200xi32, #tpu.memory_space<hbm>> -> memref<3200xi32, #tpu.memory_space<hbm>>
        tpu.enqueue_dma source(%dma_start3A_65 : memref<3200xi32, #tpu.memory_space<hbm>>) target(%arg15 : memref<3200xi32, #tpu.memory_space<vmem>>) target_semaphore(%run_scoped3A : memref<!tpu.dma_semaphore, #tpu.memory_space<semaphore_mem>>)
        %dma_wait3A = tpu.memref_slice %arg4[%add3A_52] : memref<819200xi32, #tpu.memory_space<hbm>> -> memref<3200xi32, #tpu.memory_space<hbm>>
        %dma_wait3A_66 = tpu.memref_slice %arg4[%add3A_52] : memref<819200xi32, #tpu.memory_space<hbm>> -> memref<3200xi32, #tpu.memory_space<hbm>>
        tpu.wait_dma2 semaphore(%run_scoped3A : memref<!tpu.dma_semaphore, #tpu.memory_space<semaphore_mem>>) src(%dma_wait3A_66 : memref<3200xi32, #tpu.memory_space<hbm>>) dst(%arg15 : memref<3200xi32, #tpu.memory_space<vmem>>)
        tpu.yield
      }) : () -> ()
      "tpu.region"() ({
        %run_scoped3A = tpu.sem_alloc : memref<!tpu.dma_semaphore, #tpu.memory_space<semaphore_mem>>
        %dma_start3A = tpu.memref_slice %arg5[%add3A_52] : memref<819200xi32, #tpu.memory_space<hbm>> -> memref<3200xi32, #tpu.memory_space<hbm>>
        %dma_start3A_65 = tpu.memref_slice %arg5[%add3A_52] : memref<819200xi32, #tpu.memory_space<hbm>> -> memref<3200xi32, #tpu.memory_space<hbm>>
        tpu.enqueue_dma source(%dma_start3A_65 : memref<3200xi32, #tpu.memory_space<hbm>>) target(%arg16 : memref<3200xi32, #tpu.memory_space<vmem>>) target_semaphore(%run_scoped3A : memref<!tpu.dma_semaphore, #tpu.memory_space<semaphore_mem>>)
        %dma_wait3A = tpu.memref_slice %arg5[%add3A_52] : memref<819200xi32, #tpu.memory_space<hbm>> -> memref<3200xi32, #tpu.memory_space<hbm>>
        %dma_wait3A_66 = tpu.memref_slice %arg5[%add3A_52] : memref<819200xi32, #tpu.memory_space<hbm>> -> memref<3200xi32, #tpu.memory_space<hbm>>
        tpu.wait_dma2 semaphore(%run_scoped3A : memref<!tpu.dma_semaphore, #tpu.memory_space<semaphore_mem>>) src(%dma_wait3A_66 : memref<3200xi32, #tpu.memory_space<hbm>>) dst(%arg16 : memref<3200xi32, #tpu.memory_space<vmem>>)
        tpu.yield
      }) : () -> ()
      "tpu.region"() ({
        %run_scoped3A = tpu.sem_alloc : memref<!tpu.dma_semaphore, #tpu.memory_space<semaphore_mem>>
        %dma_start3A = tpu.memref_slice %arg6[%add3A_52] : memref<819200xf32, #tpu.memory_space<hbm>> -> memref<3200xf32, #tpu.memory_space<hbm>>
        %dma_start3A_65 = tpu.memref_slice %arg6[%add3A_52] : memref<819200xf32, #tpu.memory_space<hbm>> -> memref<3200xf32, #tpu.memory_space<hbm>>
        tpu.enqueue_dma source(%dma_start3A_65 : memref<3200xf32, #tpu.memory_space<hbm>>) target(%arg17 : memref<3200xf32, #tpu.memory_space<vmem>>) target_semaphore(%run_scoped3A : memref<!tpu.dma_semaphore, #tpu.memory_space<semaphore_mem>>)
        %dma_wait3A = tpu.memref_slice %arg6[%add3A_52] : memref<819200xf32, #tpu.memory_space<hbm>> -> memref<3200xf32, #tpu.memory_space<hbm>>
        %dma_wait3A_66 = tpu.memref_slice %arg6[%add3A_52] : memref<819200xf32, #tpu.memory_space<hbm>> -> memref<3200xf32, #tpu.memory_space<hbm>>
        tpu.wait_dma2 semaphore(%run_scoped3A : memref<!tpu.dma_semaphore, #tpu.memory_space<semaphore_mem>>) src(%dma_wait3A_66 : memref<3200xf32, #tpu.memory_space<hbm>>) dst(%arg17 : memref<3200xf32, #tpu.memory_space<vmem>>)
        tpu.yield
      }) : () -> ()
      %scan3A_53 = arith.constant 0 : i32
      %scan3A_54 = arith.constant 0 : i32
      %scan3A_55 = arith.constant 200 : i32
      %scan3A_56 = arith.addi %scan3A_54, %scan3A_55 : i32
      %scan3A_57 = arith.constant 1 : i32
      scf.for %scan3A_65 = %scan3A_54 to %scan3A_56 step %scan3A_57  : i32 {
        %mul3A_66 = arith.constant 16 : i32
        %mul3A_67 = arith.muli %scan3A_65, %mul3A_66 : i32
        %get3A_68 = arith.index_cast %mul3A_67 : i32 to index
        %get3A_69 = tpu.vector_load %arg15[%get3A_68] {strides = array<i32>} : memref<3200xi32, #tpu.memory_space<vmem>>, vector<16xi32>,
        %mul3A_70 = arith.constant 16 : i32
        %mul3A_71 = arith.muli %scan3A_65, %mul3A_70 : i32
        %get3A_72 = arith.index_cast %mul3A_71 : i32 to index
        %get3A_73 = tpu.vector_load %arg16[%get3A_72] {strides = array<i32>} : memref<3200xi32, #tpu.memory_space<vmem>>, vector<16xi32>,
        %mul3A_74 = arith.constant 16 : i32
        %mul3A_75 = arith.muli %scan3A_65, %mul3A_74 : i32
        %get3A_76 = arith.index_cast %mul3A_75 : i32 to index
        %get3A_77 = tpu.vector_load %arg17[%get3A_76] {strides = array<i32>} : memref<3200xf32, #tpu.memory_space<vmem>>, vector<16xf32>,
        %gather3A = tpu.vector_load_idx %arg12[%get3A_69] : memref<25088xf32, #tpu.memory_space<vmem>>[vector<16xi32>], vector<16xf32>,
        %gather3A_78 = tpu.vector_load_idx %arg13[%get3A_73] : memref<25088xf32, #tpu.memory_space<vmem>>[vector<16xi32>], vector<16xf32>,
        %add3A_79 = arith.addf %gather3A, %gather3A_78 : vector<16xf32>
        %add3A_80 = arith.addf %add3A_79, %get3A_77 : vector<16xf32>
        %ge3A = arith.constant 0.000000e+00 : f32
        %ge3A_81 = vector.broadcast %ge3A : f32 to vector<16xf32>
        %ge3A_82 = arith.cmpf oge, %add3A_80, %ge3A_81 : vector<16xf32>
        %mul3A_83 = arith.constant 2.000000e-01 : f32
        %mul3A_84 = vector.broadcast %mul3A_83 : f32 to vector<16xf32>
        %mul3A_85 = arith.mulf %mul3A_84, %add3A_80 : vector<16xf32>
        %select_n3A = arith.select %ge3A_82, %add3A_80, %mul3A_85 : vector<16xi1>, vector<16xf32>
        %sub3A = arith.subf %select_n3A, %get3A_25 : vector<16xf32>
        %exp3A = math.exp %sub3A : vector<16xf32>
        %mul3A_86 = arith.constant 16 : i32
        %mul3A_87 = arith.muli %scan3A_65, %mul3A_86 : i32
        %swap3A = arith.index_cast %mul3A_87 : i32 to index
        %swap3A_88 = tpu.vector_load %arg14[%swap3A] {strides = array<i32>} : memref<3200xf32, #tpu.memory_space<vmem>>, vector<16xf32>,
        tpu.vector_store %arg14[%swap3A], %exp3A {strides = array<i32>} : memref<3200xf32, #tpu.memory_space<vmem>>, vector<16xf32>,
        %jit3A = arith.constant 8 : i32
        %div3A = arith.divsi %scan3A_65, %jit3A : i32
        %sign3A = arith.constant 0 : i32
        %sign3A_89 = arith.cmpi sgt, %scan3A_65, %sign3A : i32
        %sign3A_90 = arith.extui %sign3A_89 : i1 to i32
        %sign3A_91 = arith.constant 0 : i32
        %sign3A_92 = arith.cmpi slt, %scan3A_65, %sign3A_91 : i32
        %sign3A_93 = arith.extui %sign3A_92 : i1 to i32
        %sign3A_94 = arith.subi %sign3A_90, %sign3A_93 : i32
        %sign3A_95 = arith.constant 0 : i32
        %sign3A_96 = arith.cmpi sgt, %jit3A, %sign3A_95 : i32
        %sign3A_97 = arith.extui %sign3A_96 : i1 to i32
        %sign3A_98 = arith.constant 0 : i32
        %sign3A_99 = arith.cmpi slt, %jit3A, %sign3A_98 : i32
        %sign3A_100 = arith.extui %sign3A_99 : i1 to i32
        %sign3A_101 = arith.subi %sign3A_97, %sign3A_100 : i32
        %ne3A = arith.cmpi ne, %sign3A_94, %sign3A_101 : i32
        %rem3A = arith.remsi %scan3A_65, %jit3A : i32
        %ne3A_102 = arith.constant 0 : i32
        %ne3A_103 = arith.cmpi ne, %rem3A, %ne3A_102 : i32
        %and3A = arith.andi %ne3A, %ne3A_103 : i1
        %sub3A_104 = arith.constant 1 : i32
        %sub3A_105 = arith.subi %div3A, %sub3A_104 : i32
        %select_n3A_106 = arith.select %and3A, %sub3A_105, %div3A : i32
        %jit3A_107 = arith.constant 8 : i32
        %eq3A = arith.constant 0 : i32
        %eq3A_108 = arith.cmpi eq, %jit3A_107, %eq3A : i32
        %jit3A_109 = arith.constant 1 : i32
        %select_n3A_110 = arith.select %eq3A_108, %jit3A_109, %jit3A_107 : i32
        %rem3A_111 = arith.remsi %scan3A_65, %select_n3A_110 : i32
        %ne3A_112 = arith.constant 0 : i32
        %ne3A_113 = arith.cmpi ne, %rem3A_111, %ne3A_112 : i32
        %lt3A = arith.constant 0 : i32
        %lt3A_114 = arith.cmpi slt, %rem3A_111, %lt3A : i32
        %lt3A_115 = arith.constant 0 : i32
        %lt3A_116 = arith.cmpi slt, %select_n3A_110, %lt3A_115 : i32
        %ne3A_117 = arith.xori %lt3A_114, %lt3A_116 : i1
        %and3A_118 = arith.andi %ne3A_117, %ne3A_113 : i1
        %add3A_119 = arith.addi %rem3A_111, %select_n3A_110 : i32
        %select_n3A_120 = arith.select %and3A_118, %add3A_119, %rem3A_111 : i32
        %mul3A_121 = arith.constant 16 : i32
        %mul3A_122 = arith.muli %select_n3A_120, %mul3A_121 : i32
        %swap3A_123 = arith.index_cast %select_n3A_106 : i32 to index
        %swap3A_124 = arith.index_cast %mul3A_122 : i32 to index
        %swap3A_125 = tpu.vector_load %arg18[%swap3A_123, %swap3A_124] {strides = array<i32>} : memref<25x128xi32, #tpu.memory_space<vmem>>, vector<16xi32>,
        tpu.vector_store %arg18[%swap3A_123, %swap3A_124], %get3A_69 {strides = array<i32>} : memref<25x128xi32, #tpu.memory_space<vmem>>, vector<16xi32>,
      }
      %scan3A_58 = arith.constant 200 : i32
      "tpu.region"() ({
        %run_scoped3A = tpu.sem_alloc : memref<!tpu.dma_semaphore, #tpu.memory_space<semaphore_mem>>
        %dma_start3A = tpu.memref_slice %arg11[%add3A_52] : memref<819200xf32, #tpu.memory_space<hbm>> -> memref<3200xf32, #tpu.memory_space<hbm>>
        %dma_start3A_65 = tpu.memref_slice %arg11[%add3A_52] : memref<819200xf32, #tpu.memory_space<hbm>> -> memref<3200xf32, #tpu.memory_space<hbm>>
        tpu.enqueue_dma source(%arg14 : memref<3200xf32, #tpu.memory_space<vmem>>) target(%dma_start3A_65 : memref<3200xf32, #tpu.memory_space<hbm>>) target_semaphore(%run_scoped3A : memref<!tpu.dma_semaphore, #tpu.memory_space<semaphore_mem>>)
        %dma_wait3A = tpu.memref_slice %arg11[%add3A_52] : memref<819200xf32, #tpu.memory_space<hbm>> -> memref<3200xf32, #tpu.memory_space<hbm>>
        %dma_wait3A_66 = tpu.memref_slice %arg11[%add3A_52] : memref<819200xf32, #tpu.memory_space<hbm>> -> memref<3200xf32, #tpu.memory_space<hbm>>
        tpu.wait_dma2 semaphore(%run_scoped3A : memref<!tpu.dma_semaphore, #tpu.memory_space<semaphore_mem>>) src(%arg14 : memref<3200xf32, #tpu.memory_space<vmem>>) dst(%dma_wait3A_66 : memref<3200xf32, #tpu.memory_space<hbm>>)
        tpu.yield
      }) : () -> ()
      %scan3A_59 = arith.constant 0 : i32
      %scan3A_60 = arith.constant 0 : i32
      %scan3A_61 = arith.constant 25 : i32
      %scan3A_62 = arith.addi %scan3A_60, %scan3A_61 : i32
      %scan3A_63 = arith.constant 1 : i32
      scf.for %scan3A_65 = %scan3A_60 to %scan3A_62 step %scan3A_63  : i32 {
        %mul3A_66 = arith.constant 128 : i32
        %mul3A_67 = arith.muli %scan3A_65, %mul3A_66 : i32
        "tpu.region"() ({
          %run_scoped3A = tpu.sem_alloc : memref<!tpu.dma_semaphore, #tpu.memory_space<semaphore_mem>>
          %dma_start3A = tpu.memref_slice %arg14[%mul3A_67] : memref<3200xf32, #tpu.memory_space<vmem>> -> memref<128xf32, #tpu.memory_space<vmem>>
          %dma_start3A_68 = arith.constant 0 : i32
          %dma_start3A_69 = tpu.memref_slice %arg18[%scan3A_65, %dma_start3A_68] : memref<25x128xi32, #tpu.memory_space<vmem>> -> memref<1x128xi32, #tpu.memory_space<vmem>>
          %dma_start3A_70 = tpu.memref_squeeze %dma_start3A_69 : memref<1x128xi32, #tpu.memory_space<vmem>> -> memref<128xi32, #tpu.memory_space<vmem>>
          %dma_start3A_71 = arith.constant 0 : i32
          %dma_start3A_72 = tpu.memref_slice %arg28[%dma_start3A_71] : memref<25088xf32, #tpu.memory_space<vmem_shared>> -> memref<25088xf32, #tpu.memory_space<vmem_shared>>
          tpu.enqueue_indirect_dma source(%dma_start3A : memref<128xf32, #tpu.memory_space<vmem>>) target(%dma_start3A_72 : memref<25088xf32, #tpu.memory_space<vmem_shared>>) offsets(%dma_start3A_70 : memref<128xi32, #tpu.memory_space<vmem>>) semaphore(%run_scoped3A : memref<!tpu.dma_semaphore, #tpu.memory_space<semaphore_mem>>) {add = true}
          %dma_wait3A = tpu.memref_slice %arg14[%mul3A_67] : memref<3200xf32, #tpu.memory_space<vmem>> -> memref<128xf32, #tpu.memory_space<vmem>>
          %dma_wait3A_73 = arith.constant 0 : i32
          %dma_wait3A_74 = tpu.memref_slice %arg18[%scan3A_65, %dma_wait3A_73] : memref<25x128xi32, #tpu.memory_space<vmem>> -> memref<1x128xi32, #tpu.memory_space<vmem>>
          %dma_wait3A_75 = tpu.memref_squeeze %dma_wait3A_74 : memref<1x128xi32, #tpu.memory_space<vmem>> -> memref<128xi32, #tpu.memory_space<vmem>>
          %dma_wait3A_76 = arith.constant 0 : i32
          %dma_wait3A_77 = tpu.memref_slice %arg28[%dma_wait3A_76] : memref<25088xf32, #tpu.memory_space<vmem_shared>> -> memref<25088xf32, #tpu.memory_space<vmem_shared>>
          tpu.wait_indirect_dma semaphore(%run_scoped3A : memref<!tpu.dma_semaphore, #tpu.memory_space<semaphore_mem>>) src(%dma_wait3A : memref<128xf32, #tpu.memory_space<vmem>>) dst(%dma_wait3A_77 : memref<25088xf32, #tpu.memory_space<vmem_shared>>)
          tpu.yield
        }) : () -> ()
      }
      %scan3A_64 = arith.constant 25 : i32
    }
    %scan3A_35 = arith.constant 8 : i32
    %barrier3A_36 = arith.constant 0 : index
    tpu.barrier barrier_id(%barrier3A_36)
    %scan3A_37 = arith.constant 0 : i32
    %scan3A_38 = arith.constant 0 : i32
    %scan3A_39 = arith.constant 8 : i32
    %scan3A_40 = arith.addi %scan3A_38, %scan3A_39 : i32
    %scan3A_41 = arith.constant 1 : i32
    scf.for %scan3A_49 = %scan3A_38 to %scan3A_40 step %scan3A_41  : i32 {
      %mul3A_50 = arith.constant 3136 : i32
      %mul3A_51 = arith.muli %scan3A_49, %mul3A_50 : i32
      %mul3A_52 = arith.constant 3136 : i32
      %mul3A_53 = arith.muli %scan3A_49, %mul3A_52 : i32
      "tpu.region"() ({
        %run_scoped3A = tpu.sem_alloc : memref<!tpu.dma_semaphore, #tpu.memory_space<semaphore_mem>>
        %dma_start3A = tpu.memref_slice %arg13[%mul3A_53] : memref<25088xf32, #tpu.memory_space<vmem>> -> memref<3136xf32, #tpu.memory_space<vmem>>
        %dma_start3A_54 = tpu.memref_slice %arg28[%mul3A_51] : memref<25088xf32, #tpu.memory_space<vmem_shared>> -> memref<3136xf32, #tpu.memory_space<vmem_shared>>
        %dma_start3A_55 = tpu.memref_slice %arg13[%mul3A_53] : memref<25088xf32, #tpu.memory_space<vmem>> -> memref<3136xf32, #tpu.memory_space<vmem>>
        %dma_start3A_56 = tpu.memref_slice %arg28[%mul3A_51] : memref<25088xf32, #tpu.memory_space<vmem_shared>> -> memref<3136xf32, #tpu.memory_space<vmem_shared>>
        tpu.enqueue_dma source(%dma_start3A_56 : memref<3136xf32, #tpu.memory_space<vmem_shared>>) target(%dma_start3A_55 : memref<3136xf32, #tpu.memory_space<vmem>>) target_semaphore(%run_scoped3A : memref<!tpu.dma_semaphore, #tpu.memory_space<semaphore_mem>>)
        %dma_wait3A = tpu.memref_slice %arg13[%mul3A_53] : memref<25088xf32, #tpu.memory_space<vmem>> -> memref<3136xf32, #tpu.memory_space<vmem>>
        %dma_wait3A_57 = tpu.memref_slice %arg28[%mul3A_51] : memref<25088xf32, #tpu.memory_space<vmem_shared>> -> memref<3136xf32, #tpu.memory_space<vmem_shared>>
        %dma_wait3A_58 = tpu.memref_slice %arg13[%mul3A_53] : memref<25088xf32, #tpu.memory_space<vmem>> -> memref<3136xf32, #tpu.memory_space<vmem>>
        %dma_wait3A_59 = tpu.memref_slice %arg28[%mul3A_51] : memref<25088xf32, #tpu.memory_space<vmem_shared>> -> memref<3136xf32, #tpu.memory_space<vmem_shared>>
        tpu.wait_dma2 semaphore(%run_scoped3A : memref<!tpu.dma_semaphore, #tpu.memory_space<semaphore_mem>>) src(%dma_wait3A_59 : memref<3136xf32, #tpu.memory_space<vmem_shared>>) dst(%dma_wait3A_58 : memref<3136xf32, #tpu.memory_space<vmem>>)
        tpu.yield
      }) : () -> ()
    }
    %scan3A_42 = arith.constant 8 : i32
    %scan3A_43 = arith.constant 0 : i32
    %scan3A_44 = arith.constant 0 : i32
    %scan3A_45 = arith.constant 8 : i32
    %scan3A_46 = arith.addi %scan3A_44, %scan3A_45 : i32
    %scan3A_47 = arith.constant 1 : i32
    scf.for %scan3A_49 = %scan3A_44 to %scan3A_46 step %scan3A_47  : i32 {
      %mul3A_50 = arith.constant 1568 : i32
      %mul3A_51 = arith.muli %scan3A_49, %mul3A_50 : i32
      %scan3A_52 = arith.constant 0 : i32
      %scan3A_53 = arith.constant 0 : i32
      %scan3A_54 = arith.constant 128 : i32
      %scan3A_55 = arith.addi %scan3A_53, %scan3A_54 : i32
      %scan3A_56 = arith.constant 1 : i32
      scf.for %scan3A_80 = %scan3A_53 to %scan3A_55 step %scan3A_56  : i32 {
        %swap3A = arith.index_cast %scan3A_80 : i32 to index
        %swap3A_81 = arith.constant 0 : index
        %swap3A_82 = tpu.vector_load %arg23[%swap3A, %swap3A_81] {strides = array<i32>} : memref<128x128xf32, #tpu.memory_space<vmem>>, vector<16xf32>,
        tpu.vector_store %arg23[%swap3A, %swap3A_81], %broadcast_in_dim3A_0 {strides = array<i32>} : memref<128x128xf32, #tpu.memory_space<vmem>>, vector<16xf32>,
        %swap3A_83 = arith.index_cast %scan3A_80 : i32 to index
        %swap3A_84 = arith.constant 16 : index
        %swap3A_85 = tpu.vector_load %arg23[%swap3A_83, %swap3A_84] {strides = array<i32>} : memref<128x128xf32, #tpu.memory_space<vmem>>, vector<16xf32>,
        tpu.vector_store %arg23[%swap3A_83, %swap3A_84], %broadcast_in_dim3A_0 {strides = array<i32>} : memref<128x128xf32, #tpu.memory_space<vmem>>, vector<16xf32>,
        %swap3A_86 = arith.index_cast %scan3A_80 : i32 to index
        %swap3A_87 = arith.constant 32 : index
        %swap3A_88 = tpu.vector_load %arg23[%swap3A_86, %swap3A_87] {strides = array<i32>} : memref<128x128xf32, #tpu.memory_space<vmem>>, vector<16xf32>,
        tpu.vector_store %arg23[%swap3A_86, %swap3A_87], %broadcast_in_dim3A_0 {strides = array<i32>} : memref<128x128xf32, #tpu.memory_space<vmem>>, vector<16xf32>,
        %swap3A_89 = arith.index_cast %scan3A_80 : i32 to index
        %swap3A_90 = arith.constant 48 : index
        %swap3A_91 = tpu.vector_load %arg23[%swap3A_89, %swap3A_90] {strides = array<i32>} : memref<128x128xf32, #tpu.memory_space<vmem>>, vector<16xf32>,
        tpu.vector_store %arg23[%swap3A_89, %swap3A_90], %broadcast_in_dim3A_0 {strides = array<i32>} : memref<128x128xf32, #tpu.memory_space<vmem>>, vector<16xf32>,
        %swap3A_92 = arith.index_cast %scan3A_80 : i32 to index
        %swap3A_93 = arith.constant 64 : index
        %swap3A_94 = tpu.vector_load %arg23[%swap3A_92, %swap3A_93] {strides = array<i32>} : memref<128x128xf32, #tpu.memory_space<vmem>>, vector<16xf32>,
        tpu.vector_store %arg23[%swap3A_92, %swap3A_93], %broadcast_in_dim3A_0 {strides = array<i32>} : memref<128x128xf32, #tpu.memory_space<vmem>>, vector<16xf32>,
        %swap3A_95 = arith.index_cast %scan3A_80 : i32 to index
        %swap3A_96 = arith.constant 80 : index
        %swap3A_97 = tpu.vector_load %arg23[%swap3A_95, %swap3A_96] {strides = array<i32>} : memref<128x128xf32, #tpu.memory_space<vmem>>, vector<16xf32>,
        tpu.vector_store %arg23[%swap3A_95, %swap3A_96], %broadcast_in_dim3A_0 {strides = array<i32>} : memref<128x128xf32, #tpu.memory_space<vmem>>, vector<16xf32>,
        %swap3A_98 = arith.index_cast %scan3A_80 : i32 to index
        %swap3A_99 = arith.constant 96 : index
        %swap3A_100 = tpu.vector_load %arg23[%swap3A_98, %swap3A_99] {strides = array<i32>} : memref<128x128xf32, #tpu.memory_space<vmem>>, vector<16xf32>,
        tpu.vector_store %arg23[%swap3A_98, %swap3A_99], %broadcast_in_dim3A_0 {strides = array<i32>} : memref<128x128xf32, #tpu.memory_space<vmem>>, vector<16xf32>,
        %swap3A_101 = arith.index_cast %scan3A_80 : i32 to index
        %swap3A_102 = arith.constant 112 : index
        %swap3A_103 = tpu.vector_load %arg23[%swap3A_101, %swap3A_102] {strides = array<i32>} : memref<128x128xf32, #tpu.memory_space<vmem>>, vector<16xf32>,
        tpu.vector_store %arg23[%swap3A_101, %swap3A_102], %broadcast_in_dim3A_0 {strides = array<i32>} : memref<128x128xf32, #tpu.memory_space<vmem>>, vector<16xf32>,
      }
      %scan3A_57 = arith.constant 128 : i32
      %scan3A_58 = arith.constant 0 : i32
      %scan3A_59 = arith.constant 0 : i32
      %scan3A_60 = arith.constant 13 : i32
      %scan3A_61 = arith.addi %scan3A_59, %scan3A_60 : i32
      %scan3A_62 = arith.constant 1 : i32
      scf.for %scan3A_80 = %scan3A_59 to %scan3A_61 step %scan3A_62  : i32 {
        %jit3A = arith.constant 16 : i32
        %eq3A_81 = arith.constant 0 : i32
        %eq3A_82 = arith.cmpi eq, %jit3A, %eq3A_81 : i32
        %jit3A_83 = arith.constant 1 : i32
        %select_n3A = arith.select %eq3A_82, %jit3A_83, %jit3A : i32
        %rem3A = arith.remsi %scan3A_80, %select_n3A : i32
        %ne3A = arith.constant 0 : i32
        %ne3A_84 = arith.cmpi ne, %rem3A, %ne3A : i32
        %lt3A = arith.constant 0 : i32
        %lt3A_85 = arith.cmpi slt, %rem3A, %lt3A : i32
        %lt3A_86 = arith.constant 0 : i32
        %lt3A_87 = arith.cmpi slt, %select_n3A, %lt3A_86 : i32
        %ne3A_88 = arith.xori %lt3A_85, %lt3A_87 : i1
        %and3A = arith.andi %ne3A_88, %ne3A_84 : i1
        %add3A_89 = arith.addi %rem3A, %select_n3A : i32
        %select_n3A_90 = arith.select %and3A, %add3A_89, %rem3A : i32
        %eq3A_91 = arith.cmpi eq, %arg1, %select_n3A_90 : i32
        %convert_element_type3A_92 = arith.extui %eq3A_91 : i1 to i32
        %cond3A_93 = arith.constant 0 : i32
        %cond3A_94 = arith.cmpi ne, %convert_element_type3A_92, %cond3A_93 : i32
        scf.if %cond3A_94 {
          %mul3A_95 = arith.constant 128 : i32
          %mul3A_96 = arith.muli %scan3A_80, %mul3A_95 : i32
          "tpu.region"() ({
            %run_scoped3A = tpu.sem_alloc : memref<!tpu.dma_semaphore, #tpu.memory_space<semaphore_mem>>
            %dma_start3A = arith.constant 0 : i32
            %dma_start3A_97 = tpu.memref_slice %arg27[%mul3A_96, %dma_start3A] : memref<1664x128xf32, #tpu.memory_space<vmem_shared>> -> memref<128x128xf32, #tpu.memory_space<vmem_shared>>
            %dma_start3A_98 = arith.constant 0 : i32
            %dma_start3A_99 = tpu.memref_slice %arg27[%mul3A_96, %dma_start3A_98] : memref<1664x128xf32, #tpu.memory_space<vmem_shared>> -> memref<128x128xf32, #tpu.memory_space<vmem_shared>>
            tpu.enqueue_dma source(%arg23 : memref<128x128xf32, #tpu.memory_space<vmem>>) target(%dma_start3A_99 : memref<128x128xf32, #tpu.memory_space<vmem_shared>>) target_semaphore(%run_scoped3A : memref<!tpu.dma_semaphore, #tpu.memory_space<semaphore_mem>>)
            %dma_wait3A = arith.constant 0 : i32
            %dma_wait3A_100 = tpu.memref_slice %arg27[%mul3A_96, %dma_wait3A] : memref<1664x128xf32, #tpu.memory_space<vmem_shared>> -> memref<128x128xf32, #tpu.memory_space<vmem_shared>>
            %dma_wait3A_101 = arith.constant 0 : i32
            %dma_wait3A_102 = tpu.memref_slice %arg27[%mul3A_96, %dma_wait3A_101] : memref<1664x128xf32, #tpu.memory_space<vmem_shared>> -> memref<128x128xf32, #tpu.memory_space<vmem_shared>>
            tpu.wait_dma2 semaphore(%run_scoped3A : memref<!tpu.dma_semaphore, #tpu.memory_space<semaphore_mem>>) src(%arg23 : memref<128x128xf32, #tpu.memory_space<vmem>>) dst(%dma_wait3A_102 : memref<128x128xf32, #tpu.memory_space<vmem_shared>>)
            tpu.yield
          }) : () -> ()
        } else {
        }
      }
      %scan3A_63 = arith.constant 13 : i32
      %barrier3A_64 = arith.constant 0 : index
      tpu.barrier barrier_id(%barrier3A_64)
      %scan3A_65 = arith.constant 0 : i32
      %scan3A_66 = arith.constant 0 : i32
      %scan3A_67 = arith.constant 8 : i32
      %scan3A_68 = arith.addi %scan3A_66, %scan3A_67 : i32
      %scan3A_69 = arith.constant 1 : i32
      scf.for %scan3A_80 = %scan3A_66 to %scan3A_68 step %scan3A_69  : i32 {
        %mul3A_81 = arith.constant 3200 : i32
        %mul3A_82 = arith.muli %scan3A_80, %mul3A_81 : i32
        %add3A_83 = arith.addi %add3A, %mul3A_82 : i32
        "tpu.region"() ({
          %run_scoped3A = tpu.sem_alloc : memref<!tpu.dma_semaphore, #tpu.memory_space<semaphore_mem>>
          %dma_start3A = tpu.memref_slice %arg4[%add3A_83] : memref<819200xi32, #tpu.memory_space<hbm>> -> memref<3200xi32, #tpu.memory_space<hbm>>
          %dma_start3A_106 = tpu.memref_slice %arg4[%add3A_83] : memref<819200xi32, #tpu.memory_space<hbm>> -> memref<3200xi32, #tpu.memory_space<hbm>>
          tpu.enqueue_dma source(%dma_start3A_106 : memref<3200xi32, #tpu.memory_space<hbm>>) target(%arg15 : memref<3200xi32, #tpu.memory_space<vmem>>) target_semaphore(%run_scoped3A : memref<!tpu.dma_semaphore, #tpu.memory_space<semaphore_mem>>)
          %dma_wait3A = tpu.memref_slice %arg4[%add3A_83] : memref<819200xi32, #tpu.memory_space<hbm>> -> memref<3200xi32, #tpu.memory_space<hbm>>
          %dma_wait3A_107 = tpu.memref_slice %arg4[%add3A_83] : memref<819200xi32, #tpu.memory_space<hbm>> -> memref<3200xi32, #tpu.memory_space<hbm>>
          tpu.wait_dma2 semaphore(%run_scoped3A : memref<!tpu.dma_semaphore, #tpu.memory_space<semaphore_mem>>) src(%dma_wait3A_107 : memref<3200xi32, #tpu.memory_space<hbm>>) dst(%arg15 : memref<3200xi32, #tpu.memory_space<vmem>>)
          tpu.yield
        }) : () -> ()
        "tpu.region"() ({
          %run_scoped3A = tpu.sem_alloc : memref<!tpu.dma_semaphore, #tpu.memory_space<semaphore_mem>>
          %dma_start3A = tpu.memref_slice %arg5[%add3A_83] : memref<819200xi32, #tpu.memory_space<hbm>> -> memref<3200xi32, #tpu.memory_space<hbm>>
          %dma_start3A_106 = tpu.memref_slice %arg5[%add3A_83] : memref<819200xi32, #tpu.memory_space<hbm>> -> memref<3200xi32, #tpu.memory_space<hbm>>
          tpu.enqueue_dma source(%dma_start3A_106 : memref<3200xi32, #tpu.memory_space<hbm>>) target(%arg16 : memref<3200xi32, #tpu.memory_space<vmem>>) target_semaphore(%run_scoped3A : memref<!tpu.dma_semaphore, #tpu.memory_space<semaphore_mem>>)
          %dma_wait3A = tpu.memref_slice %arg5[%add3A_83] : memref<819200xi32, #tpu.memory_space<hbm>> -> memref<3200xi32, #tpu.memory_space<hbm>>
          %dma_wait3A_107 = tpu.memref_slice %arg5[%add3A_83] : memref<819200xi32, #tpu.memory_space<hbm>> -> memref<3200xi32, #tpu.memory_space<hbm>>
          tpu.wait_dma2 semaphore(%run_scoped3A : memref<!tpu.dma_semaphore, #tpu.memory_space<semaphore_mem>>) src(%dma_wait3A_107 : memref<3200xi32, #tpu.memory_space<hbm>>) dst(%arg16 : memref<3200xi32, #tpu.memory_space<vmem>>)
          tpu.yield
        }) : () -> ()
        "tpu.region"() ({
          %run_scoped3A = tpu.sem_alloc : memref<!tpu.dma_semaphore, #tpu.memory_space<semaphore_mem>>
          %dma_start3A = tpu.memref_slice %arg11[%add3A_83] : memref<819200xf32, #tpu.memory_space<hbm>> -> memref<3200xf32, #tpu.memory_space<hbm>>
          %dma_start3A_106 = tpu.memref_slice %arg11[%add3A_83] : memref<819200xf32, #tpu.memory_space<hbm>> -> memref<3200xf32, #tpu.memory_space<hbm>>
          tpu.enqueue_dma source(%dma_start3A_106 : memref<3200xf32, #tpu.memory_space<hbm>>) target(%arg14 : memref<3200xf32, #tpu.memory_space<vmem>>) target_semaphore(%run_scoped3A : memref<!tpu.dma_semaphore, #tpu.memory_space<semaphore_mem>>)
          %dma_wait3A = tpu.memref_slice %arg11[%add3A_83] : memref<819200xf32, #tpu.memory_space<hbm>> -> memref<3200xf32, #tpu.memory_space<hbm>>
          %dma_wait3A_107 = tpu.memref_slice %arg11[%add3A_83] : memref<819200xf32, #tpu.memory_space<hbm>> -> memref<3200xf32, #tpu.memory_space<hbm>>
          tpu.wait_dma2 semaphore(%run_scoped3A : memref<!tpu.dma_semaphore, #tpu.memory_space<semaphore_mem>>) src(%dma_wait3A_107 : memref<3200xf32, #tpu.memory_space<hbm>>) dst(%arg14 : memref<3200xf32, #tpu.memory_space<vmem>>)
          tpu.yield
        }) : () -> ()
        %scan3A_84 = arith.constant 0 : i32
        %scan3A_85 = arith.constant 0 : i32
        %scan3A_86 = arith.constant 200 : i32
        %scan3A_87 = arith.addi %scan3A_85, %scan3A_86 : i32
        %scan3A_88 = arith.constant 1 : i32
        scf.for %scan3A_106 = %scan3A_85 to %scan3A_87 step %scan3A_88  : i32 {
          %mul3A_107 = arith.constant 16 : i32
          %mul3A_108 = arith.muli %scan3A_106, %mul3A_107 : i32
          %get3A_109 = arith.index_cast %mul3A_108 : i32 to index
          %get3A_110 = tpu.vector_load %arg15[%get3A_109] {strides = array<i32>} : memref<3200xi32, #tpu.memory_space<vmem>>, vector<16xi32>,
          %shift_right_arithmetic3A = arith.constant 1 : i32
          %shift_right_arithmetic3A_111 = vector.broadcast %shift_right_arithmetic3A : i32 to vector<16xi32>
          %shift_right_arithmetic3A_112 = arith.shrsi %get3A_110, %shift_right_arithmetic3A_111 : vector<16xi32>
          %sub3A = vector.broadcast %mul3A_51 : i32 to vector<16xi32>
          %sub3A_113 = arith.subi %shift_right_arithmetic3A_112, %sub3A : vector<16xi32>
          %ge3A = arith.constant 0 : i32
          %ge3A_114 = vector.broadcast %ge3A : i32 to vector<16xi32>
          %ge3A_115 = arith.cmpi sge, %sub3A_113, %ge3A_114 : vector<16xi32>
          %lt3A = arith.constant 1568 : i32
          %lt3A_116 = vector.broadcast %lt3A : i32 to vector<16xi32>
          %lt3A_117 = arith.cmpi slt, %sub3A_113, %lt3A_116 : vector<16xi32>
          %and3A = arith.andi %ge3A_115, %lt3A_117 : vector<16xi1>
          %jit3A = arith.constant 1600 : i32
          %broadcast_in_dim3A_118 = vector.broadcast %jit3A : i32 to vector<16xi32>
          %select_n3A = arith.select %and3A, %sub3A_113, %broadcast_in_dim3A_118 : vector<16xi1>, vector<16xi32>
          %jit3A_119 = arith.constant 8 : i32
          %div3A = arith.divsi %scan3A_106, %jit3A_119 : i32
          %sign3A = arith.constant 0 : i32
          %sign3A_120 = arith.cmpi sgt, %scan3A_106, %sign3A : i32
          %sign3A_121 = arith.extui %sign3A_120 : i1 to i32
          %sign3A_122 = arith.constant 0 : i32
          %sign3A_123 = arith.cmpi slt, %scan3A_106, %sign3A_122 : i32
          %sign3A_124 = arith.extui %sign3A_123 : i1 to i32
          %sign3A_125 = arith.subi %sign3A_121, %sign3A_124 : i32
          %sign3A_126 = arith.constant 0 : i32
          %sign3A_127 = arith.cmpi sgt, %jit3A_119, %sign3A_126 : i32
          %sign3A_128 = arith.extui %sign3A_127 : i1 to i32
          %sign3A_129 = arith.constant 0 : i32
          %sign3A_130 = arith.cmpi slt, %jit3A_119, %sign3A_129 : i32
          %sign3A_131 = arith.extui %sign3A_130 : i1 to i32
          %sign3A_132 = arith.subi %sign3A_128, %sign3A_131 : i32
          %ne3A = arith.cmpi ne, %sign3A_125, %sign3A_132 : i32
          %rem3A = arith.remsi %scan3A_106, %jit3A_119 : i32
          %ne3A_133 = arith.constant 0 : i32
          %ne3A_134 = arith.cmpi ne, %rem3A, %ne3A_133 : i32
          %and3A_135 = arith.andi %ne3A, %ne3A_134 : i1
          %sub3A_136 = arith.constant 1 : i32
          %sub3A_137 = arith.subi %div3A, %sub3A_136 : i32
          %select_n3A_138 = arith.select %and3A_135, %sub3A_137, %div3A : i32
          %jit3A_139 = arith.constant 8 : i32
          %eq3A_140 = arith.constant 0 : i32
          %eq3A_141 = arith.cmpi eq, %jit3A_139, %eq3A_140 : i32
          %jit3A_142 = arith.constant 1 : i32
          %select_n3A_143 = arith.select %eq3A_141, %jit3A_142, %jit3A_139 : i32
          %rem3A_144 = arith.remsi %scan3A_106, %select_n3A_143 : i32
          %ne3A_145 = arith.constant 0 : i32
          %ne3A_146 = arith.cmpi ne, %rem3A_144, %ne3A_145 : i32
          %lt3A_147 = arith.constant 0 : i32
          %lt3A_148 = arith.cmpi slt, %rem3A_144, %lt3A_147 : i32
          %lt3A_149 = arith.constant 0 : i32
          %lt3A_150 = arith.cmpi slt, %select_n3A_143, %lt3A_149 : i32
          %ne3A_151 = arith.xori %lt3A_148, %lt3A_150 : i1
          %and3A_152 = arith.andi %ne3A_151, %ne3A_146 : i1
          %add3A_153 = arith.addi %rem3A_144, %select_n3A_143 : i32
          %select_n3A_154 = arith.select %and3A_152, %add3A_153, %rem3A_144 : i32
          %mul3A_155 = arith.constant 16 : i32
          %mul3A_156 = arith.muli %select_n3A_154, %mul3A_155 : i32
          %swap3A = arith.index_cast %select_n3A_138 : i32 to index
          %swap3A_157 = arith.index_cast %mul3A_156 : i32 to index
          %swap3A_158 = tpu.vector_load %arg18[%swap3A, %swap3A_157] {strides = array<i32>} : memref<25x128xi32, #tpu.memory_space<vmem>>, vector<16xi32>,
          tpu.vector_store %arg18[%swap3A, %swap3A_157], %select_n3A {strides = array<i32>} : memref<25x128xi32, #tpu.memory_space<vmem>>, vector<16xi32>,
          %mul3A_159 = arith.constant 16 : i32
          %mul3A_160 = arith.muli %scan3A_106, %mul3A_159 : i32
          %get3A_161 = arith.index_cast %mul3A_160 : i32 to index
          %get3A_162 = tpu.vector_load %arg16[%get3A_161] {strides = array<i32>} : memref<3200xi32, #tpu.memory_space<vmem>>, vector<16xi32>,
          %mul3A_163 = arith.constant 25000 : i32
          %mul3A_164 = arith.muli %arg0, %mul3A_163 : i32
          %add3A_165 = vector.broadcast %mul3A_164 : i32 to vector<16xi32>
          %add3A_166 = arith.addi %get3A_162, %add3A_165 : vector<16xi32>
          %jit3A_167 = arith.constant 8 : i32
          %div3A_168 = arith.divsi %scan3A_106, %jit3A_167 : i32
          %sign3A_169 = arith.constant 0 : i32
          %sign3A_170 = arith.cmpi sgt, %scan3A_106, %sign3A_169 : i32
          %sign3A_171 = arith.extui %sign3A_170 : i1 to i32
          %sign3A_172 = arith.constant 0 : i32
          %sign3A_173 = arith.cmpi slt, %scan3A_106, %sign3A_172 : i32
          %sign3A_174 = arith.extui %sign3A_173 : i1 to i32
          %sign3A_175 = arith.subi %sign3A_171, %sign3A_174 : i32
          %sign3A_176 = arith.constant 0 : i32
          %sign3A_177 = arith.cmpi sgt, %jit3A_167, %sign3A_176 : i32
          %sign3A_178 = arith.extui %sign3A_177 : i1 to i32
          %sign3A_179 = arith.constant 0 : i32
          %sign3A_180 = arith.cmpi slt, %jit3A_167, %sign3A_179 : i32
          %sign3A_181 = arith.extui %sign3A_180 : i1 to i32
          %sign3A_182 = arith.subi %sign3A_178, %sign3A_181 : i32
          %ne3A_183 = arith.cmpi ne, %sign3A_175, %sign3A_182 : i32
          %rem3A_184 = arith.remsi %scan3A_106, %jit3A_167 : i32
          %ne3A_185 = arith.constant 0 : i32
          %ne3A_186 = arith.cmpi ne, %rem3A_184, %ne3A_185 : i32
          %and3A_187 = arith.andi %ne3A_183, %ne3A_186 : i1
          %sub3A_188 = arith.constant 1 : i32
          %sub3A_189 = arith.subi %div3A_168, %sub3A_188 : i32
          %select_n3A_190 = arith.select %and3A_187, %sub3A_189, %div3A_168 : i32
          %jit3A_191 = arith.constant 8 : i32
          %eq3A_192 = arith.constant 0 : i32
          %eq3A_193 = arith.cmpi eq, %jit3A_191, %eq3A_192 : i32
          %jit3A_194 = arith.constant 1 : i32
          %select_n3A_195 = arith.select %eq3A_193, %jit3A_194, %jit3A_191 : i32
          %rem3A_196 = arith.remsi %scan3A_106, %select_n3A_195 : i32
          %ne3A_197 = arith.constant 0 : i32
          %ne3A_198 = arith.cmpi ne, %rem3A_196, %ne3A_197 : i32
          %lt3A_199 = arith.constant 0 : i32
          %lt3A_200 = arith.cmpi slt, %rem3A_196, %lt3A_199 : i32
          %lt3A_201 = arith.constant 0 : i32
          %lt3A_202 = arith.cmpi slt, %select_n3A_195, %lt3A_201 : i32
          %ne3A_203 = arith.xori %lt3A_200, %lt3A_202 : i1
          %and3A_204 = arith.andi %ne3A_203, %ne3A_198 : i1
          %add3A_205 = arith.addi %rem3A_196, %select_n3A_195 : i32
          %select_n3A_206 = arith.select %and3A_204, %add3A_205, %rem3A_196 : i32
          %mul3A_207 = arith.constant 16 : i32
          %mul3A_208 = arith.muli %select_n3A_206, %mul3A_207 : i32
          %swap3A_209 = arith.index_cast %select_n3A_190 : i32 to index
          %swap3A_210 = arith.index_cast %mul3A_208 : i32 to index
          %swap3A_211 = tpu.vector_load %arg19[%swap3A_209, %swap3A_210] {strides = array<i32>} : memref<25x128xi32, #tpu.memory_space<vmem>>, vector<16xi32>,
          tpu.vector_store %arg19[%swap3A_209, %swap3A_210], %add3A_166 {strides = array<i32>} : memref<25x128xi32, #tpu.memory_space<vmem>>, vector<16xi32>,
          %gather3A = tpu.vector_load_idx %arg13[%get3A_110] : memref<25088xf32, #tpu.memory_space<vmem>>[vector<16xi32>], vector<16xf32>,
          %mul3A_212 = arith.constant 16 : i32
          %mul3A_213 = arith.muli %scan3A_106, %mul3A_212 : i32
          %get3A_214 = arith.index_cast %mul3A_213 : i32 to index
          %get3A_215 = tpu.vector_load %arg14[%get3A_214] {strides = array<i32>} : memref<3200xf32, #tpu.memory_space<vmem>>, vector<16xf32>,
          %add3A_216 = arith.constant 1.000000e-16 : f32
          %add3A_217 = vector.broadcast %add3A_216 : f32 to vector<16xf32>
          %add3A_218 = arith.addf %gather3A, %add3A_217 : vector<16xf32>
          %div3A_219 = arith.divf %get3A_215, %add3A_218 : vector<16xf32>
          %and3A_220 = arith.constant 1 : i32
          %and3A_221 = vector.broadcast %and3A_220 : i32 to vector<16xi32>
          %and3A_222 = arith.andi %get3A_110, %and3A_221 : vector<16xi32>
          %convert_element_type3A_223 = arith.sitofp %and3A_222 : vector<16xi32> to vector<16xf32>
          %sub3A_224 = arith.constant 1.000000e+00 : f32
          %sub3A_225 = vector.broadcast %sub3A_224 : f32 to vector<16xf32>
          %sub3A_226 = arith.subf %sub3A_225, %convert_element_type3A_223 : vector<16xf32>
          %mul3A_227 = arith.mulf %div3A_219, %sub3A_226 : vector<16xf32>
          %mul3A_228 = arith.constant 16 : i32
          %mul3A_229 = arith.muli %scan3A_106, %mul3A_228 : i32
          %swap3A_230 = arith.index_cast %mul3A_229 : i32 to index
          %swap3A_231 = tpu.vector_load %arg17[%swap3A_230] {strides = array<i32>} : memref<3200xf32, #tpu.memory_space<vmem>>, vector<16xf32>,
          tpu.vector_store %arg17[%swap3A_230], %mul3A_227 {strides = array<i32>} : memref<3200xf32, #tpu.memory_space<vmem>>, vector<16xf32>,
          %mul3A_232 = arith.mulf %div3A_219, %convert_element_type3A_223 : vector<16xf32>
          %mul3A_233 = arith.constant 16 : i32
          %mul3A_234 = arith.muli %scan3A_106, %mul3A_233 : i32
          %swap3A_235 = arith.index_cast %mul3A_234 : i32 to index
          %swap3A_236 = tpu.vector_load %arg20[%swap3A_235] {strides = array<i32>} : memref<3200xf32, #tpu.memory_space<vmem>>, vector<16xf32>,
          tpu.vector_store %arg20[%swap3A_235], %mul3A_232 {strides = array<i32>} : memref<3200xf32, #tpu.memory_space<vmem>>, vector<16xf32>,
        }
        %scan3A_89 = arith.constant 200 : i32
        %mul3A_90 = arith.constant 26214400 : i32
        %mul3A_91 = arith.muli %arg0, %mul3A_90 : i32
        %mul3A_92 = arith.constant 25600 : i32
        %mul3A_93 = arith.muli %arg1, %mul3A_92 : i32
        %mul3A_94 = arith.constant 3200 : i32
        %mul3A_95 = arith.muli %scan3A_80, %mul3A_94 : i32
        %add3A_96 = arith.addi %mul3A_93, %mul3A_95 : i32
        %mul3A_97 = arith.constant 64 : i32
        %mul3A_98 = arith.muli %add3A_96, %mul3A_97 : i32
        %add3A_99 = arith.addi %mul3A_91, %mul3A_98 : i32
        %scan3A_100 = arith.constant 0 : i32
        %scan3A_101 = arith.constant 0 : i32
        %scan3A_102 = arith.constant 25 : i32
        %scan3A_103 = arith.addi %scan3A_101, %scan3A_102 : i32
        %scan3A_104 = arith.constant 1 : i32
        scf.for %scan3A_106 = %scan3A_101 to %scan3A_103 step %scan3A_104  : i32 {
          %mul3A_107 = arith.constant 8192 : i32
          %mul3A_108 = arith.muli %scan3A_106, %mul3A_107 : i32
          %add3A_109 = arith.addi %add3A_99, %mul3A_108 : i32
          %dma_start3A = tpu.memref_slice %arg7[%add3A_109] : memref<52428800xf32, #tpu.memory_space<hbm>> -> memref<8192xf32, #tpu.memory_space<hbm>>
          %dma_start3A_110 = tpu.memref_slice %arg7[%add3A_109] : memref<52428800xf32, #tpu.memory_space<hbm>> -> memref<8192xf32, #tpu.memory_space<hbm>>
          tpu.enqueue_dma source(%dma_start3A_110 : memref<8192xf32, #tpu.memory_space<hbm>>) target(%arg22 : memref<8192xf32, #tpu.memory_space<vmem>>) target_semaphore(%arg26 : memref<!tpu.dma_semaphore, #tpu.memory_space<semaphore_mem>>)
          "tpu.region"() ({
            %run_scoped3A = tpu.sem_alloc : memref<!tpu.dma_semaphore, #tpu.memory_space<semaphore_mem>>
            %dma_start3A_118 = arith.constant 0 : i32
            %dma_start3A_119 = tpu.memref_slice %arg19[%scan3A_106, %dma_start3A_118] : memref<25x128xi32, #tpu.memory_space<vmem>> -> memref<1x128xi32, #tpu.memory_space<vmem>>
            %dma_start3A_120 = tpu.memref_squeeze %dma_start3A_119 : memref<1x128xi32, #tpu.memory_space<vmem>> -> memref<128xi32, #tpu.memory_space<vmem>>
            %dma_start3A_121 = arith.constant 0 : i32
            %dma_start3A_122 = arith.constant 0 : i32
            %dma_start3A_123 = tpu.memref_slice %arg8[%dma_start3A_121, %dma_start3A_122] : memref<50000x128xf32, #tpu.memory_space<hbm>> -> memref<50000x128xf32, #tpu.memory_space<hbm>>
            tpu.enqueue_indirect_dma source(%dma_start3A_123 : memref<50000x128xf32, #tpu.memory_space<hbm>>) target(%arg21 : memref<128x128xf32, #tpu.memory_space<vmem>>) offsets(%dma_start3A_120 : memref<128xi32, #tpu.memory_space<vmem>>) semaphore(%run_scoped3A : memref<!tpu.dma_semaphore, #tpu.memory_space<semaphore_mem>>)
            %dma_wait3A_124 = arith.constant 0 : i32
            %dma_wait3A_125 = tpu.memref_slice %arg19[%scan3A_106, %dma_wait3A_124] : memref<25x128xi32, #tpu.memory_space<vmem>> -> memref<1x128xi32, #tpu.memory_space<vmem>>
            %dma_wait3A_126 = tpu.memref_squeeze %dma_wait3A_125 : memref<1x128xi32, #tpu.memory_space<vmem>> -> memref<128xi32, #tpu.memory_space<vmem>>
            %dma_wait3A_127 = arith.constant 0 : i32
            %dma_wait3A_128 = arith.constant 0 : i32
            %dma_wait3A_129 = tpu.memref_slice %arg8[%dma_wait3A_127, %dma_wait3A_128] : memref<50000x128xf32, #tpu.memory_space<hbm>> -> memref<50000x128xf32, #tpu.memory_space<hbm>>
            tpu.wait_indirect_dma semaphore(%run_scoped3A : memref<!tpu.dma_semaphore, #tpu.memory_space<semaphore_mem>>) src(%dma_wait3A_129 : memref<50000x128xf32, #tpu.memory_space<hbm>>) dst(%arg21 : memref<128x128xf32, #tpu.memory_space<vmem>>)
            tpu.yield
          }) : () -> ()
          %dma_wait3A = tpu.memref_slice %arg7[%add3A_109] : memref<52428800xf32, #tpu.memory_space<hbm>> -> memref<8192xf32, #tpu.memory_space<hbm>>
          %dma_wait3A_111 = tpu.memref_slice %arg7[%add3A_109] : memref<52428800xf32, #tpu.memory_space<hbm>> -> memref<8192xf32, #tpu.memory_space<hbm>>
          tpu.wait_dma2 semaphore(%arg26 : memref<!tpu.dma_semaphore, #tpu.memory_space<semaphore_mem>>) src(%dma_wait3A_111 : memref<8192xf32, #tpu.memory_space<hbm>>) dst(%arg22 : memref<8192xf32, #tpu.memory_space<vmem>>)
          %scan3A_112 = arith.constant 0 : i32
          %scan3A_113 = arith.constant 0 : i32
          %scan3A_114 = arith.constant 128 : i32
          %scan3A_115 = arith.addi %scan3A_113, %scan3A_114 : i32
          %scan3A_116 = arith.constant 1 : i32
          scf.for %scan3A_118 = %scan3A_113 to %scan3A_115 step %scan3A_116  : i32 {
            %mul3A_119 = arith.constant 128 : i32
            %mul3A_120 = arith.muli %scan3A_106, %mul3A_119 : i32
            %add3A_121 = arith.addi %mul3A_120, %scan3A_118 : i32
            %broadcast_in_dim3A_122 = vector.broadcast %add3A_121 : i32 to vector<16xi32>
            %gather3A = tpu.vector_load_idx %arg17[%broadcast_in_dim3A_122] : memref<3200xf32, #tpu.memory_space<vmem>>[vector<16xi32>], vector<16xf32>,
            %gather3A_123 = tpu.vector_load_idx %arg20[%broadcast_in_dim3A_122] : memref<3200xf32, #tpu.memory_space<vmem>>[vector<16xi32>], vector<16xf32>,
            %get3A_124 = arith.index_cast %scan3A_118 : i32 to index
            %get3A_125 = arith.constant 0 : index
            %get3A_126 = tpu.vector_load %arg21[%get3A_124, %get3A_125] {strides = array<i32>} : memref<128x128xf32, #tpu.memory_space<vmem>>, vector<16xf32>,
            %mul3A_127 = arith.constant 64 : i32
            %mul3A_128 = arith.muli %scan3A_118, %mul3A_127 : i32
            %add3A_129 = arith.constant 0 : i32
            %add3A_130 = arith.addi %mul3A_128, %add3A_129 : i32
            %get3A_131 = arith.index_cast %add3A_130 : i32 to index
            %get3A_132 = tpu.vector_load %arg22[%get3A_131] {strides = array<i32>} : memref<8192xf32, #tpu.memory_space<vmem>>, vector<16xf32>,
            %add3A_133 = arith.addf %get3A_126, %get3A_132 : vector<16xf32>
            %mul3A_134 = arith.mulf %add3A_133, %gather3A : vector<16xf32>
            %swap3A = arith.index_cast %scan3A_118 : i32 to index
            %swap3A_135 = arith.constant 0 : index
            %swap3A_136 = tpu.vector_load %arg23[%swap3A, %swap3A_135] {strides = array<i32>} : memref<128x128xf32, #tpu.memory_space<vmem>>, vector<16xf32>,
            tpu.vector_store %arg23[%swap3A, %swap3A_135], %mul3A_134 {strides = array<i32>} : memref<128x128xf32, #tpu.memory_space<vmem>>, vector<16xf32>,
            %mul3A_137 = arith.mulf %add3A_133, %gather3A_123 : vector<16xf32>
            %swap3A_138 = arith.index_cast %scan3A_118 : i32 to index
            %swap3A_139 = arith.constant 64 : index
            %swap3A_140 = tpu.vector_load %arg23[%swap3A_138, %swap3A_139] {strides = array<i32>} : memref<128x128xf32, #tpu.memory_space<vmem>>, vector<16xf32>,
            tpu.vector_store %arg23[%swap3A_138, %swap3A_139], %mul3A_137 {strides = array<i32>} : memref<128x128xf32, #tpu.memory_space<vmem>>, vector<16xf32>,
            %get3A_141 = arith.index_cast %scan3A_118 : i32 to index
            %get3A_142 = arith.constant 16 : index
            %get3A_143 = tpu.vector_load %arg21[%get3A_141, %get3A_142] {strides = array<i32>} : memref<128x128xf32, #tpu.memory_space<vmem>>, vector<16xf32>,
            %mul3A_144 = arith.constant 64 : i32
            %mul3A_145 = arith.muli %scan3A_118, %mul3A_144 : i32
            %add3A_146 = arith.constant 16 : i32
            %add3A_147 = arith.addi %mul3A_145, %add3A_146 : i32
            %get3A_148 = arith.index_cast %add3A_147 : i32 to index
            %get3A_149 = tpu.vector_load %arg22[%get3A_148] {strides = array<i32>} : memref<8192xf32, #tpu.memory_space<vmem>>, vector<16xf32>,
            %add3A_150 = arith.addf %get3A_143, %get3A_149 : vector<16xf32>
            %mul3A_151 = arith.mulf %add3A_150, %gather3A : vector<16xf32>
            %swap3A_152 = arith.index_cast %scan3A_118 : i32 to index
            %swap3A_153 = arith.constant 16 : index
            %swap3A_154 = tpu.vector_load %arg23[%swap3A_152, %swap3A_153] {strides = array<i32>} : memref<128x128xf32, #tpu.memory_space<vmem>>, vector<16xf32>,
            tpu.vector_store %arg23[%swap3A_152, %swap3A_153], %mul3A_151 {strides = array<i32>} : memref<128x128xf32, #tpu.memory_space<vmem>>, vector<16xf32>,
            %mul3A_155 = arith.mulf %add3A_150, %gather3A_123 : vector<16xf32>
            %swap3A_156 = arith.index_cast %scan3A_118 : i32 to index
            %swap3A_157 = arith.constant 80 : index
            %swap3A_158 = tpu.vector_load %arg23[%swap3A_156, %swap3A_157] {strides = array<i32>} : memref<128x128xf32, #tpu.memory_space<vmem>>, vector<16xf32>,
            tpu.vector_store %arg23[%swap3A_156, %swap3A_157], %mul3A_155 {strides = array<i32>} : memref<128x128xf32, #tpu.memory_space<vmem>>, vector<16xf32>,
            %get3A_159 = arith.index_cast %scan3A_118 : i32 to index
            %get3A_160 = arith.constant 32 : index
            %get3A_161 = tpu.vector_load %arg21[%get3A_159, %get3A_160] {strides = array<i32>} : memref<128x128xf32, #tpu.memory_space<vmem>>, vector<16xf32>,
            %mul3A_162 = arith.constant 64 : i32
            %mul3A_163 = arith.muli %scan3A_118, %mul3A_162 : i32
            %add3A_164 = arith.constant 32 : i32
            %add3A_165 = arith.addi %mul3A_163, %add3A_164 : i32
            %get3A_166 = arith.index_cast %add3A_165 : i32 to index
            %get3A_167 = tpu.vector_load %arg22[%get3A_166] {strides = array<i32>} : memref<8192xf32, #tpu.memory_space<vmem>>, vector<16xf32>,
            %add3A_168 = arith.addf %get3A_161, %get3A_167 : vector<16xf32>
            %mul3A_169 = arith.mulf %add3A_168, %gather3A : vector<16xf32>
            %swap3A_170 = arith.index_cast %scan3A_118 : i32 to index
            %swap3A_171 = arith.constant 32 : index
            %swap3A_172 = tpu.vector_load %arg23[%swap3A_170, %swap3A_171] {strides = array<i32>} : memref<128x128xf32, #tpu.memory_space<vmem>>, vector<16xf32>,
            tpu.vector_store %arg23[%swap3A_170, %swap3A_171], %mul3A_169 {strides = array<i32>} : memref<128x128xf32, #tpu.memory_space<vmem>>, vector<16xf32>,
            %mul3A_173 = arith.mulf %add3A_168, %gather3A_123 : vector<16xf32>
            %swap3A_174 = arith.index_cast %scan3A_118 : i32 to index
            %swap3A_175 = arith.constant 96 : index
            %swap3A_176 = tpu.vector_load %arg23[%swap3A_174, %swap3A_175] {strides = array<i32>} : memref<128x128xf32, #tpu.memory_space<vmem>>, vector<16xf32>,
            tpu.vector_store %arg23[%swap3A_174, %swap3A_175], %mul3A_173 {strides = array<i32>} : memref<128x128xf32, #tpu.memory_space<vmem>>, vector<16xf32>,
            %get3A_177 = arith.index_cast %scan3A_118 : i32 to index
            %get3A_178 = arith.constant 48 : index
            %get3A_179 = tpu.vector_load %arg21[%get3A_177, %get3A_178] {strides = array<i32>} : memref<128x128xf32, #tpu.memory_space<vmem>>, vector<16xf32>,
            %mul3A_180 = arith.constant 64 : i32
            %mul3A_181 = arith.muli %scan3A_118, %mul3A_180 : i32
            %add3A_182 = arith.constant 48 : i32
            %add3A_183 = arith.addi %mul3A_181, %add3A_182 : i32
            %get3A_184 = arith.index_cast %add3A_183 : i32 to index
            %get3A_185 = tpu.vector_load %arg22[%get3A_184] {strides = array<i32>} : memref<8192xf32, #tpu.memory_space<vmem>>, vector<16xf32>,
            %add3A_186 = arith.addf %get3A_179, %get3A_185 : vector<16xf32>
            %mul3A_187 = arith.mulf %add3A_186, %gather3A : vector<16xf32>
            %swap3A_188 = arith.index_cast %scan3A_118 : i32 to index
            %swap3A_189 = arith.constant 48 : index
            %swap3A_190 = tpu.vector_load %arg23[%swap3A_188, %swap3A_189] {strides = array<i32>} : memref<128x128xf32, #tpu.memory_space<vmem>>, vector<16xf32>,
            tpu.vector_store %arg23[%swap3A_188, %swap3A_189], %mul3A_187 {strides = array<i32>} : memref<128x128xf32, #tpu.memory_space<vmem>>, vector<16xf32>,
            %mul3A_191 = arith.mulf %add3A_186, %gather3A_123 : vector<16xf32>
            %swap3A_192 = arith.index_cast %scan3A_118 : i32 to index
            %swap3A_193 = arith.constant 112 : index
            %swap3A_194 = tpu.vector_load %arg23[%swap3A_192, %swap3A_193] {strides = array<i32>} : memref<128x128xf32, #tpu.memory_space<vmem>>, vector<16xf32>,
            tpu.vector_store %arg23[%swap3A_192, %swap3A_193], %mul3A_191 {strides = array<i32>} : memref<128x128xf32, #tpu.memory_space<vmem>>, vector<16xf32>,
          }
          %scan3A_117 = arith.constant 128 : i32
          "tpu.region"() ({
            %run_scoped3A = tpu.sem_alloc : memref<!tpu.dma_semaphore, #tpu.memory_space<semaphore_mem>>
            %dma_start3A_118 = arith.constant 0 : i32
            %dma_start3A_119 = tpu.memref_slice %arg18[%scan3A_106, %dma_start3A_118] : memref<25x128xi32, #tpu.memory_space<vmem>> -> memref<1x128xi32, #tpu.memory_space<vmem>>
            %dma_start3A_120 = tpu.memref_squeeze %dma_start3A_119 : memref<1x128xi32, #tpu.memory_space<vmem>> -> memref<128xi32, #tpu.memory_space<vmem>>
            %dma_start3A_121 = arith.constant 0 : i32
            %dma_start3A_122 = arith.constant 0 : i32
            %dma_start3A_123 = tpu.memref_slice %arg27[%dma_start3A_121, %dma_start3A_122] : memref<1664x128xf32, #tpu.memory_space<vmem_shared>> -> memref<1664x128xf32, #tpu.memory_space<vmem_shared>>
            tpu.enqueue_indirect_dma source(%arg23 : memref<128x128xf32, #tpu.memory_space<vmem>>) target(%dma_start3A_123 : memref<1664x128xf32, #tpu.memory_space<vmem_shared>>) offsets(%dma_start3A_120 : memref<128xi32, #tpu.memory_space<vmem>>) semaphore(%run_scoped3A : memref<!tpu.dma_semaphore, #tpu.memory_space<semaphore_mem>>) {add = true}
            %dma_wait3A_124 = arith.constant 0 : i32
            %dma_wait3A_125 = tpu.memref_slice %arg18[%scan3A_106, %dma_wait3A_124] : memref<25x128xi32, #tpu.memory_space<vmem>> -> memref<1x128xi32, #tpu.memory_space<vmem>>
            %dma_wait3A_126 = tpu.memref_squeeze %dma_wait3A_125 : memref<1x128xi32, #tpu.memory_space<vmem>> -> memref<128xi32, #tpu.memory_space<vmem>>
            %dma_wait3A_127 = arith.constant 0 : i32
            %dma_wait3A_128 = arith.constant 0 : i32
            %dma_wait3A_129 = tpu.memref_slice %arg27[%dma_wait3A_127, %dma_wait3A_128] : memref<1664x128xf32, #tpu.memory_space<vmem_shared>> -> memref<1664x128xf32, #tpu.memory_space<vmem_shared>>
            tpu.wait_indirect_dma semaphore(%run_scoped3A : memref<!tpu.dma_semaphore, #tpu.memory_space<semaphore_mem>>) src(%arg23 : memref<128x128xf32, #tpu.memory_space<vmem>>) dst(%dma_wait3A_129 : memref<1664x128xf32, #tpu.memory_space<vmem_shared>>)
            tpu.yield
          }) : () -> ()
        }
        %scan3A_105 = arith.constant 25 : i32
      }
      %scan3A_70 = arith.constant 8 : i32
      %barrier3A_71 = arith.constant 0 : index
      tpu.barrier barrier_id(%barrier3A_71)
      %eq3A = arith.constant 0 : i32
      %eq3A_72 = arith.cmpi eq, %arg0, %eq3A : i32
      %convert_element_type3A = arith.extui %eq3A_72 : i1 to i32
      %cond3A = arith.constant 0 : i32
      %cond3A_73 = arith.cmpi ne, %convert_element_type3A, %cond3A : i32
      scf.if %cond3A_73 {
        %scan3A_80 = arith.constant 0 : i32
        %scan3A_81 = arith.constant 0 : i32
        %scan3A_82 = arith.constant 12 : i32
        %scan3A_83 = arith.addi %scan3A_81, %scan3A_82 : i32
        %scan3A_84 = arith.constant 1 : i32
        scf.for %scan3A_91 = %scan3A_81 to %scan3A_83 step %scan3A_84  : i32 {
          %jit3A = arith.constant 16 : i32
          %eq3A_92 = arith.constant 0 : i32
          %eq3A_93 = arith.cmpi eq, %jit3A, %eq3A_92 : i32
          %jit3A_94 = arith.constant 1 : i32
          %select_n3A = arith.select %eq3A_93, %jit3A_94, %jit3A : i32
          %rem3A = arith.remsi %scan3A_91, %select_n3A : i32
          %ne3A = arith.constant 0 : i32
          %ne3A_95 = arith.cmpi ne, %rem3A, %ne3A : i32
          %lt3A = arith.constant 0 : i32
          %lt3A_96 = arith.cmpi slt, %rem3A, %lt3A : i32
          %lt3A_97 = arith.constant 0 : i32
          %lt3A_98 = arith.cmpi slt, %select_n3A, %lt3A_97 : i32
          %ne3A_99 = arith.xori %lt3A_96, %lt3A_98 : i1
          %and3A = arith.andi %ne3A_99, %ne3A_95 : i1
          %add3A_100 = arith.addi %rem3A, %select_n3A : i32
          %select_n3A_101 = arith.select %and3A, %add3A_100, %rem3A : i32
          %eq3A_102 = arith.cmpi eq, %arg1, %select_n3A_101 : i32
          %convert_element_type3A_103 = arith.extui %eq3A_102 : i1 to i32
          %cond3A_104 = arith.constant 0 : i32
          %cond3A_105 = arith.cmpi ne, %convert_element_type3A_103, %cond3A_104 : i32
          scf.if %cond3A_105 {
            %mul3A_106 = arith.constant 128 : i32
            %mul3A_107 = arith.muli %scan3A_91, %mul3A_106 : i32
            %mul3A_108 = arith.constant 128 : i32
            %mul3A_109 = arith.muli %scan3A_91, %mul3A_108 : i32
            %add3A_110 = arith.addi %mul3A_51, %mul3A_109 : i32
            %run_scoped3A = arith.constant 0 : i32
            "tpu.region"() ({
              %run_scoped3A_111 = tpu.sem_alloc : memref<!tpu.dma_semaphore, #tpu.memory_space<semaphore_mem>>
              %dma_start3A = arith.constant 0 : i32
              %dma_start3A_112 = tpu.memref_slice %arg10[%run_scoped3A, %add3A_110, %dma_start3A] : memref<2x12544x128xf32, #tpu.memory_space<hbm>> -> memref<1x128x128xf32, #tpu.memory_space<hbm>>
              %dma_start3A_113 = tpu.memref_squeeze %dma_start3A_112 : memref<1x128x128xf32, #tpu.memory_space<hbm>> -> memref<128x128xf32, #tpu.memory_space<hbm>>
              %dma_start3A_114 = arith.constant 0 : i32
              %dma_start3A_115 = tpu.memref_slice %arg27[%mul3A_107, %dma_start3A_114] : memref<1664x128xf32, #tpu.memory_space<vmem_shared>> -> memref<128x128xf32, #tpu.memory_space<vmem_shared>>
              tpu.enqueue_dma source(%dma_start3A_115 : memref<128x128xf32, #tpu.memory_space<vmem_shared>>) target(%dma_start3A_113 : memref<128x128xf32, #tpu.memory_space<hbm>>) target_semaphore(%run_scoped3A_111 : memref<!tpu.dma_semaphore, #tpu.memory_space<semaphore_mem>>)
              %dma_wait3A = arith.constant 0 : i32
              %dma_wait3A_116 = tpu.memref_slice %arg10[%run_scoped3A, %add3A_110, %dma_wait3A] : memref<2x12544x128xf32, #tpu.memory_space<hbm>> -> memref<1x128x128xf32, #tpu.memory_space<hbm>>
              %dma_wait3A_117 = tpu.memref_squeeze %dma_wait3A_116 : memref<1x128x128xf32, #tpu.memory_space<hbm>> -> memref<128x128xf32, #tpu.memory_space<hbm>>
              %dma_wait3A_118 = arith.constant 0 : i32
              %dma_wait3A_119 = tpu.memref_slice %arg27[%mul3A_107, %dma_wait3A_118] : memref<1664x128xf32, #tpu.memory_space<vmem_shared>> -> memref<128x128xf32, #tpu.memory_space<vmem_shared>>
              tpu.wait_dma2 semaphore(%run_scoped3A_111 : memref<!tpu.dma_semaphore, #tpu.memory_space<semaphore_mem>>) src(%dma_wait3A_119 : memref<128x128xf32, #tpu.memory_space<vmem_shared>>) dst(%dma_wait3A_117 : memref<128x128xf32, #tpu.memory_space<hbm>>)
              tpu.yield
            }) : () -> ()
          } else {
          }
        }
        %scan3A_85 = arith.constant 12 : i32
        %eq3A_86 = arith.constant 8 : i32
        %eq3A_87 = arith.cmpi eq, %arg1, %eq3A_86 : i32
        %convert_element_type3A_88 = arith.extui %eq3A_87 : i1 to i32
        %cond3A_89 = arith.constant 0 : i32
        %cond3A_90 = arith.cmpi ne, %convert_element_type3A_88, %cond3A_89 : i32
        scf.if %cond3A_90 {
          %add3A_91 = arith.constant 1536 : i32
          %add3A_92 = arith.addi %mul3A_51, %add3A_91 : i32
          %run_scoped3A = arith.constant 0 : i32
          "tpu.region"() ({
            %run_scoped3A_93 = tpu.sem_alloc : memref<!tpu.dma_semaphore, #tpu.memory_space<semaphore_mem>>
            %dma_start3A = arith.constant 0 : i32
            %dma_start3A_94 = tpu.memref_slice %arg10[%run_scoped3A, %add3A_92, %dma_start3A] : memref<2x12544x128xf32, #tpu.memory_space<hbm>> -> memref<1x32x128xf32, #tpu.memory_space<hbm>>
            %dma_start3A_95 = tpu.memref_squeeze %dma_start3A_94 : memref<1x32x128xf32, #tpu.memory_space<hbm>> -> memref<32x128xf32, #tpu.memory_space<hbm>>
            %dma_start3A_96 = arith.constant 1536 : i32
            %dma_start3A_97 = arith.constant 0 : i32
            %dma_start3A_98 = tpu.memref_slice %arg27[%dma_start3A_96, %dma_start3A_97] : memref<1664x128xf32, #tpu.memory_space<vmem_shared>> -> memref<32x128xf32, #tpu.memory_space<vmem_shared>>
            tpu.enqueue_dma source(%dma_start3A_98 : memref<32x128xf32, #tpu.memory_space<vmem_shared>>) target(%dma_start3A_95 : memref<32x128xf32, #tpu.memory_space<hbm>>) target_semaphore(%run_scoped3A_93 : memref<!tpu.dma_semaphore, #tpu.memory_space<semaphore_mem>>)
            %dma_wait3A = arith.constant 0 : i32
            %dma_wait3A_99 = tpu.memref_slice %arg10[%run_scoped3A, %add3A_92, %dma_wait3A] : memref<2x12544x128xf32, #tpu.memory_space<hbm>> -> memref<1x32x128xf32, #tpu.memory_space<hbm>>
            %dma_wait3A_100 = tpu.memref_squeeze %dma_wait3A_99 : memref<1x32x128xf32, #tpu.memory_space<hbm>> -> memref<32x128xf32, #tpu.memory_space<hbm>>
            %dma_wait3A_101 = arith.constant 1536 : i32
            %dma_wait3A_102 = arith.constant 0 : i32
            %dma_wait3A_103 = tpu.memref_slice %arg27[%dma_wait3A_101, %dma_wait3A_102] : memref<1664x128xf32, #tpu.memory_space<vmem_shared>> -> memref<32x128xf32, #tpu.memory_space<vmem_shared>>
            tpu.wait_dma2 semaphore(%run_scoped3A_93 : memref<!tpu.dma_semaphore, #tpu.memory_space<semaphore_mem>>) src(%dma_wait3A_103 : memref<32x128xf32, #tpu.memory_space<vmem_shared>>) dst(%dma_wait3A_100 : memref<32x128xf32, #tpu.memory_space<hbm>>)
            tpu.yield
          }) : () -> ()
        } else {
        }
      } else {
      }
      %eq3A_74 = arith.constant 1 : i32
      %eq3A_75 = arith.cmpi eq, %arg0, %eq3A_74 : i32
      %convert_element_type3A_76 = arith.extui %eq3A_75 : i1 to i32
      %cond3A_77 = arith.constant 0 : i32
      %cond3A_78 = arith.cmpi ne, %convert_element_type3A_76, %cond3A_77 : i32
      scf.if %cond3A_78 {
        %scan3A_80 = arith.constant 0 : i32
        %scan3A_81 = arith.constant 0 : i32
        %scan3A_82 = arith.constant 12 : i32
        %scan3A_83 = arith.addi %scan3A_81, %scan3A_82 : i32
        %scan3A_84 = arith.constant 1 : i32
        scf.for %scan3A_91 = %scan3A_81 to %scan3A_83 step %scan3A_84  : i32 {
          %jit3A = arith.constant 16 : i32
          %eq3A_92 = arith.constant 0 : i32
          %eq3A_93 = arith.cmpi eq, %jit3A, %eq3A_92 : i32
          %jit3A_94 = arith.constant 1 : i32
          %select_n3A = arith.select %eq3A_93, %jit3A_94, %jit3A : i32
          %rem3A = arith.remsi %scan3A_91, %select_n3A : i32
          %ne3A = arith.constant 0 : i32
          %ne3A_95 = arith.cmpi ne, %rem3A, %ne3A : i32
          %lt3A = arith.constant 0 : i32
          %lt3A_96 = arith.cmpi slt, %rem3A, %lt3A : i32
          %lt3A_97 = arith.constant 0 : i32
          %lt3A_98 = arith.cmpi slt, %select_n3A, %lt3A_97 : i32
          %ne3A_99 = arith.xori %lt3A_96, %lt3A_98 : i1
          %and3A = arith.andi %ne3A_99, %ne3A_95 : i1
          %add3A_100 = arith.addi %rem3A, %select_n3A : i32
          %select_n3A_101 = arith.select %and3A, %add3A_100, %rem3A : i32
          %eq3A_102 = arith.cmpi eq, %arg1, %select_n3A_101 : i32
          %convert_element_type3A_103 = arith.extui %eq3A_102 : i1 to i32
          %cond3A_104 = arith.constant 0 : i32
          %cond3A_105 = arith.cmpi ne, %convert_element_type3A_103, %cond3A_104 : i32
          scf.if %cond3A_105 {
            %mul3A_106 = arith.constant 128 : i32
            %mul3A_107 = arith.muli %scan3A_91, %mul3A_106 : i32
            %mul3A_108 = arith.constant 128 : i32
            %mul3A_109 = arith.muli %scan3A_91, %mul3A_108 : i32
            %add3A_110 = arith.addi %mul3A_51, %mul3A_109 : i32
            %run_scoped3A = arith.constant 1 : i32
            "tpu.region"() ({
              %run_scoped3A_111 = tpu.sem_alloc : memref<!tpu.dma_semaphore, #tpu.memory_space<semaphore_mem>>
              %dma_start3A = arith.constant 0 : i32
              %dma_start3A_112 = tpu.memref_slice %arg10[%run_scoped3A, %add3A_110, %dma_start3A] : memref<2x12544x128xf32, #tpu.memory_space<hbm>> -> memref<1x128x128xf32, #tpu.memory_space<hbm>>
              %dma_start3A_113 = tpu.memref_squeeze %dma_start3A_112 : memref<1x128x128xf32, #tpu.memory_space<hbm>> -> memref<128x128xf32, #tpu.memory_space<hbm>>
              %dma_start3A_114 = arith.constant 0 : i32
              %dma_start3A_115 = tpu.memref_slice %arg27[%mul3A_107, %dma_start3A_114] : memref<1664x128xf32, #tpu.memory_space<vmem_shared>> -> memref<128x128xf32, #tpu.memory_space<vmem_shared>>
              tpu.enqueue_dma source(%dma_start3A_115 : memref<128x128xf32, #tpu.memory_space<vmem_shared>>) target(%dma_start3A_113 : memref<128x128xf32, #tpu.memory_space<hbm>>) target_semaphore(%run_scoped3A_111 : memref<!tpu.dma_semaphore, #tpu.memory_space<semaphore_mem>>)
              %dma_wait3A = arith.constant 0 : i32
              %dma_wait3A_116 = tpu.memref_slice %arg10[%run_scoped3A, %add3A_110, %dma_wait3A] : memref<2x12544x128xf32, #tpu.memory_space<hbm>> -> memref<1x128x128xf32, #tpu.memory_space<hbm>>
              %dma_wait3A_117 = tpu.memref_squeeze %dma_wait3A_116 : memref<1x128x128xf32, #tpu.memory_space<hbm>> -> memref<128x128xf32, #tpu.memory_space<hbm>>
              %dma_wait3A_118 = arith.constant 0 : i32
              %dma_wait3A_119 = tpu.memref_slice %arg27[%mul3A_107, %dma_wait3A_118] : memref<1664x128xf32, #tpu.memory_space<vmem_shared>> -> memref<128x128xf32, #tpu.memory_space<vmem_shared>>
              tpu.wait_dma2 semaphore(%run_scoped3A_111 : memref<!tpu.dma_semaphore, #tpu.memory_space<semaphore_mem>>) src(%dma_wait3A_119 : memref<128x128xf32, #tpu.memory_space<vmem_shared>>) dst(%dma_wait3A_117 : memref<128x128xf32, #tpu.memory_space<hbm>>)
              tpu.yield
            }) : () -> ()
          } else {
          }
        }
        %scan3A_85 = arith.constant 12 : i32
        %eq3A_86 = arith.constant 8 : i32
        %eq3A_87 = arith.cmpi eq, %arg1, %eq3A_86 : i32
        %convert_element_type3A_88 = arith.extui %eq3A_87 : i1 to i32
        %cond3A_89 = arith.constant 0 : i32
        %cond3A_90 = arith.cmpi ne, %convert_element_type3A_88, %cond3A_89 : i32
        scf.if %cond3A_90 {
          %add3A_91 = arith.constant 1536 : i32
          %add3A_92 = arith.addi %mul3A_51, %add3A_91 : i32
          %run_scoped3A = arith.constant 1 : i32
          "tpu.region"() ({
            %run_scoped3A_93 = tpu.sem_alloc : memref<!tpu.dma_semaphore, #tpu.memory_space<semaphore_mem>>
            %dma_start3A = arith.constant 0 : i32
            %dma_start3A_94 = tpu.memref_slice %arg10[%run_scoped3A, %add3A_92, %dma_start3A] : memref<2x12544x128xf32, #tpu.memory_space<hbm>> -> memref<1x32x128xf32, #tpu.memory_space<hbm>>
            %dma_start3A_95 = tpu.memref_squeeze %dma_start3A_94 : memref<1x32x128xf32, #tpu.memory_space<hbm>> -> memref<32x128xf32, #tpu.memory_space<hbm>>
            %dma_start3A_96 = arith.constant 1536 : i32
            %dma_start3A_97 = arith.constant 0 : i32
            %dma_start3A_98 = tpu.memref_slice %arg27[%dma_start3A_96, %dma_start3A_97] : memref<1664x128xf32, #tpu.memory_space<vmem_shared>> -> memref<32x128xf32, #tpu.memory_space<vmem_shared>>
            tpu.enqueue_dma source(%dma_start3A_98 : memref<32x128xf32, #tpu.memory_space<vmem_shared>>) target(%dma_start3A_95 : memref<32x128xf32, #tpu.memory_space<hbm>>) target_semaphore(%run_scoped3A_93 : memref<!tpu.dma_semaphore, #tpu.memory_space<semaphore_mem>>)
            %dma_wait3A = arith.constant 0 : i32
            %dma_wait3A_99 = tpu.memref_slice %arg10[%run_scoped3A, %add3A_92, %dma_wait3A] : memref<2x12544x128xf32, #tpu.memory_space<hbm>> -> memref<1x32x128xf32, #tpu.memory_space<hbm>>
            %dma_wait3A_100 = tpu.memref_squeeze %dma_wait3A_99 : memref<1x32x128xf32, #tpu.memory_space<hbm>> -> memref<32x128xf32, #tpu.memory_space<hbm>>
            %dma_wait3A_101 = arith.constant 1536 : i32
            %dma_wait3A_102 = arith.constant 0 : i32
            %dma_wait3A_103 = tpu.memref_slice %arg27[%dma_wait3A_101, %dma_wait3A_102] : memref<1664x128xf32, #tpu.memory_space<vmem_shared>> -> memref<32x128xf32, #tpu.memory_space<vmem_shared>>
            tpu.wait_dma2 semaphore(%run_scoped3A_93 : memref<!tpu.dma_semaphore, #tpu.memory_space<semaphore_mem>>) src(%dma_wait3A_103 : memref<32x128xf32, #tpu.memory_space<vmem_shared>>) dst(%dma_wait3A_100 : memref<32x128xf32, #tpu.memory_space<hbm>>)
            tpu.yield
          }) : () -> ()
        } else {
        }
      } else {
      }
      %barrier3A_79 = arith.constant 0 : index
      tpu.barrier barrier_id(%barrier3A_79)
    }
    %scan3A_48 = arith.constant 8 : i32
    return
  }
}

module attributes {stable_mosaic.version = 14 : i64} {
  func.func @_edge_body(%arg0: i32, %arg1: memref<4096x16xf32, #tpu.memory_space<vmem>>, %arg2: memref<1x16x64xf32, #tpu.memory_space<vmem>>, %arg3: memref<1x1x64xf32, #tpu.memory_space<vmem>>, %arg4: memref<1x64x64xf32, #tpu.memory_space<vmem>>, %arg5: memref<1x1x64xf32, #tpu.memory_space<vmem>>, %arg6: memref<64x64xf32, #tpu.memory_space<vmem>>, %arg7: memref<64x65xf32, #tpu.memory_space<vmem>>, %arg8: memref<1x1x65xf32, #tpu.memory_space<vmem>>, %arg9: memref<64x64xf32, #tpu.memory_space<vmem>>, %arg10: memref<64x65xf32, #tpu.memory_space<vmem>>, %arg11: memref<1x1x65xf32, #tpu.memory_space<vmem>>, %arg12: memref<4096x1xf32, #tpu.memory_space<vmem>>, %arg13: memref<4096x64xf32, #tpu.memory_space<vmem>>, %arg14: memref<4096x1xf32, #tpu.memory_space<vmem>>, %arg15: memref<4096x64xf32, #tpu.memory_space<vmem>>) attributes {dimension_semantics = [#tpu.dimension_semantics<arbitrary>], iteration_bounds = array<i64: 200>, scalar_prefetch = 0 : i64, scratch_operands = 0 : i64, tpu.core_type = #tpu.core_type<tc>, window_params = [{transform_indices = @transform_0, window_bounds = array<i64: 4096, 16>}, {transform_indices = @transform_1, window_bounds = array<i64: 1, 16, 64>}, {transform_indices = @transform_2, window_bounds = array<i64: 1, 1, 64>}, {transform_indices = @transform_3, window_bounds = array<i64: 1, 64, 64>}, {transform_indices = @transform_4, window_bounds = array<i64: 1, 1, 64>}, {pipeline_mode = #tpu.pipeline_mode<synchronous>, transform_indices = @transform_5, window_bounds = array<i64: 64, 64>}, {pipeline_mode = #tpu.pipeline_mode<synchronous>, transform_indices = @transform_6, window_bounds = array<i64: 64, 65>}, {transform_indices = @transform_7, window_bounds = array<i64: 1, 1, 65>}, {pipeline_mode = #tpu.pipeline_mode<synchronous>, transform_indices = @transform_8, window_bounds = array<i64: 64, 64>}, {pipeline_mode = #tpu.pipeline_mode<synchronous>, transform_indices = @transform_9, window_bounds = array<i64: 64, 65>}, {transform_indices = @transform_10, window_bounds = array<i64: 1, 1, 65>}, {transform_indices = @transform_11, window_bounds = array<i64: 4096, 1>}, {transform_indices = @transform_12, window_bounds = array<i64: 4096, 64>}, {transform_indices = @transform_13, window_bounds = array<i64: 4096, 1>}, {transform_indices = @transform_14, window_bounds = array<i64: 4096, 64>}]} {
    %get3A = arith.constant 0 : index
    %get3A_0 = arith.constant 0 : index
    %get3A_1 = vector.load %arg1[%get3A, %get3A_0] : memref<4096x16xf32, #tpu.memory_space<vmem>>, vector<4096x16xf32>
    %get3A_2 = arith.constant 0 : index
    %get3A_3 = arith.constant 0 : index
    %get3A_4 = arith.constant 0 : index
    %get3A_5 = vector.load %arg2[%get3A_2, %get3A_3, %get3A_4] : memref<1x16x64xf32, #tpu.memory_space<vmem>>, vector<1x16x64xf32>
    %get3A_6 = vector.shape_cast %get3A_5 : vector<1x16x64xf32> to vector<16x64xf32>
    %dot_general3A = arith.constant dense<0.000000e+00> : vector<4096x64xf32>
    %dot_general3A_7 = tpu.matmul %get3A_1, %get3A_6, %dot_general3A {dimension_numbers = #tpu.dot_dimension_numbers<[1], [0], [0], [1], [0, 0, 1, 1], [], []>, transpose_lhs_hint = false} : vector<4096x16xf32>, vector<16x64xf32>, vector<4096x64xf32> -> vector<4096x64xf32>
    %get3A_8 = arith.constant 0 : index
    %get3A_9 = arith.constant 0 : index
    %get3A_10 = arith.constant 0 : index
    %get3A_11 = vector.load %arg3[%get3A_8, %get3A_9, %get3A_10] : memref<1x1x64xf32, #tpu.memory_space<vmem>>, vector<1x1x64xf32>
    %get3A_12 = vector.shape_cast %get3A_11 : vector<1x1x64xf32> to vector<1x64xf32>
    %add3A = vector.broadcast %get3A_12 : vector<1x64xf32> to vector<4096x64xf32>
    %add3A_13 = arith.addf %dot_general3A_7, %add3A : vector<4096x64xf32>
    %max3A = arith.constant 0.000000e+00 : f32
    %max3A_14 = vector.broadcast %max3A : f32 to vector<4096x64xf32>
    %max3A_15 = arith.maximumf %add3A_13, %max3A_14 : vector<4096x64xf32>
    %get3A_16 = arith.constant 0 : index
    %get3A_17 = arith.constant 0 : index
    %get3A_18 = arith.constant 0 : index
    %get3A_19 = vector.load %arg4[%get3A_16, %get3A_17, %get3A_18] : memref<1x64x64xf32, #tpu.memory_space<vmem>>, vector<1x64x64xf32>
    %get3A_20 = vector.shape_cast %get3A_19 : vector<1x64x64xf32> to vector<64x64xf32>
    %dot_general3A_21 = arith.constant dense<0.000000e+00> : vector<4096x64xf32>
    %dot_general3A_22 = tpu.matmul %max3A_15, %get3A_20, %dot_general3A_21 {dimension_numbers = #tpu.dot_dimension_numbers<[1], [0], [0], [1], [0, 0, 1, 1], [], []>, transpose_lhs_hint = false} : vector<4096x64xf32>, vector<64x64xf32>, vector<4096x64xf32> -> vector<4096x64xf32>
    %get3A_23 = arith.constant 0 : index
    %get3A_24 = arith.constant 0 : index
    %get3A_25 = arith.constant 0 : index
    %get3A_26 = vector.load %arg5[%get3A_23, %get3A_24, %get3A_25] : memref<1x1x64xf32, #tpu.memory_space<vmem>>, vector<1x1x64xf32>
    %get3A_27 = vector.shape_cast %get3A_26 : vector<1x1x64xf32> to vector<1x64xf32>
    %add3A_28 = vector.broadcast %get3A_27 : vector<1x64xf32> to vector<4096x64xf32>
    %add3A_29 = arith.addf %dot_general3A_22, %add3A_28 : vector<4096x64xf32>
    %get3A_30 = arith.constant 0 : index
    %get3A_31 = arith.constant 0 : index
    %get3A_32 = vector.load %arg6[%get3A_30, %get3A_31] : memref<64x64xf32, #tpu.memory_space<vmem>>, vector<64x64xf32>
    %dot_general3A_33 = arith.constant dense<0.000000e+00> : vector<4096x64xf32>
    %dot_general3A_34 = tpu.matmul %add3A_29, %get3A_32, %dot_general3A_33 {dimension_numbers = #tpu.dot_dimension_numbers<[1], [0], [0], [1], [0, 0, 1, 1], [], []>, transpose_lhs_hint = false} : vector<4096x64xf32>, vector<64x64xf32>, vector<4096x64xf32> -> vector<4096x64xf32>
    %ge3A = arith.constant 0.000000e+00 : f32
    %ge3A_35 = vector.broadcast %ge3A : f32 to vector<4096x64xf32>
    %ge3A_36 = arith.cmpf oge, %dot_general3A_34, %ge3A_35 : vector<4096x64xf32>
    %mul3A = arith.constant 2.000000e-01 : f32
    %mul3A_37 = vector.broadcast %mul3A : f32 to vector<4096x64xf32>
    %mul3A_38 = arith.mulf %mul3A_37, %dot_general3A_34 : vector<4096x64xf32>
    %select_n3A = arith.select %ge3A_36, %dot_general3A_34, %mul3A_38 : vector<4096x64xi1>, vector<4096x64xf32>
    %get3A_39 = arith.constant 0 : index
    %get3A_40 = arith.constant 0 : index
    %get3A_41 = vector.load %arg7[%get3A_39, %get3A_40] : memref<64x65xf32, #tpu.memory_space<vmem>>, vector<64x65xf32>
    %dot_general3A_42 = arith.constant dense<0.000000e+00> : vector<4096x65xf32>
    %dot_general3A_43 = tpu.matmul %select_n3A, %get3A_41, %dot_general3A_42 {dimension_numbers = #tpu.dot_dimension_numbers<[1], [0], [0], [1], [0, 0, 1, 1], [], []>, transpose_lhs_hint = false} : vector<4096x64xf32>, vector<64x65xf32>, vector<4096x65xf32> -> vector<4096x65xf32>
    %get3A_44 = arith.constant 0 : index
    %get3A_45 = arith.constant 0 : index
    %get3A_46 = arith.constant 0 : index
    %get3A_47 = vector.load %arg8[%get3A_44, %get3A_45, %get3A_46] : memref<1x1x65xf32, #tpu.memory_space<vmem>>, vector<1x1x65xf32>
    %get3A_48 = vector.shape_cast %get3A_47 : vector<1x1x65xf32> to vector<1x65xf32>
    %add3A_49 = vector.broadcast %get3A_48 : vector<1x65xf32> to vector<4096x65xf32>
    %add3A_50 = arith.addf %dot_general3A_43, %add3A_49 : vector<4096x65xf32>
    %slice3A = vector.extract_strided_slice %add3A_50 {offsets = [0, 0], sizes = [4096, 1], strides = [1, 1]} : vector<4096x65xf32> to vector<4096x1xf32>
    %swap3A = arith.constant 0 : index
    %swap3A_51 = arith.constant 0 : index
    %swap3A_52 = vector.load %arg12[%swap3A, %swap3A_51] : memref<4096x1xf32, #tpu.memory_space<vmem>>, vector<4096x1xf32>
    tpu.vector_store %arg12[%swap3A, %swap3A_51], %slice3A {strides = array<i32>} : memref<4096x1xf32, #tpu.memory_space<vmem>>, vector<4096x1xf32>,
    %slice3A_53 = vector.extract_strided_slice %add3A_50 {offsets = [0, 1], sizes = [4096, 64], strides = [1, 1]} : vector<4096x65xf32> to vector<4096x64xf32>
    %swap3A_54 = arith.constant 0 : index
    %swap3A_55 = arith.constant 0 : index
    %swap3A_56 = vector.load %arg13[%swap3A_54, %swap3A_55] : memref<4096x64xf32, #tpu.memory_space<vmem>>, vector<4096x64xf32>
    tpu.vector_store %arg13[%swap3A_54, %swap3A_55], %slice3A_53 {strides = array<i32>} : memref<4096x64xf32, #tpu.memory_space<vmem>>, vector<4096x64xf32>,
    %get3A_57 = arith.constant 0 : index
    %get3A_58 = arith.constant 0 : index
    %get3A_59 = vector.load %arg9[%get3A_57, %get3A_58] : memref<64x64xf32, #tpu.memory_space<vmem>>, vector<64x64xf32>
    %dot_general3A_60 = arith.constant dense<0.000000e+00> : vector<4096x64xf32>
    %dot_general3A_61 = tpu.matmul %add3A_29, %get3A_59, %dot_general3A_60 {dimension_numbers = #tpu.dot_dimension_numbers<[1], [0], [0], [1], [0, 0, 1, 1], [], []>, transpose_lhs_hint = false} : vector<4096x64xf32>, vector<64x64xf32>, vector<4096x64xf32> -> vector<4096x64xf32>
    %ge3A_62 = arith.constant 0.000000e+00 : f32
    %ge3A_63 = vector.broadcast %ge3A_62 : f32 to vector<4096x64xf32>
    %ge3A_64 = arith.cmpf oge, %dot_general3A_61, %ge3A_63 : vector<4096x64xf32>
    %mul3A_65 = arith.constant 2.000000e-01 : f32
    %mul3A_66 = vector.broadcast %mul3A_65 : f32 to vector<4096x64xf32>
    %mul3A_67 = arith.mulf %mul3A_66, %dot_general3A_61 : vector<4096x64xf32>
    %select_n3A_68 = arith.select %ge3A_64, %dot_general3A_61, %mul3A_67 : vector<4096x64xi1>, vector<4096x64xf32>
    %get3A_69 = arith.constant 0 : index
    %get3A_70 = arith.constant 0 : index
    %get3A_71 = vector.load %arg10[%get3A_69, %get3A_70] : memref<64x65xf32, #tpu.memory_space<vmem>>, vector<64x65xf32>
    %dot_general3A_72 = arith.constant dense<0.000000e+00> : vector<4096x65xf32>
    %dot_general3A_73 = tpu.matmul %select_n3A_68, %get3A_71, %dot_general3A_72 {dimension_numbers = #tpu.dot_dimension_numbers<[1], [0], [0], [1], [0, 0, 1, 1], [], []>, transpose_lhs_hint = false} : vector<4096x64xf32>, vector<64x65xf32>, vector<4096x65xf32> -> vector<4096x65xf32>
    %get3A_74 = arith.constant 0 : index
    %get3A_75 = arith.constant 0 : index
    %get3A_76 = arith.constant 0 : index
    %get3A_77 = vector.load %arg11[%get3A_74, %get3A_75, %get3A_76] : memref<1x1x65xf32, #tpu.memory_space<vmem>>, vector<1x1x65xf32>
    %get3A_78 = vector.shape_cast %get3A_77 : vector<1x1x65xf32> to vector<1x65xf32>
    %add3A_79 = vector.broadcast %get3A_78 : vector<1x65xf32> to vector<4096x65xf32>
    %add3A_80 = arith.addf %dot_general3A_73, %add3A_79 : vector<4096x65xf32>
    %slice3A_81 = vector.extract_strided_slice %add3A_80 {offsets = [0, 0], sizes = [4096, 1], strides = [1, 1]} : vector<4096x65xf32> to vector<4096x1xf32>
    %swap3A_82 = arith.constant 0 : index
    %swap3A_83 = arith.constant 0 : index
    %swap3A_84 = vector.load %arg14[%swap3A_82, %swap3A_83] : memref<4096x1xf32, #tpu.memory_space<vmem>>, vector<4096x1xf32>
    tpu.vector_store %arg14[%swap3A_82, %swap3A_83], %slice3A_81 {strides = array<i32>} : memref<4096x1xf32, #tpu.memory_space<vmem>>, vector<4096x1xf32>,
    %slice3A_85 = vector.extract_strided_slice %add3A_80 {offsets = [0, 1], sizes = [4096, 64], strides = [1, 1]} : vector<4096x65xf32> to vector<4096x64xf32>
    %swap3A_86 = arith.constant 0 : index
    %swap3A_87 = arith.constant 0 : index
    %swap3A_88 = vector.load %arg15[%swap3A_86, %swap3A_87] : memref<4096x64xf32, #tpu.memory_space<vmem>>, vector<4096x64xf32>
    tpu.vector_store %arg15[%swap3A_86, %swap3A_87], %slice3A_85 {strides = array<i32>} : memref<4096x64xf32, #tpu.memory_space<vmem>>, vector<4096x64xf32>,
    return
  }
  func.func @transform_0(%arg0: i32) -> (i32, i32) {
    %c0_i32 = arith.constant 0 : i32
    %c0_i32_0 = arith.constant 0 : i32
    return %arg0, %c0_i32 : i32, i32
  }
  func.func @transform_1(%arg0: i32) -> (i32, i32, i32) {
    %jit3A = arith.constant 100 : i32
    %div3A = arith.divsi %arg0, %jit3A : i32
    %sign3A = arith.constant 0 : i32
    %sign3A_0 = arith.cmpi sgt, %arg0, %sign3A : i32
    %sign3A_1 = arith.extui %sign3A_0 : i1 to i32
    %sign3A_2 = arith.constant 0 : i32
    %sign3A_3 = arith.cmpi slt, %arg0, %sign3A_2 : i32
    %sign3A_4 = arith.extui %sign3A_3 : i1 to i32
    %sign3A_5 = arith.subi %sign3A_1, %sign3A_4 : i32
    %sign3A_6 = arith.constant 0 : i32
    %sign3A_7 = arith.cmpi sgt, %jit3A, %sign3A_6 : i32
    %sign3A_8 = arith.extui %sign3A_7 : i1 to i32
    %sign3A_9 = arith.constant 0 : i32
    %sign3A_10 = arith.cmpi slt, %jit3A, %sign3A_9 : i32
    %sign3A_11 = arith.extui %sign3A_10 : i1 to i32
    %sign3A_12 = arith.subi %sign3A_8, %sign3A_11 : i32
    %ne3A = arith.cmpi ne, %sign3A_5, %sign3A_12 : i32
    %rem3A = arith.remsi %arg0, %jit3A : i32
    %ne3A_13 = arith.constant 0 : i32
    %ne3A_14 = arith.cmpi ne, %rem3A, %ne3A_13 : i32
    %and3A = arith.andi %ne3A, %ne3A_14 : i1
    %sub3A = arith.constant 1 : i32
    %sub3A_15 = arith.subi %div3A, %sub3A : i32
    %select_n3A = arith.select %and3A, %sub3A_15, %div3A : i32
    %c0_i32 = arith.constant 0 : i32
    %c0_i32_16 = arith.constant 0 : i32
    %c0_i32_17 = arith.constant 0 : i32
    return %select_n3A, %c0_i32, %c0_i32_16 : i32, i32, i32
  }
  func.func @transform_2(%arg0: i32) -> (i32, i32, i32) {
    %jit3A = arith.constant 100 : i32
    %div3A = arith.divsi %arg0, %jit3A : i32
    %sign3A = arith.constant 0 : i32
    %sign3A_0 = arith.cmpi sgt, %arg0, %sign3A : i32
    %sign3A_1 = arith.extui %sign3A_0 : i1 to i32
    %sign3A_2 = arith.constant 0 : i32
    %sign3A_3 = arith.cmpi slt, %arg0, %sign3A_2 : i32
    %sign3A_4 = arith.extui %sign3A_3 : i1 to i32
    %sign3A_5 = arith.subi %sign3A_1, %sign3A_4 : i32
    %sign3A_6 = arith.constant 0 : i32
    %sign3A_7 = arith.cmpi sgt, %jit3A, %sign3A_6 : i32
    %sign3A_8 = arith.extui %sign3A_7 : i1 to i32
    %sign3A_9 = arith.constant 0 : i32
    %sign3A_10 = arith.cmpi slt, %jit3A, %sign3A_9 : i32
    %sign3A_11 = arith.extui %sign3A_10 : i1 to i32
    %sign3A_12 = arith.subi %sign3A_8, %sign3A_11 : i32
    %ne3A = arith.cmpi ne, %sign3A_5, %sign3A_12 : i32
    %rem3A = arith.remsi %arg0, %jit3A : i32
    %ne3A_13 = arith.constant 0 : i32
    %ne3A_14 = arith.cmpi ne, %rem3A, %ne3A_13 : i32
    %and3A = arith.andi %ne3A, %ne3A_14 : i1
    %sub3A = arith.constant 1 : i32
    %sub3A_15 = arith.subi %div3A, %sub3A : i32
    %select_n3A = arith.select %and3A, %sub3A_15, %div3A : i32
    %c0_i32 = arith.constant 0 : i32
    %c0_i32_16 = arith.constant 0 : i32
    %c0_i32_17 = arith.constant 0 : i32
    return %select_n3A, %c0_i32, %c0_i32_16 : i32, i32, i32
  }
  func.func @transform_3(%arg0: i32) -> (i32, i32, i32) {
    %jit3A = arith.constant 100 : i32
    %div3A = arith.divsi %arg0, %jit3A : i32
    %sign3A = arith.constant 0 : i32
    %sign3A_0 = arith.cmpi sgt, %arg0, %sign3A : i32
    %sign3A_1 = arith.extui %sign3A_0 : i1 to i32
    %sign3A_2 = arith.constant 0 : i32
    %sign3A_3 = arith.cmpi slt, %arg0, %sign3A_2 : i32
    %sign3A_4 = arith.extui %sign3A_3 : i1 to i32
    %sign3A_5 = arith.subi %sign3A_1, %sign3A_4 : i32
    %sign3A_6 = arith.constant 0 : i32
    %sign3A_7 = arith.cmpi sgt, %jit3A, %sign3A_6 : i32
    %sign3A_8 = arith.extui %sign3A_7 : i1 to i32
    %sign3A_9 = arith.constant 0 : i32
    %sign3A_10 = arith.cmpi slt, %jit3A, %sign3A_9 : i32
    %sign3A_11 = arith.extui %sign3A_10 : i1 to i32
    %sign3A_12 = arith.subi %sign3A_8, %sign3A_11 : i32
    %ne3A = arith.cmpi ne, %sign3A_5, %sign3A_12 : i32
    %rem3A = arith.remsi %arg0, %jit3A : i32
    %ne3A_13 = arith.constant 0 : i32
    %ne3A_14 = arith.cmpi ne, %rem3A, %ne3A_13 : i32
    %and3A = arith.andi %ne3A, %ne3A_14 : i1
    %sub3A = arith.constant 1 : i32
    %sub3A_15 = arith.subi %div3A, %sub3A : i32
    %select_n3A = arith.select %and3A, %sub3A_15, %div3A : i32
    %c0_i32 = arith.constant 0 : i32
    %c0_i32_16 = arith.constant 0 : i32
    %c0_i32_17 = arith.constant 0 : i32
    return %select_n3A, %c0_i32, %c0_i32_16 : i32, i32, i32
  }
  func.func @transform_4(%arg0: i32) -> (i32, i32, i32) {
    %jit3A = arith.constant 100 : i32
    %div3A = arith.divsi %arg0, %jit3A : i32
    %sign3A = arith.constant 0 : i32
    %sign3A_0 = arith.cmpi sgt, %arg0, %sign3A : i32
    %sign3A_1 = arith.extui %sign3A_0 : i1 to i32
    %sign3A_2 = arith.constant 0 : i32
    %sign3A_3 = arith.cmpi slt, %arg0, %sign3A_2 : i32
    %sign3A_4 = arith.extui %sign3A_3 : i1 to i32
    %sign3A_5 = arith.subi %sign3A_1, %sign3A_4 : i32
    %sign3A_6 = arith.constant 0 : i32
    %sign3A_7 = arith.cmpi sgt, %jit3A, %sign3A_6 : i32
    %sign3A_8 = arith.extui %sign3A_7 : i1 to i32
    %sign3A_9 = arith.constant 0 : i32
    %sign3A_10 = arith.cmpi slt, %jit3A, %sign3A_9 : i32
    %sign3A_11 = arith.extui %sign3A_10 : i1 to i32
    %sign3A_12 = arith.subi %sign3A_8, %sign3A_11 : i32
    %ne3A = arith.cmpi ne, %sign3A_5, %sign3A_12 : i32
    %rem3A = arith.remsi %arg0, %jit3A : i32
    %ne3A_13 = arith.constant 0 : i32
    %ne3A_14 = arith.cmpi ne, %rem3A, %ne3A_13 : i32
    %and3A = arith.andi %ne3A, %ne3A_14 : i1
    %sub3A = arith.constant 1 : i32
    %sub3A_15 = arith.subi %div3A, %sub3A : i32
    %select_n3A = arith.select %and3A, %sub3A_15, %div3A : i32
    %c0_i32 = arith.constant 0 : i32
    %c0_i32_16 = arith.constant 0 : i32
    %c0_i32_17 = arith.constant 0 : i32
    return %select_n3A, %c0_i32, %c0_i32_16 : i32, i32, i32
  }
  func.func @transform_5(%arg0: i32) -> (i32, i32) {
    %c0_i32 = arith.constant 0 : i32
    %c0_i32_0 = arith.constant 0 : i32
    %c0_i32_1 = arith.constant 0 : i32
    return %c0_i32, %c0_i32_0 : i32, i32
  }
  func.func @transform_6(%arg0: i32) -> (i32, i32) {
    %c0_i32 = arith.constant 0 : i32
    %c0_i32_0 = arith.constant 0 : i32
    %c0_i32_1 = arith.constant 0 : i32
    return %c0_i32, %c0_i32_0 : i32, i32
  }
  func.func @transform_7(%arg0: i32) -> (i32, i32, i32) {
    %jit3A = arith.constant 100 : i32
    %div3A = arith.divsi %arg0, %jit3A : i32
    %sign3A = arith.constant 0 : i32
    %sign3A_0 = arith.cmpi sgt, %arg0, %sign3A : i32
    %sign3A_1 = arith.extui %sign3A_0 : i1 to i32
    %sign3A_2 = arith.constant 0 : i32
    %sign3A_3 = arith.cmpi slt, %arg0, %sign3A_2 : i32
    %sign3A_4 = arith.extui %sign3A_3 : i1 to i32
    %sign3A_5 = arith.subi %sign3A_1, %sign3A_4 : i32
    %sign3A_6 = arith.constant 0 : i32
    %sign3A_7 = arith.cmpi sgt, %jit3A, %sign3A_6 : i32
    %sign3A_8 = arith.extui %sign3A_7 : i1 to i32
    %sign3A_9 = arith.constant 0 : i32
    %sign3A_10 = arith.cmpi slt, %jit3A, %sign3A_9 : i32
    %sign3A_11 = arith.extui %sign3A_10 : i1 to i32
    %sign3A_12 = arith.subi %sign3A_8, %sign3A_11 : i32
    %ne3A = arith.cmpi ne, %sign3A_5, %sign3A_12 : i32
    %rem3A = arith.remsi %arg0, %jit3A : i32
    %ne3A_13 = arith.constant 0 : i32
    %ne3A_14 = arith.cmpi ne, %rem3A, %ne3A_13 : i32
    %and3A = arith.andi %ne3A, %ne3A_14 : i1
    %sub3A = arith.constant 1 : i32
    %sub3A_15 = arith.subi %div3A, %sub3A : i32
    %select_n3A = arith.select %and3A, %sub3A_15, %div3A : i32
    %c0_i32 = arith.constant 0 : i32
    %c0_i32_16 = arith.constant 0 : i32
    %c0_i32_17 = arith.constant 0 : i32
    return %select_n3A, %c0_i32, %c0_i32_16 : i32, i32, i32
  }
  func.func @transform_8(%arg0: i32) -> (i32, i32) {
    %c0_i32 = arith.constant 0 : i32
    %c0_i32_0 = arith.constant 0 : i32
    %c0_i32_1 = arith.constant 0 : i32
    return %c0_i32, %c0_i32_0 : i32, i32
  }
  func.func @transform_9(%arg0: i32) -> (i32, i32) {
    %c0_i32 = arith.constant 0 : i32
    %c0_i32_0 = arith.constant 0 : i32
    %c0_i32_1 = arith.constant 0 : i32
    return %c0_i32, %c0_i32_0 : i32, i32
  }
  func.func @transform_10(%arg0: i32) -> (i32, i32, i32) {
    %jit3A = arith.constant 100 : i32
    %div3A = arith.divsi %arg0, %jit3A : i32
    %sign3A = arith.constant 0 : i32
    %sign3A_0 = arith.cmpi sgt, %arg0, %sign3A : i32
    %sign3A_1 = arith.extui %sign3A_0 : i1 to i32
    %sign3A_2 = arith.constant 0 : i32
    %sign3A_3 = arith.cmpi slt, %arg0, %sign3A_2 : i32
    %sign3A_4 = arith.extui %sign3A_3 : i1 to i32
    %sign3A_5 = arith.subi %sign3A_1, %sign3A_4 : i32
    %sign3A_6 = arith.constant 0 : i32
    %sign3A_7 = arith.cmpi sgt, %jit3A, %sign3A_6 : i32
    %sign3A_8 = arith.extui %sign3A_7 : i1 to i32
    %sign3A_9 = arith.constant 0 : i32
    %sign3A_10 = arith.cmpi slt, %jit3A, %sign3A_9 : i32
    %sign3A_11 = arith.extui %sign3A_10 : i1 to i32
    %sign3A_12 = arith.subi %sign3A_8, %sign3A_11 : i32
    %ne3A = arith.cmpi ne, %sign3A_5, %sign3A_12 : i32
    %rem3A = arith.remsi %arg0, %jit3A : i32
    %ne3A_13 = arith.constant 0 : i32
    %ne3A_14 = arith.cmpi ne, %rem3A, %ne3A_13 : i32
    %and3A = arith.andi %ne3A, %ne3A_14 : i1
    %sub3A = arith.constant 1 : i32
    %sub3A_15 = arith.subi %div3A, %sub3A : i32
    %select_n3A = arith.select %and3A, %sub3A_15, %div3A : i32
    %c0_i32 = arith.constant 0 : i32
    %c0_i32_16 = arith.constant 0 : i32
    %c0_i32_17 = arith.constant 0 : i32
    return %select_n3A, %c0_i32, %c0_i32_16 : i32, i32, i32
  }
  func.func @transform_11(%arg0: i32) -> (i32, i32) {
    %c0_i32 = arith.constant 0 : i32
    %c0_i32_0 = arith.constant 0 : i32
    return %arg0, %c0_i32 : i32, i32
  }
  func.func @transform_12(%arg0: i32) -> (i32, i32) {
    %c0_i32 = arith.constant 0 : i32
    %c0_i32_0 = arith.constant 0 : i32
    return %arg0, %c0_i32 : i32, i32
  }
  func.func @transform_13(%arg0: i32) -> (i32, i32) {
    %c0_i32 = arith.constant 0 : i32
    %c0_i32_0 = arith.constant 0 : i32
    return %arg0, %c0_i32 : i32, i32
  }
  func.func @transform_14(%arg0: i32) -> (i32, i32) {
    %c0_i32 = arith.constant 0 : i32
    %c0_i32_0 = arith.constant 0 : i32
    return %arg0, %c0_i32 : i32, i32
  }
}

module attributes {stable_mosaic.version = 14 : i64} {
  func.func @_node_body(%arg0: i32, %arg1: memref<1000x128xf32, #tpu.memory_space<vmem>>, %arg2: memref<128x64xf32, #tpu.memory_space<vmem>>, %arg3: memref<1x64xf32, #tpu.memory_space<vmem>>, %arg4: memref<64x64xf32, #tpu.memory_space<vmem>>, %arg5: memref<1x64xf32, #tpu.memory_space<vmem>>, %arg6: memref<64x66xf32, #tpu.memory_space<vmem>>, %arg7: memref<1x66xf32, #tpu.memory_space<vmem>>, %arg8: memref<1000x1xf32, #tpu.memory_space<vmem>>, %arg9: memref<1000x1xf32, #tpu.memory_space<vmem>>, %arg10: memref<1000x128xf32, #tpu.memory_space<vmem>>) attributes {dimension_semantics = [#tpu.dimension_semantics<arbitrary>], iteration_bounds = array<i64: 25>, scalar_prefetch = 0 : i64, scratch_operands = 0 : i64, tpu.core_type = #tpu.core_type<tc>, window_params = [{transform_indices = @transform_0, window_bounds = array<i64: 1000, 128>}, {pipeline_mode = #tpu.pipeline_mode<synchronous>, transform_indices = @transform_1, window_bounds = array<i64: 128, 64>}, {pipeline_mode = #tpu.pipeline_mode<synchronous>, transform_indices = @transform_2, window_bounds = array<i64: 1, 64>}, {pipeline_mode = #tpu.pipeline_mode<synchronous>, transform_indices = @transform_3, window_bounds = array<i64: 64, 64>}, {pipeline_mode = #tpu.pipeline_mode<synchronous>, transform_indices = @transform_4, window_bounds = array<i64: 1, 64>}, {pipeline_mode = #tpu.pipeline_mode<synchronous>, transform_indices = @transform_5, window_bounds = array<i64: 64, 66>}, {pipeline_mode = #tpu.pipeline_mode<synchronous>, transform_indices = @transform_6, window_bounds = array<i64: 1, 66>}, {transform_indices = @transform_7, window_bounds = array<i64: 1000, 1>}, {transform_indices = @transform_8, window_bounds = array<i64: 1000, 1>}, {transform_indices = @transform_9, window_bounds = array<i64: 1000, 128>}]} {
    %get3A = arith.constant 0 : index
    %get3A_0 = arith.constant 0 : index
    %get3A_1 = vector.load %arg1[%get3A, %get3A_0] : memref<1000x128xf32, #tpu.memory_space<vmem>>, vector<1000x128xf32>
    %get3A_2 = arith.constant 0 : index
    %get3A_3 = arith.constant 0 : index
    %get3A_4 = vector.load %arg2[%get3A_2, %get3A_3] : memref<128x64xf32, #tpu.memory_space<vmem>>, vector<128x64xf32>
    %dot_general3A = arith.constant dense<0.000000e+00> : vector<1000x64xf32>
    %dot_general3A_5 = tpu.matmul %get3A_1, %get3A_4, %dot_general3A {dimension_numbers = #tpu.dot_dimension_numbers<[1], [0], [0], [1], [0, 0, 1, 1], [], []>, transpose_lhs_hint = false} : vector<1000x128xf32>, vector<128x64xf32>, vector<1000x64xf32> -> vector<1000x64xf32>
    %get3A_6 = arith.constant 0 : index
    %get3A_7 = arith.constant 0 : index
    %get3A_8 = vector.load %arg3[%get3A_6, %get3A_7] : memref<1x64xf32, #tpu.memory_space<vmem>>, vector<1x64xf32>
    %add3A = vector.broadcast %get3A_8 : vector<1x64xf32> to vector<1000x64xf32>
    %add3A_9 = arith.addf %dot_general3A_5, %add3A : vector<1000x64xf32>
    %max3A = arith.constant 0.000000e+00 : f32
    %max3A_10 = vector.broadcast %max3A : f32 to vector<1000x64xf32>
    %max3A_11 = arith.maximumf %add3A_9, %max3A_10 : vector<1000x64xf32>
    %get3A_12 = arith.constant 0 : index
    %get3A_13 = arith.constant 0 : index
    %get3A_14 = vector.load %arg4[%get3A_12, %get3A_13] : memref<64x64xf32, #tpu.memory_space<vmem>>, vector<64x64xf32>
    %dot_general3A_15 = arith.constant dense<0.000000e+00> : vector<1000x64xf32>
    %dot_general3A_16 = tpu.matmul %max3A_11, %get3A_14, %dot_general3A_15 {dimension_numbers = #tpu.dot_dimension_numbers<[1], [0], [0], [1], [0, 0, 1, 1], [], []>, transpose_lhs_hint = false} : vector<1000x64xf32>, vector<64x64xf32>, vector<1000x64xf32> -> vector<1000x64xf32>
    %get3A_17 = arith.constant 0 : index
    %get3A_18 = arith.constant 0 : index
    %get3A_19 = vector.load %arg5[%get3A_17, %get3A_18] : memref<1x64xf32, #tpu.memory_space<vmem>>, vector<1x64xf32>
    %add3A_20 = vector.broadcast %get3A_19 : vector<1x64xf32> to vector<1000x64xf32>
    %add3A_21 = arith.addf %dot_general3A_16, %add3A_20 : vector<1000x64xf32>
    %get3A_22 = arith.constant 0 : index
    %get3A_23 = arith.constant 0 : index
    %get3A_24 = vector.load %arg6[%get3A_22, %get3A_23] : memref<64x66xf32, #tpu.memory_space<vmem>>, vector<64x66xf32>
    %dot_general3A_25 = arith.constant dense<0.000000e+00> : vector<1000x66xf32>
    %dot_general3A_26 = tpu.matmul %add3A_21, %get3A_24, %dot_general3A_25 {dimension_numbers = #tpu.dot_dimension_numbers<[1], [0], [0], [1], [0, 0, 1, 1], [], []>, transpose_lhs_hint = false} : vector<1000x64xf32>, vector<64x66xf32>, vector<1000x66xf32> -> vector<1000x66xf32>
    %get3A_27 = arith.constant 0 : index
    %get3A_28 = arith.constant 0 : index
    %get3A_29 = vector.load %arg7[%get3A_27, %get3A_28] : memref<1x66xf32, #tpu.memory_space<vmem>>, vector<1x66xf32>
    %add3A_30 = vector.broadcast %get3A_29 : vector<1x66xf32> to vector<1000x66xf32>
    %add3A_31 = arith.addf %dot_general3A_26, %add3A_30 : vector<1000x66xf32>
    %slice3A = vector.extract_strided_slice %add3A_31 {offsets = [0, 0], sizes = [1000, 1], strides = [1, 1]} : vector<1000x66xf32> to vector<1000x1xf32>
    %swap3A = arith.constant 0 : index
    %swap3A_32 = arith.constant 0 : index
    %swap3A_33 = vector.load %arg8[%swap3A, %swap3A_32] : memref<1000x1xf32, #tpu.memory_space<vmem>>, vector<1000x1xf32>
    tpu.vector_store %arg8[%swap3A, %swap3A_32], %slice3A {strides = array<i32>} : memref<1000x1xf32, #tpu.memory_space<vmem>>, vector<1000x1xf32>,
    %slice3A_34 = vector.extract_strided_slice %add3A_31 {offsets = [0, 1], sizes = [1000, 1], strides = [1, 1]} : vector<1000x66xf32> to vector<1000x1xf32>
    %swap3A_35 = arith.constant 0 : index
    %swap3A_36 = arith.constant 0 : index
    %swap3A_37 = vector.load %arg9[%swap3A_35, %swap3A_36] : memref<1000x1xf32, #tpu.memory_space<vmem>>, vector<1000x1xf32>
    tpu.vector_store %arg9[%swap3A_35, %swap3A_36], %slice3A_34 {strides = array<i32>} : memref<1000x1xf32, #tpu.memory_space<vmem>>, vector<1000x1xf32>,
    %slice3A_38 = vector.extract_strided_slice %add3A_31 {offsets = [0, 2], sizes = [1000, 64], strides = [1, 1]} : vector<1000x66xf32> to vector<1000x64xf32>
    %broadcast_in_dim3A = arith.constant 0.000000e+00 : f32
    %broadcast_in_dim3A_39 = vector.broadcast %broadcast_in_dim3A : f32 to vector<1000x64xf32>
    %concatenate3A = tpu.concatenate %slice3A_38, %broadcast_in_dim3A_39 in 1 : vector<1000x64xf32>, vector<1000x64xf32> -> vector<1000x128xf32>
    %swap3A_40 = arith.constant 0 : index
    %swap3A_41 = arith.constant 0 : index
    %swap3A_42 = vector.load %arg10[%swap3A_40, %swap3A_41] : memref<1000x128xf32, #tpu.memory_space<vmem>>, vector<1000x128xf32>
    tpu.vector_store %arg10[%swap3A_40, %swap3A_41], %concatenate3A {strides = array<i32>} : memref<1000x128xf32, #tpu.memory_space<vmem>>, vector<1000x128xf32>,
    return
  }
  func.func @transform_0(%arg0: i32) -> (i32, i32) {
    %c0_i32 = arith.constant 0 : i32
    %c0_i32_0 = arith.constant 0 : i32
    return %arg0, %c0_i32 : i32, i32
  }
  func.func @transform_1(%arg0: i32) -> (i32, i32) {
    %c0_i32 = arith.constant 0 : i32
    %c0_i32_0 = arith.constant 0 : i32
    %c0_i32_1 = arith.constant 0 : i32
    return %c0_i32, %c0_i32_0 : i32, i32
  }
  func.func @transform_2(%arg0: i32) -> (i32, i32) {
    %c0_i32 = arith.constant 0 : i32
    %c0_i32_0 = arith.constant 0 : i32
    %c0_i32_1 = arith.constant 0 : i32
    return %c0_i32, %c0_i32_0 : i32, i32
  }
  func.func @transform_3(%arg0: i32) -> (i32, i32) {
    %c0_i32 = arith.constant 0 : i32
    %c0_i32_0 = arith.constant 0 : i32
    %c0_i32_1 = arith.constant 0 : i32
    return %c0_i32, %c0_i32_0 : i32, i32
  }
  func.func @transform_4(%arg0: i32) -> (i32, i32) {
    %c0_i32 = arith.constant 0 : i32
    %c0_i32_0 = arith.constant 0 : i32
    %c0_i32_1 = arith.constant 0 : i32
    return %c0_i32, %c0_i32_0 : i32, i32
  }
  func.func @transform_5(%arg0: i32) -> (i32, i32) {
    %c0_i32 = arith.constant 0 : i32
    %c0_i32_0 = arith.constant 0 : i32
    %c0_i32_1 = arith.constant 0 : i32
    return %c0_i32, %c0_i32_0 : i32, i32
  }
  func.func @transform_6(%arg0: i32) -> (i32, i32) {
    %c0_i32 = arith.constant 0 : i32
    %c0_i32_0 = arith.constant 0 : i32
    %c0_i32_1 = arith.constant 0 : i32
    return %c0_i32, %c0_i32_0 : i32, i32
  }
  func.func @transform_7(%arg0: i32) -> (i32, i32) {
    %c0_i32 = arith.constant 0 : i32
    %c0_i32_0 = arith.constant 0 : i32
    return %arg0, %c0_i32 : i32, i32
  }
  func.func @transform_8(%arg0: i32) -> (i32, i32) {
    %c0_i32 = arith.constant 0 : i32
    %c0_i32_0 = arith.constant 0 : i32
    return %arg0, %c0_i32 : i32, i32
  }
  func.func @transform_9(%arg0: i32) -> (i32, i32) {
    %c0_i32 = arith.constant 0 : i32
    %c0_i32_0 = arith.constant 0 : i32
    return %arg0, %c0_i32 : i32, i32
  }
}

module attributes {stable_mosaic.version = 14 : i64} {
  func.func @_stats_body(%arg0: i32, %arg1: memref<2000x64xf32, #tpu.memory_space<vmem>>, %arg2: memref<2x64xf32, #tpu.memory_space<vmem>>) attributes {dimension_semantics = [#tpu.dimension_semantics<arbitrary>], iteration_bounds = array<i64: 25>, scalar_prefetch = 0 : i64, scratch_operands = 0 : i64, tpu.core_type = #tpu.core_type<tc>, window_params = [{transform_indices = @transform_0, window_bounds = array<i64: 2000, 64>}, {pipeline_mode = #tpu.pipeline_mode<synchronous>, transform_indices = @transform_1, window_bounds = array<i64: 2, 64>}]} {
    %eq3A = arith.constant 0 : i32
    %eq3A_0 = arith.cmpi eq, %arg0, %eq3A : i32
    %convert_element_type3A = arith.extui %eq3A_0 : i1 to i32
    %cond3A = arith.constant 0 : i32
    %cond3A_1 = arith.cmpi ne, %convert_element_type3A, %cond3A : i32
    scf.if %cond3A_1 {
      %broadcast_in_dim3A_20 = arith.constant 0.000000e+00 : f32
      %broadcast_in_dim3A_21 = vector.broadcast %broadcast_in_dim3A_20 : f32 to vector<2x64xf32>
      %swap3A_22 = arith.constant 0 : index
      %swap3A_23 = arith.constant 0 : index
      %swap3A_24 = vector.load %arg2[%swap3A_22, %swap3A_23] : memref<2x64xf32, #tpu.memory_space<vmem>>, vector<2x64xf32>
      tpu.vector_store %arg2[%swap3A_22, %swap3A_23], %broadcast_in_dim3A_21 {strides = array<i32>} : memref<2x64xf32, #tpu.memory_space<vmem>>, vector<2x64xf32>,
    } else {
    }
    %get3A = arith.constant 0 : index
    %get3A_2 = arith.constant 0 : index
    %get3A_3 = vector.load %arg1[%get3A, %get3A_2] : memref<2000x64xf32, #tpu.memory_space<vmem>>, vector<2000x64xf32>
    %get3A_4 = arith.constant 0 : index
    %get3A_5 = arith.constant 0 : index
    %get3A_6 = vector.load %arg2[%get3A_4, %get3A_5] : memref<2x64xf32, #tpu.memory_space<vmem>>, vector<1x64xf32>
    %reduce_sum3A = arith.constant dense<0.000000e+00> : vector<64xf32>
    %reduce_sum3A_7 = vector.multi_reduction <add>, %get3A_3, %reduce_sum3A [0] : vector<2000x64xf32> to vector<64xf32>
    %broadcast_in_dim3A = vector.shape_cast %reduce_sum3A_7 : vector<64xf32> to vector<1x64xf32>
    %add3A = arith.addf %get3A_6, %broadcast_in_dim3A : vector<1x64xf32>
    %swap3A = arith.constant 0 : index
    %swap3A_8 = arith.constant 0 : index
    %swap3A_9 = vector.load %arg2[%swap3A, %swap3A_8] : memref<2x64xf32, #tpu.memory_space<vmem>>, vector<1x64xf32>
    tpu.vector_store %arg2[%swap3A, %swap3A_8], %add3A {strides = array<i32>} : memref<2x64xf32, #tpu.memory_space<vmem>>, vector<1x64xf32>,
    %get3A_10 = arith.constant 1 : index
    %get3A_11 = arith.constant 0 : index
    %get3A_12 = vector.load %arg2[%get3A_10, %get3A_11] : memref<2x64xf32, #tpu.memory_space<vmem>>, vector<1x64xf32>
    %mul3A = arith.mulf %get3A_3, %get3A_3 : vector<2000x64xf32>
    %reduce_sum3A_13 = arith.constant dense<0.000000e+00> : vector<64xf32>
    %reduce_sum3A_14 = vector.multi_reduction <add>, %mul3A, %reduce_sum3A_13 [0] : vector<2000x64xf32> to vector<64xf32>
    %broadcast_in_dim3A_15 = vector.shape_cast %reduce_sum3A_14 : vector<64xf32> to vector<1x64xf32>
    %add3A_16 = arith.addf %get3A_12, %broadcast_in_dim3A_15 : vector<1x64xf32>
    %swap3A_17 = arith.constant 1 : index
    %swap3A_18 = arith.constant 0 : index
    %swap3A_19 = vector.load %arg2[%swap3A_17, %swap3A_18] : memref<2x64xf32, #tpu.memory_space<vmem>>, vector<1x64xf32>
    tpu.vector_store %arg2[%swap3A_17, %swap3A_18], %add3A_16 {strides = array<i32>} : memref<2x64xf32, #tpu.memory_space<vmem>>, vector<1x64xf32>,
    return
  }
  func.func @transform_0(%arg0: i32) -> (i32, i32) {
    %c0_i32 = arith.constant 0 : i32
    %c0_i32_0 = arith.constant 0 : i32
    return %arg0, %c0_i32 : i32, i32
  }
  func.func @transform_1(%arg0: i32) -> (i32, i32) {
    %c0_i32 = arith.constant 0 : i32
    %c0_i32_0 = arith.constant 0 : i32
    %c0_i32_1 = arith.constant 0 : i32
    return %c0_i32, %c0_i32_0 : i32, i32
  }
}

module attributes {stable_mosaic.version = 14 : i64} {
  func.func @_proj_body(%arg0: i32, %arg1: memref<1000x64xf32, #tpu.memory_space<vmem>>, %arg2: memref<1x64x66xf32, #tpu.memory_space<vmem>>, %arg3: memref<1x1x66xf32, #tpu.memory_space<vmem>>, %arg4: memref<1000x1xf32, #tpu.memory_space<vmem>>, %arg5: memref<1000x1xf32, #tpu.memory_space<vmem>>, %arg6: memref<1000x128xf32, #tpu.memory_space<vmem>>) attributes {dimension_semantics = [#tpu.dimension_semantics<arbitrary>], iteration_bounds = array<i64: 50>, scalar_prefetch = 0 : i64, scratch_operands = 0 : i64, tpu.core_type = #tpu.core_type<tc>, window_params = [{transform_indices = @transform_0, window_bounds = array<i64: 1000, 64>}, {transform_indices = @transform_1, window_bounds = array<i64: 1, 64, 66>}, {transform_indices = @transform_2, window_bounds = array<i64: 1, 1, 66>}, {transform_indices = @transform_3, window_bounds = array<i64: 1000, 1>}, {transform_indices = @transform_4, window_bounds = array<i64: 1000, 1>}, {transform_indices = @transform_5, window_bounds = array<i64: 1000, 128>}]} {
    %get3A = arith.constant 0 : index
    %get3A_0 = arith.constant 0 : index
    %get3A_1 = vector.load %arg1[%get3A, %get3A_0] : memref<1000x64xf32, #tpu.memory_space<vmem>>, vector<1000x64xf32>
    %get3A_2 = arith.constant 0 : index
    %get3A_3 = arith.constant 0 : index
    %get3A_4 = arith.constant 0 : index
    %get3A_5 = vector.load %arg2[%get3A_2, %get3A_3, %get3A_4] : memref<1x64x66xf32, #tpu.memory_space<vmem>>, vector<1x64x66xf32>
    %get3A_6 = vector.shape_cast %get3A_5 : vector<1x64x66xf32> to vector<64x66xf32>
    %dot_general3A = arith.constant dense<0.000000e+00> : vector<1000x66xf32>
    %dot_general3A_7 = tpu.matmul %get3A_1, %get3A_6, %dot_general3A {dimension_numbers = #tpu.dot_dimension_numbers<[1], [0], [0], [1], [0, 0, 1, 1], [], []>, transpose_lhs_hint = false} : vector<1000x64xf32>, vector<64x66xf32>, vector<1000x66xf32> -> vector<1000x66xf32>
    %get3A_8 = arith.constant 0 : index
    %get3A_9 = arith.constant 0 : index
    %get3A_10 = arith.constant 0 : index
    %get3A_11 = vector.load %arg3[%get3A_8, %get3A_9, %get3A_10] : memref<1x1x66xf32, #tpu.memory_space<vmem>>, vector<1x1x66xf32>
    %get3A_12 = vector.shape_cast %get3A_11 : vector<1x1x66xf32> to vector<1x66xf32>
    %add3A = vector.broadcast %get3A_12 : vector<1x66xf32> to vector<1000x66xf32>
    %add3A_13 = arith.addf %dot_general3A_7, %add3A : vector<1000x66xf32>
    %slice3A = vector.extract_strided_slice %add3A_13 {offsets = [0, 0], sizes = [1000, 1], strides = [1, 1]} : vector<1000x66xf32> to vector<1000x1xf32>
    %swap3A = arith.constant 0 : index
    %swap3A_14 = arith.constant 0 : index
    %swap3A_15 = vector.load %arg4[%swap3A, %swap3A_14] : memref<1000x1xf32, #tpu.memory_space<vmem>>, vector<1000x1xf32>
    tpu.vector_store %arg4[%swap3A, %swap3A_14], %slice3A {strides = array<i32>} : memref<1000x1xf32, #tpu.memory_space<vmem>>, vector<1000x1xf32>,
    %slice3A_16 = vector.extract_strided_slice %add3A_13 {offsets = [0, 1], sizes = [1000, 1], strides = [1, 1]} : vector<1000x66xf32> to vector<1000x1xf32>
    %swap3A_17 = arith.constant 0 : index
    %swap3A_18 = arith.constant 0 : index
    %swap3A_19 = vector.load %arg5[%swap3A_17, %swap3A_18] : memref<1000x1xf32, #tpu.memory_space<vmem>>, vector<1000x1xf32>
    tpu.vector_store %arg5[%swap3A_17, %swap3A_18], %slice3A_16 {strides = array<i32>} : memref<1000x1xf32, #tpu.memory_space<vmem>>, vector<1000x1xf32>,
    %slice3A_20 = vector.extract_strided_slice %add3A_13 {offsets = [0, 2], sizes = [1000, 64], strides = [1, 1]} : vector<1000x66xf32> to vector<1000x64xf32>
    %broadcast_in_dim3A = arith.constant 0.000000e+00 : f32
    %broadcast_in_dim3A_21 = vector.broadcast %broadcast_in_dim3A : f32 to vector<1000x64xf32>
    %concatenate3A = tpu.concatenate %slice3A_20, %broadcast_in_dim3A_21 in 1 : vector<1000x64xf32>, vector<1000x64xf32> -> vector<1000x128xf32>
    %swap3A_22 = arith.constant 0 : index
    %swap3A_23 = arith.constant 0 : index
    %swap3A_24 = vector.load %arg6[%swap3A_22, %swap3A_23] : memref<1000x128xf32, #tpu.memory_space<vmem>>, vector<1000x128xf32>
    tpu.vector_store %arg6[%swap3A_22, %swap3A_23], %concatenate3A {strides = array<i32>} : memref<1000x128xf32, #tpu.memory_space<vmem>>, vector<1000x128xf32>,
    return
  }
  func.func @transform_0(%arg0: i32) -> (i32, i32) {
    %c0_i32 = arith.constant 0 : i32
    %c0_i32_0 = arith.constant 0 : i32
    return %arg0, %c0_i32 : i32, i32
  }
  func.func @transform_1(%arg0: i32) -> (i32, i32, i32) {
    %jit3A = arith.constant 25 : i32
    %div3A = arith.divsi %arg0, %jit3A : i32
    %sign3A = arith.constant 0 : i32
    %sign3A_0 = arith.cmpi sgt, %arg0, %sign3A : i32
    %sign3A_1 = arith.extui %sign3A_0 : i1 to i32
    %sign3A_2 = arith.constant 0 : i32
    %sign3A_3 = arith.cmpi slt, %arg0, %sign3A_2 : i32
    %sign3A_4 = arith.extui %sign3A_3 : i1 to i32
    %sign3A_5 = arith.subi %sign3A_1, %sign3A_4 : i32
    %sign3A_6 = arith.constant 0 : i32
    %sign3A_7 = arith.cmpi sgt, %jit3A, %sign3A_6 : i32
    %sign3A_8 = arith.extui %sign3A_7 : i1 to i32
    %sign3A_9 = arith.constant 0 : i32
    %sign3A_10 = arith.cmpi slt, %jit3A, %sign3A_9 : i32
    %sign3A_11 = arith.extui %sign3A_10 : i1 to i32
    %sign3A_12 = arith.subi %sign3A_8, %sign3A_11 : i32
    %ne3A = arith.cmpi ne, %sign3A_5, %sign3A_12 : i32
    %rem3A = arith.remsi %arg0, %jit3A : i32
    %ne3A_13 = arith.constant 0 : i32
    %ne3A_14 = arith.cmpi ne, %rem3A, %ne3A_13 : i32
    %and3A = arith.andi %ne3A, %ne3A_14 : i1
    %sub3A = arith.constant 1 : i32
    %sub3A_15 = arith.subi %div3A, %sub3A : i32
    %select_n3A = arith.select %and3A, %sub3A_15, %div3A : i32
    %c0_i32 = arith.constant 0 : i32
    %c0_i32_16 = arith.constant 0 : i32
    %c0_i32_17 = arith.constant 0 : i32
    return %select_n3A, %c0_i32, %c0_i32_16 : i32, i32, i32
  }
  func.func @transform_2(%arg0: i32) -> (i32, i32, i32) {
    %jit3A = arith.constant 25 : i32
    %div3A = arith.divsi %arg0, %jit3A : i32
    %sign3A = arith.constant 0 : i32
    %sign3A_0 = arith.cmpi sgt, %arg0, %sign3A : i32
    %sign3A_1 = arith.extui %sign3A_0 : i1 to i32
    %sign3A_2 = arith.constant 0 : i32
    %sign3A_3 = arith.cmpi slt, %arg0, %sign3A_2 : i32
    %sign3A_4 = arith.extui %sign3A_3 : i1 to i32
    %sign3A_5 = arith.subi %sign3A_1, %sign3A_4 : i32
    %sign3A_6 = arith.constant 0 : i32
    %sign3A_7 = arith.cmpi sgt, %jit3A, %sign3A_6 : i32
    %sign3A_8 = arith.extui %sign3A_7 : i1 to i32
    %sign3A_9 = arith.constant 0 : i32
    %sign3A_10 = arith.cmpi slt, %jit3A, %sign3A_9 : i32
    %sign3A_11 = arith.extui %sign3A_10 : i1 to i32
    %sign3A_12 = arith.subi %sign3A_8, %sign3A_11 : i32
    %ne3A = arith.cmpi ne, %sign3A_5, %sign3A_12 : i32
    %rem3A = arith.remsi %arg0, %jit3A : i32
    %ne3A_13 = arith.constant 0 : i32
    %ne3A_14 = arith.cmpi ne, %rem3A, %ne3A_13 : i32
    %and3A = arith.andi %ne3A, %ne3A_14 : i1
    %sub3A = arith.constant 1 : i32
    %sub3A_15 = arith.subi %div3A, %sub3A : i32
    %select_n3A = arith.select %and3A, %sub3A_15, %div3A : i32
    %c0_i32 = arith.constant 0 : i32
    %c0_i32_16 = arith.constant 0 : i32
    %c0_i32_17 = arith.constant 0 : i32
    return %select_n3A, %c0_i32, %c0_i32_16 : i32, i32, i32
  }
  func.func @transform_3(%arg0: i32) -> (i32, i32) {
    %c0_i32 = arith.constant 0 : i32
    %c0_i32_0 = arith.constant 0 : i32
    return %arg0, %c0_i32 : i32, i32
  }
  func.func @transform_4(%arg0: i32) -> (i32, i32) {
    %c0_i32 = arith.constant 0 : i32
    %c0_i32_0 = arith.constant 0 : i32
    return %arg0, %c0_i32 : i32, i32
  }
  func.func @transform_5(%arg0: i32) -> (i32, i32) {
    %c0_i32 = arith.constant 0 : i32
    %c0_i32_0 = arith.constant 0 : i32
    return %arg0, %c0_i32 : i32, i32
  }
}

module attributes {stable_mosaic.version = 14 : i64} {
  func.func @_stats4_body(%arg0: i32, %arg1: memref<2000x64xf32, #tpu.memory_space<vmem>>, %arg2: memref<4x64xf32, #tpu.memory_space<vmem>>) attributes {dimension_semantics = [#tpu.dimension_semantics<arbitrary>], iteration_bounds = array<i64: 25>, scalar_prefetch = 0 : i64, scratch_operands = 0 : i64, tpu.core_type = #tpu.core_type<tc>, window_params = [{transform_indices = @transform_0, window_bounds = array<i64: 2000, 64>}, {pipeline_mode = #tpu.pipeline_mode<synchronous>, transform_indices = @transform_1, window_bounds = array<i64: 4, 64>}]} {
    %eq3A = arith.constant 0 : i32
    %eq3A_0 = arith.cmpi eq, %arg0, %eq3A : i32
    %convert_element_type3A = arith.extui %eq3A_0 : i1 to i32
    %cond3A = arith.constant 0 : i32
    %cond3A_1 = arith.cmpi ne, %convert_element_type3A, %cond3A : i32
    scf.if %cond3A_1 {
      %broadcast_in_dim3A_36 = arith.constant 0.000000e+00 : f32
      %broadcast_in_dim3A_37 = vector.broadcast %broadcast_in_dim3A_36 : f32 to vector<2x64xf32>
      %swap3A_38 = arith.constant 0 : index
      %swap3A_39 = arith.constant 0 : index
      %swap3A_40 = vector.load %arg2[%swap3A_38, %swap3A_39] : memref<4x64xf32, #tpu.memory_space<vmem>>, vector<2x64xf32>
      tpu.vector_store %arg2[%swap3A_38, %swap3A_39], %broadcast_in_dim3A_37 {strides = array<i32>} : memref<4x64xf32, #tpu.memory_space<vmem>>, vector<2x64xf32>,
      %broadcast_in_dim3A_41 = arith.constant 0xFF800000 : f32
      %broadcast_in_dim3A_42 = vector.broadcast %broadcast_in_dim3A_41 : f32 to vector<1x64xf32>
      %swap3A_43 = arith.constant 2 : index
      %swap3A_44 = arith.constant 0 : index
      %swap3A_45 = vector.load %arg2[%swap3A_43, %swap3A_44] : memref<4x64xf32, #tpu.memory_space<vmem>>, vector<1x64xf32>
      tpu.vector_store %arg2[%swap3A_43, %swap3A_44], %broadcast_in_dim3A_42 {strides = array<i32>} : memref<4x64xf32, #tpu.memory_space<vmem>>, vector<1x64xf32>,
      %broadcast_in_dim3A_46 = arith.constant 0x7F800000 : f32
      %broadcast_in_dim3A_47 = vector.broadcast %broadcast_in_dim3A_46 : f32 to vector<1x64xf32>
      %swap3A_48 = arith.constant 3 : index
      %swap3A_49 = arith.constant 0 : index
      %swap3A_50 = vector.load %arg2[%swap3A_48, %swap3A_49] : memref<4x64xf32, #tpu.memory_space<vmem>>, vector<1x64xf32>
      tpu.vector_store %arg2[%swap3A_48, %swap3A_49], %broadcast_in_dim3A_47 {strides = array<i32>} : memref<4x64xf32, #tpu.memory_space<vmem>>, vector<1x64xf32>,
    } else {
    }
    %get3A = arith.constant 0 : index
    %get3A_2 = arith.constant 0 : index
    %get3A_3 = vector.load %arg1[%get3A, %get3A_2] : memref<2000x64xf32, #tpu.memory_space<vmem>>, vector<2000x64xf32>
    %get3A_4 = arith.constant 0 : index
    %get3A_5 = arith.constant 0 : index
    %get3A_6 = vector.load %arg2[%get3A_4, %get3A_5] : memref<4x64xf32, #tpu.memory_space<vmem>>, vector<1x64xf32>
    %reduce_sum3A = arith.constant dense<0.000000e+00> : vector<64xf32>
    %reduce_sum3A_7 = vector.multi_reduction <add>, %get3A_3, %reduce_sum3A [0] : vector<2000x64xf32> to vector<64xf32>
    %broadcast_in_dim3A = vector.shape_cast %reduce_sum3A_7 : vector<64xf32> to vector<1x64xf32>
    %add3A = arith.addf %get3A_6, %broadcast_in_dim3A : vector<1x64xf32>
    %swap3A = arith.constant 0 : index
    %swap3A_8 = arith.constant 0 : index
    %swap3A_9 = vector.load %arg2[%swap3A, %swap3A_8] : memref<4x64xf32, #tpu.memory_space<vmem>>, vector<1x64xf32>
    tpu.vector_store %arg2[%swap3A, %swap3A_8], %add3A {strides = array<i32>} : memref<4x64xf32, #tpu.memory_space<vmem>>, vector<1x64xf32>,
    %get3A_10 = arith.constant 1 : index
    %get3A_11 = arith.constant 0 : index
    %get3A_12 = vector.load %arg2[%get3A_10, %get3A_11] : memref<4x64xf32, #tpu.memory_space<vmem>>, vector<1x64xf32>
    %mul3A = arith.mulf %get3A_3, %get3A_3 : vector<2000x64xf32>
    %reduce_sum3A_13 = arith.constant dense<0.000000e+00> : vector<64xf32>
    %reduce_sum3A_14 = vector.multi_reduction <add>, %mul3A, %reduce_sum3A_13 [0] : vector<2000x64xf32> to vector<64xf32>
    %broadcast_in_dim3A_15 = vector.shape_cast %reduce_sum3A_14 : vector<64xf32> to vector<1x64xf32>
    %add3A_16 = arith.addf %get3A_12, %broadcast_in_dim3A_15 : vector<1x64xf32>
    %swap3A_17 = arith.constant 1 : index
    %swap3A_18 = arith.constant 0 : index
    %swap3A_19 = vector.load %arg2[%swap3A_17, %swap3A_18] : memref<4x64xf32, #tpu.memory_space<vmem>>, vector<1x64xf32>
    tpu.vector_store %arg2[%swap3A_17, %swap3A_18], %add3A_16 {strides = array<i32>} : memref<4x64xf32, #tpu.memory_space<vmem>>, vector<1x64xf32>,
    %get3A_20 = arith.constant 2 : index
    %get3A_21 = arith.constant 0 : index
    %get3A_22 = vector.load %arg2[%get3A_20, %get3A_21] : memref<4x64xf32, #tpu.memory_space<vmem>>, vector<1x64xf32>
    %reduce_max3A = arith.constant dense<0xFF800000> : vector<64xf32>
    %reduce_max3A_23 = vector.multi_reduction <maximumf>, %get3A_3, %reduce_max3A [0] : vector<2000x64xf32> to vector<64xf32>
    %broadcast_in_dim3A_24 = vector.shape_cast %reduce_max3A_23 : vector<64xf32> to vector<1x64xf32>
    %max3A = arith.maximumf %get3A_22, %broadcast_in_dim3A_24 : vector<1x64xf32>
    %swap3A_25 = arith.constant 2 : index
    %swap3A_26 = arith.constant 0 : index
    %swap3A_27 = vector.load %arg2[%swap3A_25, %swap3A_26] : memref<4x64xf32, #tpu.memory_space<vmem>>, vector<1x64xf32>
    tpu.vector_store %arg2[%swap3A_25, %swap3A_26], %max3A {strides = array<i32>} : memref<4x64xf32, #tpu.memory_space<vmem>>, vector<1x64xf32>,
    %get3A_28 = arith.constant 3 : index
    %get3A_29 = arith.constant 0 : index
    %get3A_30 = vector.load %arg2[%get3A_28, %get3A_29] : memref<4x64xf32, #tpu.memory_space<vmem>>, vector<1x64xf32>
    %reduce_min3A = arith.constant dense<0x7F800000> : vector<64xf32>
    %reduce_min3A_31 = vector.multi_reduction <minimumf>, %get3A_3, %reduce_min3A [0] : vector<2000x64xf32> to vector<64xf32>
    %broadcast_in_dim3A_32 = vector.shape_cast %reduce_min3A_31 : vector<64xf32> to vector<1x64xf32>
    %min3A = arith.minimumf %get3A_30, %broadcast_in_dim3A_32 : vector<1x64xf32>
    %swap3A_33 = arith.constant 3 : index
    %swap3A_34 = arith.constant 0 : index
    %swap3A_35 = vector.load %arg2[%swap3A_33, %swap3A_34] : memref<4x64xf32, #tpu.memory_space<vmem>>, vector<1x64xf32>
    tpu.vector_store %arg2[%swap3A_33, %swap3A_34], %min3A {strides = array<i32>} : memref<4x64xf32, #tpu.memory_space<vmem>>, vector<1x64xf32>,
    return
  }
  func.func @transform_0(%arg0: i32) -> (i32, i32) {
    %c0_i32 = arith.constant 0 : i32
    %c0_i32_0 = arith.constant 0 : i32
    return %arg0, %c0_i32 : i32, i32
  }
  func.func @transform_1(%arg0: i32) -> (i32, i32) {
    %c0_i32 = arith.constant 0 : i32
    %c0_i32_0 = arith.constant 0 : i32
    %c0_i32_1 = arith.constant 0 : i32
    return %c0_i32, %c0_i32_0 : i32, i32
  }
}

</mosaic_0001>

<sc_bundles>
// kernel: kernel.10.cloned.1.call-start
scs
__scs_entry_jumppad:
0x0: {  	(pc) =	sbr.rel $0x88, $3  }
0x1: {  	(tag) =	ssettag $0x0;
	lr =	simm.s32 $0x1  }
0x2: {  	[smem:$0x3F77] =	sst lr;
	_ =	strace $0xD0000000  }
0x3: {  	_ = 	snop  }
0x4: {  	_ = 	snop  }
0x5: {  	_ = 	snop  }
0x6: {  	_ = 	snop  }
0x7: {  	_ = 	snop  }
__scs_overlays_trampoline_lowered:
0x8: {  	[smem:$0x3F86] =	sst s0  }
0x9: {  	[smem:$0x3F87] =	sst s1  }
0xa: {  	[smem:$0x3F88] =	sst s2  }
0xb: {  	[smem:$0x3F89] =	sst s3  }
0xc: {  	[smem:$0x3F8A] =	sst s4  }
0xd: {  	[smem:$0x3F8B] =	sst s5  }
0xe: {  	[smem:$0x3F8C] =	sst s6  }
0xf: {  	[smem:$0x3F8D] =	sst s7  }
0x10: {  	[smem:$0x3F8E] =	sst s8  }
0x11: {  	[smem:$0x3F8F] =	sst s9;
	s0 =	simm.s32 @!p0 $0x0  }
0x12: {  	s1 =	sld [smem:$0x3F75];
	s0 =	simm.s32 @p0 $0x1  }
0x13: {  	[smem:$0x3F90] =	sst s0;
	s0 =	simm.s32 @!p1 $0x0  }
0x14: {  	s2 =	sld [smem:$0x3F74];
	s0 =	simm.s32 @p1 $0x1  }
0x15: {  	[smem:$0x3F91] =	sst s0;
	s0 =	simm.s32 @!p2 $0x0  }
0x16: {  	s3 =	sld [smem:$0x3FDB];
	s0 =	simm.s32 @p2 $0x1  }
0x17: {  	s4 =	simm.s32 $0x1BF5;
	[smem:$0x3F93] =	sst s0  }
0x18: {  	s0 =	sld [smem:$0x3F76];
	_ =	swait.ge [sflag:s4], $0x0  }
0x19: {  	s7 =	sld [smem:$0x3F77]  }
0x1a: {  	s8 =	sadd.s32 $0xFFFFE003, lr  }
0x1b: {  	s9 =	sadd.s32 $0xFFFFFEF7, lr;
	s5 =	simm.s32 $0xFFFFFFFF;
	p2 =	slt.u32 s8, $0xFFFFF086  }
0x1c: {  	p1 =	slt.u32 s9, $0xF7A;
	s5 =	simm.s32 @!p2 $0x0  }
0x1d: {  	s5 =	simm.s32 @p1 $0x1;
	p0 =	seq.s32 s7, s2  }
0x1e: {  	s7 =	smul.u32 @!p0 $0xF7A, s2;
	p2 =	seq.s32 @!p0 s5, $0x0  }
0x1f: {  	s9 =	smul.u32 $0xF7A, s1;
	s8 =	simm.s32 @!p0 $0x1BF5;
	p2 =	por !p2, p0  }
0x20: {  	[sflag:s8] =	ssyncset.s32 @!p0 $0xFFFFF086;
	s6 =	sadd.s32 @!p0 s3, s7;
	s7 =	simm.s32 @!p0 $0x108  }
0x21: {  	s3 =	sadd.s32 s3, s9;
	s6 =	sadd.s32 @!p0 $0x88, s6;
	s7 =	simm.s32 @p2 $0x1082  }
0x22: {  	[simem:s7], [sflag:s8] =	dma.local @!p0 [hbm:s6], $0xF7A  }
0x23: {  	s9 =	sor.u32 $0xD0000000, s2;
	s6 =	simm.s32 $0x108;
	_ =	swait.ge @!p0 [sflag:s8], $0x0  }
0x24: {  	s3 =	sadd.s32 $0x88, s3;
	s6 =	simm.s32 @!p1 $0x1082;
	[sflag:s4] =	ssyncset.s32 $0xFFFFF086  }
0x25: {  	[simem:s6], [sflag:s4] =	dma.local [hbm:s3], $0xF7A  }
0x26: {  	[smem:$0x3F77] =	sst s1;
	(tag) =	ssettag s2;
	_ =	strace s9  }
0x27: {  	s1 =	sld [smem:$0x3F87]  }
0x28: {  	s2 =	sld [smem:$0x3F88]  }
0x29: {  	s4 =	sld [smem:$0x3F8A]  }
0x2a: {  	p0 =	seq.s32 s5, $0x0;
	s5 =	sld [smem:$0x3F8B]  }
0x2b: {  	s6 =	sld [smem:$0x3F8C]  }
0x2c: {  	s7 =	sld [smem:$0x3F8D]  }
0x2d: {  	s3 =	simm.s32 $0x108;
	s8 =	sld [smem:$0x3F8E]  }
0x2e: {  	s3 =	simm.s32 @!p0 $0x1082;
	s9 =	sld [smem:$0x3F8F]  }
0x2f: {  	lr =	sadd.s32 s0, s3;
	s0 =	sld [smem:$0x3F86]  }
0x30: {  	s3 =	sld [smem:$0x3F89]  }
0x31: {  	[smem:$0x3F92] =	sst s10  }
0x32: {  	s10 =	sld [smem:$0x3F90];
	_ =	sdelay $0x3  }
0x33: {  	p0 =	seq.s32 s10, $0x1;
	s10 =	sld [smem:$0x3F92];
	_ =	sdelay $0x3  }
0x34: {  	[smem:$0x3F92] =	sst s10  }
0x35: {  	s10 =	sld [smem:$0x3F91];
	_ =	sdelay $0x3  }
0x36: {  	p1 =	seq.s32 s10, $0x1;
	s10 =	sld [smem:$0x3F92];
	_ =	sdelay $0x3  }
0x37: {  	[smem:$0x3F92] =	sst s10  }
0x38: {  	s10 =	sld [smem:$0x3F93]  }
0x39: {  	_ = 	snop;
	(pc) =	sbr.ind lr, $3  }
0x3a: {  	_ = 	snop  }
0x3b: {  	_ = 	snop  }
0x3c: {  	p2 =	seq.s32 s10, $0x1;
	s10 =	sld [smem:$0x3F92]  }
0x3d: {  	_ =	shalt  }
0x3e: {  	_ =	shalt  }
0x3f: {  	_ =	shalt  }
0x40: {  	_ =	shalt  }
0x41: {  	_ =	shalt  }
0x42: {  	_ =	shalt  }
0x43: {  	_ =	shalt  }
0x44: {  	_ =	shalt  }
0x45: {  	_ =	shalt  }
0x46: {  	_ =	shalt  }
0x47: {  	_ =	shalt  }
0x48: {  	_ =	shalt  }
0x49: {  	_ =	shalt  }
0x4a: {  	_ =	shalt  }
0x4b: {  	_ =	shalt  }
0x4c: {  	_ =	shalt  }
0x4d: {  	_ =	shalt  }
0x4e: {  	_ =	shalt  }
0x4f: {  	_ =	shalt  }
0x50: {  	_ =	shalt  }
0x51: {  	_ =	shalt  }
0x52: {  	_ =	shalt  }
0x53: {  	_ =	shalt  }
0x54: {  	_ =	shalt  }
0x55: {  	_ =	shalt  }
0x56: {  	_ =	shalt  }
0x57: {  	_ =	shalt  }
0x58: {  	_ =	shalt  }
0x59: {  	_ =	shalt  }
0x5a: {  	_ =	shalt  }
0x5b: {  	_ =	shalt  }
0x5c: {  	_ =	shalt  }
0x5d: {  	_ =	shalt  }
0x5e: {  	_ =	shalt  }
0x5f: {  	_ =	shalt  }
0x60: {  	_ =	shalt  }
0x61: {  	_ =	shalt  }
0x62: {  	_ =	shalt  }
0x63: {  	_ =	shalt  }
0x64: {  	_ =	shalt  }
0x65: {  	_ =	shalt  }
0x66: {  	_ =	shalt  }
0x67: {  	_ =	shalt  }
0x68: {  	_ =	shalt  }
0x69: {  	_ =	shalt  }
0x6a: {  	_ =	shalt  }
0x6b: {  	_ =	shalt  }
0x6c: {  	_ =	shalt  }
0x6d: {  	_ =	shalt  }
0x6e: {  	_ =	shalt  }
0x6f: {  	_ =	shalt  }
0x70: {  	_ =	shalt  }
0x71: {  	_ =	shalt  }
0x72: {  	_ =	shalt  }
0x73: {  	_ =	shalt  }
0x74: {  	_ =	shalt  }
0x75: {  	_ =	shalt  }
0x76: {  	_ =	shalt  }
0x77: {  	_ =	shalt  }
0x78: {  	_ =	shalt  }
0x79: {  	_ =	shalt  }
0x7a: {  	_ =	shalt  }
0x7b: {  	_ =	shalt  }
0x7c: {  	_ =	shalt  }
0x7d: {  	_ =	shalt  }
0x7e: {  	_ =	shalt  }
0x7f: {  	_ =	shalt  }
0x80: {  	_ =	shalt  }
0x81: {  	_ =	shalt  }
0x82: {  	_ =	shalt  }
0x83: {  	_ =	shalt  }
0x84: {  	_ =	shalt  }
0x85: {  	_ =	shalt  }
0x86: {  	_ =	shalt  }
0x87: {  	_ =	shalt  }
.Lfunc_end0:
.L_simem_size_0:
called_computation_lowered:
.L_overlay_start_0:
0x88: {  	s2 =	sld [smem:$0x3FD9]  }
0x89: {  	s3 =	sld [smem:$0x3FFE];
	_ =	sdelay $0x1  }
0x8a: {  	s1 =	srdreg.scid  }
0x8b: {  	s0 =	sand.u32 $0x1, s1  }
0x8c: {  	s17 =	sshll.u32 s0, $0xA;
	s2 =	sadd.s32 s3, s2  }
0x8d: {  	s2 =	sadd.s32 s2, s17  }
0x8e: {  	[smem:$0x3F9E] =	sst s2  }
0x8f: {  	_ = 	snop  }
0x90: {  	s2 =	sld [smem:$0x3FD0];
	(tm) =	ssettm $0x1  }
0x91: {  	s18 =	sld [smem:$0x3FFB];
	_ =	sdelay $0x3  }
0x92: {  	_ =	strace s18  }
0x93: {  	s3 =	sld [smem:$0x3FFC];
	_ =	sdelay $0x3  }
0x94: {  	_ =	strace s3  }
0x95: {  	s3 =	sld [smem:$0x3FFD];
	_ =	sdelay $0x3  }
0x96: {  	_ =	strace s3  }
0x97: {  	_ =	strace $0x8FFFFFFF  }
0x98: {  	s19 =	sld [smem:$0x3FDB];
	_ =	sdelay $0x1  }
0x99: {  	s4 =	simm.s32 $_scs_section_size  }
0x9a: {  	s5 =	simm.s32 $_size__tile_overlayer_lowered;
	s6 =	simm.s32 $_tile_overlayer_lowered  }
0x9b: {  	s22 =	simm.s32 $0x1BFF;
	s21 =	sshll.u32 s6, $0x1;
	s3 =	sadd.s32 s4, s19  }
0x9c: {  	s7 =	simm.s32 $0x0;
	s20 =	sshll.u32 s5, $0x1;
	s5 =	sadd.s32 s21, s3  }
0x9d: {  	[timem:s7], [sflag:s22] =	dma.local [hbm:s5], s20  }
0x9e: {  	_ =	swait.ge [sflag:s22], s20  }
0x9f: {  	s4 =	ssub.s32 $0x0, s20;
	[sflag:s22] =	ssyncset.done $0x0  }
0xa0: {  	[sflag:s22] =	ssyncadd.s32 s4;
	_ =	sdelay $0x1  }
0xa1: {  	s23 =	simm.s32 $0x1B8B  }
0xa2: {  	_ =	swait.ge [sflag:s23], $0x1  }
0xa3: {  	[sflag:s23] =	ssyncset.done $0x0  }
0xa4: {  	s25 =	simm.s32 $0x1B8E;
	s24 =	sld [smem:$0x3FFE];
	[sflag:s23] =	ssyncadd.s32 $0xFFFFFFFF  }
0xa5: {  	s26 =	simm.s32 $execute0_lowered;
	[smem:$0x3FD2] =	sst s25  }
0xa6: {  	s5 =	sshll.u32 s26, $0x1;
	_ =	strace $0x80000046;
	[dreg:$0x1] =	wrdreg $0xFFFFFFFF  }
0xa7: {  	s28 =	simm.s32 $_size_execute0_lowered;
	s3 =	sadd.s32 s3, s5;
	[dreg:$0x0] =	wrdreg $0x0  }
0xa8: {  	s5 =	sshll.u32 s28, $0x1;
	[dreg:$0x2] =	wrdreg s3  }
0xa9: {  	[dreg:$0x3] =	wrdreg s5  }
0xaa: {  	[dreg:$0x4] =	wrdreg $0xC0  }
0xab: {  	_ =	task [dreg:s7], $0x5FFFF  }
0xac: {  	[dreg:$0x1] =	wrdreg $0xFFFFFFFF  }
0xad: {  	[dreg:$0x0] =	wrdreg $0x60  }
0xae: {  	[dreg:$0x2] =	wrdreg s24  }
0xaf: {  	[dreg:$0x3] =	wrdreg s2  }
0xb0: {  	[dreg:$0x4] =	wrdreg $0x1C5000  }
0xb1: {  	[dreg:$0x5] =	wrdreg $0x1F9000  }
0xb2: {  	[dreg:$0x6] =	wrdreg $0x9  }
0xb3: {  	_ =	task.clear_ibuf [dreg:s7], $0x7FFFF;
	_ =	strace $0x90000046  }
0xb4: {  	s29 =	simm.s32 $0x9;
	_ =	strace $0x80000048  }
0xb5: {  	_ =	swait.ge [sflag:s29], $0x1  }
0xb6: {  	[sflag:s29] =	ssyncadd.s32 $0xFFFFFFFF  }
0xb7: {  	_ =	strace $0x90000048  }
0xb8: {  	_ =	sfence  }
0xb9: {  	s30 =	sld [smem:$0x0];
	_ =	sdelay $0x2  }
0xba: {  	s31 =	sshll.u32 s1, $0xD;
	s1 =	sshrl.u32 s1, $0x2  }
0xbb: {  	s3 =	sand.u32 $0x4000, s31;
	s1 =	sadd.s32 s1, s30  }
0xbc: {  	s0 =	sor.u32 s3, s0;
	s1 =	sshll.u32 s1, $0x11  }
0xbd: {  	s0 =	sor.u32 s1, s0  }
0xbe: {  	s0 =	sadd.s32 $0x8F2B, s0  }
0xbf: {  	[sflag:s0] =	ssyncadd.remote.s32 $0x1  }
0xc0: {  	_ =	sfence.sel $0xFFFF  }
0xc1: {  	[dreg:$0x0] =	wrdreg $0xFFFFFFFF;
	(pc) =	sbr.abs _section_cstart, $3  }
0xc2: {  	[dreg:$0x1] =	wrdreg $0xFFFFFFFF  }
0xc3: {  	_ =	task.clear_ibuf [dreg:s7], $0x2FFFF;
	_ =	strace $0x9FFFFFFF  }
0xc4: {  	(tm) =	ssettm $0x7FFFFFFF  }
0xc5: {  	_ =	shalt  }
tec
execute0_lowered:
.L_overlay_start_1:
0x0: {  	(tag) =	ssettag $0x1  }
0x1: {  	s3 =	rddreg [dreg:$0x0]  }
0x2: {  	s2 =	rddreg [dreg:$0x1]  }
0x3: {  	s0 =	srdreg.scid;
	s1 =	rddreg [dreg:$0x2]  }
0x4: {  	s13 =	stileid.u32;
	s0 =	sand.u32 $0x1, s0;
	s4 =	sadd.s32 $0x22000, s3  }
0x5: {  	s6 =	sadd.s32 $0x20600, s3;
	p1 =	seq.s32 s13, $0x0;
	p2 =	seq.s32 s13, $0x3  }
0x6: {  	p3 =	seq.s32 s13, $0x6;
	p4 =	seq.s32 s13, $0xB;
	s28 =	sadd.s32 $0x23A00, s3  }
0x7: {  	s29 =	sadd.s32 $0x3CA00, s3;
	s31 =	sadd.s32 $0x146800, s3;
	p5 =	sgt.s32 s13, $0x2  }
0x8: {  	p6 =	sne.s32 s13, $0x8;
	s5 =	smul.u32 $0x6200, s0;
	s7 =	ssub.s32 $0x2, s0  }
0x9: {  	s9 =	sshll.u32 s0, $0x1;
	p0 =	seq.s32 @!p1 s13, $0x1;
	s8 =	sshrl.u32 s7, $0x1  }
0xa: {  	s2 =	sadd.s32 s2, s9;
	p0 =	por p1, p0;
	s5 =	sshrl.u32 s5, $0x3  }
0xb: {  	s7 =	ssub.s32 s7, s8;
	[dreg:$0x5] =	wrdreg s2;
	s23 =	sadd.s32 s4, s5  }
0xc: {  	s8 =	simm.s32 @!p1 $0x0;
	s24 =	sadd.s32 s6, s5;
	[dreg:$0x6] =	wrdreg s23  }
0xd: {  	s22 =	sadd.s32 $0x188, s5;
	s8 =	simm.s32 @p1 $0x1;
	[dreg:$0x7] =	wrdreg s24  }
0xe: {  	s26 =	sadd.s32 $0x310, s5;
	s25 =	sadd.s32 s4, s22;
	[smem:$0x7E2] =	sst s8  }
0xf: {  	s30 =	sadd.s32 $0x498, s5;
	s2 =	sadd.s32 s6, s22;
	[dreg:$0x8] =	wrdreg s25  }
0x10: {  	s14 =	sadd.s32 $0x620, s5;
	s10 =	sadd.s32 s4, s26;
	[dreg:$0x9] =	wrdreg s2  }
0x11: {  	s15 =	sadd.s32 $0x7A8, s5;
	s11 =	sadd.s32 s4, s30;
	[dreg:$0xa] =	wrdreg s10  }
0x12: {  	s19 =	sadd.s32 $0x930, s5;
	s12 =	sadd.s32 s6, s30;
	[dreg:$0xc] =	wrdreg s11  }
0x13: {  	s5 =	sadd.s32 $0xAB8, s5;
	s16 =	sadd.s32 s4, s14;
	[dreg:$0xd] =	wrdreg s12  }
0x14: {  	s17 =	sadd.s32 s4, s15;
	s18 =	sadd.s32 s6, s15;
	[dreg:$0xe] =	wrdreg s16  }
0x15: {  	s20 =	sadd.s32 s4, s19;
	s21 =	sadd.s32 s4, s5;
	[dreg:$0x10] =	wrdreg s17  }
0x16: {  	s22 =	sadd.s32 s6, s5;
	s4 =	sadd.s32 $0x10000, s1;
	[dreg:$0x11] =	wrdreg s18  }
0x17: {  	s5 =	sadd.s32 $0x4000, s1;
	s23 =	smul.u32 $0x64000, s0;
	[dreg:$0x12] =	wrdreg s20  }
0x18: {  	s24 =	sadd.s32 $0x7600, s3;
	s30 =	sadd.s32 $0x786800, s3;
	[dreg:$0x14] =	wrdreg s21  }
0x19: {  	s15 =	sshll.u32 s13, $0xE;
	s2 =	sadd.s32 s6, s26;
	[dreg:$0x15] =	wrdreg s22  }
0x1a: {  	s5 =	smov.u32 @p1 s1;
	p1 =	seq.s32 @!p2 s13, $0x4;
	s26 =	rddreg [dreg:$0x3]  }
0x1b: {  	s21 =	simm.s32 $0x0;
	[dreg:$0xb] =	wrdreg s2;
	s2 =	sadd.s32 s6, s14  }
0x1c: {  	[dreg:$0xf] =	wrdreg s2;
	s2 =	sadd.s32 s6, s19;
	s6 =	sadd.s32 $0x8000, s1  }
0x1d: {  	p1 =	por p2, p1;
	[dreg:$0x13] =	wrdreg s2;
	s6 =	smov.u32 @p0 s5  }
0x1e: {  	s5 =	sadd.s32 $0xC000, s1;
	[dreg:$0x16] =	wrdreg s6;
	s6 =	simm.s32 @!p2 $0x0  }
0x1f: {  	s2 =	sadd.s32 $0x1C000, s1;
	s4 =	smov.u32 @p2 s5;
	s6 =	simm.s32 @p2 $0x1  }
0x20: {  	s5 =	sadd.s32 $0x18000, s1;
	[smem:$0x7E3] =	sst s6;
	s6 =	sadd.s32 $0x14000, s1  }
0x21: {  	p2 =	seq.s32 @!p3 s13, $0x7;
	s6 =	smov.u32 @p1 s4;
	s4 =	simm.s32 @!p3 $0x0  }
0x22: {  	s2 =	smov.u32 @p3 s5;
	p2 =	por p3, p2;
	s4 =	simm.s32 @p3 $0x1  }
0x23: {  	p3 =	seq.s32 @!p0 s13, $0x2;
	[smem:$0x7E4] =	sst s4;
	s4 =	sadd.s32 $0x20000, s1  }
0x24: {  	s25 =	smul.u32 $0x6400, s13;
	p0 =	por p0, p3;
	s4 =	smov.u32 @p2 s2  }
0x25: {  	s2 =	sadd.s32 $0x2C000, s1;
	[dreg:$0x18] =	wrdreg s4;
	s4 =	sadd.s32 $0x30000, s1  }
0x26: {  	[dreg:$0x19] =	wrdreg s4;
	s4 =	smov.u32 @p4 s2;
	s2 =	simm.s32 @!p0 $0x0  }
0x27: {  	s10 =	smul.u32 $0x61A8, s0;
	s2 =	simm.s32 @p0 $0x1;
	p0 =	seq.s32 @!p1 s13, $0x5  }
0x28: {  	s12 =	smax.u32 s7, $0x1;
	[smem:$0x7FF] =	sst s21;
	p0 =	por p1, p0  }
0x29: {  	p3 =	seq.s32 @!p2 s13, $0x8;
	[smem:$0x7E5] =	sst s2;
	s2 =	simm.s32 @!p0 $0x0  }
0x2a: {  	[dreg:$0x17] =	wrdreg s6;
	s2 =	simm.s32 @p0 $0x1;
	p0 =	por p2, p3  }
0x2b: {  	s16 =	sadd.s32 s15, s1;
	[smem:$0x7E6] =	sst s2;
	s2 =	simm.s32 @!p0 $0x0  }
0x2c: {  	s11 =	simm.s32 $0x2;
	[dreg:$0x1a] =	wrdreg s4;
	s2 =	simm.s32 @p0 $0x1  }
0x2d: {  	p3 =	seq.s32 s0, $0x1;
	s0 =	smul.u32 $0x1900000, s0;
	[smem:$0x7E7] =	sst s2  }
0x2e: {  	s7 =	simm.s32 $0x18280;
	_ =	strace $0x80000047;
	[dreg:$0x1b] =	wrdreg s24  }
0x2f: {  	s14 =	sshll.u32 s13, $0xB;
	s17 =	sadd.s32 $0xC40, s26;
	[dreg:$0x1d] =	wrdreg s0  }
0x30: {  	s18 =	sadd.s32 $0x1880, s26;
	s20 =	sadd.s32 $0x3100, s26;
	[dreg:$0x1e] =	wrdreg s12  }
0x31: {  	s22 =	sadd.s32 $0x3D40, s26;
	s19 =	sadd.s32 $0x24C0, s26;
	[dreg:$0x1c] =	wrdreg s30  }
0x32: {  	s5 =	sadd.s32 s25, s23;
	s23 =	sadd.s32 $0x4980, s26;
	[smem:$0x7E8] =	sst s16  }
0x33: {  	s6 =	smov.u32 s25;
	s0 =	sadd.s32 s14, s30;
	[smem:$0x7F5] =	sst s17  }
0x34: {  	s25 =	sadd.s32 $0x28000, s1;
	[dreg:$0x1f] =	wrdreg s0;
	s0 =	sadd.s32 $0x188000, s15  }
0x35: {  	p0 =	seq.s32 @!p4 s13, $0xC;
	[smem:$0x7E9] =	sst s0;
	s0 =	simm.s32 @!p4 $0x0  }
0x36: {  	p0 =	por p4, p0;
	[smem:$0x7F6] =	sst s18;
	s0 =	simm.s32 @p4 $0x1  }
0x37: {  	s4 =	sadd.s32 $0x119000, s3;
	[smem:$0x7EA] =	sst s0;
	s0 =	simm.s32 @!p0 $0x0  }
0x38: {  	[smem:$0x7F7] =	sst s19;
	s0 =	simm.s32 @p0 $0x1;
	p0 =	seq.s32 s13, $0x1  }
0x39: {  	p1 =	seq.s32 s13, $0x7;
	[smem:$0x7EB] =	sst s0;
	s0 =	simm.s32 @!p0 $0x0  }
0x3a: {  	[smem:$0x7F8] =	sst s20;
	s0 =	simm.s32 @p0 $0x1;
	p0 =	seq.s32 s13, $0x2  }
0x3b: {  	s2 =	sadd.s32 $0x55A00, s3;
	[smem:$0x7EC] =	sst s0;
	s0 =	simm.s32 @!p0 $0x0  }
0x3c: {  	[smem:$0x7F9] =	sst s22;
	s0 =	simm.s32 @p0 $0x1;
	p0 =	seq.s32 s13, $0x4  }
0x3d: {  	s3 =	simm.s32 $0x0;
	[smem:$0x7ED] =	sst s0;
	s0 =	simm.s32 @!p0 $0x0  }
0x3e: {  	[smem:$0x7FA] =	sst s23;
	s0 =	simm.s32 @p0 $0x1;
	p0 =	seq.s32 s13, $0x5  }
0x3f: {  	s24 =	sadd.s32 $0x55C0, s26;
	[smem:$0x7EE] =	sst s0;
	s0 =	simm.s32 @!p0 $0x0  }
0x40: {  	[smem:$0x7FC] =	sst s25;
	s30 =	sadd.s32 $0x24000, s1;
	s0 =	simm.s32 @p0 $0x1  }
0x41: {  	s12 =	simm.s32 $0x6200;
	[smem:$0x7EF] =	sst s0;
	s0 =	simm.s32 @!p1 $0x0  }
0x42: {  	s16 =	simm.s32 $0xE980;
	s0 =	simm.s32 @p1 $0x1;
	p1 =	seq.s32 s13, $0x8  }
0x43: {  	s14 =	simm.s32 $0x80;
	[smem:$0x7F0] =	sst s0;
	s0 =	simm.s32 @!p1 $0x0  }
0x44: {  	s18 =	simm.s32 $0x16280;
	s0 =	simm.s32 @p1 $0x1;
	p1 =	seq.s32 s13, $0x9  }
0x45: {  	s25 =	simm.s32 $0x12280;
	[smem:$0x7F1] =	sst s0;
	s0 =	simm.s32 @!p1 $0x0  }
0x46: {  	s19 =	simm.s32 $0x1;
	s0 =	simm.s32 @p1 $0x1;
	p1 =	seq.s32 s13, $0xA  }
.Ltmp0:
0x47: {  	[smem:$0x7F2] =	sst s0;
	s0 =	simm.s32 @!p1 $0x0;
	(pc) =	sbr.rel .LBB2_1-.Ltmp0, $4  }
0x48: {  	[smem:$0x7FB] =	sst s24;
	s0 =	simm.s32 @p1 $0x1;
	p1 =	sgt.s32 s13, $0xA  }
0x49: {  	s20 =	simm.s32 $0x11600;
	[smem:$0x7F3] =	sst s0;
	s0 =	simm.s32 @!p1 $0x0  }
0x4a: {  	s23 =	simm.s32 $0x0;
	[smem:$0x7FD] =	sst s30;
	s0 =	simm.s32 @p1 $0x1  }
0x4b: {  	v1 =	vimm.f32 $0.0e+00;
	v0 =	vmov s10;
	p4 =	sgt.s32 s13, $0x5;
	p0 =	sgt.s32 s13, $0x8;
	[smem:$0x7F4] =	sst s0  }
.LBB2_93:
0x4c: {  	s3 =	sld [smem:$0x7E1];
	_ =	sdelay $0x2  }
0x4d: {  	s0 =	rddreg [dreg:$0x1e];
	s3 =	sadd.s32 $0x1, s3  }
0x4e: {  	p1 =	sne.s32 s3, s0  }
.Ltmp1:
0x4f: {  	_ = 	snop;
	(pc) =	sbr.rel @!p1 .LBB2_94-.Ltmp1, $1  }
0x50: {  	_ =	sdelay $0x3  }
.LBB2_1:
0x51: {  	[smem:$0x7E1] =	sst s3;
	s0 =	simm.s32 $0x0;
	s3 =	simm.s32 $0x200  }
.LBB2_2:
0x52: {  	p2 =	sne.s32 s3, $0xFE00;
	[tilespmem:s0+$0x182F0] =	vst v1  }
0x53: {  	[tilespmem:s0+$0x18280] =	vst v1  }
0x54: {  	[tilespmem:s0+$0x18290] =	vst v1  }
.Ltmp2:
0x55: {  	[tilespmem:s0+$0x182A0] =	vst v1;
	(pc) =	sbr.rel @p2 .LBB2_2-.Ltmp2, $4  }
0x56: {  	[tilespmem:s0+$0x182B0] =	vst v1  }
0x57: {  	[tilespmem:s0+$0x182C0] =	vst v1  }
0x58: {  	[tilespmem:s0+$0x182D0] =	vst v1  }
0x59: {  	[tilespmem:s0+$0x182E0] =	vst v1;
	s0 =	sshra.s32 s3, $0x2;
	s3 =	sadd.s32 $0x200, s3  }
0x5a: {  	[tilespmem:s0+$0x182F0] =	vst v1  }
0x5b: {  	[tilespmem:s0+$0x18280] =	vst v1  }
0x5c: {  	[tilespmem:s0+$0x18290] =	vst v1  }
0x5d: {  	[tilespmem:s0+$0x182A0] =	vst v1  }
0x5e: {  	[tilespmem:s0+$0x182B0] =	vst v1  }
0x5f: {  	[tilespmem:s0+$0x182C0] =	vst v1  }
0x60: {  	[tilespmem:s0+$0x182D0] =	vst v1  }
0x61: {  	[tilespmem:s0+$0x182E0] =	vst v1  }
0x62: {  	[tilespmem:$0x1C280] =	vst v1  }
0x63: {  	[tilespmem:$0x1C290] =	vst v1  }
0x64: {  	[tilespmem:$0x1C2A0] =	vst v1  }
0x65: {  	[tilespmem:$0x1C2B0] =	vst v1  }
0x66: {  	[tilespmem:$0x1C2C0] =	vst v1  }
0x67: {  	[tilespmem:$0x1C2D0] =	vst v1  }
0x68: {  	[tilespmem:$0x1C2E0] =	vst v1  }
0x69: {  	[tilespmem:$0x1C2F0] =	vst v1  }
0x6a: {  	[tilespmem:$0x1C300] =	vst v1  }
0x6b: {  	[tilespmem:$0x1C310] =	vst v1  }
0x6c: {  	[tilespmem:$0x1C320] =	vst v1  }
0x6d: {  	[tilespmem:$0x1C330] =	vst v1  }
0x6e: {  	[tilespmem:$0x1C340] =	vst v1  }
0x6f: {  	[tilespmem:$0x1C350] =	vst v1  }
0x70: {  	[tilespmem:$0x1C360] =	vst v1  }
0x71: {  	[tilespmem:$0x1C370] =	vst v1  }
0x72: {  	[tilespmem:$0x1C380] =	vst v1  }
0x73: {  	[tilespmem:$0x1C390] =	vst v1  }
0x74: {  	[tilespmem:$0x1C3A0] =	vst v1  }
0x75: {  	[tilespmem:$0x1C3B0] =	vst v1  }
0x76: {  	[tilespmem:$0x1C3C0] =	vst v1  }
0x77: {  	[tilespmem:$0x1C3D0] =	vst v1  }
0x78: {  	[tilespmem:$0x1C3E0] =	vst v1  }
0x79: {  	[tilespmem:$0x1C3F0] =	vst v1  }
0x7a: {  	[tilespmem:$0x1C400] =	vst v1  }
0x7b: {  	[tilespmem:$0x1C410] =	vst v1  }
0x7c: {  	[tilespmem:$0x1C420] =	vst v1  }
0x7d: {  	[tilespmem:$0x1C430] =	vst v1  }
0x7e: {  	s30 =	simm.s32 $0x0;
	[tilespmem:$0x1C440] =	vst v1  }
0x7f: {  	[tilespmem:$0x1C450] =	vst v1;
	s0 =	sand.u32 $0xF, s30  }
0x80: {  	[tilespmem:$0x1C460] =	vst v1;
	p2 =	sne.s32 s13, s0  }
0x81: {  	[tilespmem:$0x1C470] =	vst v1;
	s0 =	simm.s32 @!p2 $0x1C280;
	s9 =	simm.s32 @!p2 $0x2  }
0x82: {  	[spmem:s26] =	stream.linear.scatter @!p2 [tilespmem:s0], [sflag:$0x2], $0x200, $0x38;
	[tilespmem:$0x1FF20] =	vst v63  }
0x83: {  	s3 =	simm.s32 $0x1;
	_ =	swait.ge @!p2 [sflag:s9], $0x200  }
0x84: {  	s8 =	simm.s32 $0x2;
	s0 =	sadd.s32 $0x200, s26;
	[sflag:s9] =	ssyncset.done @!p2 $0x0  }
.LBB2_4:
0x85: {  	s10 =	sand.u32 $0xF, s3;
	s3 =	smov.u32 s8;
	s8 =	sadd.s32 $0x1, s8  }
0x86: {  	[sflag:s9] =	ssyncadd.s32 @!p2 $0xFFFFFE00;
	p1 =	seq.s32 s8, $0x31  }
.Ltmp3:
0x87: {  	p2 =	sne.s32 s13, s10;
	(pc) =	sbr.rel @!p1 .LBB2_4-.Ltmp3, $4  }
0x88: {  	s10 =	simm.s32 @!p2 $0x1C280;
	s9 =	simm.s32 @!p2 $0x2  }
0x89: {  	[spmem:s0] =	stream.linear.scatter @!p2 [tilespmem:s10], [sflag:$0x2], $0x200, $0x38;
	[tilespmem:$0x1FF20] =	vst v63  }
0x8a: {  	_ =	swait.ge @!p2 [sflag:s9], $0x200  }
0x8b: {  	s0 =	sadd.s32 $0x200, s0;
	[sflag:s9] =	ssyncset.done @!p2 $0x0  }
0x8c: {  	s3 =	sand.u32 $0xF, s3  }
0x8d: {  	p1 =	sne.s32 s13, s3  }
0x8e: {  	[sflag:s9] =	ssyncadd.s32 @!p2 $0xFFFFFE00;
	s3 =	simm.s32 @!p1 $0x1C280;
	s8 =	simm.s32 @!p1 $0x2  }
0x8f: {  	[spmem:s0] =	stream.linear.scatter @!p1 [tilespmem:s3], [sflag:$0x2], $0x200, $0x38;
	[tilespmem:$0x1FF20] =	vst v63  }
0x90: {  	_ =	swait.ge @!p1 [sflag:s8], $0x200  }
0x91: {  	[sflag:s8] =	ssyncset.done @!p1 $0x0  }
0x92: {  	s9 =	rddreg [dreg:$0x6];
	[sflag:s8] =	ssyncadd.s32 @!p1 $0xFFFFFE00;
	s8 =	simm.s32 $0x0  }
0x93: {  	[tilespmem:s8], [sflag:$0x2] =	stream.linear.gather [hbm4b:s9+s8], $0xC40, $0x38;
	[tilespmem:$0x1FF20] =	vst v63  }
0x94: {  	_ =	swait.ge [sflag:s11], $0xC40  }
0x95: {  	[sflag:s11] =	ssyncset.done $0x0  }
0x96: {  	s10 =	rddreg [dreg:$0x7];
	[sflag:s11] =	ssyncadd.s32 $0xFFFFF3C0  }
0x97: {  	[tilespmem:s12], [sflag:$0x2] =	stream.linear.gather [hbm4b:s10+s8], $0xC40, $0x38;
	[tilespmem:$0x1FF20] =	vst v63  }
0x98: {  	_ =	swait.ge [sflag:s11], $0xC40  }
0x99: {  	[sflag:s11] =	ssyncset.done $0x0  }
0x9a: {  	s15 =	simm.s32 $0xC40;
	s13 =	rddreg [dreg:$0x8];
	[sflag:s11] =	ssyncadd.s32 $0xFFFFF3C0  }
0x9b: {  	[tilespmem:s15], [sflag:$0x2] =	stream.linear.gather [hbm4b:s13+s8], $0xC40, $0x38;
	[tilespmem:$0x1FF20] =	vst v63  }
0x9c: {  	_ =	swait.ge [sflag:s11], $0xC40  }
0x9d: {  	[sflag:s11] =	ssyncset.done $0x0  }
0x9e: {  	s22 =	simm.s32 $0x6E40;
	s17 =	rddreg [dreg:$0x9];
	[sflag:s11] =	ssyncadd.s32 $0xFFFFF3C0  }
0x9f: {  	[tilespmem:s22], [sflag:$0x2] =	stream.linear.gather [hbm4b:s17+s8], $0xC40, $0x38;
	[tilespmem:$0x1FF20] =	vst v63  }
0xa0: {  	_ =	swait.ge [sflag:s11], $0xC40  }
0xa1: {  	[sflag:s11] =	ssyncset.done $0x0  }
0xa2: {  	s30 =	simm.s32 $0x1880;
	s24 =	rddreg [dreg:$0xa];
	[sflag:s11] =	ssyncadd.s32 $0xFFFFF3C0  }
0xa3: {  	[tilespmem:s30], [sflag:$0x2] =	stream.linear.gather [hbm4b:s24+s8], $0xC40, $0x38;
	[tilespmem:$0x1FF20] =	vst v63  }
0xa4: {  	_ =	swait.ge [sflag:s11], $0xC40  }
0xa5: {  	[sflag:s11] =	ssyncset.done $0x0  }
0xa6: {  	s10 =	simm.s32 $0x7A80;
	s9 =	rddreg [dreg:$0xb];
	[sflag:s11] =	ssyncadd.s32 $0xFFFFF3C0  }
0xa7: {  	[tilespmem:s10], [sflag:$0x2] =	stream.linear.gather [hbm4b:s9+s8], $0xC40, $0x38;
	[tilespmem:$0x1FF20] =	vst v63  }
0xa8: {  	_ =	swait.ge [sflag:s11], $0xC40  }
0xa9: {  	[sflag:s11] =	ssyncset.done $0x0  }
0xaa: {  	s15 =	simm.s32 $0x24C0;
	s13 =	rddreg [dreg:$0xc];
	[sflag:s11] =	ssyncadd.s32 $0xFFFFF3C0  }
0xab: {  	[tilespmem:s15], [sflag:$0x2] =	stream.linear.gather [hbm4b:s13+s8], $0xC40, $0x38;
	[tilespmem:$0x1FF20] =	vst v63  }
0xac: {  	_ =	swait.ge [sflag:s11], $0xC40  }
0xad: {  	[sflag:s11] =	ssyncset.done $0x0  }
0xae: {  	s22 =	simm.s32 $0x86C0;
	s17 =	rddreg [dreg:$0xd];
	[sflag:s11] =	ssyncadd.s32 $0xFFFFF3C0  }
0xaf: {  	[tilespmem:s22], [sflag:$0x2] =	stream.linear.gather [hbm4b:s17+s8], $0xC40, $0x38;
	[tilespmem:$0x1FF20] =	vst v63  }
0xb0: {  	_ =	swait.ge [sflag:s11], $0xC40  }
0xb1: {  	[sflag:s11] =	ssyncset.done $0x0  }
0xb2: {  	s30 =	simm.s32 $0x3100;
	s24 =	rddreg [dreg:$0xe];
	[sflag:s11] =	ssyncadd.s32 $0xFFFFF3C0  }
0xb3: {  	[tilespmem:s30], [sflag:$0x2] =	stream.linear.gather [hbm4b:s24+s8], $0xC40, $0x38;
	[tilespmem:$0x1FF20] =	vst v63  }
0xb4: {  	_ =	swait.ge [sflag:s11], $0xC40  }
0xb5: {  	[sflag:s11] =	ssyncset.done $0x0  }
0xb6: {  	s10 =	simm.s32 $0x9300;
	s9 =	rddreg [dreg:$0xf];
	[sflag:s11] =	ssyncadd.s32 $0xFFFFF3C0  }
0xb7: {  	[tilespmem:s10], [sflag:$0x2] =	stream.linear.gather [hbm4b:s9+s8], $0xC40, $0x38;
	[tilespmem:$0x1FF20] =	vst v63  }
0xb8: {  	_ =	swait.ge [sflag:s11], $0xC40  }
0xb9: {  	[sflag:s11] =	ssyncset.done $0x0  }
0xba: {  	s15 =	simm.s32 $0x3D40;
	s13 =	rddreg [dreg:$0x10];
	[sflag:s11] =	ssyncadd.s32 $0xFFFFF3C0  }
0xbb: {  	[tilespmem:s15], [sflag:$0x2] =	stream.linear.gather [hbm4b:s13+s8], $0xC40, $0x38;
	[tilespmem:$0x1FF20] =	vst v63  }
0xbc: {  	_ =	swait.ge [sflag:s11], $0xC40  }
0xbd: {  	[sflag:s11] =	ssyncset.done $0x0  }
0xbe: {  	s22 =	simm.s32 $0x9F40;
	s17 =	rddreg [dreg:$0x11];
	[sflag:s11] =	ssyncadd.s32 $0xFFFFF3C0  }
0xbf: {  	[tilespmem:s22], [sflag:$0x2] =	stream.linear.gather [hbm4b:s17+s8], $0xC40, $0x38;
	[tilespmem:$0x1FF20] =	vst v63  }
0xc0: {  	_ =	swait.ge [sflag:s11], $0xC40  }
0xc1: {  	[sflag:s11] =	ssyncset.done $0x0  }
0xc2: {  	s30 =	simm.s32 $0x4980;
	s24 =	rddreg [dreg:$0x12];
	[sflag:s11] =	ssyncadd.s32 $0xFFFFF3C0  }
0xc3: {  	[tilespmem:s30], [sflag:$0x2] =	stream.linear.gather [hbm4b:s24+s8], $0xC40, $0x38;
	[tilespmem:$0x1FF20] =	vst v63  }
0xc4: {  	_ =	swait.ge [sflag:s11], $0xC40  }
0xc5: {  	[sflag:s11] =	ssyncset.done $0x0  }
0xc6: {  	s10 =	simm.s32 $0xAB80;
	s9 =	rddreg [dreg:$0x13];
	[sflag:s11] =	ssyncadd.s32 $0xFFFFF3C0  }
0xc7: {  	[tilespmem:s10], [sflag:$0x2] =	stream.linear.gather [hbm4b:s9+s8], $0xC40, $0x38;
	[tilespmem:$0x1FF20] =	vst v63  }
0xc8: {  	_ =	swait.ge [sflag:s11], $0xC40  }
0xc9: {  	[sflag:s11] =	ssyncset.done $0x0  }
0xca: {  	s15 =	simm.s32 $0x55C0;
	s13 =	rddreg [dreg:$0x14];
	[sflag:s11] =	ssyncadd.s32 $0xFFFFF3C0  }
0xcb: {  	[tilespmem:s15], [sflag:$0x2] =	stream.linear.gather [hbm4b:s13+s8], $0xC40, $0x38;
	[tilespmem:$0x1FF20] =	vst v63  }
0xcc: {  	_ =	swait.ge [sflag:s11], $0xC40  }
0xcd: {  	[sflag:s11] =	ssyncset.done $0x0  }
0xce: {  	s22 =	simm.s32 $0xB7C0;
	s17 =	rddreg [dreg:$0x15];
	[sflag:s11] =	ssyncadd.s32 $0xFFFFF3C0  }
0xcf: {  	[tilespmem:s22], [sflag:$0x2] =	stream.linear.gather [hbm4b:s17+s8], $0xC40, $0x38;
	[tilespmem:$0x1FF20] =	vst v63  }
0xd0: {  	_ =	swait.ge [sflag:s11], $0xC40  }
0xd1: {  	[sflag:s11] =	ssyncset.done $0x0  }
0xd2: {  	s30 =	simm.s32 $0x1C480;
	s24 =	rddreg [dreg:$0x5];
	[sflag:s11] =	ssyncadd.s32 $0xFFFFF3C0  }
0xd3: {  	[tilespmem:s30], [sflag:$0x2] =	stream.linear.gather [hbm4b:s24+s8], $0x10, $0x38;
	[tilespmem:$0x1FF20] =	vst v63  }
0xd4: {  	_ =	swait.ge [sflag:s11], $0x10  }
0xd5: {  	[sflag:s11] =	ssyncset.done $0x0  }
0xd6: {  	[sflag:s11] =	ssyncadd.s32 $0xFFFFFFF0  }
0xd7: {  	[bflag:$0x0] =	sbarrier.arrive $0xFFFF  }
0xd8: {  	s22 =	simm.s32 $0x0;
	v2 =	vld [tilespmem:$0x1C480]  }
.LBB2_6:
0xd9: {  	s0 =	smul.u32 $0xC80, s22;
	_ =	sdelay $0x1  }
0xda: {  	s0 =	sadd.s32 s5, s0  }
0xdb: {  	s3 =	sshrl.u32 s0, $0x3  }
0xdc: {  	s9 =	simm.s32 $0xD080;
	s0 =	sadd.s32 s28, s3  }
0xdd: {  	[tilespmem:s9], [sflag:$0x2] =	stream.linear.gather [hbm4b:s0+s8], $0xC80, $0x38;
	[tilespmem:$0x1FF20] =	vst v63  }
0xde: {  	_ =	swait.ge [sflag:s11], $0xC80  }
0xdf: {  	[sflag:s11] =	ssyncset.done $0x0  }
0xe0: {  	s15 =	simm.s32 $0xDD00;
	s13 =	sadd.s32 s29, s3;
	[sflag:s11] =	ssyncadd.s32 $0xFFFFF380  }
0xe1: {  	[tilespmem:s15], [sflag:$0x2] =	stream.linear.gather [hbm4b:s13+s8], $0xC80, $0x38;
	[tilespmem:$0x1FF20] =	vst v63  }
0xe2: {  	_ =	swait.ge [sflag:s11], $0xC80  }
0xe3: {  	[sflag:s11] =	ssyncset.done $0x0;
	s17 =	rddreg [dreg:$0x1b]  }
0xe4: {  	[sflag:s11] =	ssyncadd.s32 $0xFFFFF380;
	s0 =	sadd.s32 s17, s3  }
0xe5: {  	[tilespmem:s16], [sflag:$0x2] =	stream.linear.gather [hbm4b:s0+s8], $0xC80, $0x38;
	[tilespmem:$0x1FF20] =	vst v63  }
0xe6: {  	_ =	swait.ge [sflag:s11], $0xC80  }
0xe7: {  	[sflag:s11] =	ssyncset.done $0x0  }
0xe8: {  	s24 =	simm.s32 $0x0;
	[sflag:s11] =	ssyncadd.s32 $0xFFFFF380  }
0xe9: {  	v3 =	vld [tilespmem:s24+$0xDD00]  }
0xea: {  	v4 =	vld [tilespmem:s24+$0xD080];
	_ =	sdelay $0x6  }
0xeb: {  	v3 =	vld.idx.msk [tilespmem:v3+s12+$0x0], $0xffff  }
0xec: {  	v5 =	vld.idx.msk [tilespmem:v4+s21+$0x0], $0xffff;
	_ =	sdelay $0x1  }
0xed: {  	v6 =	vld [tilespmem:s24+$0xE980];
	_ =	sdelay $0x2  }
0xee: {  	v3 =	vadd.f32 v3, v5;
	_ =	sdelay $0x1  }
0xef: {  	v3 =	vadd.f32 v3, v6;
	_ =	sdelay $0x1  }
0xf0: {  	v5 =	vmul.f32 $2.000000030e-01, v3  }
0xf1: {  	vm0 =	vge.f32 v3, $0.0e+00  }
0xf2: {  	v3 =	vsel vm0, v3, v5  }
0xf3: {  	v3 =	vsub.f32 v3, v2;
	_ =	sdelay $0x1  }
0xf4: {  	v3 =	vmul.f32 $1.442695020e+00, v3;
	_ =	sdelay $0x1  }
0xf5: {  	(erf) = vpow2.f32 v3;
	_ =	sdelay $0x7  }
0xf6: {  	s30 =	sand.u32 $0x3E00, s8  }
0xf7: {  	s10 =	sand.u32 $0x70, s8;
	s9 =	sshrl.u32 s30, $0x2;
	v3 =	vpop (erf)  }
0xf8: {  	s9 =	sor.u32 s10, s9;
	[tilespmem:s24+$0xC400] =	vst v3  }
0xf9: {  	s0 =	simm.s32 $0x10;
	[tilespmem:s9+$0xF600] =	vst v4  }
0xfa: {  	v4 =	vld [tilespmem:s0+$0xDD00]  }
0xfb: {  	s10 =	simm.s32 $0x0;
	s13 =	simm.s32 $0x80;
	s9 =	simm.s32 $0x40;
	v3 =	vld [tilespmem:s0+$0xD080]  }
.LBB2_7:
0xfc: {  	p2 =	sne.s32 s13, $0x31C0;
	_ =	sdelay $0x5  }
0xfd: {  	v4 =	vld.idx.msk [tilespmem:v4+s12+$0x0], $0xffff  }
0xfe: {  	v5 =	vld.idx.msk [tilespmem:v3+s21+$0x0], $0xffff;
	_ =	sdelay $0x2  }
0xff: {  	v6 =	vld [tilespmem:s0+$0xE980];
	_ =	sdelay $0x2  }
0x100: {  	v4 =	vadd.f32 v4, v5;
	_ =	sdelay $0x1  }
0x101: {  	v4 =	vadd.f32 v4, v6;
	_ =	sdelay $0x1  }
0x102: {  	v5 =	vmul.f32 $2.000000030e-01, v4  }
0x103: {  	vm0 =	vge.f32 v4, $0.0e+00  }
0x104: {  	v4 =	vsel vm0, v4, v5  }
0x105: {  	v4 =	vsub.f32 v4, v2;
	_ =	sdelay $0x1  }
0x106: {  	v4 =	vmul.f32 $1.442695020e+00, v4;
	_ =	sdelay $0x1  }
0x107: {  	(erf) = vpow2.f32 v4;
	_ =	sdelay $0x7  }
0x108: {  	s15 =	sand.u32 $0x3E00, s9;
	s10 =	sadd.s32 $0x10, s10;
	s9 =	smov.u32 s13  }
.Ltmp4:
0x109: {  	s17 =	sand.u32 $0x70, s10;
	s15 =	sshrl.u32 s15, $0x2;
	v4 =	vpop (erf);
	(pc) =	sbr.rel @p2 .LBB2_7-.Ltmp4, $4  }
0x10a: {  	s15 =	sor.u32 s17, s15;
	[tilespmem:s0+$0xC400] =	vst v4  }
0x10b: {  	s0 =	sshra.s32 s13, $0x2;
	[tilespmem:s15+$0xF600] =	vst v3  }
0x10c: {  	v4 =	vld [tilespmem:s0+$0xDD00]  }
0x10d: {  	s13 =	sadd.s32 $0x40, s13;
	v3 =	vld [tilespmem:s0+$0xD080]  }
0x10e: {  	_ =	sdelay $0x6  }
0x10f: {  	v4 =	vld.idx.msk [tilespmem:v4+s12+$0x0], $0xffff  }
0x110: {  	v5 =	vld.idx.msk [tilespmem:v3+s21+$0x0], $0xffff;
	_ =	sdelay $0x1  }
0x111: {  	v6 =	vld [tilespmem:s0+$0xE980];
	_ =	sdelay $0x2  }
0x112: {  	v4 =	vadd.f32 v4, v5;
	_ =	sdelay $0x1  }
0x113: {  	v4 =	vadd.f32 v4, v6;
	_ =	sdelay $0x1  }
0x114: {  	v63 =	vmul.f32 $2.000000030e-01, v4  }
0x115: {  	vm0 =	vge.f32 v4, $0.0e+00  }
0x116: {  	v4 =	vsel vm0, v4, v63  }
0x117: {  	v4 =	vsub.f32 v4, v2;
	_ =	sdelay $0x1  }
0x118: {  	v4 =	vmul.f32 $1.442695020e+00, v4;
	_ =	sdelay $0x1  }
0x119: {  	(erf) = vpow2.f32 v4;
	_ =	sdelay $0x7  }
0x11a: {  	s9 =	sand.u32 $0x3E00, s9;
	s10 =	sadd.s32 $0x10, s10  }
0x11b: {  	s10 =	sand.u32 $0x70, s10;
	s9 =	sshrl.u32 s9, $0x2;
	v4 =	vpop (erf)  }
0x11c: {  	s10 =	sor.u32 s10, s9;
	[tilespmem:s0+$0xC400] =	vst v4  }
0x11d: {  	s13 =	sadd.s32 s4, s3;
	s15 =	simm.s32 $0x0;
	s17 =	simm.s32 $0xC400;
	[tilespmem:s10+$0xF600] =	vst v3  }
0x11e: {  	[hbm4b:s13+s15] =	stream.linear.scatter [tilespmem:s17], [sflag:$0x2], $0xC80, $0x38;
	[tilespmem:$0x1FF20] =	vst v63  }
0x11f: {  	_ =	swait.ge [sflag:s11], $0xC80  }
0x120: {  	[sflag:s11] =	ssyncset.done $0x0  }
0x121: {  	s24 =	simm.s32 $0xC400;
	s30 =	simm.s32 $0xF600;
	[sflag:s11] =	ssyncadd.s32 $0xFFFFF380  }
0x122: {  	[spmem:s26] =	stream.indirect.scatter.add.f32 [tilespmem:s24], [sflag:$0x2], $0x1, s30, s14, $0xb8;
	[tilespmem:$0x1FF20] =	vst v63  }
0x123: {  	s0 =	simm.s32 $0x200;
	_ =	swait.ge [sflag:s11], $0x80  }
.LBB2_9:
0x124: {  	s3 =	sshra.s32 s0, $0x2  }
0x125: {  	[sflag:s11] =	ssyncset.done $0x0;
	p1 =	sne.s32 s0, $0x3000;
	s9 =	sadd.s32 $0xC400, s3  }
.Ltmp5:
0x126: {  	s3 =	sadd.s32 $0xF600, s3;
	[sflag:s11] =	ssyncadd.s32 $0xFFFFFF80;
	(pc) =	sbr.rel @p1 .LBB2_9-.Ltmp5, $3  }
0x127: {  	[spmem:s26] =	stream.indirect.scatter.add.f32 [tilespmem:s9], [sflag:$0x2], $0x1, s3, s14, $0xb8;
	[tilespmem:$0x1FF20] =	vst v63  }
0x128: {  	s0 =	sadd.s32 $0x200, s0;
	_ =	sdelay $0x1  }
0x129: {  	_ =	swait.ge [sflag:s11], $0x80  }
0x12a: {  	s22 =	sadd.s32 $0x1, s22  }
0x12b: {  	p1 =	sne.s32 s22, $0x8  }
.Ltmp6:
0x12c: {  	_ = 	snop;
	(pc) =	sbr.rel @p1 .LBB2_6-.Ltmp6, $3  }
0x12d: {  	_ =	sdelay $0x1  }
0x12e: {  	[sflag:s11] =	ssyncset.done $0x0  }
0x12f: {  	[sflag:s11] =	ssyncadd.s32 $0xFFFFFF80  }
0x130: {  	[bflag:$0x0] =	sbarrier.arrive $0xFFFF  }
0x131: {  	[tilespmem:s12], [sflag:$0x2] =	stream.linear.gather [spmem:s26], $0xC40, $0x38;
	[tilespmem:$0x1FF20] =	vst v63  }
0x132: {  	_ =	swait.ge [sflag:s11], $0xC40  }
0x133: {  	s0 =	sld [smem:$0x7F5]  }
0x134: {  	[sflag:s11] =	ssyncset.done $0x0  }
0x135: {  	s3 =	simm.s32 $0x6E40;
	[sflag:s11] =	ssyncadd.s32 $0xFFFFF3C0  }
0x136: {  	[tilespmem:s3], [sflag:$0x2] =	stream.linear.gather [spmem:s0], $0xC40, $0x38;
	[tilespmem:$0x1FF20] =	vst v63  }
0x137: {  	_ =	swait.ge [sflag:s11], $0xC40  }
0x138: {  	s24 =	sld [smem:$0x7F6]  }
0x139: {  	[sflag:s11] =	ssyncset.done $0x0  }
0x13a: {  	s30 =	simm.s32 $0x7A80;
	[sflag:s11] =	ssyncadd.s32 $0xFFFFF3C0  }
0x13b: {  	[tilespmem:s30], [sflag:$0x2] =	stream.linear.gather [spmem:s24], $0xC40, $0x38;
	[tilespmem:$0x1FF20] =	vst v63  }
0x13c: {  	_ =	swait.ge [sflag:s11], $0xC40  }
0x13d: {  	s3 =	sld [smem:$0x7F7]  }
0x13e: {  	[sflag:s11] =	ssyncset.done $0x0  }
0x13f: {  	s8 =	simm.s32 $0x86C0;
	[sflag:s11] =	ssyncadd.s32 $0xFFFFF3C0  }
0x140: {  	[tilespmem:s8], [sflag:$0x2] =	stream.linear.gather [spmem:s3], $0xC40, $0x38;
	[tilespmem:$0x1FF20] =	vst v63  }
0x141: {  	_ =	swait.ge [sflag:s11], $0xC40  }
0x142: {  	s9 =	sld [smem:$0x7F8]  }
0x143: {  	[sflag:s11] =	ssyncset.done $0x0  }
0x144: {  	s10 =	simm.s32 $0x9300;
	[sflag:s11] =	ssyncadd.s32 $0xFFFFF3C0  }
0x145: {  	[tilespmem:s10], [sflag:$0x2] =	stream.linear.gather [spmem:s9], $0xC40, $0x38;
	[tilespmem:$0x1FF20] =	vst v63  }
0x146: {  	_ =	swait.ge [sflag:s11], $0xC40  }
0x147: {  	s13 =	sld [smem:$0x7F9]  }
0x148: {  	[sflag:s11] =	ssyncset.done $0x0  }
0x149: {  	s15 =	simm.s32 $0x9F40;
	[sflag:s11] =	ssyncadd.s32 $0xFFFFF3C0  }
0x14a: {  	[tilespmem:s15], [sflag:$0x2] =	stream.linear.gather [spmem:s13], $0xC40, $0x38;
	[tilespmem:$0x1FF20] =	vst v63  }
0x14b: {  	_ =	swait.ge [sflag:s11], $0xC40  }
0x14c: {  	s17 =	sld [smem:$0x7FA]  }
0x14d: {  	[sflag:s11] =	ssyncset.done $0x0  }
0x14e: {  	s22 =	simm.s32 $0xAB80;
	[sflag:s11] =	ssyncadd.s32 $0xFFFFF3C0  }
0x14f: {  	[tilespmem:s22], [sflag:$0x2] =	stream.linear.gather [spmem:s17], $0xC40, $0x38;
	[tilespmem:$0x1FF20] =	vst v63  }
0x150: {  	_ =	swait.ge [sflag:s11], $0xC40  }
0x151: {  	s24 =	sld [smem:$0x7FB]  }
0x152: {  	[sflag:s11] =	ssyncset.done $0x0  }
.Ltmp7:
0x153: {  	s30 =	simm.s32 $0xB7C0;
	[sflag:s11] =	ssyncadd.s32 $0xFFFFF3C0;
	(pc) =	sbr.rel .LBB2_12-.Ltmp7, $4  }
0x154: {  	[tilespmem:s30], [sflag:$0x2] =	stream.linear.gather [spmem:s24], $0xC40, $0x38;
	[tilespmem:$0x1FF20] =	vst v63  }
0x155: {  	_ =	swait.ge [sflag:s11], $0xC40  }
0x156: {  	[sflag:s11] =	ssyncset.done $0x0  }
0x157: {  	s10 =	simm.s32 $0x0;
	[sflag:s11] =	ssyncadd.s32 $0xFFFFF3C0  }
.LBB2_91:
0x158: {  	s3 =	rddreg [dreg:$0x1c]  }
0x159: {  	s0 =	sshrl.u32 s0, $0x3;
	s30 =	rddreg [dreg:$0x19]  }
0x15a: {  	s8 =	simm.s32 $0x1E02;
	s0 =	sadd.s32 s3, s0;
	s3 =	sshrl.u32 s30, $0x3  }
0x15b: {  	[hbm:s0], [sflag:s8] =	dma.local [spmem:s3], $0x200  }
0x15c: {  	_ =	swait.ge [sflag:s11], $0x200  }
0x15d: {  	[sflag:s11] =	ssyncset.done $0x0  }
0x15e: {  	[sflag:s11] =	ssyncadd.s32 $0xFFFFFE00  }
.LBB2_92:
0x15f: {  	s10 =	sadd.s32 $0x1, s10  }
0x160: {  	p1 =	sne.s32 s10, $0x8  }
.Ltmp8:
0x161: {  	_ = 	snop;
	(pc) =	sbr.rel @!p1 .LBB2_93-.Ltmp8, $2  }
0x162: {  	_ =	sdelay $0x1  }
0x163: {  	[bflag:$0x0] =	sbarrier.arrive $0xFFFF;
	_ =	sdelay $0x1  }
.LBB2_12:
0x164: {  	s0 =	simm.s32 $0x0;
	s3 =	simm.s32 $0x200  }
.LBB2_13:
0x165: {  	p2 =	sne.s32 s3, $0xFE00;
	[tilespmem:s0+$0x182F0] =	vst v1  }
0x166: {  	[tilespmem:s0+$0x18280] =	vst v1  }
0x167: {  	[tilespmem:s0+$0x18290] =	vst v1  }
.Ltmp9:
0x168: {  	[tilespmem:s0+$0x182A0] =	vst v1;
	(pc) =	sbr.rel @p2 .LBB2_13-.Ltmp9, $4  }
0x169: {  	[tilespmem:s0+$0x182B0] =	vst v1  }
0x16a: {  	[tilespmem:s0+$0x182C0] =	vst v1  }
0x16b: {  	[tilespmem:s0+$0x182D0] =	vst v1  }
0x16c: {  	[tilespmem:s0+$0x182E0] =	vst v1;
	s0 =	sshra.s32 s3, $0x2;
	s3 =	sadd.s32 $0x200, s3  }
0x16d: {  	[tilespmem:s0+$0x182F0] =	vst v1  }
0x16e: {  	[tilespmem:s0+$0x18280] =	vst v1  }
0x16f: {  	[tilespmem:s0+$0x18290] =	vst v1  }
.Ltmp10:
0x170: {  	[tilespmem:s0+$0x182A0] =	vst v1;
	(pc) =	sbr.rel @!p4 .LBB2_15-.Ltmp10, $4  }
0x171: {  	[tilespmem:s0+$0x182B0] =	vst v1  }
0x172: {  	[tilespmem:s0+$0x182C0] =	vst v1  }
0x173: {  	[tilespmem:s0+$0x182D0] =	vst v1  }
0x174: {  	[tilespmem:s0+$0x182E0] =	vst v1  }
.Ltmp11:
0x175: {  	(pc) =	sbr.rel @!p0 .LBB2_17-.Ltmp11, $1  }
0x176: {  	_ =	sdelay $0x3  }
0x177: {  	s0 =	sld [smem:$0x7F4];
	_ =	sdelay $0x2  }
0x178: {  	p1 =	seq.s32 s0, $0x1  }
.Ltmp12:
0x179: {  	_ = 	snop;
	(pc) =	sbr.rel @p1 .LBB2_21-.Ltmp12, $1  }
0x17a: {  	_ =	sdelay $0x3  }
0x17b: {  	s0 =	sld [smem:$0x7F2];
	_ =	sdelay $0x2  }
0x17c: {  	p1 =	seq.s32 s0, $0x1  }
.Ltmp13:
0x17d: {  	_ = 	snop;
	(pc) =	sbr.rel @p1 .LBB2_22-.Ltmp13, $1  }
0x17e: {  	_ =	sdelay $0x3  }
0x17f: {  	s3 =	sld [smem:$0x7F3];
	_ =	sdelay $0x2  }
0x180: {  	p1 =	seq.s32 s3, $0x1  }
.Ltmp14:
0x181: {  	_ = 	snop;
	(pc) =	sbr.rel @p1 .LBB2_23-.Ltmp14, $4  }
.Ltmp15:
0x182: {  	_ = 	snop;
	(pc) =	sbr.rel @!p1 .LBB2_24-.Ltmp15, $4  }
0x183: {  	_ = 	snop  }
0x184: {  	_ = 	snop  }
0x185: {  	s0 =	sld [smem:$0x7FC]  }
0x186: {  	_ = 	snop  }
.LBB2_15:
0x187: {  	s3 =	sld @p5 [smem:$0x7E6];
	_ =	sdelay $0x2  }
0x188: {  	s3 =	sld @!p5 [smem:$0x7E5];
	_ =	sdelay $0x2  }
0x189: {  	p1 =	seq.s32 s3, $0x1  }
.Ltmp16:
0x18a: {  	_ = 	snop;
	(pc) =	sbr.rel @p1 .LBB2_23-.Ltmp16, $4  }
.Ltmp17:
0x18b: {  	_ = 	snop;
	(pc) =	sbr.rel @!p1 .LBB2_24-.Ltmp17, $4  }
0x18c: {  	_ = 	snop  }
0x18d: {  	s0 =	rddreg @p5 [dreg:$0x17]  }
0x18e: {  	s0 =	rddreg @!p5 [dreg:$0x16]  }
0x18f: {  	_ = 	snop  }
.LBB2_17:
0x190: {  	s3 =	sld [smem:$0x7E7];
	_ =	sdelay $0x2  }
0x191: {  	p1 =	seq.s32 s3, $0x1  }
.Ltmp18:
0x192: {  	_ = 	snop;
	(pc) =	sbr.rel @p1 .LBB2_23-.Ltmp18, $4  }
.Ltmp19:
0x193: {  	_ = 	snop;
	(pc) =	sbr.rel @!p1 .LBB2_24-.Ltmp19, $4  }
0x194: {  	_ = 	snop  }
0x195: {  	_ = 	snop  }
0x196: {  	s0 =	rddreg [dreg:$0x18]  }
0x197: {  	_ = 	snop  }
.LBB2_21:
0x198: {  	s3 =	sld [smem:$0x7EB];
	_ =	sdelay $0x2  }
0x199: {  	p1 =	seq.s32 s3, $0x1  }
.Ltmp20:
0x19a: {  	_ = 	snop;
	(pc) =	sbr.rel @p1 .LBB2_23-.Ltmp20, $4  }
.Ltmp21:
0x19b: {  	_ = 	snop;
	(pc) =	sbr.rel @!p1 .LBB2_24-.Ltmp21, $4  }
0x19c: {  	_ = 	snop  }
0x19d: {  	_ = 	snop  }
0x19e: {  	s0 =	rddreg [dreg:$0x1a]  }
0x19f: {  	_ = 	snop  }
.LBB2_22:
0x1a0: {  	s0 =	sld [smem:$0x7FD]  }
.LBB2_23:
0x1a1: {  	_ =	sdelay $0x1  }
0x1a2: {  	[spmem:s0] =	stream.linear.scatter [tilespmem:s7], [sflag:$0x2], $0x4000, $0x38;
	[tilespmem:$0x1FF20] =	vst v63  }
0x1a3: {  	_ =	swait.ge [sflag:s11], $0x4000  }
0x1a4: {  	[sflag:s11] =	ssyncset.done $0x0  }
0x1a5: {  	[sflag:s11] =	ssyncadd.s32 $0xFFFFC000  }
.LBB2_24:
0x1a6: {  	s0 =	smul.u32 $0xFFFFF9E0, s10  }
0x1a7: {  	[smem:$0x7E0] =	sst s10  }
0x1a8: {  	s8 =	simm.s32 $0x0;
	[bflag:$0x0] =	sbarrier.arrive $0xFFFF;
	v2 =	vmov s0  }
.LBB2_25:
0x1a9: {  	s0 =	smul.u32 $0xC80, s8;
	_ =	sdelay $0x1  }
0x1aa: {  	s3 =	sadd.s32 s5, s0  }
0x1ab: {  	s3 =	sshrl.u32 s3, $0x3  }
0x1ac: {  	s10 =	simm.s32 $0xD080;
	s9 =	sadd.s32 s28, s3  }
0x1ad: {  	[tilespmem:s10], [sflag:$0x2] =	stream.linear.gather [hbm4b:s9+s23], $0xC80, $0x38;
	[tilespmem:$0x1FF20] =	vst v63  }
0x1ae: {  	_ =	swait.ge [sflag:s11], $0xC80  }
0x1af: {  	[sflag:s11] =	ssyncset.done $0x0  }
0x1b0: {  	s24 =	simm.s32 $0xDD00;
	s22 =	sadd.s32 s29, s3;
	[sflag:s11] =	ssyncadd.s32 $0xFFFFF380  }
0x1b1: {  	[tilespmem:s24], [sflag:$0x2] =	stream.linear.gather [hbm4b:s22+s23], $0xC80, $0x38;
	[tilespmem:$0x1FF20] =	vst v63  }
0x1b2: {  	_ =	swait.ge [sflag:s11], $0xC80  }
0x1b3: {  	[sflag:s11] =	ssyncset.done $0x0  }
0x1b4: {  	s30 =	simm.s32 $0xC400;
	s3 =	sadd.s32 s4, s3;
	[sflag:s11] =	ssyncadd.s32 $0xFFFFF380  }
0x1b5: {  	[tilespmem:s30], [sflag:$0x2] =	stream.linear.gather [hbm4b:s3+s23], $0xC80, $0x38;
	[tilespmem:$0x1FF20] =	vst v63  }
0x1b6: {  	_ =	swait.ge [sflag:s11], $0xC80  }
0x1b7: {  	[sflag:s11] =	ssyncset.done $0x0  }
0x1b8: {  	s3 =	simm.s32 $0x0;
	[sflag:s11] =	ssyncadd.s32 $0xFFFFF380  }
0x1b9: {  	v3 =	vld [tilespmem:s3+$0xD080];
	_ =	sdelay $0x1  }
0x1ba: {  	v4 =	vld [tilespmem:s3+$0xDD00];
	_ =	sdelay $0x2  }
0x1bb: {  	v5 =	vshra.s32 v3, $0x1  }
0x1bc: {  	v5 =	vadd.s32 v2, v5  }
0x1bd: {  	v4 =	vadd.s32 v0, v4;
	vm0 =	vlt.u32 v5, $0x620  }
0x1be: {  	[tilespmem:s3+$0x10600] =	vst v4;
	v5 =	vnsel vm0, $0x640, v5  }
0x1bf: {  	[tilespmem:s3+$0xF600] =	vst v5  }
0x1c0: {  	v4 =	vld.idx.msk [tilespmem:v3+s12+$0x0], $0xffff;
	_ =	sdelay $0x4  }
0x1c1: {  	v5 =	vadd.f32 $1.000000020e-16, v4;
	_ =	sdelay $0x1  }
0x1c2: {  	(erf) = vrcp.f32 v5;
	_ =	sdelay $0x2  }
0x1c3: {  	s9 =	simm.s32 $0x10  }
0x1c4: {  	v4 =	vld [tilespmem:s9+$0xD080]  }
0x1c5: {  	s10 =	simm.s32 $0x80;
	v5 =	vld [tilespmem:s3+$0xC400]  }
.LBB2_26:
0x1c6: {  	p2 =	sne.s32 s10, $0x31C0;
	v6 =	vld [tilespmem:s9+$0xDD00]  }
0x1c7: {  	v10 =	vand.u32 $0x1, v3  }
0x1c8: {  	v7 =	vcvt.s32.f32 v10  }
0x1c9: {  	v8 =	vshra.s32 v4, $0x1;
	v9 =	vpop (erf);
	v3 =	vmov v4  }
0x1ca: {  	v4 =	vadd.s32 v2, v8;
	v5 =	vmul.f32 v9, v5;
	v8 =	vsub.f32 $1.000000000e+00, v7  }
0x1cb: {  	vm0 =	vlt.u32 v4, $0x620;
	v6 =	vadd.s32 v0, v6  }
0x1cc: {  	v4 =	vnsel vm0, $0x640, v4;
	[tilespmem:s9+$0x10600] =	vst v6;
	v6 =	vmul.f32 v5, v8;
	v5 =	vmul.f32 v7, v5  }
0x1cd: {  	[tilespmem:s9+$0xF600] =	vst v4  }
0x1ce: {  	[tilespmem:s3+$0xE980] =	vst v6  }
0x1cf: {  	[tilespmem:s3+$0x11600] =	vst v5;
	s3 =	smov.u32 s9  }
0x1d0: {  	v4 =	vld.idx.msk [tilespmem:v3+s12+$0x0], $0xffff;
	_ =	sdelay $0x5  }
0x1d1: {  	v4 =	vadd.f32 $1.000000020e-16, v4;
	_ =	sdelay $0x1  }
0x1d2: {  	(erf) = vrcp.f32 v4  }
.Ltmp22:
0x1d3: {  	(pc) =	sbr.rel @p2 .LBB2_26-.Ltmp22, $4  }
0x1d4: {  	_ = 	snop  }
0x1d5: {  	s9 =	sshra.s32 s10, $0x2  }
0x1d6: {  	v4 =	vld [tilespmem:s9+$0xD080]  }
0x1d7: {  	s10 =	sadd.s32 $0x40, s10;
	v5 =	vld [tilespmem:s3+$0xC400]  }
0x1d8: {  	v6 =	vld [tilespmem:s9+$0xDD00]  }
0x1d9: {  	v3 =	vand.u32 $0x1, v3  }
0x1da: {  	v3 =	vcvt.s32.f32 v3  }
0x1db: {  	v7 =	vshra.s32 v4, $0x1;
	v8 =	vpop (erf)  }
0x1dc: {  	v59 =	vsub.f32 $1.000000000e+00, v3;
	v7 =	vadd.s32 v2, v7;
	v5 =	vmul.f32 v8, v5  }
0x1dd: {  	vm0 =	vlt.u32 v7, $0x620;
	v6 =	vadd.s32 v0, v6  }
0x1de: {  	v7 =	vnsel vm0, $0x640, v7;
	[tilespmem:s9+$0x10600] =	vst v6;
	v60 =	vmul.f32 v5, v59  }
0x1df: {  	v3 =	vmul.f32 v3, v5;
	[tilespmem:s9+$0xF600] =	vst v7  }
0x1e0: {  	[tilespmem:s3+$0xE980] =	vst v60  }
0x1e1: {  	[tilespmem:s3+$0x11600] =	vst v3  }
0x1e2: {  	v3 =	vld.idx.msk [tilespmem:v4+s12+$0x0], $0xffff;
	_ =	sdelay $0x4  }
0x1e3: {  	v3 =	vadd.f32 $1.000000020e-16, v3;
	_ =	sdelay $0x1  }
0x1e4: {  	(erf) = vrcp.f32 v3;
	_ =	sdelay $0x4  }
0x1e5: {  	v3 =	vld [tilespmem:s9+$0xC400];
	_ =	sdelay $0x1  }
0x1e6: {  	v61 =	vand.u32 $0x1, v4  }
0x1e7: {  	v4 =	vcvt.s32.f32 v61  }
0x1e8: {  	v62 =	vpop (erf)  }
0x1e9: {  	v63 =	vsub.f32 $1.000000000e+00, v4;
	v3 =	vmul.f32 v62, v3;
	_ =	sdelay $0x1  }
0x1ea: {  	v5 =	vmul.f32 v3, v63  }
0x1eb: {  	s0 =	sadd.s32 s6, s0;
	v3 =	vmul.f32 v4, v3  }
0x1ec: {  	s24 =	rddreg [dreg:$0x1d];
	s17 =	simm.s32 $0x0;
	s0 =	sshll.u32 s0, $0x6;
	[tilespmem:s9+$0xE980] =	vst v5  }
0x1ed: {  	s30 =	simm.s32 $0x0;
	s10 =	sadd.s32 s24, s0;
	[tilespmem:s9+$0x11600] =	vst v3;
	s9 =	simm.s32 $0x0  }
.LBB2_28:
0x1ee: {  	s0 =	sshll.u32 s30, $0xD  }
0x1ef: {  	s0 =	sadd.s32 s0, s10  }
0x1f0: {  	s0 =	sshrl.u32 s0, $0x3  }
0x1f1: {  	s0 =	sadd.s32 s31, s0  }
0x1f2: {  	[tilespmem:s18], [sflag:$0x1] =	stream.linear.gather [hbm4b:s0+s9], $0x2000, $0x38;
	[tilespmem:$0x1FF20] =	vst v63  }
0x1f3: {  	s0 =	sshll.u32 s30, $0x7  }
0x1f4: {  	s3 =	sadd.s32 $0x10600, s0  }
0x1f5: {  	[tilespmem:s25], [sflag:$0x2] =	stream.indirect.gather [hbm4b:s2+s14], $0x80, s3, s14, $0xb8;
	[tilespmem:$0x1FF20] =	vst v63  }
0x1f6: {  	_ =	swait.ge [sflag:s11], $0x4000  }
0x1f7: {  	[sflag:s11] =	ssyncset.done $0x0  }
0x1f8: {  	[sflag:s11] =	ssyncadd.s32 $0xFFFFC000  }
0x1f9: {  	_ =	swait.ge [sflag:s19], $0x2000  }
0x1fa: {  	v4 =	vmov s17;
	[sflag:s19] =	ssyncset.done $0x0  }
0x1fb: {  	s22 =	simm.s32 $0x0;
	[sflag:s19] =	ssyncadd.s32 $0xFFFFE000  }
0x1fc: {  	s15 =	simm.s32 $0x162A0;
	v5 =	vld [tilespmem:s22+$0x12280]  }
0x1fd: {  	v6 =	vld [tilespmem:s15+$0xFFFFFFE0];
	_ =	sdelay $0x1  }
0x1fe: {  	v3 =	vld.idx.msk [tilespmem:v4+s16+$0x0], $0xffff  }
0x1ff: {  	v4 =	vld.idx.msk [tilespmem:v4+s20+$0x0], $0xffff;
	_ =	sdelay $0x1  }
0x200: {  	v5 =	vadd.f32 v6, v5;
	_ =	sdelay $0x1  }
0x201: {  	v6 =	vmul.f32 v5, v3  }
0x202: {  	v5 =	vmul.f32 v5, v4  }
0x203: {  	[tilespmem:s22+$0x18280] =	vst v6  }
0x204: {  	[tilespmem:s22+$0x182C0] =	vst v5;
	v5 =	vld [tilespmem:s22+$0x12290]  }
0x205: {  	v6 =	vld [tilespmem:s15+$0xFFFFFFF0];
	_ =	sdelay $0x4  }
0x206: {  	v5 =	vadd.f32 v6, v5;
	_ =	sdelay $0x1  }
0x207: {  	v6 =	vmul.f32 v5, v3  }
0x208: {  	v5 =	vmul.f32 v5, v4  }
0x209: {  	[tilespmem:s22+$0x18290] =	vst v6  }
0x20a: {  	[tilespmem:s22+$0x182D0] =	vst v5;
	v5 =	vld [tilespmem:s22+$0x122A0]  }
0x20b: {  	v6 =	vld [tilespmem:s15+$0x0];
	_ =	sdelay $0x4  }
0x20c: {  	v5 =	vadd.f32 v6, v5;
	_ =	sdelay $0x1  }
0x20d: {  	v6 =	vmul.f32 v5, v3  }
0x20e: {  	v5 =	vmul.f32 v5, v4  }
0x20f: {  	[tilespmem:s22+$0x182A0] =	vst v6  }
0x210: {  	[tilespmem:s22+$0x182E0] =	vst v5;
	v5 =	vld [tilespmem:s22+$0x122B0]  }
0x211: {  	s13 =	simm.s32 $0x200;
	s3 =	smov.u32 s17;
	v6 =	vld [tilespmem:s15+$0x10]  }
.LBB2_29:
0x212: {  	_ =	sdelay $0x3  }
0x213: {  	p2 =	sne.s32 s13, $0xFE00;
	s15 =	sadd.s32 $0x40, s15;
	s3 =	sadd.s32 $0x1, s3;
	v5 =	vadd.f32 v6, v5  }
0x214: {  	s24 =	smov.u32 s13;
	s13 =	sadd.s32 $0x200, s13;
	v6 =	vmov s3  }
0x215: {  	v3 =	vmul.f32 v5, v3;
	v4 =	vmul.f32 v5, v4;
	_ =	sdelay $0x1  }
0x216: {  	s24 =	sshra.s32 s24, $0x2;
	[tilespmem:s22+$0x182B0] =	vst v3  }
0x217: {  	v5 =	vld [tilespmem:s24+$0x12280];
	[tilespmem:s22+$0x182F0] =	vst v4;
	s22 =	smov.u32 s24  }
0x218: {  	v7 =	vld [tilespmem:s15+$0xFFFFFFE0]  }
0x219: {  	v3 =	vld.idx.msk [tilespmem:v6+s16+$0x0], $0xffff  }
0x21a: {  	v4 =	vld.idx.msk [tilespmem:v6+s20+$0x0], $0xffff;
	_ =	sdelay $0x2  }
0x21b: {  	v5 =	vadd.f32 v7, v5;
	_ =	sdelay $0x1  }
0x21c: {  	v6 =	vmul.f32 v5, v3  }
0x21d: {  	v5 =	vmul.f32 v5, v4  }
0x21e: {  	[tilespmem:s22+$0x18280] =	vst v6  }
0x21f: {  	[tilespmem:s22+$0x182C0] =	vst v5;
	v5 =	vld [tilespmem:s22+$0x12290]  }
0x220: {  	v6 =	vld [tilespmem:s15+$0xFFFFFFF0];
	_ =	sdelay $0x4  }
0x221: {  	v5 =	vadd.f32 v6, v5;
	_ =	sdelay $0x1  }
0x222: {  	v6 =	vmul.f32 v5, v3;
	v5 =	vmul.f32 v5, v4;
	_ =	sdelay $0x1  }
0x223: {  	[tilespmem:s22+$0x18290] =	vst v6  }
0x224: {  	[tilespmem:s22+$0x182D0] =	vst v5;
	v5 =	vld [tilespmem:s22+$0x122A0]  }
0x225: {  	v6 =	vld [tilespmem:s15+$0x0];
	_ =	sdelay $0x4  }
0x226: {  	v5 =	vadd.f32 v6, v5;
	_ =	sdelay $0x1  }
.Ltmp23:
0x227: {  	v6 =	vmul.f32 v5, v3;
	v5 =	vmul.f32 v5, v4;
	(pc) =	sbr.rel @p2 .LBB2_29-.Ltmp23, $4  }
0x228: {  	_ = 	snop  }
0x229: {  	[tilespmem:s22+$0x182A0] =	vst v6  }
0x22a: {  	[tilespmem:s22+$0x182E0] =	vst v5;
	v5 =	vld [tilespmem:s22+$0x122B0]  }
0x22b: {  	v6 =	vld [tilespmem:s15+$0x10]  }
0x22c: {  	_ =	sdelay $0x3  }
0x22d: {  	v5 =	vadd.f32 v6, v5;
	_ =	sdelay $0x1  }
0x22e: {  	v3 =	vmul.f32 v5, v3  }
0x22f: {  	s30 =	sadd.s32 $0x1, s30;
	v4 =	vmul.f32 v5, v4  }
0x230: {  	p1 =	sne.s32 s30, $0x19;
	[tilespmem:s22+$0x182B0] =	vst v3  }
.Ltmp24:
0x231: {  	s0 =	sadd.s32 $0xF600, s0;
	[tilespmem:s22+$0x182F0] =	vst v4;
	(pc) =	sbr.rel @p1 .LBB2_28-.Ltmp24, $4  }
0x232: {  	[spmem:s1] =	stream.indirect.scatter.add.f32 [tilespmem:s7], [sflag:$0x2], $0x80, s0, s14, $0xb8;
	[tilespmem:$0x1FF20] =	vst v63  }
0x233: {  	_ =	swait.ge [sflag:s11], $0x4000  }
0x234: {  	[sflag:s11] =	ssyncset.done $0x0  }
0x235: {  	s17 =	sadd.s32 $0x80, s17;
	[sflag:s11] =	ssyncadd.s32 $0xFFFFC000  }
0x236: {  	s8 =	sadd.s32 $0x1, s8  }
0x237: {  	p1 =	sne.s32 s8, $0x8  }
.Ltmp25:
0x238: {  	_ = 	snop;
	(pc) =	sbr.rel @p1 .LBB2_25-.Ltmp25, $1  }
0x239: {  	_ =	sdelay $0x3  }
.Ltmp26:
0x23a: {  	(pc) =	sbr.rel @!p3 .LBB2_33-.Ltmp26, $2  }
0x23b: {  	_ =	sdelay $0x1  }
0x23c: {  	[bflag:$0x0] =	sbarrier.arrive $0xFFFF;
	_ =	sdelay $0x1  }
0x23d: {  	s10 =	sld [smem:$0x7E0];
	_ =	sdelay $0x2  }
0x23e: {  	s0 =	sld [smem:$0x7E9];
	s8 =	smul.u32 $0x31000, s10  }
.Ltmp27:
0x23f: {  	_ = 	snop;
	(pc) =	sbr.rel @p4 .LBB2_62-.Ltmp27, $4  }
0x240: {  	_ = 	snop  }
0x241: {  	s0 =	sadd.s32 s0, s8  }
0x242: {  	s3 =	rddreg [dreg:$0x1c];
	s0 =	sshrl.u32 s0, $0x3  }
0x243: {  	s13 =	stileid.u32;
	s0 =	sadd.s32 s3, s0  }
.Ltmp28:
0x244: {  	(pc) =	sbr.rel @p5 .LBB2_58-.Ltmp28, $1  }
0x245: {  	_ =	sdelay $0x3  }
0x246: {  	s3 =	sld [smem:$0x7E2];
	_ =	sdelay $0x2  }
0x247: {  	p1 =	seq.s32 s3, $0x1  }
.Ltmp29:
0x248: {  	_ = 	snop;
	(pc) =	sbr.rel @p1 .LBB2_81-.Ltmp29, $1  }
0x249: {  	_ =	sdelay $0x3  }
0x24a: {  	s3 =	sld [smem:$0x7EC];
	_ =	sdelay $0x2  }
0x24b: {  	p1 =	seq.s32 s3, $0x1  }
.Ltmp30:
0x24c: {  	_ = 	snop;
	(pc) =	sbr.rel @p1 .LBB2_82-.Ltmp30, $1  }
0x24d: {  	_ =	sdelay $0x3  }
0x24e: {  	s3 =	sld [smem:$0x7ED];
	_ =	sdelay $0x2  }
0x24f: {  	p1 =	seq.s32 s3, $0x1  }
.Ltmp31:
0x250: {  	_ = 	snop;
	(pc) =	sbr.rel @!p1 .LBB2_92-.Ltmp31, $1  }
0x251: {  	_ =	sdelay $0x3  }
0x252: {  	s9 =	sld [smem:$0x7E8];
	_ =	sdelay $0x1  }
0x253: {  	s3 =	sshll.u32 s13, $0x6  }
.Ltmp32:
0x254: {  	s3 =	sor.u32 $0x1C02, s3;
	s9 =	sshrl.u32 s9, $0x3;
	(pc) =	sbr.rel .LBB2_89-.Ltmp32, $4  }
0x255: {  	[hbm:s0], [sflag:s3] =	dma.local [spmem:s9], $0x800  }
0x256: {  	_ =	swait.ge [sflag:s11], $0x800  }
0x257: {  	[sflag:s11] =	ssyncset.done $0x0  }
0x258: {  	[sflag:s11] =	ssyncadd.s32 $0xFFFFF800  }
.LBB2_33:
0x259: {  	s10 =	sld [smem:$0x7E0]  }
.Ltmp33:
0x25a: {  	_ = 	snop;
	(pc) =	sbr.rel @p4 .LBB2_43-.Ltmp33, $4  }
0x25b: {  	_ = 	snop  }
0x25c: {  	s0 =	smul.u32 $0x6200, s10  }
0x25d: {  	s3 =	rddreg [dreg:$0x1f]  }
0x25e: {  	s13 =	stileid.u32;
	s0 =	sadd.s32 s3, s0  }
.Ltmp34:
0x25f: {  	(pc) =	sbr.rel @p5 .LBB2_39-.Ltmp34, $1  }
0x260: {  	_ =	sdelay $0x3  }
0x261: {  	s3 =	sld [smem:$0x7E2];
	_ =	sdelay $0x2  }
0x262: {  	p1 =	seq.s32 s3, $0x1  }
.Ltmp35:
0x263: {  	_ = 	snop;
	(pc) =	sbr.rel @p1 .LBB2_71-.Ltmp35, $1  }
0x264: {  	_ =	sdelay $0x3  }
0x265: {  	s3 =	sld [smem:$0x7EC];
	_ =	sdelay $0x2  }
0x266: {  	p1 =	seq.s32 s3, $0x1  }
.Ltmp36:
0x267: {  	_ = 	snop;
	(pc) =	sbr.rel @p1 .LBB2_72-.Ltmp36, $1  }
0x268: {  	_ =	sdelay $0x3  }
0x269: {  	s3 =	sld [smem:$0x7ED];
	_ =	sdelay $0x2  }
0x26a: {  	p1 =	seq.s32 s3, $0x1  }
.Ltmp37:
0x26b: {  	_ = 	snop;
	(pc) =	sbr.rel @!p1 .LBB2_92-.Ltmp37, $1  }
0x26c: {  	_ =	sdelay $0x3  }
0x26d: {  	s8 =	sld [smem:$0x7E8];
	_ =	sdelay $0x1  }
0x26e: {  	s3 =	sshll.u32 s13, $0x6  }
.Ltmp38:
0x26f: {  	s3 =	sor.u32 $0x1C02, s3;
	s8 =	sshrl.u32 s8, $0x3;
	(pc) =	sbr.rel .LBB2_79-.Ltmp38, $4  }
0x270: {  	[hbm:s0], [sflag:s3] =	dma.local [spmem:s8], $0x800  }
0x271: {  	_ =	swait.ge [sflag:s11], $0x800  }
0x272: {  	[sflag:s11] =	ssyncset.done $0x0  }
0x273: {  	[sflag:s11] =	ssyncadd.s32 $0xFFFFF800  }
.LBB2_62:
.Ltmp39:
0x274: {  	(pc) =	sbr.rel @p0 .LBB2_67-.Ltmp39, $1  }
0x275: {  	_ =	sdelay $0x3  }
0x276: {  	s3 =	sld [smem:$0x7E4];
	_ =	sdelay $0x2  }
0x277: {  	p1 =	seq.s32 s3, $0x1  }
.Ltmp40:
0x278: {  	_ = 	snop;
	(pc) =	sbr.rel @p1 .LBB2_85-.Ltmp40, $1  }
0x279: {  	_ =	sdelay $0x3  }
0x27a: {  	s3 =	sld [smem:$0x7F0];
	_ =	sdelay $0x2  }
0x27b: {  	p1 =	seq.s32 s3, $0x1  }
.Ltmp41:
0x27c: {  	_ = 	snop;
	(pc) =	sbr.rel @p1 .LBB2_86-.Ltmp41, $1  }
0x27d: {  	_ =	sdelay $0x3  }
0x27e: {  	s3 =	sld [smem:$0x7F1];
	_ =	sdelay $0x2  }
0x27f: {  	p1 =	seq.s32 s3, $0x1  }
.Ltmp42:
0x280: {  	_ = 	snop;
	(pc) =	sbr.rel @!p1 .LBB2_92-.Ltmp42, $1  }
0x281: {  	_ =	sdelay $0x3  }
0x282: {  	s9 =	sld [smem:$0x7E8];
	_ =	sdelay $0x1  }
0x283: {  	s3 =	sshll.u32 s13, $0x6  }
.Ltmp43:
0x284: {  	s3 =	sor.u32 $0x1C02, s3;
	s9 =	sshrl.u32 s9, $0x3;
	(pc) =	sbr.rel .LBB2_89-.Ltmp43, $4  }
0x285: {  	[hbm:s0], [sflag:s3] =	dma.local [spmem:s9], $0x800  }
0x286: {  	_ =	swait.ge [sflag:s11], $0x800  }
0x287: {  	[sflag:s11] =	ssyncset.done $0x0  }
0x288: {  	[sflag:s11] =	ssyncadd.s32 $0xFFFFF800  }
.LBB2_43:
.Ltmp44:
0x289: {  	(pc) =	sbr.rel @p0 .LBB2_48-.Ltmp44, $1  }
0x28a: {  	_ =	sdelay $0x3  }
0x28b: {  	s3 =	sld [smem:$0x7E4];
	_ =	sdelay $0x2  }
0x28c: {  	p1 =	seq.s32 s3, $0x1  }
.Ltmp45:
0x28d: {  	_ = 	snop;
	(pc) =	sbr.rel @p1 .LBB2_75-.Ltmp45, $1  }
0x28e: {  	_ =	sdelay $0x3  }
0x28f: {  	s3 =	sld [smem:$0x7F0];
	_ =	sdelay $0x2  }
0x290: {  	p1 =	seq.s32 s3, $0x1  }
.Ltmp46:
0x291: {  	_ = 	snop;
	(pc) =	sbr.rel @p1 .LBB2_76-.Ltmp46, $1  }
0x292: {  	_ =	sdelay $0x3  }
0x293: {  	s3 =	sld [smem:$0x7F1];
	_ =	sdelay $0x2  }
0x294: {  	p1 =	seq.s32 s3, $0x1  }
.Ltmp47:
0x295: {  	_ = 	snop;
	(pc) =	sbr.rel @!p1 .LBB2_92-.Ltmp47, $1  }
0x296: {  	_ =	sdelay $0x3  }
0x297: {  	s8 =	sld [smem:$0x7E8];
	_ =	sdelay $0x1  }
0x298: {  	s3 =	sshll.u32 s13, $0x6  }
.Ltmp48:
0x299: {  	s3 =	sor.u32 $0x1C02, s3;
	s8 =	sshrl.u32 s8, $0x3;
	(pc) =	sbr.rel .LBB2_79-.Ltmp48, $4  }
0x29a: {  	[hbm:s0], [sflag:s3] =	dma.local [spmem:s8], $0x800  }
0x29b: {  	_ =	swait.ge [sflag:s11], $0x800  }
0x29c: {  	[sflag:s11] =	ssyncset.done $0x0  }
0x29d: {  	[sflag:s11] =	ssyncadd.s32 $0xFFFFF800  }
.LBB2_58:
0x29e: {  	s3 =	sld [smem:$0x7E3];
	_ =	sdelay $0x2  }
0x29f: {  	p1 =	seq.s32 s3, $0x1  }
.Ltmp49:
0x2a0: {  	_ = 	snop;
	(pc) =	sbr.rel @p1 .LBB2_83-.Ltmp49, $1  }
0x2a1: {  	_ =	sdelay $0x3  }
0x2a2: {  	s3 =	sld [smem:$0x7EE];
	_ =	sdelay $0x2  }
0x2a3: {  	p1 =	seq.s32 s3, $0x1  }
.Ltmp50:
0x2a4: {  	_ = 	snop;
	(pc) =	sbr.rel @p1 .LBB2_84-.Ltmp50, $1  }
0x2a5: {  	_ =	sdelay $0x3  }
0x2a6: {  	s3 =	sld [smem:$0x7EF];
	_ =	sdelay $0x2  }
0x2a7: {  	p1 =	seq.s32 s3, $0x1  }
.Ltmp51:
0x2a8: {  	_ = 	snop;
	(pc) =	sbr.rel @!p1 .LBB2_92-.Ltmp51, $1  }
0x2a9: {  	_ =	sdelay $0x3  }
0x2aa: {  	s9 =	sld [smem:$0x7E8];
	_ =	sdelay $0x1  }
0x2ab: {  	s3 =	sshll.u32 s13, $0x6  }
.Ltmp52:
0x2ac: {  	s3 =	sor.u32 $0x1C02, s3;
	s9 =	sshrl.u32 s9, $0x3;
	(pc) =	sbr.rel .LBB2_89-.Ltmp52, $4  }
0x2ad: {  	[hbm:s0], [sflag:s3] =	dma.local [spmem:s9], $0x800  }
0x2ae: {  	_ =	swait.ge [sflag:s11], $0x800  }
0x2af: {  	[sflag:s11] =	ssyncset.done $0x0  }
0x2b0: {  	[sflag:s11] =	ssyncadd.s32 $0xFFFFF800  }
.LBB2_39:
0x2b1: {  	s3 =	sld [smem:$0x7E3];
	_ =	sdelay $0x2  }
0x2b2: {  	p1 =	seq.s32 s3, $0x1  }
.Ltmp53:
0x2b3: {  	_ = 	snop;
	(pc) =	sbr.rel @p1 .LBB2_73-.Ltmp53, $1  }
0x2b4: {  	_ =	sdelay $0x3  }
0x2b5: {  	s3 =	sld [smem:$0x7EE];
	_ =	sdelay $0x2  }
0x2b6: {  	p1 =	seq.s32 s3, $0x1  }
.Ltmp54:
0x2b7: {  	_ = 	snop;
	(pc) =	sbr.rel @p1 .LBB2_74-.Ltmp54, $1  }
0x2b8: {  	_ =	sdelay $0x3  }
0x2b9: {  	s3 =	sld [smem:$0x7EF];
	_ =	sdelay $0x2  }
0x2ba: {  	p1 =	seq.s32 s3, $0x1  }
.Ltmp55:
0x2bb: {  	_ = 	snop;
	(pc) =	sbr.rel @!p1 .LBB2_92-.Ltmp55, $1  }
0x2bc: {  	_ =	sdelay $0x3  }
0x2bd: {  	s8 =	sld [smem:$0x7E8];
	_ =	sdelay $0x1  }
0x2be: {  	s3 =	sshll.u32 s13, $0x6  }
.Ltmp56:
0x2bf: {  	s3 =	sor.u32 $0x1C02, s3;
	s8 =	sshrl.u32 s8, $0x3;
	(pc) =	sbr.rel .LBB2_79-.Ltmp56, $4  }
0x2c0: {  	[hbm:s0], [sflag:s3] =	dma.local [spmem:s8], $0x800  }
0x2c1: {  	_ =	swait.ge [sflag:s11], $0x800  }
0x2c2: {  	[sflag:s11] =	ssyncset.done $0x0  }
0x2c3: {  	[sflag:s11] =	ssyncadd.s32 $0xFFFFF800  }
.LBB2_67:
0x2c4: {  	s3 =	sld [smem:$0x7F2];
	_ =	sdelay $0x2  }
0x2c5: {  	p1 =	seq.s32 s3, $0x1  }
.Ltmp57:
0x2c6: {  	_ = 	snop;
	(pc) =	sbr.rel @p1 .LBB2_87-.Ltmp57, $1  }
0x2c7: {  	_ =	sdelay $0x3  }
0x2c8: {  	s3 =	sld [smem:$0x7F3];
	_ =	sdelay $0x2  }
0x2c9: {  	p1 =	seq.s32 s3, $0x1  }
.Ltmp58:
0x2ca: {  	_ = 	snop;
	(pc) =	sbr.rel @p1 .LBB2_88-.Ltmp58, $1  }
0x2cb: {  	_ =	sdelay $0x3  }
0x2cc: {  	s3 =	sld [smem:$0x7EA];
	_ =	sdelay $0x2  }
0x2cd: {  	p1 =	seq.s32 s3, $0x1  }
.Ltmp59:
0x2ce: {  	_ = 	snop;
	(pc) =	sbr.rel @!p1 .LBB2_92-.Ltmp59, $1  }
0x2cf: {  	_ =	sdelay $0x3  }
0x2d0: {  	s9 =	sld [smem:$0x7E8];
	_ =	sdelay $0x1  }
0x2d1: {  	s3 =	sshll.u32 s13, $0x6  }
.Ltmp60:
0x2d2: {  	s3 =	sor.u32 $0x1C02, s3;
	s9 =	sshrl.u32 s9, $0x3;
	(pc) =	sbr.rel .LBB2_89-.Ltmp60, $4  }
0x2d3: {  	[hbm:s0], [sflag:s3] =	dma.local [spmem:s9], $0x800  }
0x2d4: {  	_ =	swait.ge [sflag:s11], $0x800  }
0x2d5: {  	[sflag:s11] =	ssyncset.done $0x0  }
0x2d6: {  	[sflag:s11] =	ssyncadd.s32 $0xFFFFF800  }
.LBB2_48:
0x2d7: {  	s3 =	sld [smem:$0x7F2];
	_ =	sdelay $0x2  }
0x2d8: {  	p1 =	seq.s32 s3, $0x1  }
.Ltmp61:
0x2d9: {  	_ = 	snop;
	(pc) =	sbr.rel @p1 .LBB2_77-.Ltmp61, $1  }
0x2da: {  	_ =	sdelay $0x3  }
0x2db: {  	s3 =	sld [smem:$0x7F3];
	_ =	sdelay $0x2  }
0x2dc: {  	p1 =	seq.s32 s3, $0x1  }
.Ltmp62:
0x2dd: {  	_ = 	snop;
	(pc) =	sbr.rel @p1 .LBB2_78-.Ltmp62, $1  }
0x2de: {  	_ =	sdelay $0x3  }
0x2df: {  	s3 =	sld [smem:$0x7EA];
	_ =	sdelay $0x2  }
0x2e0: {  	p1 =	seq.s32 s3, $0x1  }
.Ltmp63:
0x2e1: {  	_ = 	snop;
	(pc) =	sbr.rel @!p1 .LBB2_92-.Ltmp63, $1  }
0x2e2: {  	_ =	sdelay $0x3  }
0x2e3: {  	s8 =	sld [smem:$0x7E8];
	_ =	sdelay $0x1  }
0x2e4: {  	s3 =	sshll.u32 s13, $0x6  }
.Ltmp64:
0x2e5: {  	s3 =	sor.u32 $0x1C02, s3;
	s8 =	sshrl.u32 s8, $0x3;
	(pc) =	sbr.rel .LBB2_79-.Ltmp64, $4  }
0x2e6: {  	[hbm:s0], [sflag:s3] =	dma.local [spmem:s8], $0x800  }
0x2e7: {  	_ =	swait.ge [sflag:s11], $0x800  }
0x2e8: {  	[sflag:s11] =	ssyncset.done $0x0  }
0x2e9: {  	[sflag:s11] =	ssyncadd.s32 $0xFFFFF800  }
.LBB2_81:
0x2ea: {  	s9 =	sld [smem:$0x7E8];
	_ =	sdelay $0x1  }
0x2eb: {  	s3 =	sshll.u32 s13, $0x6  }
.Ltmp65:
0x2ec: {  	s3 =	sor.u32 $0x1C02, s3;
	s9 =	sshrl.u32 s9, $0x3;
	(pc) =	sbr.rel .LBB2_89-.Ltmp65, $4  }
0x2ed: {  	[hbm:s0], [sflag:s3] =	dma.local [spmem:s9], $0x800  }
0x2ee: {  	_ =	swait.ge [sflag:s11], $0x800  }
0x2ef: {  	[sflag:s11] =	ssyncset.done $0x0  }
0x2f0: {  	[sflag:s11] =	ssyncadd.s32 $0xFFFFF800  }
.LBB2_82:
0x2f1: {  	s9 =	sld [smem:$0x7E8];
	_ =	sdelay $0x1  }
0x2f2: {  	s3 =	sshll.u32 s13, $0x6  }
.Ltmp66:
0x2f3: {  	s3 =	sor.u32 $0x1C02, s3;
	s9 =	sshrl.u32 s9, $0x3;
	(pc) =	sbr.rel .LBB2_89-.Ltmp66, $4  }
0x2f4: {  	[hbm:s0], [sflag:s3] =	dma.local [spmem:s9], $0x800  }
0x2f5: {  	_ =	swait.ge [sflag:s11], $0x800  }
0x2f6: {  	[sflag:s11] =	ssyncset.done $0x0  }
0x2f7: {  	[sflag:s11] =	ssyncadd.s32 $0xFFFFF800  }
.LBB2_71:
0x2f8: {  	s8 =	sld [smem:$0x7E8];
	_ =	sdelay $0x1  }
0x2f9: {  	s3 =	sshll.u32 s13, $0x6  }
.Ltmp67:
0x2fa: {  	s3 =	sor.u32 $0x1C02, s3;
	s8 =	sshrl.u32 s8, $0x3;
	(pc) =	sbr.rel .LBB2_79-.Ltmp67, $4  }
0x2fb: {  	[hbm:s0], [sflag:s3] =	dma.local [spmem:s8], $0x800  }
0x2fc: {  	_ =	swait.ge [sflag:s11], $0x800  }
0x2fd: {  	[sflag:s11] =	ssyncset.done $0x0  }
0x2fe: {  	[sflag:s11] =	ssyncadd.s32 $0xFFFFF800  }
.LBB2_72:
0x2ff: {  	s8 =	sld [smem:$0x7E8];
	_ =	sdelay $0x1  }
0x300: {  	s3 =	sshll.u32 s13, $0x6  }
.Ltmp68:
0x301: {  	s3 =	sor.u32 $0x1C02, s3;
	s8 =	sshrl.u32 s8, $0x3;
	(pc) =	sbr.rel .LBB2_79-.Ltmp68, $4  }
0x302: {  	[hbm:s0], [sflag:s3] =	dma.local [spmem:s8], $0x800  }
0x303: {  	_ =	swait.ge [sflag:s11], $0x800  }
0x304: {  	[sflag:s11] =	ssyncset.done $0x0  }
0x305: {  	[sflag:s11] =	ssyncadd.s32 $0xFFFFF800  }
.LBB2_85:
0x306: {  	s9 =	sld [smem:$0x7E8];
	_ =	sdelay $0x1  }
0x307: {  	s3 =	sshll.u32 s13, $0x6  }
.Ltmp69:
0x308: {  	s3 =	sor.u32 $0x1C02, s3;
	s9 =	sshrl.u32 s9, $0x3;
	(pc) =	sbr.rel .LBB2_89-.Ltmp69, $4  }
0x309: {  	[hbm:s0], [sflag:s3] =	dma.local [spmem:s9], $0x800  }
0x30a: {  	_ =	swait.ge [sflag:s11], $0x800  }
0x30b: {  	[sflag:s11] =	ssyncset.done $0x0  }
0x30c: {  	[sflag:s11] =	ssyncadd.s32 $0xFFFFF800  }
.LBB2_86:
0x30d: {  	s9 =	sld [smem:$0x7E8];
	_ =	sdelay $0x1  }
0x30e: {  	s3 =	sshll.u32 s13, $0x6  }
.Ltmp70:
0x30f: {  	s3 =	sor.u32 $0x1C02, s3;
	s9 =	sshrl.u32 s9, $0x3;
	(pc) =	sbr.rel .LBB2_89-.Ltmp70, $4  }
0x310: {  	[hbm:s0], [sflag:s3] =	dma.local [spmem:s9], $0x800  }
0x311: {  	_ =	swait.ge [sflag:s11], $0x800  }
0x312: {  	[sflag:s11] =	ssyncset.done $0x0  }
0x313: {  	[sflag:s11] =	ssyncadd.s32 $0xFFFFF800  }
.LBB2_75:
0x314: {  	s8 =	sld [smem:$0x7E8];
	_ =	sdelay $0x1  }
0x315: {  	s3 =	sshll.u32 s13, $0x6  }
.Ltmp71:
0x316: {  	s3 =	sor.u32 $0x1C02, s3;
	s8 =	sshrl.u32 s8, $0x3;
	(pc) =	sbr.rel .LBB2_79-.Ltmp71, $4  }
0x317: {  	[hbm:s0], [sflag:s3] =	dma.local [spmem:s8], $0x800  }
0x318: {  	_ =	swait.ge [sflag:s11], $0x800  }
0x319: {  	[sflag:s11] =	ssyncset.done $0x0  }
0x31a: {  	[sflag:s11] =	ssyncadd.s32 $0xFFFFF800  }
.LBB2_76:
0x31b: {  	s8 =	sld [smem:$0x7E8];
	_ =	sdelay $0x1  }
0x31c: {  	s3 =	sshll.u32 s13, $0x6  }
.Ltmp72:
0x31d: {  	s3 =	sor.u32 $0x1C02, s3;
	s8 =	sshrl.u32 s8, $0x3;
	(pc) =	sbr.rel .LBB2_79-.Ltmp72, $4  }
0x31e: {  	[hbm:s0], [sflag:s3] =	dma.local [spmem:s8], $0x800  }
0x31f: {  	_ =	swait.ge [sflag:s11], $0x800  }
0x320: {  	[sflag:s11] =	ssyncset.done $0x0  }
0x321: {  	[sflag:s11] =	ssyncadd.s32 $0xFFFFF800  }
.LBB2_83:
0x322: {  	s9 =	sld [smem:$0x7E8];
	_ =	sdelay $0x1  }
0x323: {  	s3 =	sshll.u32 s13, $0x6  }
.Ltmp73:
0x324: {  	s3 =	sor.u32 $0x1C02, s3;
	s9 =	sshrl.u32 s9, $0x3;
	(pc) =	sbr.rel .LBB2_89-.Ltmp73, $4  }
0x325: {  	[hbm:s0], [sflag:s3] =	dma.local [spmem:s9], $0x800  }
0x326: {  	_ =	swait.ge [sflag:s11], $0x800  }
0x327: {  	[sflag:s11] =	ssyncset.done $0x0  }
0x328: {  	[sflag:s11] =	ssyncadd.s32 $0xFFFFF800  }
.LBB2_84:
0x329: {  	s9 =	sld [smem:$0x7E8];
	_ =	sdelay $0x1  }
0x32a: {  	s3 =	sshll.u32 s13, $0x6  }
.Ltmp74:
0x32b: {  	s3 =	sor.u32 $0x1C02, s3;
	s9 =	sshrl.u32 s9, $0x3;
	(pc) =	sbr.rel .LBB2_89-.Ltmp74, $4  }
0x32c: {  	[hbm:s0], [sflag:s3] =	dma.local [spmem:s9], $0x800  }
0x32d: {  	_ =	swait.ge [sflag:s11], $0x800  }
0x32e: {  	[sflag:s11] =	ssyncset.done $0x0  }
0x32f: {  	[sflag:s11] =	ssyncadd.s32 $0xFFFFF800  }
.LBB2_73:
0x330: {  	s8 =	sld [smem:$0x7E8];
	_ =	sdelay $0x1  }
0x331: {  	s3 =	sshll.u32 s13, $0x6  }
.Ltmp75:
0x332: {  	s3 =	sor.u32 $0x1C02, s3;
	s8 =	sshrl.u32 s8, $0x3;
	(pc) =	sbr.rel .LBB2_79-.Ltmp75, $4  }
0x333: {  	[hbm:s0], [sflag:s3] =	dma.local [spmem:s8], $0x800  }
0x334: {  	_ =	swait.ge [sflag:s11], $0x800  }
0x335: {  	[sflag:s11] =	ssyncset.done $0x0  }
0x336: {  	[sflag:s11] =	ssyncadd.s32 $0xFFFFF800  }
.LBB2_74:
0x337: {  	s8 =	sld [smem:$0x7E8];
	_ =	sdelay $0x1  }
0x338: {  	s3 =	sshll.u32 s13, $0x6  }
.Ltmp76:
0x339: {  	s3 =	sor.u32 $0x1C02, s3;
	s8 =	sshrl.u32 s8, $0x3;
	(pc) =	sbr.rel .LBB2_79-.Ltmp76, $4  }
0x33a: {  	[hbm:s0], [sflag:s3] =	dma.local [spmem:s8], $0x800  }
0x33b: {  	_ =	swait.ge [sflag:s11], $0x800  }
0x33c: {  	[sflag:s11] =	ssyncset.done $0x0  }
0x33d: {  	[sflag:s11] =	ssyncadd.s32 $0xFFFFF800  }
.LBB2_87:
0x33e: {  	s9 =	sld [smem:$0x7E8];
	_ =	sdelay $0x1  }
0x33f: {  	s3 =	sshll.u32 s13, $0x6  }
.Ltmp77:
0x340: {  	s3 =	sor.u32 $0x1C02, s3;
	s9 =	sshrl.u32 s9, $0x3;
	(pc) =	sbr.rel .LBB2_89-.Ltmp77, $4  }
0x341: {  	[hbm:s0], [sflag:s3] =	dma.local [spmem:s9], $0x800  }
0x342: {  	_ =	swait.ge [sflag:s11], $0x800  }
0x343: {  	[sflag:s11] =	ssyncset.done $0x0  }
0x344: {  	[sflag:s11] =	ssyncadd.s32 $0xFFFFF800  }
.LBB2_88:
0x345: {  	s9 =	sld [smem:$0x7E8];
	_ =	sdelay $0x1  }
0x346: {  	s3 =	sshll.u32 s13, $0x6  }
0x347: {  	s3 =	sor.u32 $0x1C02, s3;
	s9 =	sshrl.u32 s9, $0x3  }
0x348: {  	[hbm:s0], [sflag:s3] =	dma.local [spmem:s9], $0x800  }
0x349: {  	_ =	swait.ge [sflag:s11], $0x800  }
0x34a: {  	[sflag:s11] =	ssyncset.done $0x0  }
0x34b: {  	[sflag:s11] =	ssyncadd.s32 $0xFFFFF800  }
.LBB2_89:
.Ltmp78:
0x34c: {  	(pc) =	sbr.rel @p6 .LBB2_92-.Ltmp78, $1  }
0x34d: {  	_ =	sdelay $0x3  }
.Ltmp79:
0x34e: {  	(pc) =	sbr.rel .LBB2_91-.Ltmp79, $2  }
0x34f: {  	_ =	sdelay $0x2  }
0x350: {  	s0 =	sadd.s32 $0x1B8000, s8  }
.LBB2_77:
0x351: {  	s8 =	sld [smem:$0x7E8];
	_ =	sdelay $0x1  }
0x352: {  	s3 =	sshll.u32 s13, $0x6  }
.Ltmp80:
0x353: {  	s3 =	sor.u32 $0x1C02, s3;
	s8 =	sshrl.u32 s8, $0x3;
	(pc) =	sbr.rel .LBB2_79-.Ltmp80, $4  }
0x354: {  	[hbm:s0], [sflag:s3] =	dma.local [spmem:s8], $0x800  }
0x355: {  	_ =	swait.ge [sflag:s11], $0x800  }
0x356: {  	[sflag:s11] =	ssyncset.done $0x0  }
0x357: {  	[sflag:s11] =	ssyncadd.s32 $0xFFFFF800  }
.LBB2_78:
0x358: {  	s8 =	sld [smem:$0x7E8];
	_ =	sdelay $0x1  }
0x359: {  	s3 =	sshll.u32 s13, $0x6  }
0x35a: {  	s3 =	sor.u32 $0x1C02, s3;
	s8 =	sshrl.u32 s8, $0x3  }
0x35b: {  	[hbm:s0], [sflag:s3] =	dma.local [spmem:s8], $0x800  }
0x35c: {  	_ =	swait.ge [sflag:s11], $0x800  }
0x35d: {  	[sflag:s11] =	ssyncset.done $0x0  }
0x35e: {  	[sflag:s11] =	ssyncadd.s32 $0xFFFFF800  }
.LBB2_79:
.Ltmp81:
0x35f: {  	(pc) =	sbr.rel @p6 .LBB2_92-.Ltmp81, $1  }
0x360: {  	_ =	sdelay $0x3  }
.Ltmp82:
0x361: {  	(pc) =	sbr.rel .LBB2_91-.Ltmp82, $3  }
0x362: {  	_ = 	snop  }
0x363: {  	s0 =	smul.u32 $0x31000, s10;
	_ =	sdelay $0x1  }
0x364: {  	s0 =	sadd.s32 $0x30000, s0  }
.LBB2_94:
0x365: {  	_ =	sfence.sel $0x180000  }
0x366: {  	[bflag:$0x0] =	sbarrier.arrive $0xFFFF  }
0x367: {  	_ =	strace $0x90000047  }
0x368: {  	[bflag:$0x2] =	sbarrier.arrive $0xFFFF  }
0x369: {  	p0 =	sne.s32 s13, $0x0;
	s0 =	rddreg [dreg:$0x4]  }
0x36a: {  	s0 =	sadd.s32 @!p0 $0x100000, s0  }
0x36b: {  	[sflag:s0] =	ssyncadd.tile.s32 @!p0 $0x1;
	_ =	shalt  }
.Lfunc_end2:
_tile_overlayer_lowered:
.L_overlay_start_2:
0x36c: {  	(tag) =	ssettag $0x2  }
0x36d: {  	s0 =	rddreg [dreg:$0x0];
	s2 =	stileid.u32  }
0x36e: {  	s1 =	rddreg [dreg:$0x1];
	p0 =	sne.s32 s2, $0x0  }
0x36f: {  	s3 =	rddreg [dreg:$0x2];
	[bflag:$0x3] =	sbarrier.arrive $0xFFFF;
	s2 =	simm.s32 @!p0 $0x1C02  }
0x370: {  	[timem:s3], [sflag:s2] =	dma.local @!p0 [hbm:s0], s1  }
0x371: {  	s0 =	simm.s32 @!p0 $0x2  }
0x372: {  	_ =	swait.ge @!p0 [sflag:s0], s1  }
0x373: {  	s1 =	ssub.s32 @!p0 $0x0, s1;
	[sflag:s0] =	ssyncset.done @!p0 $0x0  }
0x374: {  	[sflag:s0] =	ssyncadd.s32 @!p0 s1  }
0x375: {  	[bflag:$0x3] =	sbarrier.arrive $0xFFFF  }
0x376: {  	_ =	shalt  }

// kernel: kernel.13.cloned.1.call-start
scs
__scs_entry_jumppad:
0x0: {  	(pc) =	sbr.rel $0x88, $3  }
0x1: {  	(tag) =	ssettag $0x0;
	lr =	simm.s32 $0x1  }
0x2: {  	[smem:$0x3F77] =	sst lr;
	_ =	strace $0xD0000000  }
0x3: {  	_ = 	snop  }
0x4: {  	_ = 	snop  }
0x5: {  	_ = 	snop  }
0x6: {  	_ = 	snop  }
0x7: {  	_ = 	snop  }
__scs_overlays_trampoline_lowered:
0x8: {  	[smem:$0x3F86] =	sst s0  }
0x9: {  	[smem:$0x3F87] =	sst s1  }
0xa: {  	[smem:$0x3F88] =	sst s2  }
0xb: {  	[smem:$0x3F89] =	sst s3  }
0xc: {  	[smem:$0x3F8A] =	sst s4  }
0xd: {  	[smem:$0x3F8B] =	sst s5  }
0xe: {  	[smem:$0x3F8C] =	sst s6  }
0xf: {  	[smem:$0x3F8D] =	sst s7  }
0x10: {  	[smem:$0x3F8E] =	sst s8  }
0x11: {  	[smem:$0x3F8F] =	sst s9;
	s0 =	simm.s32 @!p0 $0x0  }
0x12: {  	s1 =	sld [smem:$0x3F75];
	s0 =	simm.s32 @p0 $0x1  }
0x13: {  	[smem:$0x3F90] =	sst s0;
	s0 =	simm.s32 @!p1 $0x0  }
0x14: {  	s2 =	sld [smem:$0x3F74];
	s0 =	simm.s32 @p1 $0x1  }
0x15: {  	[smem:$0x3F91] =	sst s0;
	s0 =	simm.s32 @!p2 $0x0  }
0x16: {  	s3 =	sld [smem:$0x3FDB];
	s0 =	simm.s32 @p2 $0x1  }
0x17: {  	s4 =	simm.s32 $0x1BF5;
	[smem:$0x3F93] =	sst s0  }
0x18: {  	s0 =	sld [smem:$0x3F76];
	_ =	swait.ge [sflag:s4], $0x0  }
0x19: {  	s7 =	sld [smem:$0x3F77]  }
0x1a: {  	s8 =	sadd.s32 $0xFFFFE003, lr  }
0x1b: {  	s9 =	sadd.s32 $0xFFFFFEF7, lr;
	s5 =	simm.s32 $0xFFFFFFFF;
	p2 =	slt.u32 s8, $0xFFFFF086  }
0x1c: {  	p1 =	slt.u32 s9, $0xF7A;
	s5 =	simm.s32 @!p2 $0x0  }
0x1d: {  	s5 =	simm.s32 @p1 $0x1;
	p0 =	seq.s32 s7, s2  }
0x1e: {  	s7 =	smul.u32 @!p0 $0xF7A, s2;
	p2 =	seq.s32 @!p0 s5, $0x0  }
0x1f: {  	s9 =	smul.u32 $0xF7A, s1;
	s8 =	simm.s32 @!p0 $0x1BF5;
	p2 =	por !p2, p0  }
0x20: {  	[sflag:s8] =	ssyncset.s32 @!p0 $0xFFFFF086;
	s6 =	sadd.s32 @!p0 s3, s7;
	s7 =	simm.s32 @!p0 $0x108  }
0x21: {  	s3 =	sadd.s32 s3, s9;
	s6 =	sadd.s32 @!p0 $0x88, s6;
	s7 =	simm.s32 @p2 $0x1082  }
0x22: {  	[simem:s7], [sflag:s8] =	dma.local @!p0 [hbm:s6], $0xF7A  }
0x23: {  	s9 =	sor.u32 $0xD0000000, s2;
	s6 =	simm.s32 $0x108;
	_ =	swait.ge @!p0 [sflag:s8], $0x0  }
0x24: {  	s3 =	sadd.s32 $0x88, s3;
	s6 =	simm.s32 @!p1 $0x1082;
	[sflag:s4] =	ssyncset.s32 $0xFFFFF086  }
0x25: {  	[simem:s6], [sflag:s4] =	dma.local [hbm:s3], $0xF7A  }
0x26: {  	[smem:$0x3F77] =	sst s1;
	(tag) =	ssettag s2;
	_ =	strace s9  }
0x27: {  	s1 =	sld [smem:$0x3F87]  }
0x28: {  	s2 =	sld [smem:$0x3F88]  }
0x29: {  	s4 =	sld [smem:$0x3F8A]  }
0x2a: {  	p0 =	seq.s32 s5, $0x0;
	s5 =	sld [smem:$0x3F8B]  }
0x2b: {  	s6 =	sld [smem:$0x3F8C]  }
0x2c: {  	s7 =	sld [smem:$0x3F8D]  }
0x2d: {  	s3 =	simm.s32 $0x108;
	s8 =	sld [smem:$0x3F8E]  }
0x2e: {  	s3 =	simm.s32 @!p0 $0x1082;
	s9 =	sld [smem:$0x3F8F]  }
0x2f: {  	lr =	sadd.s32 s0, s3;
	s0 =	sld [smem:$0x3F86]  }
0x30: {  	s3 =	sld [smem:$0x3F89]  }
0x31: {  	[smem:$0x3F92] =	sst s10  }
0x32: {  	s10 =	sld [smem:$0x3F90];
	_ =	sdelay $0x3  }
0x33: {  	p0 =	seq.s32 s10, $0x1;
	s10 =	sld [smem:$0x3F92];
	_ =	sdelay $0x3  }
0x34: {  	[smem:$0x3F92] =	sst s10  }
0x35: {  	s10 =	sld [smem:$0x3F91];
	_ =	sdelay $0x3  }
0x36: {  	p1 =	seq.s32 s10, $0x1;
	s10 =	sld [smem:$0x3F92];
	_ =	sdelay $0x3  }
0x37: {  	[smem:$0x3F92] =	sst s10  }
0x38: {  	s10 =	sld [smem:$0x3F93]  }
0x39: {  	_ = 	snop;
	(pc) =	sbr.ind lr, $3  }
0x3a: {  	_ = 	snop  }
0x3b: {  	_ = 	snop  }
0x3c: {  	p2 =	seq.s32 s10, $0x1;
	s10 =	sld [smem:$0x3F92]  }
0x3d: {  	_ =	shalt  }
0x3e: {  	_ =	shalt  }
0x3f: {  	_ =	shalt  }
0x40: {  	_ =	shalt  }
0x41: {  	_ =	shalt  }
0x42: {  	_ =	shalt  }
0x43: {  	_ =	shalt  }
0x44: {  	_ =	shalt  }
0x45: {  	_ =	shalt  }
0x46: {  	_ =	shalt  }
0x47: {  	_ =	shalt  }
0x48: {  	_ =	shalt  }
0x49: {  	_ =	shalt  }
0x4a: {  	_ =	shalt  }
0x4b: {  	_ =	shalt  }
0x4c: {  	_ =	shalt  }
0x4d: {  	_ =	shalt  }
0x4e: {  	_ =	shalt  }
0x4f: {  	_ =	shalt  }
0x50: {  	_ =	shalt  }
0x51: {  	_ =	shalt  }
0x52: {  	_ =	shalt  }
0x53: {  	_ =	shalt  }
0x54: {  	_ =	shalt  }
0x55: {  	_ =	shalt  }
0x56: {  	_ =	shalt  }
0x57: {  	_ =	shalt  }
0x58: {  	_ =	shalt  }
0x59: {  	_ =	shalt  }
0x5a: {  	_ =	shalt  }
0x5b: {  	_ =	shalt  }
0x5c: {  	_ =	shalt  }
0x5d: {  	_ =	shalt  }
0x5e: {  	_ =	shalt  }
0x5f: {  	_ =	shalt  }
0x60: {  	_ =	shalt  }
0x61: {  	_ =	shalt  }
0x62: {  	_ =	shalt  }
0x63: {  	_ =	shalt  }
0x64: {  	_ =	shalt  }
0x65: {  	_ =	shalt  }
0x66: {  	_ =	shalt  }
0x67: {  	_ =	shalt  }
0x68: {  	_ =	shalt  }
0x69: {  	_ =	shalt  }
0x6a: {  	_ =	shalt  }
0x6b: {  	_ =	shalt  }
0x6c: {  	_ =	shalt  }
0x6d: {  	_ =	shalt  }
0x6e: {  	_ =	shalt  }
0x6f: {  	_ =	shalt  }
0x70: {  	_ =	shalt  }
0x71: {  	_ =	shalt  }
0x72: {  	_ =	shalt  }
0x73: {  	_ =	shalt  }
0x74: {  	_ =	shalt  }
0x75: {  	_ =	shalt  }
0x76: {  	_ =	shalt  }
0x77: {  	_ =	shalt  }
0x78: {  	_ =	shalt  }
0x79: {  	_ =	shalt  }
0x7a: {  	_ =	shalt  }
0x7b: {  	_ =	shalt  }
0x7c: {  	_ =	shalt  }
0x7d: {  	_ =	shalt  }
0x7e: {  	_ =	shalt  }
0x7f: {  	_ =	shalt  }
0x80: {  	_ =	shalt  }
0x81: {  	_ =	shalt  }
0x82: {  	_ =	shalt  }
0x83: {  	_ =	shalt  }
0x84: {  	_ =	shalt  }
0x85: {  	_ =	shalt  }
0x86: {  	_ =	shalt  }
0x87: {  	_ =	shalt  }
.Lfunc_end0:
.L_simem_size_0:
called_computation.1_lowered:
.L_overlay_start_0:
0x88: {  	s2 =	sld [smem:$0x3FD9]  }
0x89: {  	s3 =	sld [smem:$0x3FFE];
	_ =	sdelay $0x1  }
0x8a: {  	s1 =	srdreg.scid  }
0x8b: {  	s0 =	sand.u32 $0x1, s1  }
0x8c: {  	s17 =	sshll.u32 s0, $0xA;
	s2 =	sadd.s32 s3, s2  }
0x8d: {  	s2 =	sadd.s32 s2, s17  }
0x8e: {  	[smem:$0x3F9E] =	sst s2  }
0x8f: {  	_ = 	snop  }
0x90: {  	s2 =	sld [smem:$0x3FD0];
	(tm) =	ssettm $0x1  }
0x91: {  	s18 =	sld [smem:$0x3FFB];
	_ =	sdelay $0x3  }
0x92: {  	_ =	strace s18  }
0x93: {  	s3 =	sld [smem:$0x3FFC];
	_ =	sdelay $0x3  }
0x94: {  	_ =	strace s3  }
0x95: {  	s3 =	sld [smem:$0x3FFD];
	_ =	sdelay $0x3  }
0x96: {  	_ =	strace s3  }
0x97: {  	_ =	strace $0x8FFFFFFF  }
0x98: {  	s19 =	sld [smem:$0x3FDB];
	_ =	sdelay $0x1  }
0x99: {  	s4 =	simm.s32 $_scs_section_size  }
0x9a: {  	s5 =	simm.s32 $_size__tile_overlayer_lowered;
	s6 =	simm.s32 $_tile_overlayer_lowered  }
0x9b: {  	s22 =	simm.s32 $0x1BFF;
	s21 =	sshll.u32 s6, $0x1;
	s3 =	sadd.s32 s4, s19  }
0x9c: {  	s7 =	simm.s32 $0x0;
	s20 =	sshll.u32 s5, $0x1;
	s5 =	sadd.s32 s21, s3  }
0x9d: {  	[timem:s7], [sflag:s22] =	dma.local [hbm:s5], s20  }
0x9e: {  	_ =	swait.ge [sflag:s22], s20  }
0x9f: {  	s4 =	ssub.s32 $0x0, s20;
	[sflag:s22] =	ssyncset.done $0x0  }
0xa0: {  	[sflag:s22] =	ssyncadd.s32 s4;
	_ =	sdelay $0x1  }
0xa1: {  	s23 =	simm.s32 $0x1B8B  }
0xa2: {  	_ =	swait.ge [sflag:s23], $0x1  }
0xa3: {  	[sflag:s23] =	ssyncset.done $0x0  }
0xa4: {  	s25 =	simm.s32 $0x1B8E;
	s24 =	sld [smem:$0x3FFE];
	[sflag:s23] =	ssyncadd.s32 $0xFFFFFFFF  }
0xa5: {  	s26 =	simm.s32 $execute0_lowered;
	[smem:$0x3FD2] =	sst s25  }
0xa6: {  	s5 =	sshll.u32 s26, $0x1;
	_ =	strace $0x80000049;
	[dreg:$0x1] =	wrdreg $0xFFFFFFFF  }
0xa7: {  	s28 =	simm.s32 $_size_execute0_lowered;
	s3 =	sadd.s32 s3, s5;
	[dreg:$0x0] =	wrdreg $0x0  }
0xa8: {  	s5 =	sshll.u32 s28, $0x1;
	[dreg:$0x2] =	wrdreg s3  }
0xa9: {  	[dreg:$0x3] =	wrdreg s5  }
0xaa: {  	[dreg:$0x4] =	wrdreg $0xC0  }
0xab: {  	_ =	task [dreg:s7], $0x5FFFF  }
0xac: {  	[dreg:$0x1] =	wrdreg $0xFFFFFFFF  }
0xad: {  	[dreg:$0x0] =	wrdreg $0x60  }
0xae: {  	[dreg:$0x2] =	wrdreg s24  }
0xaf: {  	[dreg:$0x3] =	wrdreg s2  }
0xb0: {  	[dreg:$0x4] =	wrdreg $0x1C5000  }
0xb1: {  	[dreg:$0x5] =	wrdreg $0x1F9000  }
0xb2: {  	[dreg:$0x6] =	wrdreg $0x9  }
0xb3: {  	_ =	task.clear_ibuf [dreg:s7], $0x7FFFF;
	_ =	strace $0x90000049  }
0xb4: {  	s29 =	simm.s32 $0x9;
	_ =	strace $0x8000004B  }
0xb5: {  	_ =	swait.ge [sflag:s29], $0x1  }
0xb6: {  	[sflag:s29] =	ssyncadd.s32 $0xFFFFFFFF  }
0xb7: {  	_ =	strace $0x9000004B  }
0xb8: {  	_ =	sfence  }
0xb9: {  	s30 =	sld [smem:$0x0];
	_ =	sdelay $0x2  }
0xba: {  	s31 =	sshll.u32 s1, $0xD;
	s1 =	sshrl.u32 s1, $0x2  }
0xbb: {  	s3 =	sand.u32 $0x4000, s31;
	s1 =	sadd.s32 s1, s30  }
0xbc: {  	s0 =	sor.u32 s3, s0;
	s1 =	sshll.u32 s1, $0x11  }
0xbd: {  	s0 =	sor.u32 s1, s0  }
0xbe: {  	s0 =	sadd.s32 $0x8F2B, s0  }
0xbf: {  	[sflag:s0] =	ssyncadd.remote.s32 $0x1  }
0xc0: {  	_ =	sfence.sel $0xFFFF  }
0xc1: {  	[dreg:$0x0] =	wrdreg $0xFFFFFFFF;
	(pc) =	sbr.abs _section_cstart, $3  }
0xc2: {  	[dreg:$0x1] =	wrdreg $0xFFFFFFFF  }
0xc3: {  	_ =	task.clear_ibuf [dreg:s7], $0x2FFFF;
	_ =	strace $0x9FFFFFFF  }
0xc4: {  	(tm) =	ssettm $0x7FFFFFFF  }
0xc5: {  	_ =	shalt  }
tec
execute0_lowered:
.L_overlay_start_1:
0x0: {  	(tag) =	ssettag $0x1  }
0x1: {  	s3 =	rddreg [dreg:$0x0]  }
0x2: {  	s2 =	rddreg [dreg:$0x1]  }
0x3: {  	s0 =	srdreg.scid;
	s1 =	rddreg [dreg:$0x2]  }
0x4: {  	s13 =	stileid.u32;
	s0 =	sand.u32 $0x1, s0;
	s4 =	sadd.s32 $0x7E00, s3  }
0x5: {  	s6 =	sadd.s32 $0x6400, s3;
	p1 =	seq.s32 s13, $0x0;
	p2 =	seq.s32 s13, $0x3  }
0x6: {  	p3 =	seq.s32 s13, $0x6;
	p4 =	seq.s32 s13, $0xB;
	s28 =	sadd.s32 $0x23A00, s3  }
0x7: {  	s30 =	sadd.s32 $0x3CA00, s3;
	s31 =	sadd.s32 $0x801800, s3;
	p5 =	sgt.s32 s13, $0x2  }
0x8: {  	p6 =	sne.s32 s13, $0x8;
	s5 =	smul.u32 $0x6200, s0;
	s7 =	ssub.s32 $0x2, s0  }
0x9: {  	s9 =	sshll.u32 s0, $0x1;
	p0 =	seq.s32 @!p1 s13, $0x1;
	s8 =	sshrl.u32 s7, $0x1  }
0xa: {  	s2 =	sadd.s32 s2, s9;
	p0 =	por p1, p0;
	s5 =	sshrl.u32 s5, $0x3  }
0xb: {  	s7 =	ssub.s32 s7, s8;
	[dreg:$0x5] =	wrdreg s2;
	s23 =	sadd.s32 s4, s5  }
0xc: {  	s8 =	simm.s32 @!p1 $0x0;
	s24 =	sadd.s32 s6, s5;
	[dreg:$0x6] =	wrdreg s23  }
0xd: {  	s22 =	sadd.s32 $0x188, s5;
	s8 =	simm.s32 @p1 $0x1;
	[dreg:$0x7] =	wrdreg s24  }
0xe: {  	s26 =	sadd.s32 $0x310, s5;
	s25 =	sadd.s32 s4, s22;
	[smem:$0x7E2] =	sst s8  }
0xf: {  	s29 =	sadd.s32 $0x498, s5;
	s2 =	sadd.s32 s6, s22;
	[dreg:$0x8] =	wrdreg s25  }
0x10: {  	s14 =	sadd.s32 $0x620, s5;
	s10 =	sadd.s32 s4, s26;
	[dreg:$0x9] =	wrdreg s2  }
0x11: {  	s15 =	sadd.s32 $0x7A8, s5;
	s11 =	sadd.s32 s4, s29;
	[dreg:$0xa] =	wrdreg s10  }
0x12: {  	s19 =	sadd.s32 $0x930, s5;
	s12 =	sadd.s32 s6, s29;
	[dreg:$0xc] =	wrdreg s11  }
0x13: {  	s5 =	sadd.s32 $0xAB8, s5;
	s16 =	sadd.s32 s4, s14;
	[dreg:$0xd] =	wrdreg s12  }
0x14: {  	s17 =	sadd.s32 s4, s15;
	s18 =	sadd.s32 s6, s15;
	[dreg:$0xe] =	wrdreg s16  }
0x15: {  	s20 =	sadd.s32 s4, s19;
	s21 =	sadd.s32 s4, s5;
	[dreg:$0x10] =	wrdreg s17  }
0x16: {  	s22 =	sadd.s32 s6, s5;
	s4 =	sadd.s32 $0x10000, s1;
	[dreg:$0x11] =	wrdreg s18  }
0x17: {  	s5 =	sadd.s32 $0x4000, s1;
	s23 =	sadd.s32 $0x7E8800, s3;
	[dreg:$0x12] =	wrdreg s20  }
0x18: {  	s24 =	smul.u32 $0x64000, s0;
	s29 =	sadd.s32 $0x55A00, s3;
	[dreg:$0x14] =	wrdreg s21  }
0x19: {  	s15 =	sshll.u32 s13, $0xE;
	s2 =	sadd.s32 s6, s26;
	[dreg:$0x15] =	wrdreg s22  }
0x1a: {  	s5 =	smov.u32 @p1 s1;
	p1 =	seq.s32 @!p2 s13, $0x4;
	s26 =	rddreg [dreg:$0x3]  }
0x1b: {  	s21 =	simm.s32 $0x0;
	[dreg:$0xb] =	wrdreg s2;
	s2 =	sadd.s32 s6, s14  }
0x1c: {  	[dreg:$0xf] =	wrdreg s2;
	s2 =	sadd.s32 s6, s19;
	s6 =	sadd.s32 $0x8000, s1  }
0x1d: {  	p1 =	por p2, p1;
	[dreg:$0x13] =	wrdreg s2;
	s6 =	smov.u32 @p0 s5  }
0x1e: {  	s5 =	sadd.s32 $0xC000, s1;
	[dreg:$0x16] =	wrdreg s6;
	s6 =	simm.s32 @!p2 $0x0  }
0x1f: {  	s2 =	sadd.s32 $0x1C000, s1;
	s4 =	smov.u32 @p2 s5;
	s6 =	simm.s32 @p2 $0x1  }
0x20: {  	s5 =	sadd.s32 $0x18000, s1;
	[smem:$0x7E3] =	sst s6;
	s6 =	sadd.s32 $0x14000, s1  }
0x21: {  	p2 =	seq.s32 @!p3 s13, $0x7;
	s6 =	smov.u32 @p1 s4;
	s4 =	simm.s32 @!p3 $0x0  }
0x22: {  	s2 =	smov.u32 @p3 s5;
	p2 =	por p3, p2;
	s4 =	simm.s32 @p3 $0x1  }
0x23: {  	p3 =	seq.s32 @!p0 s13, $0x2;
	[smem:$0x7E4] =	sst s4;
	s4 =	sadd.s32 $0x20000, s1  }
0x24: {  	s25 =	smul.u32 $0x6400, s13;
	p0 =	por p0, p3;
	s4 =	smov.u32 @p2 s2  }
0x25: {  	s2 =	sadd.s32 $0x2C000, s1;
	[dreg:$0x18] =	wrdreg s4;
	s4 =	sadd.s32 $0x30000, s1  }
0x26: {  	[dreg:$0x19] =	wrdreg s4;
	s4 =	smov.u32 @p4 s2;
	s2 =	simm.s32 @!p0 $0x0  }
0x27: {  	s10 =	smul.u32 $0x61A8, s0;
	s2 =	simm.s32 @p0 $0x1;
	p0 =	seq.s32 @!p1 s13, $0x5  }
0x28: {  	s12 =	smax.u32 s7, $0x1;
	[smem:$0x7FF] =	sst s21;
	p0 =	por p1, p0  }
0x29: {  	p3 =	seq.s32 @!p2 s13, $0x8;
	[smem:$0x7E5] =	sst s2;
	s2 =	simm.s32 @!p0 $0x0  }
0x2a: {  	[dreg:$0x17] =	wrdreg s6;
	s2 =	simm.s32 @p0 $0x1;
	p0 =	por p2, p3  }
0x2b: {  	s16 =	sadd.s32 s15, s1;
	[smem:$0x7E6] =	sst s2;
	s2 =	simm.s32 @!p0 $0x0  }
0x2c: {  	s11 =	simm.s32 $0x2;
	[dreg:$0x1a] =	wrdreg s4;
	s2 =	simm.s32 @p0 $0x1  }
0x2d: {  	p3 =	seq.s32 s0, $0x1;
	s0 =	smul.u32 $0x1900000, s0;
	[smem:$0x7E7] =	sst s2  }
0x2e: {  	s7 =	simm.s32 $0x18280;
	_ =	strace $0x8000004A;
	[dreg:$0x1b] =	wrdreg s23  }
0x2f: {  	s14 =	sshll.u32 s13, $0xB;
	s17 =	sadd.s32 $0xC40, s26;
	[dreg:$0x1d] =	wrdreg s0  }
0x30: {  	s18 =	sadd.s32 $0x1880, s26;
	s20 =	sadd.s32 $0x3100, s26;
	[dreg:$0x1e] =	wrdreg s12  }
0x31: {  	s22 =	sadd.s32 $0x3D40, s26;
	s19 =	sadd.s32 $0x24C0, s26;
	[dreg:$0x1c] =	wrdreg s29  }
0x32: {  	s5 =	sadd.s32 s25, s24;
	s24 =	sadd.s32 $0x55C0, s26;
	[smem:$0x7E8] =	sst s16  }
0x33: {  	s6 =	smov.u32 s25;
	s0 =	sadd.s32 s14, s29;
	[smem:$0x7F5] =	sst s17  }
0x34: {  	s25 =	sadd.s32 $0x28000, s1;
	[dreg:$0x1f] =	wrdreg s0;
	s0 =	sadd.s32 $0x188000, s15  }
0x35: {  	p0 =	seq.s32 @!p4 s13, $0xC;
	[smem:$0x7E9] =	sst s0;
	s0 =	simm.s32 @!p4 $0x0  }
0x36: {  	p0 =	por p4, p0;
	[smem:$0x7F6] =	sst s18;
	s0 =	simm.s32 @p4 $0x1  }
0x37: {  	s4 =	sadd.s32 $0x9800, s3;
	[smem:$0x7EA] =	sst s0;
	s0 =	simm.s32 @!p0 $0x0  }
0x38: {  	[smem:$0x7F7] =	sst s19;
	s0 =	simm.s32 @p0 $0x1;
	p0 =	seq.s32 s13, $0x1  }
0x39: {  	p1 =	seq.s32 s13, $0x7;
	[smem:$0x7EB] =	sst s0;
	s0 =	simm.s32 @!p0 $0x0  }
0x3a: {  	[smem:$0x7F8] =	sst s20;
	s0 =	simm.s32 @p0 $0x1;
	p0 =	seq.s32 s13, $0x2  }
0x3b: {  	s2 =	sadd.s32 $0x29FE00, s3;
	[smem:$0x7EC] =	sst s0;
	s0 =	simm.s32 @!p0 $0x0  }
0x3c: {  	[smem:$0x7F9] =	sst s22;
	s0 =	simm.s32 @p0 $0x1;
	p0 =	seq.s32 s13, $0x4  }
0x3d: {  	s3 =	simm.s32 $0x0;
	[smem:$0x7ED] =	sst s0;
	s0 =	simm.s32 @!p0 $0x0  }
0x3e: {  	[smem:$0x7FB] =	sst s24;
	s0 =	simm.s32 @p0 $0x1;
	p0 =	seq.s32 s13, $0x5  }
0x3f: {  	s23 =	sadd.s32 $0x4980, s26;
	[smem:$0x7EE] =	sst s0;
	s0 =	simm.s32 @!p0 $0x0  }
0x40: {  	[smem:$0x7FC] =	sst s25;
	s29 =	sadd.s32 $0x24000, s1;
	s0 =	simm.s32 @p0 $0x1  }
0x41: {  	s12 =	simm.s32 $0x6200;
	[smem:$0x7EF] =	sst s0;
	s0 =	simm.s32 @!p1 $0x0  }
0x42: {  	s16 =	simm.s32 $0xE980;
	s0 =	simm.s32 @p1 $0x1;
	p1 =	seq.s32 s13, $0x8  }
0x43: {  	s14 =	simm.s32 $0x80;
	[smem:$0x7F0] =	sst s0;
	s0 =	simm.s32 @!p1 $0x0  }
0x44: {  	s18 =	simm.s32 $0x16280;
	s0 =	simm.s32 @p1 $0x1;
	p1 =	seq.s32 s13, $0x9  }
0x45: {  	s25 =	simm.s32 $0x12280;
	[smem:$0x7F1] =	sst s0;
	s0 =	simm.s32 @!p1 $0x0  }
0x46: {  	s19 =	simm.s32 $0x1;
	s0 =	simm.s32 @p1 $0x1;
	p1 =	seq.s32 s13, $0xA  }
.Ltmp0:
0x47: {  	[smem:$0x7F2] =	sst s0;
	s0 =	simm.s32 @!p1 $0x0;
	(pc) =	sbr.rel .LBB2_1-.Ltmp0, $4  }
0x48: {  	[smem:$0x7FA] =	sst s23;
	s0 =	simm.s32 @p1 $0x1;
	p1 =	sgt.s32 s13, $0xA  }
0x49: {  	s20 =	simm.s32 $0x11600;
	[smem:$0x7F3] =	sst s0;
	s0 =	simm.s32 @!p1 $0x0  }
0x4a: {  	[smem:$0x7FD] =	sst s29;
	s23 =	simm.s32 $0x0;
	s0 =	simm.s32 @p1 $0x1  }
0x4b: {  	v1 =	vimm.f32 $0.0e+00;
	v0 =	vmov s10;
	p4 =	sgt.s32 s13, $0x5;
	p0 =	sgt.s32 s13, $0x8;
	[smem:$0x7F4] =	sst s0  }
.LBB2_93:
0x4c: {  	s3 =	sld [smem:$0x7E1];
	_ =	sdelay $0x2  }
0x4d: {  	s0 =	rddreg [dreg:$0x1e];
	s3 =	sadd.s32 $0x1, s3  }
0x4e: {  	p1 =	sne.s32 s3, s0  }
.Ltmp1:
0x4f: {  	_ = 	snop;
	(pc) =	sbr.rel @!p1 .LBB2_94-.Ltmp1, $1  }
0x50: {  	_ =	sdelay $0x3  }
.LBB2_1:
0x51: {  	[smem:$0x7E1] =	sst s3;
	s0 =	simm.s32 $0x0;
	s3 =	simm.s32 $0x200  }
.LBB2_2:
0x52: {  	p2 =	sne.s32 s3, $0xFE00;
	[tilespmem:s0+$0x182F0] =	vst v1  }
0x53: {  	[tilespmem:s0+$0x18280] =	vst v1  }
0x54: {  	[tilespmem:s0+$0x18290] =	vst v1  }
.Ltmp2:
0x55: {  	[tilespmem:s0+$0x182A0] =	vst v1;
	(pc) =	sbr.rel @p2 .LBB2_2-.Ltmp2, $4  }
0x56: {  	[tilespmem:s0+$0x182B0] =	vst v1  }
0x57: {  	[tilespmem:s0+$0x182C0] =	vst v1  }
0x58: {  	[tilespmem:s0+$0x182D0] =	vst v1  }
0x59: {  	[tilespmem:s0+$0x182E0] =	vst v1;
	s0 =	sshra.s32 s3, $0x2;
	s3 =	sadd.s32 $0x200, s3  }
0x5a: {  	[tilespmem:s0+$0x182F0] =	vst v1  }
0x5b: {  	[tilespmem:s0+$0x18280] =	vst v1  }
0x5c: {  	[tilespmem:s0+$0x18290] =	vst v1  }
0x5d: {  	[tilespmem:s0+$0x182A0] =	vst v1  }
0x5e: {  	[tilespmem:s0+$0x182B0] =	vst v1  }
0x5f: {  	[tilespmem:s0+$0x182C0] =	vst v1  }
0x60: {  	[tilespmem:s0+$0x182D0] =	vst v1  }
0x61: {  	[tilespmem:s0+$0x182E0] =	vst v1  }
0x62: {  	[tilespmem:$0x1C280] =	vst v1  }
0x63: {  	[tilespmem:$0x1C290] =	vst v1  }
0x64: {  	[tilespmem:$0x1C2A0] =	vst v1  }
0x65: {  	[tilespmem:$0x1C2B0] =	vst v1  }
0x66: {  	[tilespmem:$0x1C2C0] =	vst v1  }
0x67: {  	[tilespmem:$0x1C2D0] =	vst v1  }
0x68: {  	[tilespmem:$0x1C2E0] =	vst v1  }
0x69: {  	[tilespmem:$0x1C2F0] =	vst v1  }
0x6a: {  	[tilespmem:$0x1C300] =	vst v1  }
0x6b: {  	[tilespmem:$0x1C310] =	vst v1  }
0x6c: {  	[tilespmem:$0x1C320] =	vst v1  }
0x6d: {  	[tilespmem:$0x1C330] =	vst v1  }
0x6e: {  	[tilespmem:$0x1C340] =	vst v1  }
0x6f: {  	[tilespmem:$0x1C350] =	vst v1  }
0x70: {  	[tilespmem:$0x1C360] =	vst v1  }
0x71: {  	[tilespmem:$0x1C370] =	vst v1  }
0x72: {  	[tilespmem:$0x1C380] =	vst v1  }
0x73: {  	[tilespmem:$0x1C390] =	vst v1  }
0x74: {  	[tilespmem:$0x1C3A0] =	vst v1  }
0x75: {  	[tilespmem:$0x1C3B0] =	vst v1  }
0x76: {  	[tilespmem:$0x1C3C0] =	vst v1  }
0x77: {  	[tilespmem:$0x1C3D0] =	vst v1  }
0x78: {  	[tilespmem:$0x1C3E0] =	vst v1  }
0x79: {  	[tilespmem:$0x1C3F0] =	vst v1  }
0x7a: {  	[tilespmem:$0x1C400] =	vst v1  }
0x7b: {  	[tilespmem:$0x1C410] =	vst v1  }
0x7c: {  	[tilespmem:$0x1C420] =	vst v1  }
0x7d: {  	[tilespmem:$0x1C430] =	vst v1  }
0x7e: {  	s29 =	simm.s32 $0x0;
	[tilespmem:$0x1C440] =	vst v1  }
0x7f: {  	[tilespmem:$0x1C450] =	vst v1;
	s0 =	sand.u32 $0xF, s29  }
0x80: {  	[tilespmem:$0x1C460] =	vst v1;
	p2 =	sne.s32 s13, s0  }
0x81: {  	[tilespmem:$0x1C470] =	vst v1;
	s0 =	simm.s32 @!p2 $0x1C280;
	s9 =	simm.s32 @!p2 $0x2  }
0x82: {  	[spmem:s26] =	stream.linear.scatter @!p2 [tilespmem:s0], [sflag:$0x2], $0x200, $0x38;
	[tilespmem:$0x1FF20] =	vst v63  }
0x83: {  	s3 =	simm.s32 $0x1;
	_ =	swait.ge @!p2 [sflag:s9], $0x200  }
0x84: {  	s8 =	simm.s32 $0x2;
	s0 =	sadd.s32 $0x200, s26;
	[sflag:s9] =	ssyncset.done @!p2 $0x0  }
.LBB2_4:
0x85: {  	s10 =	sand.u32 $0xF, s3;
	s3 =	smov.u32 s8;
	s8 =	sadd.s32 $0x1, s8  }
0x86: {  	[sflag:s9] =	ssyncadd.s32 @!p2 $0xFFFFFE00;
	p1 =	seq.s32 s8, $0x31  }
.Ltmp3:
0x87: {  	p2 =	sne.s32 s13, s10;
	(pc) =	sbr.rel @!p1 .LBB2_4-.Ltmp3, $4  }
0x88: {  	s10 =	simm.s32 @!p2 $0x1C280;
	s9 =	simm.s32 @!p2 $0x2  }
0x89: {  	[spmem:s0] =	stream.linear.scatter @!p2 [tilespmem:s10], [sflag:$0x2], $0x200, $0x38;
	[tilespmem:$0x1FF20] =	vst v63  }
0x8a: {  	_ =	swait.ge @!p2 [sflag:s9], $0x200  }
0x8b: {  	s0 =	sadd.s32 $0x200, s0;
	[sflag:s9] =	ssyncset.done @!p2 $0x0  }
0x8c: {  	s3 =	sand.u32 $0xF, s3  }
0x8d: {  	p1 =	sne.s32 s13, s3  }
0x8e: {  	[sflag:s9] =	ssyncadd.s32 @!p2 $0xFFFFFE00;
	s3 =	simm.s32 @!p1 $0x1C280;
	s8 =	simm.s32 @!p1 $0x2  }
0x8f: {  	[spmem:s0] =	stream.linear.scatter @!p1 [tilespmem:s3], [sflag:$0x2], $0x200, $0x38;
	[tilespmem:$0x1FF20] =	vst v63  }
0x90: {  	_ =	swait.ge @!p1 [sflag:s8], $0x200  }
0x91: {  	[sflag:s8] =	ssyncset.done @!p1 $0x0  }
0x92: {  	s9 =	rddreg [dreg:$0x6];
	[sflag:s8] =	ssyncadd.s32 @!p1 $0xFFFFFE00;
	s8 =	simm.s32 $0x0  }
0x93: {  	[tilespmem:s8], [sflag:$0x2] =	stream.linear.gather [hbm4b:s9+s8], $0xC40, $0x38;
	[tilespmem:$0x1FF20] =	vst v63  }
0x94: {  	_ =	swait.ge [sflag:s11], $0xC40  }
0x95: {  	[sflag:s11] =	ssyncset.done $0x0  }
0x96: {  	s10 =	rddreg [dreg:$0x7];
	[sflag:s11] =	ssyncadd.s32 $0xFFFFF3C0  }
0x97: {  	[tilespmem:s12], [sflag:$0x2] =	stream.linear.gather [hbm4b:s10+s8], $0xC40, $0x38;
	[tilespmem:$0x1FF20] =	vst v63  }
0x98: {  	_ =	swait.ge [sflag:s11], $0xC40  }
0x99: {  	[sflag:s11] =	ssyncset.done $0x0  }
0x9a: {  	s15 =	simm.s32 $0xC40;
	s13 =	rddreg [dreg:$0x8];
	[sflag:s11] =	ssyncadd.s32 $0xFFFFF3C0  }
0x9b: {  	[tilespmem:s15], [sflag:$0x2] =	stream.linear.gather [hbm4b:s13+s8], $0xC40, $0x38;
	[tilespmem:$0x1FF20] =	vst v63  }
0x9c: {  	_ =	swait.ge [sflag:s11], $0xC40  }
0x9d: {  	[sflag:s11] =	ssyncset.done $0x0  }
0x9e: {  	s22 =	simm.s32 $0x6E40;
	s17 =	rddreg [dreg:$0x9];
	[sflag:s11] =	ssyncadd.s32 $0xFFFFF3C0  }
0x9f: {  	[tilespmem:s22], [sflag:$0x2] =	stream.linear.gather [hbm4b:s17+s8], $0xC40, $0x38;
	[tilespmem:$0x1FF20] =	vst v63  }
0xa0: {  	_ =	swait.ge [sflag:s11], $0xC40  }
0xa1: {  	[sflag:s11] =	ssyncset.done $0x0  }
0xa2: {  	s29 =	simm.s32 $0x1880;
	s24 =	rddreg [dreg:$0xa];
	[sflag:s11] =	ssyncadd.s32 $0xFFFFF3C0  }
0xa3: {  	[tilespmem:s29], [sflag:$0x2] =	stream.linear.gather [hbm4b:s24+s8], $0xC40, $0x38;
	[tilespmem:$0x1FF20] =	vst v63  }
0xa4: {  	_ =	swait.ge [sflag:s11], $0xC40  }
0xa5: {  	[sflag:s11] =	ssyncset.done $0x0  }
0xa6: {  	s10 =	simm.s32 $0x7A80;
	s9 =	rddreg [dreg:$0xb];
	[sflag:s11] =	ssyncadd.s32 $0xFFFFF3C0  }
0xa7: {  	[tilespmem:s10], [sflag:$0x2] =	stream.linear.gather [hbm4b:s9+s8], $0xC40, $0x38;
	[tilespmem:$0x1FF20] =	vst v63  }
0xa8: {  	_ =	swait.ge [sflag:s11], $0xC40  }
0xa9: {  	[sflag:s11] =	ssyncset.done $0x0  }
0xaa: {  	s15 =	simm.s32 $0x24C0;
	s13 =	rddreg [dreg:$0xc];
	[sflag:s11] =	ssyncadd.s32 $0xFFFFF3C0  }
0xab: {  	[tilespmem:s15], [sflag:$0x2] =	stream.linear.gather [hbm4b:s13+s8], $0xC40, $0x38;
	[tilespmem:$0x1FF20] =	vst v63  }
0xac: {  	_ =	swait.ge [sflag:s11], $0xC40  }
0xad: {  	[sflag:s11] =	ssyncset.done $0x0  }
0xae: {  	s22 =	simm.s32 $0x86C0;
	s17 =	rddreg [dreg:$0xd];
	[sflag:s11] =	ssyncadd.s32 $0xFFFFF3C0  }
0xaf: {  	[tilespmem:s22], [sflag:$0x2] =	stream.linear.gather [hbm4b:s17+s8], $0xC40, $0x38;
	[tilespmem:$0x1FF20] =	vst v63  }
0xb0: {  	_ =	swait.ge [sflag:s11], $0xC40  }
0xb1: {  	[sflag:s11] =	ssyncset.done $0x0  }
0xb2: {  	s29 =	simm.s32 $0x3100;
	s24 =	rddreg [dreg:$0xe];
	[sflag:s11] =	ssyncadd.s32 $0xFFFFF3C0  }
0xb3: {  	[tilespmem:s29], [sflag:$0x2] =	stream.linear.gather [hbm4b:s24+s8], $0xC40, $0x38;
	[tilespmem:$0x1FF20] =	vst v63  }
0xb4: {  	_ =	swait.ge [sflag:s11], $0xC40  }
0xb5: {  	[sflag:s11] =	ssyncset.done $0x0  }
0xb6: {  	s10 =	simm.s32 $0x9300;
	s9 =	rddreg [dreg:$0xf];
	[sflag:s11] =	ssyncadd.s32 $0xFFFFF3C0  }
0xb7: {  	[tilespmem:s10], [sflag:$0x2] =	stream.linear.gather [hbm4b:s9+s8], $0xC40, $0x38;
	[tilespmem:$0x1FF20] =	vst v63  }
0xb8: {  	_ =	swait.ge [sflag:s11], $0xC40  }
0xb9: {  	[sflag:s11] =	ssyncset.done $0x0  }
0xba: {  	s15 =	simm.s32 $0x3D40;
	s13 =	rddreg [dreg:$0x10];
	[sflag:s11] =	ssyncadd.s32 $0xFFFFF3C0  }
0xbb: {  	[tilespmem:s15], [sflag:$0x2] =	stream.linear.gather [hbm4b:s13+s8], $0xC40, $0x38;
	[tilespmem:$0x1FF20] =	vst v63  }
0xbc: {  	_ =	swait.ge [sflag:s11], $0xC40  }
0xbd: {  	[sflag:s11] =	ssyncset.done $0x0  }
0xbe: {  	s22 =	simm.s32 $0x9F40;
	s17 =	rddreg [dreg:$0x11];
	[sflag:s11] =	ssyncadd.s32 $0xFFFFF3C0  }
0xbf: {  	[tilespmem:s22], [sflag:$0x2] =	stream.linear.gather [hbm4b:s17+s8], $0xC40, $0x38;
	[tilespmem:$0x1FF20] =	vst v63  }
0xc0: {  	_ =	swait.ge [sflag:s11], $0xC40  }
0xc1: {  	[sflag:s11] =	ssyncset.done $0x0  }
0xc2: {  	s29 =	simm.s32 $0x4980;
	s24 =	rddreg [dreg:$0x12];
	[sflag:s11] =	ssyncadd.s32 $0xFFFFF3C0  }
0xc3: {  	[tilespmem:s29], [sflag:$0x2] =	stream.linear.gather [hbm4b:s24+s8], $0xC40, $0x38;
	[tilespmem:$0x1FF20] =	vst v63  }
0xc4: {  	_ =	swait.ge [sflag:s11], $0xC40  }
0xc5: {  	[sflag:s11] =	ssyncset.done $0x0  }
0xc6: {  	s10 =	simm.s32 $0xAB80;
	s9 =	rddreg [dreg:$0x13];
	[sflag:s11] =	ssyncadd.s32 $0xFFFFF3C0  }
0xc7: {  	[tilespmem:s10], [sflag:$0x2] =	stream.linear.gather [hbm4b:s9+s8], $0xC40, $0x38;
	[tilespmem:$0x1FF20] =	vst v63  }
0xc8: {  	_ =	swait.ge [sflag:s11], $0xC40  }
0xc9: {  	[sflag:s11] =	ssyncset.done $0x0  }
0xca: {  	s15 =	simm.s32 $0x55C0;
	s13 =	rddreg [dreg:$0x14];
	[sflag:s11] =	ssyncadd.s32 $0xFFFFF3C0  }
0xcb: {  	[tilespmem:s15], [sflag:$0x2] =	stream.linear.gather [hbm4b:s13+s8], $0xC40, $0x38;
	[tilespmem:$0x1FF20] =	vst v63  }
0xcc: {  	_ =	swait.ge [sflag:s11], $0xC40  }
0xcd: {  	[sflag:s11] =	ssyncset.done $0x0  }
0xce: {  	s22 =	simm.s32 $0xB7C0;
	s17 =	rddreg [dreg:$0x15];
	[sflag:s11] =	ssyncadd.s32 $0xFFFFF3C0  }
0xcf: {  	[tilespmem:s22], [sflag:$0x2] =	stream.linear.gather [hbm4b:s17+s8], $0xC40, $0x38;
	[tilespmem:$0x1FF20] =	vst v63  }
0xd0: {  	_ =	swait.ge [sflag:s11], $0xC40  }
0xd1: {  	[sflag:s11] =	ssyncset.done $0x0  }
0xd2: {  	s29 =	simm.s32 $0x1C480;
	s24 =	rddreg [dreg:$0x5];
	[sflag:s11] =	ssyncadd.s32 $0xFFFFF3C0  }
0xd3: {  	[tilespmem:s29], [sflag:$0x2] =	stream.linear.gather [hbm4b:s24+s8], $0x10, $0x38;
	[tilespmem:$0x1FF20] =	vst v63  }
0xd4: {  	_ =	swait.ge [sflag:s11], $0x10  }
0xd5: {  	[sflag:s11] =	ssyncset.done $0x0  }
0xd6: {  	[sflag:s11] =	ssyncadd.s32 $0xFFFFFFF0  }
0xd7: {  	[bflag:$0x0] =	sbarrier.arrive $0xFFFF  }
0xd8: {  	s22 =	simm.s32 $0x0;
	v2 =	vld [tilespmem:$0x1C480]  }
.LBB2_6:
0xd9: {  	s0 =	smul.u32 $0xC80, s22;
	_ =	sdelay $0x1  }
0xda: {  	s0 =	sadd.s32 s5, s0  }
0xdb: {  	s3 =	sshrl.u32 s0, $0x3  }
0xdc: {  	s9 =	simm.s32 $0xD080;
	s0 =	sadd.s32 s28, s3  }
0xdd: {  	[tilespmem:s9], [sflag:$0x2] =	stream.linear.gather [hbm4b:s0+s8], $0xC80, $0x38;
	[tilespmem:$0x1FF20] =	vst v63  }
0xde: {  	_ =	swait.ge [sflag:s11], $0xC80  }
0xdf: {  	[sflag:s11] =	ssyncset.done $0x0  }
0xe0: {  	s15 =	simm.s32 $0xDD00;
	s13 =	sadd.s32 s30, s3;
	[sflag:s11] =	ssyncadd.s32 $0xFFFFF380  }
0xe1: {  	[tilespmem:s15], [sflag:$0x2] =	stream.linear.gather [hbm4b:s13+s8], $0xC80, $0x38;
	[tilespmem:$0x1FF20] =	vst v63  }
0xe2: {  	_ =	swait.ge [sflag:s11], $0xC80  }
0xe3: {  	[sflag:s11] =	ssyncset.done $0x0;
	s17 =	rddreg [dreg:$0x1b]  }
0xe4: {  	[sflag:s11] =	ssyncadd.s32 $0xFFFFF380;
	s0 =	sadd.s32 s17, s3  }
0xe5: {  	[tilespmem:s16], [sflag:$0x2] =	stream.linear.gather [hbm4b:s0+s8], $0xC80, $0x38;
	[tilespmem:$0x1FF20] =	vst v63  }
0xe6: {  	_ =	swait.ge [sflag:s11], $0xC80  }
0xe7: {  	[sflag:s11] =	ssyncset.done $0x0  }
0xe8: {  	s24 =	simm.s32 $0x0;
	[sflag:s11] =	ssyncadd.s32 $0xFFFFF380  }
0xe9: {  	v3 =	vld [tilespmem:s24+$0xDD00]  }
0xea: {  	v4 =	vld [tilespmem:s24+$0xD080];
	_ =	sdelay $0x6  }
0xeb: {  	v3 =	vld.idx.msk [tilespmem:v3+s12+$0x0], $0xffff  }
0xec: {  	v5 =	vld.idx.msk [tilespmem:v4+s21+$0x0], $0xffff;
	_ =	sdelay $0x1  }
0xed: {  	v6 =	vld [tilespmem:s24+$0xE980];
	_ =	sdelay $0x2  }
0xee: {  	v3 =	vadd.f32 v3, v5;
	_ =	sdelay $0x1  }
0xef: {  	v3 =	vadd.f32 v3, v6;
	_ =	sdelay $0x1  }
0xf0: {  	v5 =	vmul.f32 $2.000000030e-01, v3  }
0xf1: {  	vm0 =	vge.f32 v3, $0.0e+00  }
0xf2: {  	v3 =	vsel vm0, v3, v5  }
0xf3: {  	v3 =	vsub.f32 v3, v2;
	_ =	sdelay $0x1  }
0xf4: {  	v3 =	vmul.f32 $1.442695020e+00, v3;
	_ =	sdelay $0x1  }
0xf5: {  	(erf) = vpow2.f32 v3;
	_ =	sdelay $0x7  }
0xf6: {  	s29 =	sand.u32 $0x3E00, s8  }
0xf7: {  	s10 =	sand.u32 $0x70, s8;
	s9 =	sshrl.u32 s29, $0x2;
	v3 =	vpop (erf)  }
0xf8: {  	s9 =	sor.u32 s10, s9;
	[tilespmem:s24+$0xC400] =	vst v3  }
0xf9: {  	s0 =	simm.s32 $0x10;
	[tilespmem:s9+$0xF600] =	vst v4  }
0xfa: {  	v4 =	vld [tilespmem:s0+$0xDD00]  }
0xfb: {  	s10 =	simm.s32 $0x0;
	s13 =	simm.s32 $0x80;
	s9 =	simm.s32 $0x40;
	v3 =	vld [tilespmem:s0+$0xD080]  }
.LBB2_7:
0xfc: {  	p2 =	sne.s32 s13, $0x31C0;
	_ =	sdelay $0x5  }
0xfd: {  	v4 =	vld.idx.msk [tilespmem:v4+s12+$0x0], $0xffff  }
0xfe: {  	v5 =	vld.idx.msk [tilespmem:v3+s21+$0x0], $0xffff;
	_ =	sdelay $0x2  }
0xff: {  	v6 =	vld [tilespmem:s0+$0xE980];
	_ =	sdelay $0x2  }
0x100: {  	v4 =	vadd.f32 v4, v5;
	_ =	sdelay $0x1  }
0x101: {  	v4 =	vadd.f32 v4, v6;
	_ =	sdelay $0x1  }
0x102: {  	v5 =	vmul.f32 $2.000000030e-01, v4  }
0x103: {  	vm0 =	vge.f32 v4, $0.0e+00  }
0x104: {  	v4 =	vsel vm0, v4, v5  }
0x105: {  	v4 =	vsub.f32 v4, v2;
	_ =	sdelay $0x1  }
0x106: {  	v4 =	vmul.f32 $1.442695020e+00, v4;
	_ =	sdelay $0x1  }
0x107: {  	(erf) = vpow2.f32 v4;
	_ =	sdelay $0x7  }
0x108: {  	s15 =	sand.u32 $0x3E00, s9;
	s10 =	sadd.s32 $0x10, s10;
	s9 =	smov.u32 s13  }
.Ltmp4:
0x109: {  	s17 =	sand.u32 $0x70, s10;
	s15 =	sshrl.u32 s15, $0x2;
	v4 =	vpop (erf);
	(pc) =	sbr.rel @p2 .LBB2_7-.Ltmp4, $4  }
0x10a: {  	s15 =	sor.u32 s17, s15;
	[tilespmem:s0+$0xC400] =	vst v4  }
0x10b: {  	s0 =	sshra.s32 s13, $0x2;
	[tilespmem:s15+$0xF600] =	vst v3  }
0x10c: {  	v4 =	vld [tilespmem:s0+$0xDD00]  }
0x10d: {  	s13 =	sadd.s32 $0x40, s13;
	v3 =	vld [tilespmem:s0+$0xD080]  }
0x10e: {  	_ =	sdelay $0x6  }
0x10f: {  	v4 =	vld.idx.msk [tilespmem:v4+s12+$0x0], $0xffff  }
0x110: {  	v5 =	vld.idx.msk [tilespmem:v3+s21+$0x0], $0xffff;
	_ =	sdelay $0x1  }
0x111: {  	v6 =	vld [tilespmem:s0+$0xE980];
	_ =	sdelay $0x2  }
0x112: {  	v4 =	vadd.f32 v4, v5;
	_ =	sdelay $0x1  }
0x113: {  	v4 =	vadd.f32 v4, v6;
	_ =	sdelay $0x1  }
0x114: {  	v63 =	vmul.f32 $2.000000030e-01, v4  }
0x115: {  	vm0 =	vge.f32 v4, $0.0e+00  }
0x116: {  	v4 =	vsel vm0, v4, v63  }
0x117: {  	v4 =	vsub.f32 v4, v2;
	_ =	sdelay $0x1  }
0x118: {  	v4 =	vmul.f32 $1.442695020e+00, v4;
	_ =	sdelay $0x1  }
0x119: {  	(erf) = vpow2.f32 v4;
	_ =	sdelay $0x7  }
0x11a: {  	s9 =	sand.u32 $0x3E00, s9;
	s10 =	sadd.s32 $0x10, s10  }
0x11b: {  	s10 =	sand.u32 $0x70, s10;
	s9 =	sshrl.u32 s9, $0x2;
	v4 =	vpop (erf)  }
0x11c: {  	s10 =	sor.u32 s10, s9;
	[tilespmem:s0+$0xC400] =	vst v4  }
0x11d: {  	s13 =	sadd.s32 s4, s3;
	s15 =	simm.s32 $0x0;
	s17 =	simm.s32 $0xC400;
	[tilespmem:s10+$0xF600] =	vst v3  }
0x11e: {  	[hbm4b:s13+s15] =	stream.linear.scatter [tilespmem:s17], [sflag:$0x2], $0xC80, $0x38;
	[tilespmem:$0x1FF20] =	vst v63  }
0x11f: {  	_ =	swait.ge [sflag:s11], $0xC80  }
0x120: {  	[sflag:s11] =	ssyncset.done $0x0  }
0x121: {  	s24 =	simm.s32 $0xC400;
	s29 =	simm.s32 $0xF600;
	[sflag:s11] =	ssyncadd.s32 $0xFFFFF380  }
0x122: {  	[spmem:s26] =	stream.indirect.scatter.add.f32 [tilespmem:s24], [sflag:$0x2], $0x1, s29, s14, $0xb8;
	[tilespmem:$0x1FF20] =	vst v63  }
0x123: {  	s0 =	simm.s32 $0x200;
	_ =	swait.ge [sflag:s11], $0x80  }
.LBB2_9:
0x124: {  	s3 =	sshra.s32 s0, $0x2  }
0x125: {  	[sflag:s11] =	ssyncset.done $0x0;
	p1 =	sne.s32 s0, $0x3000;
	s9 =	sadd.s32 $0xC400, s3  }
.Ltmp5:
0x126: {  	s3 =	sadd.s32 $0xF600, s3;
	[sflag:s11] =	ssyncadd.s32 $0xFFFFFF80;
	(pc) =	sbr.rel @p1 .LBB2_9-.Ltmp5, $3  }
0x127: {  	[spmem:s26] =	stream.indirect.scatter.add.f32 [tilespmem:s9], [sflag:$0x2], $0x1, s3, s14, $0xb8;
	[tilespmem:$0x1FF20] =	vst v63  }
0x128: {  	s0 =	sadd.s32 $0x200, s0;
	_ =	sdelay $0x1  }
0x129: {  	_ =	swait.ge [sflag:s11], $0x80  }
0x12a: {  	s22 =	sadd.s32 $0x1, s22  }
0x12b: {  	p1 =	sne.s32 s22, $0x8  }
.Ltmp6:
0x12c: {  	_ = 	snop;
	(pc) =	sbr.rel @p1 .LBB2_6-.Ltmp6, $3  }
0x12d: {  	_ =	sdelay $0x1  }
0x12e: {  	[sflag:s11] =	ssyncset.done $0x0  }
0x12f: {  	[sflag:s11] =	ssyncadd.s32 $0xFFFFFF80  }
0x130: {  	[bflag:$0x0] =	sbarrier.arrive $0xFFFF  }
0x131: {  	[tilespmem:s12], [sflag:$0x2] =	stream.linear.gather [spmem:s26], $0xC40, $0x38;
	[tilespmem:$0x1FF20] =	vst v63  }
0x132: {  	_ =	swait.ge [sflag:s11], $0xC40  }
0x133: {  	s0 =	sld [smem:$0x7F5]  }
0x134: {  	[sflag:s11] =	ssyncset.done $0x0  }
0x135: {  	s3 =	simm.s32 $0x6E40;
	[sflag:s11] =	ssyncadd.s32 $0xFFFFF3C0  }
0x136: {  	[tilespmem:s3], [sflag:$0x2] =	stream.linear.gather [spmem:s0], $0xC40, $0x38;
	[tilespmem:$0x1FF20] =	vst v63  }
0x137: {  	_ =	swait.ge [sflag:s11], $0xC40  }
0x138: {  	s24 =	sld [smem:$0x7F6]  }
0x139: {  	[sflag:s11] =	ssyncset.done $0x0  }
0x13a: {  	s29 =	simm.s32 $0x7A80;
	[sflag:s11] =	ssyncadd.s32 $0xFFFFF3C0  }
0x13b: {  	[tilespmem:s29], [sflag:$0x2] =	stream.linear.gather [spmem:s24], $0xC40, $0x38;
	[tilespmem:$0x1FF20] =	vst v63  }
0x13c: {  	_ =	swait.ge [sflag:s11], $0xC40  }
0x13d: {  	s3 =	sld [smem:$0x7F7]  }
0x13e: {  	[sflag:s11] =	ssyncset.done $0x0  }
0x13f: {  	s8 =	simm.s32 $0x86C0;
	[sflag:s11] =	ssyncadd.s32 $0xFFFFF3C0  }
0x140: {  	[tilespmem:s8], [sflag:$0x2] =	stream.linear.gather [spmem:s3], $0xC40, $0x38;
	[tilespmem:$0x1FF20] =	vst v63  }
0x141: {  	_ =	swait.ge [sflag:s11], $0xC40  }
0x142: {  	s9 =	sld [smem:$0x7F8]  }
0x143: {  	[sflag:s11] =	ssyncset.done $0x0  }
0x144: {  	s10 =	simm.s32 $0x9300;
	[sflag:s11] =	ssyncadd.s32 $0xFFFFF3C0  }
0x145: {  	[tilespmem:s10], [sflag:$0x2] =	stream.linear.gather [spmem:s9], $0xC40, $0x38;
	[tilespmem:$0x1FF20] =	vst v63  }
0x146: {  	_ =	swait.ge [sflag:s11], $0xC40  }
0x147: {  	s13 =	sld [smem:$0x7F9]  }
0x148: {  	[sflag:s11] =	ssyncset.done $0x0  }
0x149: {  	s15 =	simm.s32 $0x9F40;
	[sflag:s11] =	ssyncadd.s32 $0xFFFFF3C0  }
0x14a: {  	[tilespmem:s15], [sflag:$0x2] =	stream.linear.gather [spmem:s13], $0xC40, $0x38;
	[tilespmem:$0x1FF20] =	vst v63  }
0x14b: {  	_ =	swait.ge [sflag:s11], $0xC40  }
0x14c: {  	s17 =	sld [smem:$0x7FA]  }
0x14d: {  	[sflag:s11] =	ssyncset.done $0x0  }
0x14e: {  	s22 =	simm.s32 $0xAB80;
	[sflag:s11] =	ssyncadd.s32 $0xFFFFF3C0  }
0x14f: {  	[tilespmem:s22], [sflag:$0x2] =	stream.linear.gather [spmem:s17], $0xC40, $0x38;
	[tilespmem:$0x1FF20] =	vst v63  }
0x150: {  	_ =	swait.ge [sflag:s11], $0xC40  }
0x151: {  	s24 =	sld [smem:$0x7FB]  }
0x152: {  	[sflag:s11] =	ssyncset.done $0x0  }
.Ltmp7:
0x153: {  	s29 =	simm.s32 $0xB7C0;
	[sflag:s11] =	ssyncadd.s32 $0xFFFFF3C0;
	(pc) =	sbr.rel .LBB2_12-.Ltmp7, $4  }
0x154: {  	[tilespmem:s29], [sflag:$0x2] =	stream.linear.gather [spmem:s24], $0xC40, $0x38;
	[tilespmem:$0x1FF20] =	vst v63  }
0x155: {  	_ =	swait.ge [sflag:s11], $0xC40  }
0x156: {  	[sflag:s11] =	ssyncset.done $0x0  }
0x157: {  	s10 =	simm.s32 $0x0;
	[sflag:s11] =	ssyncadd.s32 $0xFFFFF3C0  }
.LBB2_91:
0x158: {  	s3 =	rddreg [dreg:$0x1c]  }
0x159: {  	s0 =	sshrl.u32 s0, $0x3;
	s29 =	rddreg [dreg:$0x19]  }
0x15a: {  	s8 =	simm.s32 $0x1E02;
	s0 =	sadd.s32 s3, s0;
	s3 =	sshrl.u32 s29, $0x3  }
0x15b: {  	[hbm:s0], [sflag:s8] =	dma.local [spmem:s3], $0x200  }
0x15c: {  	_ =	swait.ge [sflag:s11], $0x200  }
0x15d: {  	[sflag:s11] =	ssyncset.done $0x0  }
0x15e: {  	[sflag:s11] =	ssyncadd.s32 $0xFFFFFE00  }
.LBB2_92:
0x15f: {  	s10 =	sadd.s32 $0x1, s10  }
0x160: {  	p1 =	sne.s32 s10, $0x8  }
.Ltmp8:
0x161: {  	_ = 	snop;
	(pc) =	sbr.rel @!p1 .LBB2_93-.Ltmp8, $2  }
0x162: {  	_ =	sdelay $0x1  }
0x163: {  	[bflag:$0x0] =	sbarrier.arrive $0xFFFF;
	_ =	sdelay $0x1  }
.LBB2_12:
0x164: {  	s0 =	simm.s32 $0x0;
	s3 =	simm.s32 $0x200  }
.LBB2_13:
0x165: {  	p2 =	sne.s32 s3, $0xFE00;
	[tilespmem:s0+$0x182F0] =	vst v1  }
0x166: {  	[tilespmem:s0+$0x18280] =	vst v1  }
0x167: {  	[tilespmem:s0+$0x18290] =	vst v1  }
.Ltmp9:
0x168: {  	[tilespmem:s0+$0x182A0] =	vst v1;
	(pc) =	sbr.rel @p2 .LBB2_13-.Ltmp9, $4  }
0x169: {  	[tilespmem:s0+$0x182B0] =	vst v1  }
0x16a: {  	[tilespmem:s0+$0x182C0] =	vst v1  }
0x16b: {  	[tilespmem:s0+$0x182D0] =	vst v1  }
0x16c: {  	[tilespmem:s0+$0x182E0] =	vst v1;
	s0 =	sshra.s32 s3, $0x2;
	s3 =	sadd.s32 $0x200, s3  }
0x16d: {  	[tilespmem:s0+$0x182F0] =	vst v1  }
0x16e: {  	[tilespmem:s0+$0x18280] =	vst v1  }
0x16f: {  	[tilespmem:s0+$0x18290] =	vst v1  }
.Ltmp10:
0x170: {  	[tilespmem:s0+$0x182A0] =	vst v1;
	(pc) =	sbr.rel @!p4 .LBB2_15-.Ltmp10, $4  }
0x171: {  	[tilespmem:s0+$0x182B0] =	vst v1  }
0x172: {  	[tilespmem:s0+$0x182C0] =	vst v1  }
0x173: {  	[tilespmem:s0+$0x182D0] =	vst v1  }
0x174: {  	[tilespmem:s0+$0x182E0] =	vst v1  }
.Ltmp11:
0x175: {  	(pc) =	sbr.rel @!p0 .LBB2_17-.Ltmp11, $1  }
0x176: {  	_ =	sdelay $0x3  }
0x177: {  	s0 =	sld [smem:$0x7F4];
	_ =	sdelay $0x2  }
0x178: {  	p1 =	seq.s32 s0, $0x1  }
.Ltmp12:
0x179: {  	_ = 	snop;
	(pc) =	sbr.rel @p1 .LBB2_21-.Ltmp12, $1  }
0x17a: {  	_ =	sdelay $0x3  }
0x17b: {  	s0 =	sld [smem:$0x7F2];
	_ =	sdelay $0x2  }
0x17c: {  	p1 =	seq.s32 s0, $0x1  }
.Ltmp13:
0x17d: {  	_ = 	snop;
	(pc) =	sbr.rel @p1 .LBB2_22-.Ltmp13, $1  }
0x17e: {  	_ =	sdelay $0x3  }
0x17f: {  	s3 =	sld [smem:$0x7F3];
	_ =	sdelay $0x2  }
0x180: {  	p1 =	seq.s32 s3, $0x1  }
.Ltmp14:
0x181: {  	_ = 	snop;
	(pc) =	sbr.rel @p1 .LBB2_23-.Ltmp14, $4  }
.Ltmp15:
0x182: {  	_ = 	snop;
	(pc) =	sbr.rel @!p1 .LBB2_24-.Ltmp15, $4  }
0x183: {  	_ = 	snop  }
0x184: {  	_ = 	snop  }
0x185: {  	s0 =	sld [smem:$0x7FC]  }
0x186: {  	_ = 	snop  }
.LBB2_15:
0x187: {  	s3 =	sld @p5 [smem:$0x7E6];
	_ =	sdelay $0x2  }
0x188: {  	s3 =	sld @!p5 [smem:$0x7E5];
	_ =	sdelay $0x2  }
0x189: {  	p1 =	seq.s32 s3, $0x1  }
.Ltmp16:
0x18a: {  	_ = 	snop;
	(pc) =	sbr.rel @p1 .LBB2_23-.Ltmp16, $4  }
.Ltmp17:
0x18b: {  	_ = 	snop;
	(pc) =	sbr.rel @!p1 .LBB2_24-.Ltmp17, $4  }
0x18c: {  	_ = 	snop  }
0x18d: {  	s0 =	rddreg @p5 [dreg:$0x17]  }
0x18e: {  	s0 =	rddreg @!p5 [dreg:$0x16]  }
0x18f: {  	_ = 	snop  }
.LBB2_17:
0x190: {  	s3 =	sld [smem:$0x7E7];
	_ =	sdelay $0x2  }
0x191: {  	p1 =	seq.s32 s3, $0x1  }
.Ltmp18:
0x192: {  	_ = 	snop;
	(pc) =	sbr.rel @p1 .LBB2_23-.Ltmp18, $4  }
.Ltmp19:
0x193: {  	_ = 	snop;
	(pc) =	sbr.rel @!p1 .LBB2_24-.Ltmp19, $4  }
0x194: {  	_ = 	snop  }
0x195: {  	_ = 	snop  }
0x196: {  	s0 =	rddreg [dreg:$0x18]  }
0x197: {  	_ = 	snop  }
.LBB2_21:
0x198: {  	s3 =	sld [smem:$0x7EB];
	_ =	sdelay $0x2  }
0x199: {  	p1 =	seq.s32 s3, $0x1  }
.Ltmp20:
0x19a: {  	_ = 	snop;
	(pc) =	sbr.rel @p1 .LBB2_23-.Ltmp20, $4  }
.Ltmp21:
0x19b: {  	_ = 	snop;
	(pc) =	sbr.rel @!p1 .LBB2_24-.Ltmp21, $4  }
0x19c: {  	_ = 	snop  }
0x19d: {  	_ = 	snop  }
0x19e: {  	s0 =	rddreg [dreg:$0x1a]  }
0x19f: {  	_ = 	snop  }
.LBB2_22:
0x1a0: {  	s0 =	sld [smem:$0x7FD]  }
.LBB2_23:
0x1a1: {  	_ =	sdelay $0x1  }
0x1a2: {  	[spmem:s0] =	stream.linear.scatter [tilespmem:s7], [sflag:$0x2], $0x4000, $0x38;
	[tilespmem:$0x1FF20] =	vst v63  }
0x1a3: {  	_ =	swait.ge [sflag:s11], $0x4000  }
0x1a4: {  	[sflag:s11] =	ssyncset.done $0x0  }
0x1a5: {  	[sflag:s11] =	ssyncadd.s32 $0xFFFFC000  }
.LBB2_24:
0x1a6: {  	s0 =	smul.u32 $0xFFFFF9E0, s10  }
0x1a7: {  	[smem:$0x7E0] =	sst s10  }
0x1a8: {  	s8 =	simm.s32 $0x0;
	[bflag:$0x0] =	sbarrier.arrive $0xFFFF;
	v2 =	vmov s0  }
.LBB2_25:
0x1a9: {  	s0 =	smul.u32 $0xC80, s8;
	_ =	sdelay $0x1  }
0x1aa: {  	s3 =	sadd.s32 s5, s0  }
0x1ab: {  	s3 =	sshrl.u32 s3, $0x3  }
0x1ac: {  	s10 =	simm.s32 $0xD080;
	s9 =	sadd.s32 s28, s3  }
0x1ad: {  	[tilespmem:s10], [sflag:$0x2] =	stream.linear.gather [hbm4b:s9+s23], $0xC80, $0x38;
	[tilespmem:$0x1FF20] =	vst v63  }
0x1ae: {  	_ =	swait.ge [sflag:s11], $0xC80  }
0x1af: {  	[sflag:s11] =	ssyncset.done $0x0  }
0x1b0: {  	s24 =	simm.s32 $0xDD00;
	s22 =	sadd.s32 s30, s3;
	[sflag:s11] =	ssyncadd.s32 $0xFFFFF380  }
0x1b1: {  	[tilespmem:s24], [sflag:$0x2] =	stream.linear.gather [hbm4b:s22+s23], $0xC80, $0x38;
	[tilespmem:$0x1FF20] =	vst v63  }
0x1b2: {  	_ =	swait.ge [sflag:s11], $0xC80  }
0x1b3: {  	[sflag:s11] =	ssyncset.done $0x0  }
0x1b4: {  	s29 =	simm.s32 $0xC400;
	s3 =	sadd.s32 s4, s3;
	[sflag:s11] =	ssyncadd.s32 $0xFFFFF380  }
0x1b5: {  	[tilespmem:s29], [sflag:$0x2] =	stream.linear.gather [hbm4b:s3+s23], $0xC80, $0x38;
	[tilespmem:$0x1FF20] =	vst v63  }
0x1b6: {  	_ =	swait.ge [sflag:s11], $0xC80  }
0x1b7: {  	[sflag:s11] =	ssyncset.done $0x0  }
0x1b8: {  	s3 =	simm.s32 $0x0;
	[sflag:s11] =	ssyncadd.s32 $0xFFFFF380  }
0x1b9: {  	v3 =	vld [tilespmem:s3+$0xD080];
	_ =	sdelay $0x1  }
0x1ba: {  	v4 =	vld [tilespmem:s3+$0xDD00];
	_ =	sdelay $0x2  }
0x1bb: {  	v5 =	vshra.s32 v3, $0x1  }
0x1bc: {  	v5 =	vadd.s32 v2, v5  }
0x1bd: {  	v4 =	vadd.s32 v0, v4;
	vm0 =	vlt.u32 v5, $0x620  }
0x1be: {  	[tilespmem:s3+$0x10600] =	vst v4;
	v5 =	vnsel vm0, $0x640, v5  }
0x1bf: {  	[tilespmem:s3+$0xF600] =	vst v5  }
0x1c0: {  	v4 =	vld.idx.msk [tilespmem:v3+s12+$0x0], $0xffff;
	_ =	sdelay $0x4  }
0x1c1: {  	v5 =	vadd.f32 $1.000000020e-16, v4;
	_ =	sdelay $0x1  }
0x1c2: {  	(erf) = vrcp.f32 v5;
	_ =	sdelay $0x2  }
0x1c3: {  	s9 =	simm.s32 $0x10  }
0x1c4: {  	v4 =	vld [tilespmem:s9+$0xD080]  }
0x1c5: {  	s10 =	simm.s32 $0x80;
	v5 =	vld [tilespmem:s3+$0xC400]  }
.LBB2_26:
0x1c6: {  	p2 =	sne.s32 s10, $0x31C0;
	v6 =	vld [tilespmem:s9+$0xDD00]  }
0x1c7: {  	v10 =	vand.u32 $0x1, v3  }
0x1c8: {  	v7 =	vcvt.s32.f32 v10  }
0x1c9: {  	v8 =	vshra.s32 v4, $0x1;
	v9 =	vpop (erf);
	v3 =	vmov v4  }
0x1ca: {  	v4 =	vadd.s32 v2, v8;
	v5 =	vmul.f32 v9, v5;
	v8 =	vsub.f32 $1.000000000e+00, v7  }
0x1cb: {  	vm0 =	vlt.u32 v4, $0x620;
	v6 =	vadd.s32 v0, v6  }
0x1cc: {  	v4 =	vnsel vm0, $0x640, v4;
	[tilespmem:s9+$0x10600] =	vst v6;
	v6 =	vmul.f32 v5, v8;
	v5 =	vmul.f32 v7, v5  }
0x1cd: {  	[tilespmem:s9+$0xF600] =	vst v4  }
0x1ce: {  	[tilespmem:s3+$0xE980] =	vst v6  }
0x1cf: {  	[tilespmem:s3+$0x11600] =	vst v5;
	s3 =	smov.u32 s9  }
0x1d0: {  	v4 =	vld.idx.msk [tilespmem:v3+s12+$0x0], $0xffff;
	_ =	sdelay $0x5  }
0x1d1: {  	v4 =	vadd.f32 $1.000000020e-16, v4;
	_ =	sdelay $0x1  }
0x1d2: {  	(erf) = vrcp.f32 v4  }
.Ltmp22:
0x1d3: {  	(pc) =	sbr.rel @p2 .LBB2_26-.Ltmp22, $4  }
0x1d4: {  	_ = 	snop  }
0x1d5: {  	s9 =	sshra.s32 s10, $0x2  }
0x1d6: {  	v4 =	vld [tilespmem:s9+$0xD080]  }
0x1d7: {  	s10 =	sadd.s32 $0x40, s10;
	v5 =	vld [tilespmem:s3+$0xC400]  }
0x1d8: {  	v6 =	vld [tilespmem:s9+$0xDD00]  }
0x1d9: {  	v3 =	vand.u32 $0x1, v3  }
0x1da: {  	v3 =	vcvt.s32.f32 v3  }
0x1db: {  	v7 =	vshra.s32 v4, $0x1;
	v8 =	vpop (erf)  }
0x1dc: {  	v59 =	vsub.f32 $1.000000000e+00, v3;
	v7 =	vadd.s32 v2, v7;
	v5 =	vmul.f32 v8, v5  }
0x1dd: {  	vm0 =	vlt.u32 v7, $0x620;
	v6 =	vadd.s32 v0, v6  }
0x1de: {  	v7 =	vnsel vm0, $0x640, v7;
	[tilespmem:s9+$0x10600] =	vst v6;
	v60 =	vmul.f32 v5, v59  }
0x1df: {  	v3 =	vmul.f32 v3, v5;
	[tilespmem:s9+$0xF600] =	vst v7  }
0x1e0: {  	[tilespmem:s3+$0xE980] =	vst v60  }
0x1e1: {  	[tilespmem:s3+$0x11600] =	vst v3  }
0x1e2: {  	v3 =	vld.idx.msk [tilespmem:v4+s12+$0x0], $0xffff;
	_ =	sdelay $0x4  }
0x1e3: {  	v3 =	vadd.f32 $1.000000020e-16, v3;
	_ =	sdelay $0x1  }
0x1e4: {  	(erf) = vrcp.f32 v3;
	_ =	sdelay $0x4  }
0x1e5: {  	v3 =	vld [tilespmem:s9+$0xC400];
	_ =	sdelay $0x1  }
0x1e6: {  	v61 =	vand.u32 $0x1, v4  }
0x1e7: {  	v4 =	vcvt.s32.f32 v61  }
0x1e8: {  	v62 =	vpop (erf)  }
0x1e9: {  	v63 =	vsub.f32 $1.000000000e+00, v4;
	v3 =	vmul.f32 v62, v3;
	_ =	sdelay $0x1  }
0x1ea: {  	v5 =	vmul.f32 v3, v63  }
0x1eb: {  	s0 =	sadd.s32 s6, s0;
	v3 =	vmul.f32 v4, v3  }
0x1ec: {  	s24 =	rddreg [dreg:$0x1d];
	s17 =	simm.s32 $0x0;
	s0 =	sshll.u32 s0, $0x6;
	[tilespmem:s9+$0xE980] =	vst v5  }
0x1ed: {  	s29 =	simm.s32 $0x0;
	s10 =	sadd.s32 s24, s0;
	[tilespmem:s9+$0x11600] =	vst v3;
	s9 =	simm.s32 $0x0  }
.LBB2_28:
0x1ee: {  	s0 =	sshll.u32 s29, $0xD  }
0x1ef: {  	s0 =	sadd.s32 s0, s10  }
0x1f0: {  	s0 =	sshrl.u32 s0, $0x3  }
0x1f1: {  	s0 =	sadd.s32 s31, s0  }
0x1f2: {  	[tilespmem:s18], [sflag:$0x1] =	stream.linear.gather [hbm4b:s0+s9], $0x2000, $0x38;
	[tilespmem:$0x1FF20] =	vst v63  }
0x1f3: {  	s0 =	sshll.u32 s29, $0x7  }
0x1f4: {  	s3 =	sadd.s32 $0x10600, s0  }
0x1f5: {  	[tilespmem:s25], [sflag:$0x2] =	stream.indirect.gather [hbm4b:s2+s14], $0x80, s3, s14, $0xb8;
	[tilespmem:$0x1FF20] =	vst v63  }
0x1f6: {  	_ =	swait.ge [sflag:s11], $0x4000  }
0x1f7: {  	[sflag:s11] =	ssyncset.done $0x0  }
0x1f8: {  	[sflag:s11] =	ssyncadd.s32 $0xFFFFC000  }
0x1f9: {  	_ =	swait.ge [sflag:s19], $0x2000  }
0x1fa: {  	v4 =	vmov s17;
	[sflag:s19] =	ssyncset.done $0x0  }
0x1fb: {  	s22 =	simm.s32 $0x0;
	[sflag:s19] =	ssyncadd.s32 $0xFFFFE000  }
0x1fc: {  	s15 =	simm.s32 $0x162A0;
	v5 =	vld [tilespmem:s22+$0x12280]  }
0x1fd: {  	v6 =	vld [tilespmem:s15+$0xFFFFFFE0];
	_ =	sdelay $0x1  }
0x1fe: {  	v3 =	vld.idx.msk [tilespmem:v4+s16+$0x0], $0xffff  }
0x1ff: {  	v4 =	vld.idx.msk [tilespmem:v4+s20+$0x0], $0xffff;
	_ =	sdelay $0x1  }
0x200: {  	v5 =	vadd.f32 v6, v5;
	_ =	sdelay $0x1  }
0x201: {  	v6 =	vmul.f32 v5, v3  }
0x202: {  	v5 =	vmul.f32 v5, v4  }
0x203: {  	[tilespmem:s22+$0x18280] =	vst v6  }
0x204: {  	[tilespmem:s22+$0x182C0] =	vst v5;
	v5 =	vld [tilespmem:s22+$0x12290]  }
0x205: {  	v6 =	vld [tilespmem:s15+$0xFFFFFFF0];
	_ =	sdelay $0x4  }
0x206: {  	v5 =	vadd.f32 v6, v5;
	_ =	sdelay $0x1  }
0x207: {  	v6 =	vmul.f32 v5, v3  }
0x208: {  	v5 =	vmul.f32 v5, v4  }
0x209: {  	[tilespmem:s22+$0x18290] =	vst v6  }
0x20a: {  	[tilespmem:s22+$0x182D0] =	vst v5;
	v5 =	vld [tilespmem:s22+$0x122A0]  }
0x20b: {  	v6 =	vld [tilespmem:s15+$0x0];
	_ =	sdelay $0x4  }
0x20c: {  	v5 =	vadd.f32 v6, v5;
	_ =	sdelay $0x1  }
0x20d: {  	v6 =	vmul.f32 v5, v3  }
0x20e: {  	v5 =	vmul.f32 v5, v4  }
0x20f: {  	[tilespmem:s22+$0x182A0] =	vst v6  }
0x210: {  	[tilespmem:s22+$0x182E0] =	vst v5;
	v5 =	vld [tilespmem:s22+$0x122B0]  }
0x211: {  	s13 =	simm.s32 $0x200;
	s3 =	smov.u32 s17;
	v6 =	vld [tilespmem:s15+$0x10]  }
.LBB2_29:
0x212: {  	_ =	sdelay $0x3  }
0x213: {  	p2 =	sne.s32 s13, $0xFE00;
	s15 =	sadd.s32 $0x40, s15;
	s3 =	sadd.s32 $0x1, s3;
	v5 =	vadd.f32 v6, v5  }
0x214: {  	s24 =	smov.u32 s13;
	s13 =	sadd.s32 $0x200, s13;
	v6 =	vmov s3  }
0x215: {  	v3 =	vmul.f32 v5, v3;
	v4 =	vmul.f32 v5, v4;
	_ =	sdelay $0x1  }
0x216: {  	s24 =	sshra.s32 s24, $0x2;
	[tilespmem:s22+$0x182B0] =	vst v3  }
0x217: {  	v5 =	vld [tilespmem:s24+$0x12280];
	[tilespmem:s22+$0x182F0] =	vst v4;
	s22 =	smov.u32 s24  }
0x218: {  	v7 =	vld [tilespmem:s15+$0xFFFFFFE0]  }
0x219: {  	v3 =	vld.idx.msk [tilespmem:v6+s16+$0x0], $0xffff  }
0x21a: {  	v4 =	vld.idx.msk [tilespmem:v6+s20+$0x0], $0xffff;
	_ =	sdelay $0x2  }
0x21b: {  	v5 =	vadd.f32 v7, v5;
	_ =	sdelay $0x1  }
0x21c: {  	v6 =	vmul.f32 v5, v3  }
0x21d: {  	v5 =	vmul.f32 v5, v4  }
0x21e: {  	[tilespmem:s22+$0x18280] =	vst v6  }
0x21f: {  	[tilespmem:s22+$0x182C0] =	vst v5;
	v5 =	vld [tilespmem:s22+$0x12290]  }
0x220: {  	v6 =	vld [tilespmem:s15+$0xFFFFFFF0];
	_ =	sdelay $0x4  }
0x221: {  	v5 =	vadd.f32 v6, v5;
	_ =	sdelay $0x1  }
0x222: {  	v6 =	vmul.f32 v5, v3;
	v5 =	vmul.f32 v5, v4;
	_ =	sdelay $0x1  }
0x223: {  	[tilespmem:s22+$0x18290] =	vst v6  }
0x224: {  	[tilespmem:s22+$0x182D0] =	vst v5;
	v5 =	vld [tilespmem:s22+$0x122A0]  }
0x225: {  	v6 =	vld [tilespmem:s15+$0x0];
	_ =	sdelay $0x4  }
0x226: {  	v5 =	vadd.f32 v6, v5;
	_ =	sdelay $0x1  }
.Ltmp23:
0x227: {  	v6 =	vmul.f32 v5, v3;
	v5 =	vmul.f32 v5, v4;
	(pc) =	sbr.rel @p2 .LBB2_29-.Ltmp23, $4  }
0x228: {  	_ = 	snop  }
0x229: {  	[tilespmem:s22+$0x182A0] =	vst v6  }
0x22a: {  	[tilespmem:s22+$0x182E0] =	vst v5;
	v5 =	vld [tilespmem:s22+$0x122B0]  }
0x22b: {  	v6 =	vld [tilespmem:s15+$0x10]  }
0x22c: {  	_ =	sdelay $0x3  }
0x22d: {  	v5 =	vadd.f32 v6, v5;
	_ =	sdelay $0x1  }
0x22e: {  	v3 =	vmul.f32 v5, v3  }
0x22f: {  	s29 =	sadd.s32 $0x1, s29;
	v4 =	vmul.f32 v5, v4  }
0x230: {  	p1 =	sne.s32 s29, $0x19;
	[tilespmem:s22+$0x182B0] =	vst v3  }
.Ltmp24:
0x231: {  	s0 =	sadd.s32 $0xF600, s0;
	[tilespmem:s22+$0x182F0] =	vst v4;
	(pc) =	sbr.rel @p1 .LBB2_28-.Ltmp24, $4  }
0x232: {  	[spmem:s1] =	stream.indirect.scatter.add.f32 [tilespmem:s7], [sflag:$0x2], $0x80, s0, s14, $0xb8;
	[tilespmem:$0x1FF20] =	vst v63  }
0x233: {  	_ =	swait.ge [sflag:s11], $0x4000  }
0x234: {  	[sflag:s11] =	ssyncset.done $0x0  }
0x235: {  	s17 =	sadd.s32 $0x80, s17;
	[sflag:s11] =	ssyncadd.s32 $0xFFFFC000  }
0x236: {  	s8 =	sadd.s32 $0x1, s8  }
0x237: {  	p1 =	sne.s32 s8, $0x8  }
.Ltmp25:
0x238: {  	_ = 	snop;
	(pc) =	sbr.rel @p1 .LBB2_25-.Ltmp25, $1  }
0x239: {  	_ =	sdelay $0x3  }
.Ltmp26:
0x23a: {  	(pc) =	sbr.rel @!p3 .LBB2_33-.Ltmp26, $2  }
0x23b: {  	_ =	sdelay $0x1  }
0x23c: {  	[bflag:$0x0] =	sbarrier.arrive $0xFFFF;
	_ =	sdelay $0x1  }
0x23d: {  	s10 =	sld [smem:$0x7E0];
	_ =	sdelay $0x2  }
0x23e: {  	s0 =	sld [smem:$0x7E9];
	s8 =	smul.u32 $0x31000, s10  }
.Ltmp27:
0x23f: {  	_ = 	snop;
	(pc) =	sbr.rel @p4 .LBB2_62-.Ltmp27, $4  }
0x240: {  	_ = 	snop  }
0x241: {  	s0 =	sadd.s32 s0, s8  }
0x242: {  	s3 =	rddreg [dreg:$0x1c];
	s0 =	sshrl.u32 s0, $0x3  }
0x243: {  	s13 =	stileid.u32;
	s0 =	sadd.s32 s3, s0  }
.Ltmp28:
0x244: {  	(pc) =	sbr.rel @p5 .LBB2_58-.Ltmp28, $1  }
0x245: {  	_ =	sdelay $0x3  }
0x246: {  	s3 =	sld [smem:$0x7E2];
	_ =	sdelay $0x2  }
0x247: {  	p1 =	seq.s32 s3, $0x1  }
.Ltmp29:
0x248: {  	_ = 	snop;
	(pc) =	sbr.rel @p1 .LBB2_81-.Ltmp29, $1  }
0x249: {  	_ =	sdelay $0x3  }
0x24a: {  	s3 =	sld [smem:$0x7EC];
	_ =	sdelay $0x2  }
0x24b: {  	p1 =	seq.s32 s3, $0x1  }
.Ltmp30:
0x24c: {  	_ = 	snop;
	(pc) =	sbr.rel @p1 .LBB2_82-.Ltmp30, $1  }
0x24d: {  	_ =	sdelay $0x3  }
0x24e: {  	s3 =	sld [smem:$0x7ED];
	_ =	sdelay $0x2  }
0x24f: {  	p1 =	seq.s32 s3, $0x1  }
.Ltmp31:
0x250: {  	_ = 	snop;
	(pc) =	sbr.rel @!p1 .LBB2_92-.Ltmp31, $1  }
0x251: {  	_ =	sdelay $0x3  }
0x252: {  	s9 =	sld [smem:$0x7E8];
	_ =	sdelay $0x1  }
0x253: {  	s3 =	sshll.u32 s13, $0x6  }
.Ltmp32:
0x254: {  	s3 =	sor.u32 $0x1C02, s3;
	s9 =	sshrl.u32 s9, $0x3;
	(pc) =	sbr.rel .LBB2_89-.Ltmp32, $4  }
0x255: {  	[hbm:s0], [sflag:s3] =	dma.local [spmem:s9], $0x800  }
0x256: {  	_ =	swait.ge [sflag:s11], $0x800  }
0x257: {  	[sflag:s11] =	ssyncset.done $0x0  }
0x258: {  	[sflag:s11] =	ssyncadd.s32 $0xFFFFF800  }
.LBB2_33:
0x259: {  	s10 =	sld [smem:$0x7E0]  }
.Ltmp33:
0x25a: {  	_ = 	snop;
	(pc) =	sbr.rel @p4 .LBB2_43-.Ltmp33, $4  }
0x25b: {  	_ = 	snop  }
0x25c: {  	s0 =	smul.u32 $0x6200, s10  }
0x25d: {  	s3 =	rddreg [dreg:$0x1f]  }
0x25e: {  	s13 =	stileid.u32;
	s0 =	sadd.s32 s3, s0  }
.Ltmp34:
0x25f: {  	(pc) =	sbr.rel @p5 .LBB2_39-.Ltmp34, $1  }
0x260: {  	_ =	sdelay $0x3  }
0x261: {  	s3 =	sld [smem:$0x7E2];
	_ =	sdelay $0x2  }
0x262: {  	p1 =	seq.s32 s3, $0x1  }
.Ltmp35:
0x263: {  	_ = 	snop;
	(pc) =	sbr.rel @p1 .LBB2_71-.Ltmp35, $1  }
0x264: {  	_ =	sdelay $0x3  }
0x265: {  	s3 =	sld [smem:$0x7EC];
	_ =	sdelay $0x2  }
0x266: {  	p1 =	seq.s32 s3, $0x1  }
.Ltmp36:
0x267: {  	_ = 	snop;
	(pc) =	sbr.rel @p1 .LBB2_72-.Ltmp36, $1  }
0x268: {  	_ =	sdelay $0x3  }
0x269: {  	s3 =	sld [smem:$0x7ED];
	_ =	sdelay $0x2  }
0x26a: {  	p1 =	seq.s32 s3, $0x1  }
.Ltmp37:
0x26b: {  	_ = 	snop;
	(pc) =	sbr.rel @!p1 .LBB2_92-.Ltmp37, $1  }
0x26c: {  	_ =	sdelay $0x3  }
0x26d: {  	s8 =	sld [smem:$0x7E8];
	_ =	sdelay $0x1  }
0x26e: {  	s3 =	sshll.u32 s13, $0x6  }
.Ltmp38:
0x26f: {  	s3 =	sor.u32 $0x1C02, s3;
	s8 =	sshrl.u32 s8, $0x3;
	(pc) =	sbr.rel .LBB2_79-.Ltmp38, $4  }
0x270: {  	[hbm:s0], [sflag:s3] =	dma.local [spmem:s8], $0x800  }
0x271: {  	_ =	swait.ge [sflag:s11], $0x800  }
0x272: {  	[sflag:s11] =	ssyncset.done $0x0  }
0x273: {  	[sflag:s11] =	ssyncadd.s32 $0xFFFFF800  }
.LBB2_62:
.Ltmp39:
0x274: {  	(pc) =	sbr.rel @p0 .LBB2_67-.Ltmp39, $1  }
0x275: {  	_ =	sdelay $0x3  }
0x276: {  	s3 =	sld [smem:$0x7E4];
	_ =	sdelay $0x2  }
0x277: {  	p1 =	seq.s32 s3, $0x1  }
.Ltmp40:
0x278: {  	_ = 	snop;
	(pc) =	sbr.rel @p1 .LBB2_85-.Ltmp40, $1  }
0x279: {  	_ =	sdelay $0x3  }
0x27a: {  	s3 =	sld [smem:$0x7F0];
	_ =	sdelay $0x2  }
0x27b: {  	p1 =	seq.s32 s3, $0x1  }
.Ltmp41:
0x27c: {  	_ = 	snop;
	(pc) =	sbr.rel @p1 .LBB2_86-.Ltmp41, $1  }
0x27d: {  	_ =	sdelay $0x3  }
0x27e: {  	s3 =	sld [smem:$0x7F1];
	_ =	sdelay $0x2  }
0x27f: {  	p1 =	seq.s32 s3, $0x1  }
.Ltmp42:
0x280: {  	_ = 	snop;
	(pc) =	sbr.rel @!p1 .LBB2_92-.Ltmp42, $1  }
0x281: {  	_ =	sdelay $0x3  }
0x282: {  	s9 =	sld [smem:$0x7E8];
	_ =	sdelay $0x1  }
0x283: {  	s3 =	sshll.u32 s13, $0x6  }
.Ltmp43:
0x284: {  	s3 =	sor.u32 $0x1C02, s3;
	s9 =	sshrl.u32 s9, $0x3;
	(pc) =	sbr.rel .LBB2_89-.Ltmp43, $4  }
0x285: {  	[hbm:s0], [sflag:s3] =	dma.local [spmem:s9], $0x800  }
0x286: {  	_ =	swait.ge [sflag:s11], $0x800  }
0x287: {  	[sflag:s11] =	ssyncset.done $0x0  }
0x288: {  	[sflag:s11] =	ssyncadd.s32 $0xFFFFF800  }
.LBB2_43:
.Ltmp44:
0x289: {  	(pc) =	sbr.rel @p0 .LBB2_48-.Ltmp44, $1  }
0x28a: {  	_ =	sdelay $0x3  }
0x28b: {  	s3 =	sld [smem:$0x7E4];
	_ =	sdelay $0x2  }
0x28c: {  	p1 =	seq.s32 s3, $0x1  }
.Ltmp45:
0x28d: {  	_ = 	snop;
	(pc) =	sbr.rel @p1 .LBB2_75-.Ltmp45, $1  }
0x28e: {  	_ =	sdelay $0x3  }
0x28f: {  	s3 =	sld [smem:$0x7F0];
	_ =	sdelay $0x2  }
0x290: {  	p1 =	seq.s32 s3, $0x1  }
.Ltmp46:
0x291: {  	_ = 	snop;
	(pc) =	sbr.rel @p1 .LBB2_76-.Ltmp46, $1  }
0x292: {  	_ =	sdelay $0x3  }
0x293: {  	s3 =	sld [smem:$0x7F1];
	_ =	sdelay $0x2  }
0x294: {  	p1 =	seq.s32 s3, $0x1  }
.Ltmp47:
0x295: {  	_ = 	snop;
	(pc) =	sbr.rel @!p1 .LBB2_92-.Ltmp47, $1  }
0x296: {  	_ =	sdelay $0x3  }
0x297: {  	s8 =	sld [smem:$0x7E8];
	_ =	sdelay $0x1  }
0x298: {  	s3 =	sshll.u32 s13, $0x6  }
.Ltmp48:
0x299: {  	s3 =	sor.u32 $0x1C02, s3;
	s8 =	sshrl.u32 s8, $0x3;
	(pc) =	sbr.rel .LBB2_79-.Ltmp48, $4  }
0x29a: {  	[hbm:s0], [sflag:s3] =	dma.local [spmem:s8], $0x800  }
0x29b: {  	_ =	swait.ge [sflag:s11], $0x800  }
0x29c: {  	[sflag:s11] =	ssyncset.done $0x0  }
0x29d: {  	[sflag:s11] =	ssyncadd.s32 $0xFFFFF800  }
.LBB2_58:
0x29e: {  	s3 =	sld [smem:$0x7E3];
	_ =	sdelay $0x2  }
0x29f: {  	p1 =	seq.s32 s3, $0x1  }
.Ltmp49:
0x2a0: {  	_ = 	snop;
	(pc) =	sbr.rel @p1 .LBB2_83-.Ltmp49, $1  }
0x2a1: {  	_ =	sdelay $0x3  }
0x2a2: {  	s3 =	sld [smem:$0x7EE];
	_ =	sdelay $0x2  }
0x2a3: {  	p1 =	seq.s32 s3, $0x1  }
.Ltmp50:
0x2a4: {  	_ = 	snop;
	(pc) =	sbr.rel @p1 .LBB2_84-.Ltmp50, $1  }
0x2a5: {  	_ =	sdelay $0x3  }
0x2a6: {  	s3 =	sld [smem:$0x7EF];
	_ =	sdelay $0x2  }
0x2a7: {  	p1 =	seq.s32 s3, $0x1  }
.Ltmp51:
0x2a8: {  	_ = 	snop;
	(pc) =	sbr.rel @!p1 .LBB2_92-.Ltmp51, $1  }
0x2a9: {  	_ =	sdelay $0x3  }
0x2aa: {  	s9 =	sld [smem:$0x7E8];
	_ =	sdelay $0x1  }
0x2ab: {  	s3 =	sshll.u32 s13, $0x6  }
.Ltmp52:
0x2ac: {  	s3 =	sor.u32 $0x1C02, s3;
	s9 =	sshrl.u32 s9, $0x3;
	(pc) =	sbr.rel .LBB2_89-.Ltmp52, $4  }
0x2ad: {  	[hbm:s0], [sflag:s3] =	dma.local [spmem:s9], $0x800  }
0x2ae: {  	_ =	swait.ge [sflag:s11], $0x800  }
0x2af: {  	[sflag:s11] =	ssyncset.done $0x0  }
0x2b0: {  	[sflag:s11] =	ssyncadd.s32 $0xFFFFF800  }
.LBB2_39:
0x2b1: {  	s3 =	sld [smem:$0x7E3];
	_ =	sdelay $0x2  }
0x2b2: {  	p1 =	seq.s32 s3, $0x1  }
.Ltmp53:
0x2b3: {  	_ = 	snop;
	(pc) =	sbr.rel @p1 .LBB2_73-.Ltmp53, $1  }
0x2b4: {  	_ =	sdelay $0x3  }
0x2b5: {  	s3 =	sld [smem:$0x7EE];
	_ =	sdelay $0x2  }
0x2b6: {  	p1 =	seq.s32 s3, $0x1  }
.Ltmp54:
0x2b7: {  	_ = 	snop;
	(pc) =	sbr.rel @p1 .LBB2_74-.Ltmp54, $1  }
0x2b8: {  	_ =	sdelay $0x3  }
0x2b9: {  	s3 =	sld [smem:$0x7EF];
	_ =	sdelay $0x2  }
0x2ba: {  	p1 =	seq.s32 s3, $0x1  }
.Ltmp55:
0x2bb: {  	_ = 	snop;
	(pc) =	sbr.rel @!p1 .LBB2_92-.Ltmp55, $1  }
0x2bc: {  	_ =	sdelay $0x3  }
0x2bd: {  	s8 =	sld [smem:$0x7E8];
	_ =	sdelay $0x1  }
0x2be: {  	s3 =	sshll.u32 s13, $0x6  }
.Ltmp56:
0x2bf: {  	s3 =	sor.u32 $0x1C02, s3;
	s8 =	sshrl.u32 s8, $0x3;
	(pc) =	sbr.rel .LBB2_79-.Ltmp56, $4  }
0x2c0: {  	[hbm:s0], [sflag:s3] =	dma.local [spmem:s8], $0x800  }
0x2c1: {  	_ =	swait.ge [sflag:s11], $0x800  }
0x2c2: {  	[sflag:s11] =	ssyncset.done $0x0  }
0x2c3: {  	[sflag:s11] =	ssyncadd.s32 $0xFFFFF800  }
.LBB2_67:
0x2c4: {  	s3 =	sld [smem:$0x7F2];
	_ =	sdelay $0x2  }
0x2c5: {  	p1 =	seq.s32 s3, $0x1  }
.Ltmp57:
0x2c6: {  	_ = 	snop;
	(pc) =	sbr.rel @p1 .LBB2_87-.Ltmp57, $1  }
0x2c7: {  	_ =	sdelay $0x3  }
0x2c8: {  	s3 =	sld [smem:$0x7F3];
	_ =	sdelay $0x2  }
0x2c9: {  	p1 =	seq.s32 s3, $0x1  }
.Ltmp58:
0x2ca: {  	_ = 	snop;
	(pc) =	sbr.rel @p1 .LBB2_88-.Ltmp58, $1  }
0x2cb: {  	_ =	sdelay $0x3  }
0x2cc: {  	s3 =	sld [smem:$0x7EA];
	_ =	sdelay $0x2  }
0x2cd: {  	p1 =	seq.s32 s3, $0x1  }
.Ltmp59:
0x2ce: {  	_ = 	snop;
	(pc) =	sbr.rel @!p1 .LBB2_92-.Ltmp59, $1  }
0x2cf: {  	_ =	sdelay $0x3  }
0x2d0: {  	s9 =	sld [smem:$0x7E8];
	_ =	sdelay $0x1  }
0x2d1: {  	s3 =	sshll.u32 s13, $0x6  }
.Ltmp60:
0x2d2: {  	s3 =	sor.u32 $0x1C02, s3;
	s9 =	sshrl.u32 s9, $0x3;
	(pc) =	sbr.rel .LBB2_89-.Ltmp60, $4  }
0x2d3: {  	[hbm:s0], [sflag:s3] =	dma.local [spmem:s9], $0x800  }
0x2d4: {  	_ =	swait.ge [sflag:s11], $0x800  }
0x2d5: {  	[sflag:s11] =	ssyncset.done $0x0  }
0x2d6: {  	[sflag:s11] =	ssyncadd.s32 $0xFFFFF800  }
.LBB2_48:
0x2d7: {  	s3 =	sld [smem:$0x7F2];
	_ =	sdelay $0x2  }
0x2d8: {  	p1 =	seq.s32 s3, $0x1  }
.Ltmp61:
0x2d9: {  	_ = 	snop;
	(pc) =	sbr.rel @p1 .LBB2_77-.Ltmp61, $1  }
0x2da: {  	_ =	sdelay $0x3  }
0x2db: {  	s3 =	sld [smem:$0x7F3];
	_ =	sdelay $0x2  }
0x2dc: {  	p1 =	seq.s32 s3, $0x1  }
.Ltmp62:
0x2dd: {  	_ = 	snop;
	(pc) =	sbr.rel @p1 .LBB2_78-.Ltmp62, $1  }
0x2de: {  	_ =	sdelay $0x3  }
0x2df: {  	s3 =	sld [smem:$0x7EA];
	_ =	sdelay $0x2  }
0x2e0: {  	p1 =	seq.s32 s3, $0x1  }
.Ltmp63:
0x2e1: {  	_ = 	snop;
	(pc) =	sbr.rel @!p1 .LBB2_92-.Ltmp63, $1  }
0x2e2: {  	_ =	sdelay $0x3  }
0x2e3: {  	s8 =	sld [smem:$0x7E8];
	_ =	sdelay $0x1  }
0x2e4: {  	s3 =	sshll.u32 s13, $0x6  }
.Ltmp64:
0x2e5: {  	s3 =	sor.u32 $0x1C02, s3;
	s8 =	sshrl.u32 s8, $0x3;
	(pc) =	sbr.rel .LBB2_79-.Ltmp64, $4  }
0x2e6: {  	[hbm:s0], [sflag:s3] =	dma.local [spmem:s8], $0x800  }
0x2e7: {  	_ =	swait.ge [sflag:s11], $0x800  }
0x2e8: {  	[sflag:s11] =	ssyncset.done $0x0  }
0x2e9: {  	[sflag:s11] =	ssyncadd.s32 $0xFFFFF800  }
.LBB2_81:
0x2ea: {  	s9 =	sld [smem:$0x7E8];
	_ =	sdelay $0x1  }
0x2eb: {  	s3 =	sshll.u32 s13, $0x6  }
.Ltmp65:
0x2ec: {  	s3 =	sor.u32 $0x1C02, s3;
	s9 =	sshrl.u32 s9, $0x3;
	(pc) =	sbr.rel .LBB2_89-.Ltmp65, $4  }
0x2ed: {  	[hbm:s0], [sflag:s3] =	dma.local [spmem:s9], $0x800  }
0x2ee: {  	_ =	swait.ge [sflag:s11], $0x800  }
0x2ef: {  	[sflag:s11] =	ssyncset.done $0x0  }
0x2f0: {  	[sflag:s11] =	ssyncadd.s32 $0xFFFFF800  }
.LBB2_82:
0x2f1: {  	s9 =	sld [smem:$0x7E8];
	_ =	sdelay $0x1  }
0x2f2: {  	s3 =	sshll.u32 s13, $0x6  }
.Ltmp66:
0x2f3: {  	s3 =	sor.u32 $0x1C02, s3;
	s9 =	sshrl.u32 s9, $0x3;
	(pc) =	sbr.rel .LBB2_89-.Ltmp66, $4  }
0x2f4: {  	[hbm:s0], [sflag:s3] =	dma.local [spmem:s9], $0x800  }
0x2f5: {  	_ =	swait.ge [sflag:s11], $0x800  }
0x2f6: {  	[sflag:s11] =	ssyncset.done $0x0  }
0x2f7: {  	[sflag:s11] =	ssyncadd.s32 $0xFFFFF800  }
.LBB2_71:
0x2f8: {  	s8 =	sld [smem:$0x7E8];
	_ =	sdelay $0x1  }
0x2f9: {  	s3 =	sshll.u32 s13, $0x6  }
.Ltmp67:
0x2fa: {  	s3 =	sor.u32 $0x1C02, s3;
	s8 =	sshrl.u32 s8, $0x3;
	(pc) =	sbr.rel .LBB2_79-.Ltmp67, $4  }
0x2fb: {  	[hbm:s0], [sflag:s3] =	dma.local [spmem:s8], $0x800  }
0x2fc: {  	_ =	swait.ge [sflag:s11], $0x800  }
0x2fd: {  	[sflag:s11] =	ssyncset.done $0x0  }
0x2fe: {  	[sflag:s11] =	ssyncadd.s32 $0xFFFFF800  }
.LBB2_72:
0x2ff: {  	s8 =	sld [smem:$0x7E8];
	_ =	sdelay $0x1  }
0x300: {  	s3 =	sshll.u32 s13, $0x6  }
.Ltmp68:
0x301: {  	s3 =	sor.u32 $0x1C02, s3;
	s8 =	sshrl.u32 s8, $0x3;
	(pc) =	sbr.rel .LBB2_79-.Ltmp68, $4  }
0x302: {  	[hbm:s0], [sflag:s3] =	dma.local [spmem:s8], $0x800  }
0x303: {  	_ =	swait.ge [sflag:s11], $0x800  }
0x304: {  	[sflag:s11] =	ssyncset.done $0x0  }
0x305: {  	[sflag:s11] =	ssyncadd.s32 $0xFFFFF800  }
.LBB2_85:
0x306: {  	s9 =	sld [smem:$0x7E8];
	_ =	sdelay $0x1  }
0x307: {  	s3 =	sshll.u32 s13, $0x6  }
.Ltmp69:
0x308: {  	s3 =	sor.u32 $0x1C02, s3;
	s9 =	sshrl.u32 s9, $0x3;
	(pc) =	sbr.rel .LBB2_89-.Ltmp69, $4  }
0x309: {  	[hbm:s0], [sflag:s3] =	dma.local [spmem:s9], $0x800  }
0x30a: {  	_ =	swait.ge [sflag:s11], $0x800  }
0x30b: {  	[sflag:s11] =	ssyncset.done $0x0  }
0x30c: {  	[sflag:s11] =	ssyncadd.s32 $0xFFFFF800  }
.LBB2_86:
0x30d: {  	s9 =	sld [smem:$0x7E8];
	_ =	sdelay $0x1  }
0x30e: {  	s3 =	sshll.u32 s13, $0x6  }
.Ltmp70:
0x30f: {  	s3 =	sor.u32 $0x1C02, s3;
	s9 =	sshrl.u32 s9, $0x3;
	(pc) =	sbr.rel .LBB2_89-.Ltmp70, $4  }
0x310: {  	[hbm:s0], [sflag:s3] =	dma.local [spmem:s9], $0x800  }
0x311: {  	_ =	swait.ge [sflag:s11], $0x800  }
0x312: {  	[sflag:s11] =	ssyncset.done $0x0  }
0x313: {  	[sflag:s11] =	ssyncadd.s32 $0xFFFFF800  }
.LBB2_75:
0x314: {  	s8 =	sld [smem:$0x7E8];
	_ =	sdelay $0x1  }
0x315: {  	s3 =	sshll.u32 s13, $0x6  }
.Ltmp71:
0x316: {  	s3 =	sor.u32 $0x1C02, s3;
	s8 =	sshrl.u32 s8, $0x3;
	(pc) =	sbr.rel .LBB2_79-.Ltmp71, $4  }
0x317: {  	[hbm:s0], [sflag:s3] =	dma.local [spmem:s8], $0x800  }
0x318: {  	_ =	swait.ge [sflag:s11], $0x800  }
0x319: {  	[sflag:s11] =	ssyncset.done $0x0  }
0x31a: {  	[sflag:s11] =	ssyncadd.s32 $0xFFFFF800  }
.LBB2_76:
0x31b: {  	s8 =	sld [smem:$0x7E8];
	_ =	sdelay $0x1  }
0x31c: {  	s3 =	sshll.u32 s13, $0x6  }
.Ltmp72:
0x31d: {  	s3 =	sor.u32 $0x1C02, s3;
	s8 =	sshrl.u32 s8, $0x3;
	(pc) =	sbr.rel .LBB2_79-.Ltmp72, $4  }
0x31e: {  	[hbm:s0], [sflag:s3] =	dma.local [spmem:s8], $0x800  }
0x31f: {  	_ =	swait.ge [sflag:s11], $0x800  }
0x320: {  	[sflag:s11] =	ssyncset.done $0x0  }
0x321: {  	[sflag:s11] =	ssyncadd.s32 $0xFFFFF800  }
.LBB2_83:
0x322: {  	s9 =	sld [smem:$0x7E8];
	_ =	sdelay $0x1  }
0x323: {  	s3 =	sshll.u32 s13, $0x6  }
.Ltmp73:
0x324: {  	s3 =	sor.u32 $0x1C02, s3;
	s9 =	sshrl.u32 s9, $0x3;
	(pc) =	sbr.rel .LBB2_89-.Ltmp73, $4  }
0x325: {  	[hbm:s0], [sflag:s3] =	dma.local [spmem:s9], $0x800  }
0x326: {  	_ =	swait.ge [sflag:s11], $0x800  }
0x327: {  	[sflag:s11] =	ssyncset.done $0x0  }
0x328: {  	[sflag:s11] =	ssyncadd.s32 $0xFFFFF800  }
.LBB2_84:
0x329: {  	s9 =	sld [smem:$0x7E8];
	_ =	sdelay $0x1  }
0x32a: {  	s3 =	sshll.u32 s13, $0x6  }
.Ltmp74:
0x32b: {  	s3 =	sor.u32 $0x1C02, s3;
	s9 =	sshrl.u32 s9, $0x3;
	(pc) =	sbr.rel .LBB2_89-.Ltmp74, $4  }
0x32c: {  	[hbm:s0], [sflag:s3] =	dma.local [spmem:s9], $0x800  }
0x32d: {  	_ =	swait.ge [sflag:s11], $0x800  }
0x32e: {  	[sflag:s11] =	ssyncset.done $0x0  }
0x32f: {  	[sflag:s11] =	ssyncadd.s32 $0xFFFFF800  }
.LBB2_73:
0x330: {  	s8 =	sld [smem:$0x7E8];
	_ =	sdelay $0x1  }
0x331: {  	s3 =	sshll.u32 s13, $0x6  }
.Ltmp75:
0x332: {  	s3 =	sor.u32 $0x1C02, s3;
	s8 =	sshrl.u32 s8, $0x3;
	(pc) =	sbr.rel .LBB2_79-.Ltmp75, $4  }
0x333: {  	[hbm:s0], [sflag:s3] =	dma.local [spmem:s8], $0x800  }
0x334: {  	_ =	swait.ge [sflag:s11], $0x800  }
0x335: {  	[sflag:s11] =	ssyncset.done $0x0  }
0x336: {  	[sflag:s11] =	ssyncadd.s32 $0xFFFFF800  }
.LBB2_74:
0x337: {  	s8 =	sld [smem:$0x7E8];
	_ =	sdelay $0x1  }
0x338: {  	s3 =	sshll.u32 s13, $0x6  }
.Ltmp76:
0x339: {  	s3 =	sor.u32 $0x1C02, s3;
	s8 =	sshrl.u32 s8, $0x3;
	(pc) =	sbr.rel .LBB2_79-.Ltmp76, $4  }
0x33a: {  	[hbm:s0], [sflag:s3] =	dma.local [spmem:s8], $0x800  }
0x33b: {  	_ =	swait.ge [sflag:s11], $0x800  }
0x33c: {  	[sflag:s11] =	ssyncset.done $0x0  }
0x33d: {  	[sflag:s11] =	ssyncadd.s32 $0xFFFFF800  }
.LBB2_87:
0x33e: {  	s9 =	sld [smem:$0x7E8];
	_ =	sdelay $0x1  }
0x33f: {  	s3 =	sshll.u32 s13, $0x6  }
.Ltmp77:
0x340: {  	s3 =	sor.u32 $0x1C02, s3;
	s9 =	sshrl.u32 s9, $0x3;
	(pc) =	sbr.rel .LBB2_89-.Ltmp77, $4  }
0x341: {  	[hbm:s0], [sflag:s3] =	dma.local [spmem:s9], $0x800  }
0x342: {  	_ =	swait.ge [sflag:s11], $0x800  }
0x343: {  	[sflag:s11] =	ssyncset.done $0x0  }
0x344: {  	[sflag:s11] =	ssyncadd.s32 $0xFFFFF800  }
.LBB2_88:
0x345: {  	s9 =	sld [smem:$0x7E8];
	_ =	sdelay $0x1  }
0x346: {  	s3 =	sshll.u32 s13, $0x6  }
0x347: {  	s3 =	sor.u32 $0x1C02, s3;
	s9 =	sshrl.u32 s9, $0x3  }
0x348: {  	[hbm:s0], [sflag:s3] =	dma.local [spmem:s9], $0x800  }
0x349: {  	_ =	swait.ge [sflag:s11], $0x800  }
0x34a: {  	[sflag:s11] =	ssyncset.done $0x0  }
0x34b: {  	[sflag:s11] =	ssyncadd.s32 $0xFFFFF800  }
.LBB2_89:
.Ltmp78:
0x34c: {  	(pc) =	sbr.rel @p6 .LBB2_92-.Ltmp78, $1  }
0x34d: {  	_ =	sdelay $0x3  }
.Ltmp79:
0x34e: {  	(pc) =	sbr.rel .LBB2_91-.Ltmp79, $2  }
0x34f: {  	_ =	sdelay $0x2  }
0x350: {  	s0 =	sadd.s32 $0x1B8000, s8  }
.LBB2_77:
0x351: {  	s8 =	sld [smem:$0x7E8];
	_ =	sdelay $0x1  }
0x352: {  	s3 =	sshll.u32 s13, $0x6  }
.Ltmp80:
0x353: {  	s3 =	sor.u32 $0x1C02, s3;
	s8 =	sshrl.u32 s8, $0x3;
	(pc) =	sbr.rel .LBB2_79-.Ltmp80, $4  }
0x354: {  	[hbm:s0], [sflag:s3] =	dma.local [spmem:s8], $0x800  }
0x355: {  	_ =	swait.ge [sflag:s11], $0x800  }
0x356: {  	[sflag:s11] =	ssyncset.done $0x0  }
0x357: {  	[sflag:s11] =	ssyncadd.s32 $0xFFFFF800  }
.LBB2_78:
0x358: {  	s8 =	sld [smem:$0x7E8];
	_ =	sdelay $0x1  }
0x359: {  	s3 =	sshll.u32 s13, $0x6  }
0x35a: {  	s3 =	sor.u32 $0x1C02, s3;
	s8 =	sshrl.u32 s8, $0x3  }
0x35b: {  	[hbm:s0], [sflag:s3] =	dma.local [spmem:s8], $0x800  }
0x35c: {  	_ =	swait.ge [sflag:s11], $0x800  }
0x35d: {  	[sflag:s11] =	ssyncset.done $0x0  }
0x35e: {  	[sflag:s11] =	ssyncadd.s32 $0xFFFFF800  }
.LBB2_79:
.Ltmp81:
0x35f: {  	(pc) =	sbr.rel @p6 .LBB2_92-.Ltmp81, $1  }
0x360: {  	_ =	sdelay $0x3  }
.Ltmp82:
0x361: {  	(pc) =	sbr.rel .LBB2_91-.Ltmp82, $3  }
0x362: {  	_ = 	snop  }
0x363: {  	s0 =	smul.u32 $0x31000, s10;
	_ =	sdelay $0x1  }
0x364: {  	s0 =	sadd.s32 $0x30000, s0  }
.LBB2_94:
0x365: {  	_ =	sfence.sel $0x180000  }
0x366: {  	[bflag:$0x0] =	sbarrier.arrive $0xFFFF  }
0x367: {  	_ =	strace $0x9000004A  }
0x368: {  	[bflag:$0x2] =	sbarrier.arrive $0xFFFF  }
0x369: {  	p0 =	sne.s32 s13, $0x0;
	s0 =	rddreg [dreg:$0x4]  }
0x36a: {  	s0 =	sadd.s32 @!p0 $0x100000, s0  }
0x36b: {  	[sflag:s0] =	ssyncadd.tile.s32 @!p0 $0x1;
	_ =	shalt  }
.Lfunc_end2:
_tile_overlayer_lowered:
.L_overlay_start_2:
0x36c: {  	(tag) =	ssettag $0x2  }
0x36d: {  	s0 =	rddreg [dreg:$0x0];
	s2 =	stileid.u32  }
0x36e: {  	s1 =	rddreg [dreg:$0x1];
	p0 =	sne.s32 s2, $0x0  }
0x36f: {  	s3 =	rddreg [dreg:$0x2];
	[bflag:$0x3] =	sbarrier.arrive $0xFFFF;
	s2 =	simm.s32 @!p0 $0x1C02  }
0x370: {  	[timem:s3], [sflag:s2] =	dma.local @!p0 [hbm:s0], s1  }
0x371: {  	s0 =	simm.s32 @!p0 $0x2  }
0x372: {  	_ =	swait.ge @!p0 [sflag:s0], s1  }
0x373: {  	s1 =	ssub.s32 @!p0 $0x0, s1;
	[sflag:s0] =	ssyncset.done @!p0 $0x0  }
0x374: {  	[sflag:s0] =	ssyncadd.s32 @!p0 s1  }
0x375: {  	[bflag:$0x3] =	sbarrier.arrive $0xFFFF  }
0x376: {  	_ =	shalt  }

</sc_bundles>
